<compile_context>
chip_gen: v7x
topology: tpu7x:2x2x1
jax: 0.10.2.dev20260603
libtpu: 0.0.44.dev20260713+nightly
codegen_flags: <defaults>
</compile_context>

<pallas_src>
import functools

import jax
import jax.numpy as jnp
from jax import lax
from jax.experimental import pallas as pl
from jax.experimental.pallas import tpu as pltpu
from jax.experimental.pallas import tpu_sc as plsc

N_ROWS = 1_000_000
ROW_W = 97
PROW = 128
NBITS = 48
CHUNK = 320
NCHUNKS = N_ROWS // CHUNK
NWORKERS = 32
GROUPS = CHUNK // 8
SLOT_STRIDE = CHUNK * PROW
_BASE_CHUNKS = NCHUNKS // NWORKERS
_EXTRA = NCHUNKS - _BASE_CHUNKS * NWORKERS


def _sc_body(preds_hbm, tgt_hbm, out_hbm, pbuf, tbuf, accbuf, psem, tsem):
    wid = (lax.axis_index("s") * 2 + lax.axis_index("c")).astype(jnp.int32)
    nc = jnp.int32(_BASE_CHUNKS) + jnp.where(wid < _EXTRA, jnp.int32(1),
                                             jnp.int32(0))
    lane = lax.iota(jnp.int32, 16)
    zidx = jnp.zeros((16,), jnp.int32)
    low = lane < 8
    rvec7 = jnp.where(low, lane, 15 - lane)
    off24 = jnp.where(low, jnp.int32(0), jnp.int32(24))
    lm1 = jnp.where(low, jnp.int32(1), jnp.int32(0))

    def start_dma(i, slot):
        c = wid + NWORKERS * i
        pltpu.make_async_copy(
            preds_hbm.at[pl.ds(c * CHUNK, CHUNK), :], pbuf.at[slot], psem
        ).start()
        pltpu.make_async_copy(
            tgt_hbm.at[pl.ds(c * CHUNK, CHUNK)],
            tbuf.at[pl.ds(slot * CHUNK, CHUNK)], tsem).start()

    def wait_dma(slot):
        pltpu.make_async_copy(
            preds_hbm.at[pl.ds(0, CHUNK), :], pbuf.at[slot], psem).wait()
        pltpu.make_async_copy(
            tgt_hbm.at[pl.ds(0, CHUNK)],
            tbuf.at[pl.ds(slot * CHUNK, CHUNK)], tsem).wait()

    start_dma(jnp.int32(0), jnp.int32(0))

    def chunk_body(i, acc):
        p = jnp.bitwise_and(i, jnp.int32(1))
        wait_dma(p)

        @pl.when(i + 1 < nc)
        def _():
            start_dma(i + 1, jnp.int32(1) - p)

        pbase = p * SLOT_STRIDE
        tbase = p * CHUNK

        def group_body(g, acc):
            rbase = pbase + (g * 8 + rvec7) * PROW
            sgn_f = plsc.load_gather(pbuf, [zidx, zidx, rbase + (ROW_W - 1)])
            sgn = sgn_f >= 0.0
            cbs = rbase + jnp.where(sgn, jnp.int32(0), jnp.int32(NBITS))
            cb = cbs + off24
            maxi = jnp.full((16,), jnp.int32(0x7FFFFFFF))
            m0 = maxi
            m1 = maxi
            i0 = jnp.zeros((16,), jnp.int32)
            i1 = jnp.zeros((16,), jnp.int32)
            accb = jnp.zeros((16,), jnp.int32)
            for k in range(24):
                v = plsc.load_gather(pbuf, [zidx, zidx, cb + k])
                vb = plsc.bitcast(v, jnp.int32)
                ci = vb & jnp.int32(0x7FFFFFFF)
                sneg = vb >> 31
                accb = accb + (sneg & jnp.int32(1 << (23 - k)))
                kcv = off24 + jnp.int32(k)
                d1 = ci - m1
                lt = d1 >> 31
                m1 = m1 + (lt & d1)
                i1 = i1 + (lt & (kcv - i1))
                d0 = m1 - m0
                sw = d0 >> 31
                dm = sw & d0
                m0 = m0 + dm
                m1 = m1 - dm
                di = sw & (i1 - i0)
                i0 = i0 + di
                i1 = i1 - di

            pm0 = jnp.flip(m0)
            pi0 = jnp.flip(i0)
            pm1 = jnp.flip(m1)
            pi1 = jnp.flip(i1)

            def lex_lt(xv, xi, yv, yi):
                return (xv < yv) | ((xv == yv) & (xi < yi))

            w = lex_lt(pm0, pi0, m0, i0)
            mm0 = jnp.where(w, pm0, m0)
            ii0 = jnp.where(w, pi0, i0)
            cxv = jnp.where(w, pm1, m1)
            cxi = jnp.where(w, pi1, i1)
            cyv = jnp.where(w, m0, pm0)
            cyi = jnp.where(w, i0, pi0)
            w2 = lex_lt(cyv, cyi, cxv, cxi)
            i0 = ii0
            i1 = jnp.where(w2, cyi, cxi)
            del mm0

            paccb = jnp.flip(accb)
            hi = jnp.int32(0xFFFFFF) - jnp.where(low, accb, paccb)
            lo = jnp.int32(0xFFFFFF) - jnp.where(low, paccb, accb)

            def wsplit(idx):
                sh_h = jnp.maximum(23 - idx, 0)
                wh = jnp.where(idx < 24, jnp.int32(1) << sh_h, 0)
                sh_l = jnp.where(idx >= 24, 47 - idx, 0)
                wl = jnp.where(idx >= 24, jnp.int32(1) << sh_l, 0)
                return wh, wl

            wh0, wl0 = wsplit(i0)
            wh1, wl1 = wsplit(i1)
            v0 = plsc.load_gather(pbuf, [zidx, zidx, cbs + i0])
            v1 = plsc.load_gather(pbuf, [zidx, zidx, cbs + i1])
            nm0 = jnp.bitwise_not(plsc.bitcast(v0, jnp.int32)) >> 31
            nm1 = jnp.bitwise_not(plsc.bitcast(v1, jnp.int32)) >> 31
            hic = hi - (nm0 & wh0) - (nm1 & wh1)
            loc = lo - (nm0 & wl0) - (nm1 & wl1)

            tv = plsc.load_gather(tbuf, [tbase + g * 8 + rvec7])
            th = tv >> 24
            tl = tv & 0xFFFFFF
            alo_raw = tl - 128
            ahi_p = th + (alo_raw >> 24)
            alo_p = alo_raw & 0xFFFFFF
            blo_raw = tl + 128
            bhi_p = th + (blo_raw >> 24)
            blo_p = blo_raw & 0xFFFFFF
            neg_ok = (th == 0) & (tl <= 128)
            bhi_n = jnp.where(neg_ok, jnp.int32(0), jnp.int32(-1))
            blo_n = 128 - tl
            ahi = jnp.where(sgn, ahi_p, jnp.int32(-1))
            alo = jnp.where(sgn, alo_p, jnp.int32(0))
            bhi = jnp.where(sgn, bhi_p, bhi_n)
            blo = jnp.where(sgn, blo_p, blo_n)

            def inrange(h, l):
                ge = (h > ahi) | ((h == ahi) & (l >= alo))
                le = (h < bhi) | ((h == bhi) & (l <= blo))
                return ge & le

            ok = inrange(hic, loc)
            ok = ok | inrange(hic + wh1, loc + wl1)
            ok = ok | inrange(hic + wh0, loc + wl0)
            ok = ok | inrange(hic + wh0 + wh1, loc + wl0 + wl1)
            return acc + jnp.where(ok, lm1, 0)

        return lax.fori_loop(jnp.int32(0), jnp.int32(GROUPS), group_body, acc)

    acc = lax.fori_loop(jnp.int32(0), nc, chunk_body,
                        jnp.zeros((16,), jnp.int32))
    accbuf[...] = acc
    pltpu.sync_copy(accbuf, out_hbm.at[pl.ds(wid * 16, 16)])


@jax.jit
def _sc_accuracy(preds, tgt32):
    mesh = plsc.VectorSubcoreMesh(core_axis_name="c", subcore_axis_name="s")
    run = functools.partial(
        pl.kernel,
        mesh=mesh,
        out_type=jax.ShapeDtypeStruct((NWORKERS * 16,), jnp.int32),
        scratch_types=[
            pltpu.VMEM((2, CHUNK, ROW_W), jnp.float32),
            pltpu.VMEM((2 * CHUNK,), jnp.int32),
            pltpu.VMEM((16,), jnp.int32),
            pltpu.SemaphoreType.DMA,
            pltpu.SemaphoreType.DMA,
        ],
        compiler_params=pltpu.CompilerParams(
            needs_layout_passes=False, use_tc_tiling_on_sc=True),
    )(_sc_body)
    return run(preds, tgt32)


def kernel(preds, target):
    tgt32 = target.astype(jnp.int32)
    partials = _sc_accuracy(preds, tgt32)
    total = jnp.sum(partials, dtype=jnp.int32)
    return total.astype(jnp.float32) / jnp.float32(N_ROWS)

# --- scband reference (transcript-rebuilt; emitter-appended) ---
"""Pipeline reference for scband-accuracy-74500502716849 (READ-ONLY COPY).

The authoritative reference and input builder live on the scoring server;
editing this copy changes nothing except your own understanding.
"""

import jax, jax.numpy as jnp
import numpy as np

jax.config.update("jax_enable_x64", True)

NUM_BITS = 48
LINE_SIZE = 64
MARGIN = 2
N = 1000000


def _make_T(margin):
    num_preds = 2 ** margin
    section = num_preds >> 1
    T = np.zeros((num_preds, margin), dtype=np.int64)
    for b in range(margin):
        for i in range(0, int(num_preds / section), 2):
            T[i * section:(i + 1) * section, b] = 1
        section >>= 1
    return T


def setup_inputs(seed: int = 0) -> dict:
    key = jax.random.key(seed)
    k1, k2 = jax.random.split(key)
    preds = jax.random.normal(k1, (N, 2 * NUM_BITS + 1), dtype=jnp.float32)
    target = jax.random.randint(k2, (N,), 0, 2147483647, dtype=jnp.int64)
    return {"preds": preds, "target": target}


def reference(preds, target):
    T = jnp.asarray(_make_T(MARGIN))
    mask = 2 ** jnp.arange(NUM_BITS - 1, -1, -1, dtype=jnp.int64)
    # sign bit from the last logit
    signs = (preds[..., -1] >= 0).astype(jnp.int64)[..., None]
    # select positive-branch or negative-branch bit logits
    reduced = signs * preds[..., :NUM_BITS] + (1 - signs) * preds[..., NUM_BITS:-1]
    conf = jnp.abs(reduced)
    # torch.topk(..., largest=False) -> smallest-confidence bit positions
    _neg_vals, inds = jax.lax.top_k(-conf, MARGIN)
    bits = (reduced >= 0).astype(jnp.int64)
    n = bits.shape[0]
    rows = jnp.arange(n)[:, None]
    delta_list = []
    for j in range(T.shape[0]):
        # scatter-overwrite the MARGIN least-confident bits with enumeration row T[j]
        bit_pred = bits.at[rows, inds].set(jnp.broadcast_to(T[j][None, :], inds.shape))
        pos = jnp.sum(bit_pred * mask, axis=-1, keepdims=True)
        del_pred = pos * signs - pos * (1 - signs)
        delta_list.append(del_pred)
    delta_preds = jnp.concatenate(delta_list, axis=-1)
    diff = delta_preds - target[..., None]
    check = jnp.sum((jnp.abs(diff) <= 2 * LINE_SIZE).astype(jnp.int64), axis=-1)
    check = (check > 0).astype(jnp.int64)
    acc = (jnp.sum(check) / n).astype(jnp.float32)
    return acc

if __name__ == "__main__":
    import jax
    _d = setup_inputs()
    print(jax.jit(kernel)(*tuple(_d.values())))

</pallas_src>

<mosaic_0001>
#map = affine_map<(d0, d1) -> (0, 0)>
#map1 = affine_map<(d0, d1) -> (0)>
module attributes {stable_mosaic.version = 14 : i64} {
  func.func @_sc_body(%arg0: i32, %arg1: i32, %arg2: memref<1000000x97xf32, #tpu.memory_space<hbm>>, %arg3: memref<1000000xi32, #tpu.memory_space<hbm>>, %arg4: memref<512xi32, #tpu.memory_space<hbm>>, %arg5: memref<2x320x97xf32, #tpu.memory_space<vmem>>, %arg6: memref<640xi32, #tpu.memory_space<vmem>>, %arg7: memref<16xi32, #tpu.memory_space<vmem>>, %arg8: memref<!tpu.dma_semaphore, #tpu.memory_space<semaphore_mem>>, %arg9: memref<!tpu.dma_semaphore, #tpu.memory_space<semaphore_mem>>) attributes {dimension_semantics = [#tpu.dimension_semantics<core_parallel>, #tpu.dimension_semantics<subcore_parallel>], iteration_bounds = array<i64: 2, 16>, scalar_prefetch = 0 : i64, scratch_operands = 5 : i64, tpu.core_type = #tpu.core_type<sc_vector_subcore>, window_params = [{transform_indices = #map}, {transform_indices = #map1}, {transform_indices = #map1}]} {
    %mul3A = arith.constant 2 : i32
    %mul3A_0 = arith.muli %arg1, %mul3A : i32
    %add3A = arith.addi %mul3A_0, %arg0 : i32
    %lt3A = arith.constant 21 : i32
    %lt3A_1 = arith.cmpi slt, %add3A, %lt3A : i32
    %jit3A = arith.constant 1 : i32
    %jit3A_2 = arith.constant 0 : i32
    %select_n3A = arith.select %lt3A_1, %jit3A, %jit3A_2 : i32
    %add3A_3 = arith.constant 97 : i32
    %add3A_4 = arith.addi %add3A_3, %select_n3A : i32
    %iota3A = tpu.iota {dimensions = array<i32: 0>} : vector<16xi32>
    %broadcast_in_dim3A = arith.constant 0 : i32
    %broadcast_in_dim3A_5 = vector.broadcast %broadcast_in_dim3A : i32 to vector<16xi32>
    %lt3A_6 = arith.constant 8 : i32
    %lt3A_7 = vector.broadcast %lt3A_6 : i32 to vector<16xi32>
    %lt3A_8 = arith.cmpi slt, %iota3A, %lt3A_7 : vector<16xi32>
    %sub3A = arith.constant 15 : i32
    %sub3A_9 = vector.broadcast %sub3A : i32 to vector<16xi32>
    %sub3A_10 = arith.subi %sub3A_9, %iota3A : vector<16xi32>
    %select_n3A_11 = arith.select %lt3A_8, %iota3A, %sub3A_10 : vector<16xi1>, vector<16xi32>
    %jit3A_12 = arith.constant 0 : i32
    %jit3A_13 = arith.constant 24 : i32
    %broadcast_in_dim3A_14 = vector.broadcast %jit3A_12 : i32 to vector<16xi32>
    %broadcast_in_dim3A_15 = vector.broadcast %jit3A_13 : i32 to vector<16xi32>
    %select_n3A_16 = arith.select %lt3A_8, %broadcast_in_dim3A_14, %broadcast_in_dim3A_15 : vector<16xi1>, vector<16xi32>
    %jit3A_17 = arith.constant 1 : i32
    %jit3A_18 = arith.constant 0 : i32
    %broadcast_in_dim3A_19 = vector.broadcast %jit3A_17 : i32 to vector<16xi32>
    %broadcast_in_dim3A_20 = vector.broadcast %jit3A_18 : i32 to vector<16xi32>
    %select_n3A_21 = arith.select %lt3A_8, %broadcast_in_dim3A_19, %broadcast_in_dim3A_20 : vector<16xi1>, vector<16xi32>
    %mul3A_22 = arith.constant 32 : i32
    %mul3A_23 = arith.constant 0 : i32
    %mul3A_24 = arith.muli %mul3A_22, %mul3A_23 : i32
    %add3A_25 = arith.addi %add3A, %mul3A_24 : i32
    %mul3A_26 = arith.constant 320 : i32
    %mul3A_27 = arith.muli %add3A_25, %mul3A_26 : i32
    %dma_start3A = arith.constant 0 : i32
    %dma_start3A_28 = arith.constant 0 : i32
    %dma_start3A_29 = arith.constant 0 : i32
    %dma_start3A_30 = tpu.memref_slice %arg5[%dma_start3A, %dma_start3A_28, %dma_start3A_29] : memref<2x320x97xf32, #tpu.memory_space<vmem>> -> memref<1x320x97xf32, #tpu.memory_space<vmem>>
    %dma_start3A_31 = tpu.memref_squeeze %dma_start3A_30 : memref<1x320x97xf32, #tpu.memory_space<vmem>> -> memref<320x97xf32, #tpu.memory_space<vmem>>
    %dma_start3A_32 = arith.constant 0 : i32
    %dma_start3A_33 = tpu.memref_slice %arg2[%mul3A_27, %dma_start3A_32] : memref<1000000x97xf32, #tpu.memory_space<hbm>> -> memref<320x97xf32, #tpu.memory_space<hbm>>
    %dma_start3A_34 = arith.constant 0 : i32
    %dma_start3A_35 = arith.constant 0 : i32
    %dma_start3A_36 = tpu.memref_slice %arg5[%dma_start3A, %dma_start3A_34, %dma_start3A_35] : memref<2x320x97xf32, #tpu.memory_space<vmem>> -> memref<1x320x97xf32, #tpu.memory_space<vmem>>
    %dma_start3A_37 = tpu.memref_squeeze %dma_start3A_36 : memref<1x320x97xf32, #tpu.memory_space<vmem>> -> memref<320x97xf32, #tpu.memory_space<vmem>>
    %dma_start3A_38 = arith.constant 0 : i32
    %dma_start3A_39 = tpu.memref_slice %arg2[%mul3A_27, %dma_start3A_38] : memref<1000000x97xf32, #tpu.memory_space<hbm>> -> memref<320x97xf32, #tpu.memory_space<hbm>>
    tpu.enqueue_dma source(%dma_start3A_39 : memref<320x97xf32, #tpu.memory_space<hbm>>) target(%dma_start3A_37 : memref<320x97xf32, #tpu.memory_space<vmem>>) target_semaphore(%arg8 : memref<!tpu.dma_semaphore, #tpu.memory_space<semaphore_mem>>)
    %mul3A_40 = arith.constant 320 : i32
    %mul3A_41 = arith.muli %add3A_25, %mul3A_40 : i32
    %mul3A_42 = arith.constant 0 : i32
    %mul3A_43 = arith.constant 320 : i32
    %mul3A_44 = arith.muli %mul3A_42, %mul3A_43 : i32
    %dma_start3A_45 = tpu.memref_slice %arg6[%mul3A_44] : memref<640xi32, #tpu.memory_space<vmem>> -> memref<320xi32, #tpu.memory_space<vmem>>
    %dma_start3A_46 = tpu.memref_slice %arg3[%mul3A_41] : memref<1000000xi32, #tpu.memory_space<hbm>> -> memref<320xi32, #tpu.memory_space<hbm>>
    %dma_start3A_47 = tpu.memref_slice %arg6[%mul3A_44] : memref<640xi32, #tpu.memory_space<vmem>> -> memref<320xi32, #tpu.memory_space<vmem>>
    %dma_start3A_48 = tpu.memref_slice %arg3[%mul3A_41] : memref<1000000xi32, #tpu.memory_space<hbm>> -> memref<320xi32, #tpu.memory_space<hbm>>
    tpu.enqueue_dma source(%dma_start3A_48 : memref<320xi32, #tpu.memory_space<hbm>>) target(%dma_start3A_47 : memref<320xi32, #tpu.memory_space<vmem>>) target_semaphore(%arg9 : memref<!tpu.dma_semaphore, #tpu.memory_space<semaphore_mem>>)
    %broadcast_in_dim3A_49 = arith.constant 0 : i32
    %broadcast_in_dim3A_50 = vector.broadcast %broadcast_in_dim3A_49 : i32 to vector<16xi32>
    %while3A = arith.constant 0 : i32
    %while3A_51 = arith.subi %add3A_4, %while3A : i32
    %while3A_52 = arith.addi %while3A, %while3A_51 : i32
    %while3A_53 = arith.constant 1 : i32
    %while3A_54 = arith.divsi %while3A_51, %while3A_53 : i32
    %while3A_55 = arith.muli %while3A_54, %while3A_53 : i32
    %while3A_56 = arith.addi %while3A, %while3A_55 : i32
    %while3A_57 = arith.constant 1 : i32
    %while3A_58 = scf.for %while3A_64 = %while3A to %while3A_56 step %while3A_57 iter_args(%while3A_65 = %broadcast_in_dim3A_50) -> (vector<16xi32>)  : i32 {
      %and3A = arith.constant 1 : i32
      %and3A_66 = arith.andi %while3A_64, %and3A : i32
      %dma_wait3A = arith.constant 0 : i32
      %dma_wait3A_67 = arith.constant 0 : i32
      %dma_wait3A_68 = tpu.memref_slice %arg5[%and3A_66, %dma_wait3A, %dma_wait3A_67] : memref<2x320x97xf32, #tpu.memory_space<vmem>> -> memref<1x320x97xf32, #tpu.memory_space<vmem>>
      %dma_wait3A_69 = tpu.memref_squeeze %dma_wait3A_68 : memref<1x320x97xf32, #tpu.memory_space<vmem>> -> memref<320x97xf32, #tpu.memory_space<vmem>>
      %dma_wait3A_70 = arith.constant 0 : i32
      %dma_wait3A_71 = arith.constant 0 : i32
      %dma_wait3A_72 = tpu.memref_slice %arg2[%dma_wait3A_70, %dma_wait3A_71] : memref<1000000x97xf32, #tpu.memory_space<hbm>> -> memref<320x97xf32, #tpu.memory_space<hbm>>
      %dma_wait3A_73 = arith.constant 0 : i32
      %dma_wait3A_74 = arith.constant 0 : i32
      %dma_wait3A_75 = tpu.memref_slice %arg5[%and3A_66, %dma_wait3A_73, %dma_wait3A_74] : memref<2x320x97xf32, #tpu.memory_space<vmem>> -> memref<1x320x97xf32, #tpu.memory_space<vmem>>
      %dma_wait3A_76 = tpu.memref_squeeze %dma_wait3A_75 : memref<1x320x97xf32, #tpu.memory_space<vmem>> -> memref<320x97xf32, #tpu.memory_space<vmem>>
      %dma_wait3A_77 = arith.constant 0 : i32
      %dma_wait3A_78 = arith.constant 0 : i32
      %dma_wait3A_79 = tpu.memref_slice %arg2[%dma_wait3A_77, %dma_wait3A_78] : memref<1000000x97xf32, #tpu.memory_space<hbm>> -> memref<320x97xf32, #tpu.memory_space<hbm>>
      tpu.wait_dma2 semaphore(%arg8 : memref<!tpu.dma_semaphore, #tpu.memory_space<semaphore_mem>>) src(%dma_wait3A_79 : memref<320x97xf32, #tpu.memory_space<hbm>>) dst(%dma_wait3A_76 : memref<320x97xf32, #tpu.memory_space<vmem>>)
      %mul3A_80 = arith.constant 320 : i32
      %mul3A_81 = arith.muli %and3A_66, %mul3A_80 : i32
      %dma_wait3A_82 = tpu.memref_slice %arg6[%mul3A_81] : memref<640xi32, #tpu.memory_space<vmem>> -> memref<320xi32, #tpu.memory_space<vmem>>
      %dma_wait3A_83 = arith.constant 0 : i32
      %dma_wait3A_84 = tpu.memref_slice %arg3[%dma_wait3A_83] : memref<1000000xi32, #tpu.memory_space<hbm>> -> memref<320xi32, #tpu.memory_space<hbm>>
      %dma_wait3A_85 = tpu.memref_slice %arg6[%mul3A_81] : memref<640xi32, #tpu.memory_space<vmem>> -> memref<320xi32, #tpu.memory_space<vmem>>
      %dma_wait3A_86 = arith.constant 0 : i32
      %dma_wait3A_87 = tpu.memref_slice %arg3[%dma_wait3A_86] : memref<1000000xi32, #tpu.memory_space<hbm>> -> memref<320xi32, #tpu.memory_space<hbm>>
      tpu.wait_dma2 semaphore(%arg9 : memref<!tpu.dma_semaphore, #tpu.memory_space<semaphore_mem>>) src(%dma_wait3A_87 : memref<320xi32, #tpu.memory_space<hbm>>) dst(%dma_wait3A_85 : memref<320xi32, #tpu.memory_space<vmem>>)
      %add3A_88 = arith.constant 1 : i32
      %add3A_89 = arith.addi %while3A_64, %add3A_88 : i32
      %lt3A_90 = arith.cmpi slt, %add3A_89, %add3A_4 : i32
      %convert_element_type3A = arith.extui %lt3A_90 : i1 to i32
      %cond3A = arith.constant 0 : i32
      %cond3A_91 = arith.cmpi ne, %convert_element_type3A, %cond3A : i32
      scf.if %cond3A_91 {
        %add3A_108 = arith.constant 1 : i32
        %add3A_109 = arith.addi %while3A_64, %add3A_108 : i32
        %sub3A_110 = arith.constant 1 : i32
        %sub3A_111 = arith.subi %sub3A_110, %and3A_66 : i32
        %mul3A_112 = arith.constant 32 : i32
        %mul3A_113 = arith.muli %mul3A_112, %add3A_109 : i32
        %add3A_114 = arith.addi %add3A, %mul3A_113 : i32
        %mul3A_115 = arith.constant 320 : i32
        %mul3A_116 = arith.muli %add3A_114, %mul3A_115 : i32
        %dma_start3A_117 = arith.constant 0 : i32
        %dma_start3A_118 = arith.constant 0 : i32
        %dma_start3A_119 = tpu.memref_slice %arg5[%sub3A_111, %dma_start3A_117, %dma_start3A_118] : memref<2x320x97xf32, #tpu.memory_space<vmem>> -> memref<1x320x97xf32, #tpu.memory_space<vmem>>
        %dma_start3A_120 = tpu.memref_squeeze %dma_start3A_119 : memref<1x320x97xf32, #tpu.memory_space<vmem>> -> memref<320x97xf32, #tpu.memory_space<vmem>>
        %dma_start3A_121 = arith.constant 0 : i32
        %dma_start3A_122 = tpu.memref_slice %arg2[%mul3A_116, %dma_start3A_121] : memref<1000000x97xf32, #tpu.memory_space<hbm>> -> memref<320x97xf32, #tpu.memory_space<hbm>>
        %dma_start3A_123 = arith.constant 0 : i32
        %dma_start3A_124 = arith.constant 0 : i32
        %dma_start3A_125 = tpu.memref_slice %arg5[%sub3A_111, %dma_start3A_123, %dma_start3A_124] : memref<2x320x97xf32, #tpu.memory_space<vmem>> -> memref<1x320x97xf32, #tpu.memory_space<vmem>>
        %dma_start3A_126 = tpu.memref_squeeze %dma_start3A_125 : memref<1x320x97xf32, #tpu.memory_space<vmem>> -> memref<320x97xf32, #tpu.memory_space<vmem>>
        %dma_start3A_127 = arith.constant 0 : i32
        %dma_start3A_128 = tpu.memref_slice %arg2[%mul3A_116, %dma_start3A_127] : memref<1000000x97xf32, #tpu.memory_space<hbm>> -> memref<320x97xf32, #tpu.memory_space<hbm>>
        tpu.enqueue_dma source(%dma_start3A_128 : memref<320x97xf32, #tpu.memory_space<hbm>>) target(%dma_start3A_126 : memref<320x97xf32, #tpu.memory_space<vmem>>) target_semaphore(%arg8 : memref<!tpu.dma_semaphore, #tpu.memory_space<semaphore_mem>>)
        %mul3A_129 = arith.constant 320 : i32
        %mul3A_130 = arith.muli %add3A_114, %mul3A_129 : i32
        %mul3A_131 = arith.constant 320 : i32
        %mul3A_132 = arith.muli %sub3A_111, %mul3A_131 : i32
        %dma_start3A_133 = tpu.memref_slice %arg6[%mul3A_132] : memref<640xi32, #tpu.memory_space<vmem>> -> memref<320xi32, #tpu.memory_space<vmem>>
        %dma_start3A_134 = tpu.memref_slice %arg3[%mul3A_130] : memref<1000000xi32, #tpu.memory_space<hbm>> -> memref<320xi32, #tpu.memory_space<hbm>>
        %dma_start3A_135 = tpu.memref_slice %arg6[%mul3A_132] : memref<640xi32, #tpu.memory_space<vmem>> -> memref<320xi32, #tpu.memory_space<vmem>>
        %dma_start3A_136 = tpu.memref_slice %arg3[%mul3A_130] : memref<1000000xi32, #tpu.memory_space<hbm>> -> memref<320xi32, #tpu.memory_space<hbm>>
        tpu.enqueue_dma source(%dma_start3A_136 : memref<320xi32, #tpu.memory_space<hbm>>) target(%dma_start3A_135 : memref<320xi32, #tpu.memory_space<vmem>>) target_semaphore(%arg9 : memref<!tpu.dma_semaphore, #tpu.memory_space<semaphore_mem>>)
      } else {
      }
      %mul3A_92 = arith.constant 40960 : i32
      %mul3A_93 = arith.muli %and3A_66, %mul3A_92 : i32
      %mul3A_94 = arith.constant 320 : i32
      %mul3A_95 = arith.muli %and3A_66, %mul3A_94 : i32
      %while3A_96 = arith.constant 0 : i32
      %while3A_97 = arith.constant 40 : i32
      %while3A_98 = arith.subi %while3A_97, %while3A_96 : i32
      %while3A_99 = arith.addi %while3A_96, %while3A_98 : i32
      %while3A_100 = arith.constant 1 : i32
      %while3A_101 = arith.divsi %while3A_98, %while3A_100 : i32
      %while3A_102 = arith.muli %while3A_101, %while3A_100 : i32
      %while3A_103 = arith.addi %while3A_96, %while3A_102 : i32
      %while3A_104 = arith.constant 1 : i32
      %while3A_105 = scf.for %while3A_108 = %while3A_96 to %while3A_103 step %while3A_104 iter_args(%while3A_109 = %while3A_65) -> (vector<16xi32>)  : i32 {
        %mul3A_110 = arith.constant 8 : i32
        %mul3A_111 = arith.muli %while3A_108, %mul3A_110 : i32
        %add3A_112 = vector.broadcast %mul3A_111 : i32 to vector<16xi32>
        %add3A_113 = arith.addi %add3A_112, %select_n3A_11 : vector<16xi32>
        %mul3A_114 = arith.constant 128 : i32
        %mul3A_115 = vector.broadcast %mul3A_114 : i32 to vector<16xi32>
        %mul3A_116 = arith.muli %add3A_113, %mul3A_115 : vector<16xi32>
        %add3A_117 = vector.broadcast %mul3A_93 : i32 to vector<16xi32>
        %add3A_118 = arith.addi %add3A_117, %mul3A_116 : vector<16xi32>
        %add3A_119 = arith.constant 96 : i32
        %add3A_120 = vector.broadcast %add3A_119 : i32 to vector<16xi32>
        %add3A_121 = arith.addi %add3A_118, %add3A_120 : vector<16xi32>
        %gather3A = tpu.vector_load_idx %arg5[%broadcast_in_dim3A_5, %broadcast_in_dim3A_5, %add3A_121] : memref<2x320x97xf32, #tpu.memory_space<vmem>>[vector<16xi32>, vector<16xi32>, vector<16xi32>], vector<16xf32>,
        %ge3A = arith.constant 0.000000e+00 : f32
        %ge3A_122 = vector.broadcast %ge3A : f32 to vector<16xf32>
        %ge3A_123 = arith.cmpf oge, %gather3A, %ge3A_122 : vector<16xf32>
        %jit3A_124 = arith.constant 0 : i32
        %jit3A_125 = arith.constant 48 : i32
        %broadcast_in_dim3A_126 = vector.broadcast %jit3A_124 : i32 to vector<16xi32>
        %broadcast_in_dim3A_127 = vector.broadcast %jit3A_125 : i32 to vector<16xi32>
        %select_n3A_128 = arith.select %ge3A_123, %broadcast_in_dim3A_126, %broadcast_in_dim3A_127 : vector<16xi1>, vector<16xi32>
        %add3A_129 = arith.addi %add3A_118, %select_n3A_128 : vector<16xi32>
        %add3A_130 = arith.addi %add3A_129, %select_n3A_16 : vector<16xi32>
        %broadcast_in_dim3A_131 = arith.constant 2147483647 : i32
        %broadcast_in_dim3A_132 = vector.broadcast %broadcast_in_dim3A_131 : i32 to vector<16xi32>
        %broadcast_in_dim3A_133 = arith.constant 0 : i32
        %broadcast_in_dim3A_134 = vector.broadcast %broadcast_in_dim3A_133 : i32 to vector<16xi32>
        %broadcast_in_dim3A_135 = arith.constant 0 : i32
        %broadcast_in_dim3A_136 = vector.broadcast %broadcast_in_dim3A_135 : i32 to vector<16xi32>
        %broadcast_in_dim3A_137 = arith.constant 0 : i32
        %broadcast_in_dim3A_138 = vector.broadcast %broadcast_in_dim3A_137 : i32 to vector<16xi32>
        %add3A_139 = arith.constant 0 : i32
        %add3A_140 = vector.broadcast %add3A_139 : i32 to vector<16xi32>
        %add3A_141 = arith.addi %add3A_130, %add3A_140 : vector<16xi32>
        %gather3A_142 = tpu.vector_load_idx %arg5[%broadcast_in_dim3A_5, %broadcast_in_dim3A_5, %add3A_141] : memref<2x320x97xf32, #tpu.memory_space<vmem>>[vector<16xi32>, vector<16xi32>, vector<16xi32>], vector<16xf32>,
        %bitcast3A = vector.bitcast %gather3A_142 : vector<16xf32> to vector<16xi32>
        %and3A_143 = arith.constant 2147483647 : i32
        %and3A_144 = vector.broadcast %and3A_143 : i32 to vector<16xi32>
        %and3A_145 = arith.andi %bitcast3A, %and3A_144 : vector<16xi32>
        %shift_right_arithmetic3A = arith.constant 31 : i32
        %shift_right_arithmetic3A_146 = vector.broadcast %shift_right_arithmetic3A : i32 to vector<16xi32>
        %shift_right_arithmetic3A_147 = arith.shrsi %bitcast3A, %shift_right_arithmetic3A_146 : vector<16xi32>
        %and3A_148 = arith.constant 8388608 : i32
        %and3A_149 = vector.broadcast %and3A_148 : i32 to vector<16xi32>
        %and3A_150 = arith.andi %shift_right_arithmetic3A_147, %and3A_149 : vector<16xi32>
        %add3A_151 = arith.addi %broadcast_in_dim3A_138, %and3A_150 : vector<16xi32>
        %add3A_152 = arith.constant 0 : i32
        %add3A_153 = vector.broadcast %add3A_152 : i32 to vector<16xi32>
        %add3A_154 = arith.addi %select_n3A_16, %add3A_153 : vector<16xi32>
        %sub3A_155 = arith.subi %and3A_145, %broadcast_in_dim3A_132 : vector<16xi32>
        %shift_right_arithmetic3A_156 = arith.constant 31 : i32
        %shift_right_arithmetic3A_157 = vector.broadcast %shift_right_arithmetic3A_156 : i32 to vector<16xi32>
        %shift_right_arithmetic3A_158 = arith.shrsi %sub3A_155, %shift_right_arithmetic3A_157 : vector<16xi32>
        %and3A_159 = arith.andi %shift_right_arithmetic3A_158, %sub3A_155 : vector<16xi32>
        %add3A_160 = arith.addi %broadcast_in_dim3A_132, %and3A_159 : vector<16xi32>
        %sub3A_161 = arith.subi %add3A_154, %broadcast_in_dim3A_136 : vector<16xi32>
        %and3A_162 = arith.andi %shift_right_arithmetic3A_158, %sub3A_161 : vector<16xi32>
        %add3A_163 = arith.addi %broadcast_in_dim3A_136, %and3A_162 : vector<16xi32>
        %sub3A_164 = arith.subi %add3A_160, %broadcast_in_dim3A_132 : vector<16xi32>
        %shift_right_arithmetic3A_165 = arith.constant 31 : i32
        %shift_right_arithmetic3A_166 = vector.broadcast %shift_right_arithmetic3A_165 : i32 to vector<16xi32>
        %shift_right_arithmetic3A_167 = arith.shrsi %sub3A_164, %shift_right_arithmetic3A_166 : vector<16xi32>
        %and3A_168 = arith.andi %shift_right_arithmetic3A_167, %sub3A_164 : vector<16xi32>
        %add3A_169 = arith.addi %broadcast_in_dim3A_132, %and3A_168 : vector<16xi32>
        %sub3A_170 = arith.subi %add3A_160, %and3A_168 : vector<16xi32>
        %sub3A_171 = arith.subi %add3A_163, %broadcast_in_dim3A_134 : vector<16xi32>
        %and3A_172 = arith.andi %shift_right_arithmetic3A_167, %sub3A_171 : vector<16xi32>
        %add3A_173 = arith.addi %broadcast_in_dim3A_134, %and3A_172 : vector<16xi32>
        %sub3A_174 = arith.subi %add3A_163, %and3A_172 : vector<16xi32>
        %add3A_175 = arith.constant 1 : i32
        %add3A_176 = vector.broadcast %add3A_175 : i32 to vector<16xi32>
        %add3A_177 = arith.addi %add3A_130, %add3A_176 : vector<16xi32>
        %gather3A_178 = tpu.vector_load_idx %arg5[%broadcast_in_dim3A_5, %broadcast_in_dim3A_5, %add3A_177] : memref<2x320x97xf32, #tpu.memory_space<vmem>>[vector<16xi32>, vector<16xi32>, vector<16xi32>], vector<16xf32>,
        %bitcast3A_179 = vector.bitcast %gather3A_178 : vector<16xf32> to vector<16xi32>
        %and3A_180 = arith.constant 2147483647 : i32
        %and3A_181 = vector.broadcast %and3A_180 : i32 to vector<16xi32>
        %and3A_182 = arith.andi %bitcast3A_179, %and3A_181 : vector<16xi32>
        %shift_right_arithmetic3A_183 = arith.constant 31 : i32
        %shift_right_arithmetic3A_184 = vector.broadcast %shift_right_arithmetic3A_183 : i32 to vector<16xi32>
        %shift_right_arithmetic3A_185 = arith.shrsi %bitcast3A_179, %shift_right_arithmetic3A_184 : vector<16xi32>
        %and3A_186 = arith.constant 4194304 : i32
        %and3A_187 = vector.broadcast %and3A_186 : i32 to vector<16xi32>
        %and3A_188 = arith.andi %shift_right_arithmetic3A_185, %and3A_187 : vector<16xi32>
        %add3A_189 = arith.addi %add3A_151, %and3A_188 : vector<16xi32>
        %add3A_190 = arith.constant 1 : i32
        %add3A_191 = vector.broadcast %add3A_190 : i32 to vector<16xi32>
        %add3A_192 = arith.addi %select_n3A_16, %add3A_191 : vector<16xi32>
        %sub3A_193 = arith.subi %and3A_182, %sub3A_170 : vector<16xi32>
        %shift_right_arithmetic3A_194 = arith.constant 31 : i32
        %shift_right_arithmetic3A_195 = vector.broadcast %shift_right_arithmetic3A_194 : i32 to vector<16xi32>
        %shift_right_arithmetic3A_196 = arith.shrsi %sub3A_193, %shift_right_arithmetic3A_195 : vector<16xi32>
        %and3A_197 = arith.andi %shift_right_arithmetic3A_196, %sub3A_193 : vector<16xi32>
        %add3A_198 = arith.addi %sub3A_170, %and3A_197 : vector<16xi32>
        %sub3A_199 = arith.subi %add3A_192, %sub3A_174 : vector<16xi32>
        %and3A_200 = arith.andi %shift_right_arithmetic3A_196, %sub3A_199 : vector<16xi32>
        %add3A_201 = arith.addi %sub3A_174, %and3A_200 : vector<16xi32>
        %sub3A_202 = arith.subi %add3A_198, %add3A_169 : vector<16xi32>
        %shift_right_arithmetic3A_203 = arith.constant 31 : i32
        %shift_right_arithmetic3A_204 = vector.broadcast %shift_right_arithmetic3A_203 : i32 to vector<16xi32>
        %shift_right_arithmetic3A_205 = arith.shrsi %sub3A_202, %shift_right_arithmetic3A_204 : vector<16xi32>
        %and3A_206 = arith.andi %shift_right_arithmetic3A_205, %sub3A_202 : vector<16xi32>
        %add3A_207 = arith.addi %add3A_169, %and3A_206 : vector<16xi32>
        %sub3A_208 = arith.subi %add3A_198, %and3A_206 : vector<16xi32>
        %sub3A_209 = arith.subi %add3A_201, %add3A_173 : vector<16xi32>
        %and3A_210 = arith.andi %shift_right_arithmetic3A_205, %sub3A_209 : vector<16xi32>
        %add3A_211 = arith.addi %add3A_173, %and3A_210 : vector<16xi32>
        %sub3A_212 = arith.subi %add3A_201, %and3A_210 : vector<16xi32>
        %add3A_213 = arith.constant 2 : i32
        %add3A_214 = vector.broadcast %add3A_213 : i32 to vector<16xi32>
        %add3A_215 = arith.addi %add3A_130, %add3A_214 : vector<16xi32>
        %gather3A_216 = tpu.vector_load_idx %arg5[%broadcast_in_dim3A_5, %broadcast_in_dim3A_5, %add3A_215] : memref<2x320x97xf32, #tpu.memory_space<vmem>>[vector<16xi32>, vector<16xi32>, vector<16xi32>], vector<16xf32>,
        %bitcast3A_217 = vector.bitcast %gather3A_216 : vector<16xf32> to vector<16xi32>
        %and3A_218 = arith.constant 2147483647 : i32
        %and3A_219 = vector.broadcast %and3A_218 : i32 to vector<16xi32>
        %and3A_220 = arith.andi %bitcast3A_217, %and3A_219 : vector<16xi32>
        %shift_right_arithmetic3A_221 = arith.constant 31 : i32
        %shift_right_arithmetic3A_222 = vector.broadcast %shift_right_arithmetic3A_221 : i32 to vector<16xi32>
        %shift_right_arithmetic3A_223 = arith.shrsi %bitcast3A_217, %shift_right_arithmetic3A_222 : vector<16xi32>
        %and3A_224 = arith.constant 2097152 : i32
        %and3A_225 = vector.broadcast %and3A_224 : i32 to vector<16xi32>
        %and3A_226 = arith.andi %shift_right_arithmetic3A_223, %and3A_225 : vector<16xi32>
        %add3A_227 = arith.addi %add3A_189, %and3A_226 : vector<16xi32>
        %add3A_228 = arith.constant 2 : i32
        %add3A_229 = vector.broadcast %add3A_228 : i32 to vector<16xi32>
        %add3A_230 = arith.addi %select_n3A_16, %add3A_229 : vector<16xi32>
        %sub3A_231 = arith.subi %and3A_220, %sub3A_208 : vector<16xi32>
        %shift_right_arithmetic3A_232 = arith.constant 31 : i32
        %shift_right_arithmetic3A_233 = vector.broadcast %shift_right_arithmetic3A_232 : i32 to vector<16xi32>
        %shift_right_arithmetic3A_234 = arith.shrsi %sub3A_231, %shift_right_arithmetic3A_233 : vector<16xi32>
        %and3A_235 = arith.andi %shift_right_arithmetic3A_234, %sub3A_231 : vector<16xi32>
        %add3A_236 = arith.addi %sub3A_208, %and3A_235 : vector<16xi32>
        %sub3A_237 = arith.subi %add3A_230, %sub3A_212 : vector<16xi32>
        %and3A_238 = arith.andi %shift_right_arithmetic3A_234, %sub3A_237 : vector<16xi32>
        %add3A_239 = arith.addi %sub3A_212, %and3A_238 : vector<16xi32>
        %sub3A_240 = arith.subi %add3A_236, %add3A_207 : vector<16xi32>
        %shift_right_arithmetic3A_241 = arith.constant 31 : i32
        %shift_right_arithmetic3A_242 = vector.broadcast %shift_right_arithmetic3A_241 : i32 to vector<16xi32>
        %shift_right_arithmetic3A_243 = arith.shrsi %sub3A_240, %shift_right_arithmetic3A_242 : vector<16xi32>
        %and3A_244 = arith.andi %shift_right_arithmetic3A_243, %sub3A_240 : vector<16xi32>
        %add3A_245 = arith.addi %add3A_207, %and3A_244 : vector<16xi32>
        %sub3A_246 = arith.subi %add3A_236, %and3A_244 : vector<16xi32>
        %sub3A_247 = arith.subi %add3A_239, %add3A_211 : vector<16xi32>
        %and3A_248 = arith.andi %shift_right_arithmetic3A_243, %sub3A_247 : vector<16xi32>
        %add3A_249 = arith.addi %add3A_211, %and3A_248 : vector<16xi32>
        %sub3A_250 = arith.subi %add3A_239, %and3A_248 : vector<16xi32>
        %add3A_251 = arith.constant 3 : i32
        %add3A_252 = vector.broadcast %add3A_251 : i32 to vector<16xi32>
        %add3A_253 = arith.addi %add3A_130, %add3A_252 : vector<16xi32>
        %gather3A_254 = tpu.vector_load_idx %arg5[%broadcast_in_dim3A_5, %broadcast_in_dim3A_5, %add3A_253] : memref<2x320x97xf32, #tpu.memory_space<vmem>>[vector<16xi32>, vector<16xi32>, vector<16xi32>], vector<16xf32>,
        %bitcast3A_255 = vector.bitcast %gather3A_254 : vector<16xf32> to vector<16xi32>
        %and3A_256 = arith.constant 2147483647 : i32
        %and3A_257 = vector.broadcast %and3A_256 : i32 to vector<16xi32>
        %and3A_258 = arith.andi %bitcast3A_255, %and3A_257 : vector<16xi32>
        %shift_right_arithmetic3A_259 = arith.constant 31 : i32
        %shift_right_arithmetic3A_260 = vector.broadcast %shift_right_arithmetic3A_259 : i32 to vector<16xi32>
        %shift_right_arithmetic3A_261 = arith.shrsi %bitcast3A_255, %shift_right_arithmetic3A_260 : vector<16xi32>
        %and3A_262 = arith.constant 1048576 : i32
        %and3A_263 = vector.broadcast %and3A_262 : i32 to vector<16xi32>
        %and3A_264 = arith.andi %shift_right_arithmetic3A_261, %and3A_263 : vector<16xi32>
        %add3A_265 = arith.addi %add3A_227, %and3A_264 : vector<16xi32>
        %add3A_266 = arith.constant 3 : i32
        %add3A_267 = vector.broadcast %add3A_266 : i32 to vector<16xi32>
        %add3A_268 = arith.addi %select_n3A_16, %add3A_267 : vector<16xi32>
        %sub3A_269 = arith.subi %and3A_258, %sub3A_246 : vector<16xi32>
        %shift_right_arithmetic3A_270 = arith.constant 31 : i32
        %shift_right_arithmetic3A_271 = vector.broadcast %shift_right_arithmetic3A_270 : i32 to vector<16xi32>
        %shift_right_arithmetic3A_272 = arith.shrsi %sub3A_269, %shift_right_arithmetic3A_271 : vector<16xi32>
        %and3A_273 = arith.andi %shift_right_arithmetic3A_272, %sub3A_269 : vector<16xi32>
        %add3A_274 = arith.addi %sub3A_246, %and3A_273 : vector<16xi32>
        %sub3A_275 = arith.subi %add3A_268, %sub3A_250 : vector<16xi32>
        %and3A_276 = arith.andi %shift_right_arithmetic3A_272, %sub3A_275 : vector<16xi32>
        %add3A_277 = arith.addi %sub3A_250, %and3A_276 : vector<16xi32>
        %sub3A_278 = arith.subi %add3A_274, %add3A_245 : vector<16xi32>
        %shift_right_arithmetic3A_279 = arith.constant 31 : i32
        %shift_right_arithmetic3A_280 = vector.broadcast %shift_right_arithmetic3A_279 : i32 to vector<16xi32>
        %shift_right_arithmetic3A_281 = arith.shrsi %sub3A_278, %shift_right_arithmetic3A_280 : vector<16xi32>
        %and3A_282 = arith.andi %shift_right_arithmetic3A_281, %sub3A_278 : vector<16xi32>
        %add3A_283 = arith.addi %add3A_245, %and3A_282 : vector<16xi32>
        %sub3A_284 = arith.subi %add3A_274, %and3A_282 : vector<16xi32>
        %sub3A_285 = arith.subi %add3A_277, %add3A_249 : vector<16xi32>
        %and3A_286 = arith.andi %shift_right_arithmetic3A_281, %sub3A_285 : vector<16xi32>
        %add3A_287 = arith.addi %add3A_249, %and3A_286 : vector<16xi32>
        %sub3A_288 = arith.subi %add3A_277, %and3A_286 : vector<16xi32>
        %add3A_289 = arith.constant 4 : i32
        %add3A_290 = vector.broadcast %add3A_289 : i32 to vector<16xi32>
        %add3A_291 = arith.addi %add3A_130, %add3A_290 : vector<16xi32>
        %gather3A_292 = tpu.vector_load_idx %arg5[%broadcast_in_dim3A_5, %broadcast_in_dim3A_5, %add3A_291] : memref<2x320x97xf32, #tpu.memory_space<vmem>>[vector<16xi32>, vector<16xi32>, vector<16xi32>], vector<16xf32>,
        %bitcast3A_293 = vector.bitcast %gather3A_292 : vector<16xf32> to vector<16xi32>
        %and3A_294 = arith.constant 2147483647 : i32
        %and3A_295 = vector.broadcast %and3A_294 : i32 to vector<16xi32>
        %and3A_296 = arith.andi %bitcast3A_293, %and3A_295 : vector<16xi32>
        %shift_right_arithmetic3A_297 = arith.constant 31 : i32
        %shift_right_arithmetic3A_298 = vector.broadcast %shift_right_arithmetic3A_297 : i32 to vector<16xi32>
        %shift_right_arithmetic3A_299 = arith.shrsi %bitcast3A_293, %shift_right_arithmetic3A_298 : vector<16xi32>
        %and3A_300 = arith.constant 524288 : i32
        %and3A_301 = vector.broadcast %and3A_300 : i32 to vector<16xi32>
        %and3A_302 = arith.andi %shift_right_arithmetic3A_299, %and3A_301 : vector<16xi32>
        %add3A_303 = arith.addi %add3A_265, %and3A_302 : vector<16xi32>
        %add3A_304 = arith.constant 4 : i32
        %add3A_305 = vector.broadcast %add3A_304 : i32 to vector<16xi32>
        %add3A_306 = arith.addi %select_n3A_16, %add3A_305 : vector<16xi32>
        %sub3A_307 = arith.subi %and3A_296, %sub3A_284 : vector<16xi32>
        %shift_right_arithmetic3A_308 = arith.constant 31 : i32
        %shift_right_arithmetic3A_309 = vector.broadcast %shift_right_arithmetic3A_308 : i32 to vector<16xi32>
        %shift_right_arithmetic3A_310 = arith.shrsi %sub3A_307, %shift_right_arithmetic3A_309 : vector<16xi32>
        %and3A_311 = arith.andi %shift_right_arithmetic3A_310, %sub3A_307 : vector<16xi32>
        %add3A_312 = arith.addi %sub3A_284, %and3A_311 : vector<16xi32>
        %sub3A_313 = arith.subi %add3A_306, %sub3A_288 : vector<16xi32>
        %and3A_314 = arith.andi %shift_right_arithmetic3A_310, %sub3A_313 : vector<16xi32>
        %add3A_315 = arith.addi %sub3A_288, %and3A_314 : vector<16xi32>
        %sub3A_316 = arith.subi %add3A_312, %add3A_283 : vector<16xi32>
        %shift_right_arithmetic3A_317 = arith.constant 31 : i32
        %shift_right_arithmetic3A_318 = vector.broadcast %shift_right_arithmetic3A_317 : i32 to vector<16xi32>
        %shift_right_arithmetic3A_319 = arith.shrsi %sub3A_316, %shift_right_arithmetic3A_318 : vector<16xi32>
        %and3A_320 = arith.andi %shift_right_arithmetic3A_319, %sub3A_316 : vector<16xi32>
        %add3A_321 = arith.addi %add3A_283, %and3A_320 : vector<16xi32>
        %sub3A_322 = arith.subi %add3A_312, %and3A_320 : vector<16xi32>
        %sub3A_323 = arith.subi %add3A_315, %add3A_287 : vector<16xi32>
        %and3A_324 = arith.andi %shift_right_arithmetic3A_319, %sub3A_323 : vector<16xi32>
        %add3A_325 = arith.addi %add3A_287, %and3A_324 : vector<16xi32>
        %sub3A_326 = arith.subi %add3A_315, %and3A_324 : vector<16xi32>
        %add3A_327 = arith.constant 5 : i32
        %add3A_328 = vector.broadcast %add3A_327 : i32 to vector<16xi32>
        %add3A_329 = arith.addi %add3A_130, %add3A_328 : vector<16xi32>
        %gather3A_330 = tpu.vector_load_idx %arg5[%broadcast_in_dim3A_5, %broadcast_in_dim3A_5, %add3A_329] : memref<2x320x97xf32, #tpu.memory_space<vmem>>[vector<16xi32>, vector<16xi32>, vector<16xi32>], vector<16xf32>,
        %bitcast3A_331 = vector.bitcast %gather3A_330 : vector<16xf32> to vector<16xi32>
        %and3A_332 = arith.constant 2147483647 : i32
        %and3A_333 = vector.broadcast %and3A_332 : i32 to vector<16xi32>
        %and3A_334 = arith.andi %bitcast3A_331, %and3A_333 : vector<16xi32>
        %shift_right_arithmetic3A_335 = arith.constant 31 : i32
        %shift_right_arithmetic3A_336 = vector.broadcast %shift_right_arithmetic3A_335 : i32 to vector<16xi32>
        %shift_right_arithmetic3A_337 = arith.shrsi %bitcast3A_331, %shift_right_arithmetic3A_336 : vector<16xi32>
        %and3A_338 = arith.constant 262144 : i32
        %and3A_339 = vector.broadcast %and3A_338 : i32 to vector<16xi32>
        %and3A_340 = arith.andi %shift_right_arithmetic3A_337, %and3A_339 : vector<16xi32>
        %add3A_341 = arith.addi %add3A_303, %and3A_340 : vector<16xi32>
        %add3A_342 = arith.constant 5 : i32
        %add3A_343 = vector.broadcast %add3A_342 : i32 to vector<16xi32>
        %add3A_344 = arith.addi %select_n3A_16, %add3A_343 : vector<16xi32>
        %sub3A_345 = arith.subi %and3A_334, %sub3A_322 : vector<16xi32>
        %shift_right_arithmetic3A_346 = arith.constant 31 : i32
        %shift_right_arithmetic3A_347 = vector.broadcast %shift_right_arithmetic3A_346 : i32 to vector<16xi32>
        %shift_right_arithmetic3A_348 = arith.shrsi %sub3A_345, %shift_right_arithmetic3A_347 : vector<16xi32>
        %and3A_349 = arith.andi %shift_right_arithmetic3A_348, %sub3A_345 : vector<16xi32>
        %add3A_350 = arith.addi %sub3A_322, %and3A_349 : vector<16xi32>
        %sub3A_351 = arith.subi %add3A_344, %sub3A_326 : vector<16xi32>
        %and3A_352 = arith.andi %shift_right_arithmetic3A_348, %sub3A_351 : vector<16xi32>
        %add3A_353 = arith.addi %sub3A_326, %and3A_352 : vector<16xi32>
        %sub3A_354 = arith.subi %add3A_350, %add3A_321 : vector<16xi32>
        %shift_right_arithmetic3A_355 = arith.constant 31 : i32
        %shift_right_arithmetic3A_356 = vector.broadcast %shift_right_arithmetic3A_355 : i32 to vector<16xi32>
        %shift_right_arithmetic3A_357 = arith.shrsi %sub3A_354, %shift_right_arithmetic3A_356 : vector<16xi32>
        %and3A_358 = arith.andi %shift_right_arithmetic3A_357, %sub3A_354 : vector<16xi32>
        %add3A_359 = arith.addi %add3A_321, %and3A_358 : vector<16xi32>
        %sub3A_360 = arith.subi %add3A_350, %and3A_358 : vector<16xi32>
        %sub3A_361 = arith.subi %add3A_353, %add3A_325 : vector<16xi32>
        %and3A_362 = arith.andi %shift_right_arithmetic3A_357, %sub3A_361 : vector<16xi32>
        %add3A_363 = arith.addi %add3A_325, %and3A_362 : vector<16xi32>
        %sub3A_364 = arith.subi %add3A_353, %and3A_362 : vector<16xi32>
        %add3A_365 = arith.constant 6 : i32
        %add3A_366 = vector.broadcast %add3A_365 : i32 to vector<16xi32>
        %add3A_367 = arith.addi %add3A_130, %add3A_366 : vector<16xi32>
        %gather3A_368 = tpu.vector_load_idx %arg5[%broadcast_in_dim3A_5, %broadcast_in_dim3A_5, %add3A_367] : memref<2x320x97xf32, #tpu.memory_space<vmem>>[vector<16xi32>, vector<16xi32>, vector<16xi32>], vector<16xf32>,
        %bitcast3A_369 = vector.bitcast %gather3A_368 : vector<16xf32> to vector<16xi32>
        %and3A_370 = arith.constant 2147483647 : i32
        %and3A_371 = vector.broadcast %and3A_370 : i32 to vector<16xi32>
        %and3A_372 = arith.andi %bitcast3A_369, %and3A_371 : vector<16xi32>
        %shift_right_arithmetic3A_373 = arith.constant 31 : i32
        %shift_right_arithmetic3A_374 = vector.broadcast %shift_right_arithmetic3A_373 : i32 to vector<16xi32>
        %shift_right_arithmetic3A_375 = arith.shrsi %bitcast3A_369, %shift_right_arithmetic3A_374 : vector<16xi32>
        %and3A_376 = arith.constant 131072 : i32
        %and3A_377 = vector.broadcast %and3A_376 : i32 to vector<16xi32>
        %and3A_378 = arith.andi %shift_right_arithmetic3A_375, %and3A_377 : vector<16xi32>
        %add3A_379 = arith.addi %add3A_341, %and3A_378 : vector<16xi32>
        %add3A_380 = arith.constant 6 : i32
        %add3A_381 = vector.broadcast %add3A_380 : i32 to vector<16xi32>
        %add3A_382 = arith.addi %select_n3A_16, %add3A_381 : vector<16xi32>
        %sub3A_383 = arith.subi %and3A_372, %sub3A_360 : vector<16xi32>
        %shift_right_arithmetic3A_384 = arith.constant 31 : i32
        %shift_right_arithmetic3A_385 = vector.broadcast %shift_right_arithmetic3A_384 : i32 to vector<16xi32>
        %shift_right_arithmetic3A_386 = arith.shrsi %sub3A_383, %shift_right_arithmetic3A_385 : vector<16xi32>
        %and3A_387 = arith.andi %shift_right_arithmetic3A_386, %sub3A_383 : vector<16xi32>
        %add3A_388 = arith.addi %sub3A_360, %and3A_387 : vector<16xi32>
        %sub3A_389 = arith.subi %add3A_382, %sub3A_364 : vector<16xi32>
        %and3A_390 = arith.andi %shift_right_arithmetic3A_386, %sub3A_389 : vector<16xi32>
        %add3A_391 = arith.addi %sub3A_364, %and3A_390 : vector<16xi32>
        %sub3A_392 = arith.subi %add3A_388, %add3A_359 : vector<16xi32>
        %shift_right_arithmetic3A_393 = arith.constant 31 : i32
        %shift_right_arithmetic3A_394 = vector.broadcast %shift_right_arithmetic3A_393 : i32 to vector<16xi32>
        %shift_right_arithmetic3A_395 = arith.shrsi %sub3A_392, %shift_right_arithmetic3A_394 : vector<16xi32>
        %and3A_396 = arith.andi %shift_right_arithmetic3A_395, %sub3A_392 : vector<16xi32>
        %add3A_397 = arith.addi %add3A_359, %and3A_396 : vector<16xi32>
        %sub3A_398 = arith.subi %add3A_388, %and3A_396 : vector<16xi32>
        %sub3A_399 = arith.subi %add3A_391, %add3A_363 : vector<16xi32>
        %and3A_400 = arith.andi %shift_right_arithmetic3A_395, %sub3A_399 : vector<16xi32>
        %add3A_401 = arith.addi %add3A_363, %and3A_400 : vector<16xi32>
        %sub3A_402 = arith.subi %add3A_391, %and3A_400 : vector<16xi32>
        %add3A_403 = arith.constant 7 : i32
        %add3A_404 = vector.broadcast %add3A_403 : i32 to vector<16xi32>
        %add3A_405 = arith.addi %add3A_130, %add3A_404 : vector<16xi32>
        %gather3A_406 = tpu.vector_load_idx %arg5[%broadcast_in_dim3A_5, %broadcast_in_dim3A_5, %add3A_405] : memref<2x320x97xf32, #tpu.memory_space<vmem>>[vector<16xi32>, vector<16xi32>, vector<16xi32>], vector<16xf32>,
        %bitcast3A_407 = vector.bitcast %gather3A_406 : vector<16xf32> to vector<16xi32>
        %and3A_408 = arith.constant 2147483647 : i32
        %and3A_409 = vector.broadcast %and3A_408 : i32 to vector<16xi32>
        %and3A_410 = arith.andi %bitcast3A_407, %and3A_409 : vector<16xi32>
        %shift_right_arithmetic3A_411 = arith.constant 31 : i32
        %shift_right_arithmetic3A_412 = vector.broadcast %shift_right_arithmetic3A_411 : i32 to vector<16xi32>
        %shift_right_arithmetic3A_413 = arith.shrsi %bitcast3A_407, %shift_right_arithmetic3A_412 : vector<16xi32>
        %and3A_414 = arith.constant 65536 : i32
        %and3A_415 = vector.broadcast %and3A_414 : i32 to vector<16xi32>
        %and3A_416 = arith.andi %shift_right_arithmetic3A_413, %and3A_415 : vector<16xi32>
        %add3A_417 = arith.addi %add3A_379, %and3A_416 : vector<16xi32>
        %add3A_418 = arith.constant 7 : i32
        %add3A_419 = vector.broadcast %add3A_418 : i32 to vector<16xi32>
        %add3A_420 = arith.addi %select_n3A_16, %add3A_419 : vector<16xi32>
        %sub3A_421 = arith.subi %and3A_410, %sub3A_398 : vector<16xi32>
        %shift_right_arithmetic3A_422 = arith.constant 31 : i32
        %shift_right_arithmetic3A_423 = vector.broadcast %shift_right_arithmetic3A_422 : i32 to vector<16xi32>
        %shift_right_arithmetic3A_424 = arith.shrsi %sub3A_421, %shift_right_arithmetic3A_423 : vector<16xi32>
        %and3A_425 = arith.andi %shift_right_arithmetic3A_424, %sub3A_421 : vector<16xi32>
        %add3A_426 = arith.addi %sub3A_398, %and3A_425 : vector<16xi32>
        %sub3A_427 = arith.subi %add3A_420, %sub3A_402 : vector<16xi32>
        %and3A_428 = arith.andi %shift_right_arithmetic3A_424, %sub3A_427 : vector<16xi32>
        %add3A_429 = arith.addi %sub3A_402, %and3A_428 : vector<16xi32>
        %sub3A_430 = arith.subi %add3A_426, %add3A_397 : vector<16xi32>
        %shift_right_arithmetic3A_431 = arith.constant 31 : i32
        %shift_right_arithmetic3A_432 = vector.broadcast %shift_right_arithmetic3A_431 : i32 to vector<16xi32>
        %shift_right_arithmetic3A_433 = arith.shrsi %sub3A_430, %shift_right_arithmetic3A_432 : vector<16xi32>
        %and3A_434 = arith.andi %shift_right_arithmetic3A_433, %sub3A_430 : vector<16xi32>
        %add3A_435 = arith.addi %add3A_397, %and3A_434 : vector<16xi32>
        %sub3A_436 = arith.subi %add3A_426, %and3A_434 : vector<16xi32>
        %sub3A_437 = arith.subi %add3A_429, %add3A_401 : vector<16xi32>
        %and3A_438 = arith.andi %shift_right_arithmetic3A_433, %sub3A_437 : vector<16xi32>
        %add3A_439 = arith.addi %add3A_401, %and3A_438 : vector<16xi32>
        %sub3A_440 = arith.subi %add3A_429, %and3A_438 : vector<16xi32>
        %add3A_441 = arith.constant 8 : i32
        %add3A_442 = vector.broadcast %add3A_441 : i32 to vector<16xi32>
        %add3A_443 = arith.addi %add3A_130, %add3A_442 : vector<16xi32>
        %gather3A_444 = tpu.vector_load_idx %arg5[%broadcast_in_dim3A_5, %broadcast_in_dim3A_5, %add3A_443] : memref<2x320x97xf32, #tpu.memory_space<vmem>>[vector<16xi32>, vector<16xi32>, vector<16xi32>], vector<16xf32>,
        %bitcast3A_445 = vector.bitcast %gather3A_444 : vector<16xf32> to vector<16xi32>
        %and3A_446 = arith.constant 2147483647 : i32
        %and3A_447 = vector.broadcast %and3A_446 : i32 to vector<16xi32>
        %and3A_448 = arith.andi %bitcast3A_445, %and3A_447 : vector<16xi32>
        %shift_right_arithmetic3A_449 = arith.constant 31 : i32
        %shift_right_arithmetic3A_450 = vector.broadcast %shift_right_arithmetic3A_449 : i32 to vector<16xi32>
        %shift_right_arithmetic3A_451 = arith.shrsi %bitcast3A_445, %shift_right_arithmetic3A_450 : vector<16xi32>
        %and3A_452 = arith.constant 32768 : i32
        %and3A_453 = vector.broadcast %and3A_452 : i32 to vector<16xi32>
        %and3A_454 = arith.andi %shift_right_arithmetic3A_451, %and3A_453 : vector<16xi32>
        %add3A_455 = arith.addi %add3A_417, %and3A_454 : vector<16xi32>
        %add3A_456 = arith.constant 8 : i32
        %add3A_457 = vector.broadcast %add3A_456 : i32 to vector<16xi32>
        %add3A_458 = arith.addi %select_n3A_16, %add3A_457 : vector<16xi32>
        %sub3A_459 = arith.subi %and3A_448, %sub3A_436 : vector<16xi32>
        %shift_right_arithmetic3A_460 = arith.constant 31 : i32
        %shift_right_arithmetic3A_461 = vector.broadcast %shift_right_arithmetic3A_460 : i32 to vector<16xi32>
        %shift_right_arithmetic3A_462 = arith.shrsi %sub3A_459, %shift_right_arithmetic3A_461 : vector<16xi32>
        %and3A_463 = arith.andi %shift_right_arithmetic3A_462, %sub3A_459 : vector<16xi32>
        %add3A_464 = arith.addi %sub3A_436, %and3A_463 : vector<16xi32>
        %sub3A_465 = arith.subi %add3A_458, %sub3A_440 : vector<16xi32>
        %and3A_466 = arith.andi %shift_right_arithmetic3A_462, %sub3A_465 : vector<16xi32>
        %add3A_467 = arith.addi %sub3A_440, %and3A_466 : vector<16xi32>
        %sub3A_468 = arith.subi %add3A_464, %add3A_435 : vector<16xi32>
        %shift_right_arithmetic3A_469 = arith.constant 31 : i32
        %shift_right_arithmetic3A_470 = vector.broadcast %shift_right_arithmetic3A_469 : i32 to vector<16xi32>
        %shift_right_arithmetic3A_471 = arith.shrsi %sub3A_468, %shift_right_arithmetic3A_470 : vector<16xi32>
        %and3A_472 = arith.andi %shift_right_arithmetic3A_471, %sub3A_468 : vector<16xi32>
        %add3A_473 = arith.addi %add3A_435, %and3A_472 : vector<16xi32>
        %sub3A_474 = arith.subi %add3A_464, %and3A_472 : vector<16xi32>
        %sub3A_475 = arith.subi %add3A_467, %add3A_439 : vector<16xi32>
        %and3A_476 = arith.andi %shift_right_arithmetic3A_471, %sub3A_475 : vector<16xi32>
        %add3A_477 = arith.addi %add3A_439, %and3A_476 : vector<16xi32>
        %sub3A_478 = arith.subi %add3A_467, %and3A_476 : vector<16xi32>
        %add3A_479 = arith.constant 9 : i32
        %add3A_480 = vector.broadcast %add3A_479 : i32 to vector<16xi32>
        %add3A_481 = arith.addi %add3A_130, %add3A_480 : vector<16xi32>
        %gather3A_482 = tpu.vector_load_idx %arg5[%broadcast_in_dim3A_5, %broadcast_in_dim3A_5, %add3A_481] : memref<2x320x97xf32, #tpu.memory_space<vmem>>[vector<16xi32>, vector<16xi32>, vector<16xi32>], vector<16xf32>,
        %bitcast3A_483 = vector.bitcast %gather3A_482 : vector<16xf32> to vector<16xi32>
        %and3A_484 = arith.constant 2147483647 : i32
        %and3A_485 = vector.broadcast %and3A_484 : i32 to vector<16xi32>
        %and3A_486 = arith.andi %bitcast3A_483, %and3A_485 : vector<16xi32>
        %shift_right_arithmetic3A_487 = arith.constant 31 : i32
        %shift_right_arithmetic3A_488 = vector.broadcast %shift_right_arithmetic3A_487 : i32 to vector<16xi32>
        %shift_right_arithmetic3A_489 = arith.shrsi %bitcast3A_483, %shift_right_arithmetic3A_488 : vector<16xi32>
        %and3A_490 = arith.constant 16384 : i32
        %and3A_491 = vector.broadcast %and3A_490 : i32 to vector<16xi32>
        %and3A_492 = arith.andi %shift_right_arithmetic3A_489, %and3A_491 : vector<16xi32>
        %add3A_493 = arith.addi %add3A_455, %and3A_492 : vector<16xi32>
        %add3A_494 = arith.constant 9 : i32
        %add3A_495 = vector.broadcast %add3A_494 : i32 to vector<16xi32>
        %add3A_496 = arith.addi %select_n3A_16, %add3A_495 : vector<16xi32>
        %sub3A_497 = arith.subi %and3A_486, %sub3A_474 : vector<16xi32>
        %shift_right_arithmetic3A_498 = arith.constant 31 : i32
        %shift_right_arithmetic3A_499 = vector.broadcast %shift_right_arithmetic3A_498 : i32 to vector<16xi32>
        %shift_right_arithmetic3A_500 = arith.shrsi %sub3A_497, %shift_right_arithmetic3A_499 : vector<16xi32>
        %and3A_501 = arith.andi %shift_right_arithmetic3A_500, %sub3A_497 : vector<16xi32>
        %add3A_502 = arith.addi %sub3A_474, %and3A_501 : vector<16xi32>
        %sub3A_503 = arith.subi %add3A_496, %sub3A_478 : vector<16xi32>
        %and3A_504 = arith.andi %shift_right_arithmetic3A_500, %sub3A_503 : vector<16xi32>
        %add3A_505 = arith.addi %sub3A_478, %and3A_504 : vector<16xi32>
        %sub3A_506 = arith.subi %add3A_502, %add3A_473 : vector<16xi32>
        %shift_right_arithmetic3A_507 = arith.constant 31 : i32
        %shift_right_arithmetic3A_508 = vector.broadcast %shift_right_arithmetic3A_507 : i32 to vector<16xi32>
        %shift_right_arithmetic3A_509 = arith.shrsi %sub3A_506, %shift_right_arithmetic3A_508 : vector<16xi32>
        %and3A_510 = arith.andi %shift_right_arithmetic3A_509, %sub3A_506 : vector<16xi32>
        %add3A_511 = arith.addi %add3A_473, %and3A_510 : vector<16xi32>
        %sub3A_512 = arith.subi %add3A_502, %and3A_510 : vector<16xi32>
        %sub3A_513 = arith.subi %add3A_505, %add3A_477 : vector<16xi32>
        %and3A_514 = arith.andi %shift_right_arithmetic3A_509, %sub3A_513 : vector<16xi32>
        %add3A_515 = arith.addi %add3A_477, %and3A_514 : vector<16xi32>
        %sub3A_516 = arith.subi %add3A_505, %and3A_514 : vector<16xi32>
        %add3A_517 = arith.constant 10 : i32
        %add3A_518 = vector.broadcast %add3A_517 : i32 to vector<16xi32>
        %add3A_519 = arith.addi %add3A_130, %add3A_518 : vector<16xi32>
        %gather3A_520 = tpu.vector_load_idx %arg5[%broadcast_in_dim3A_5, %broadcast_in_dim3A_5, %add3A_519] : memref<2x320x97xf32, #tpu.memory_space<vmem>>[vector<16xi32>, vector<16xi32>, vector<16xi32>], vector<16xf32>,
        %bitcast3A_521 = vector.bitcast %gather3A_520 : vector<16xf32> to vector<16xi32>
        %and3A_522 = arith.constant 2147483647 : i32
        %and3A_523 = vector.broadcast %and3A_522 : i32 to vector<16xi32>
        %and3A_524 = arith.andi %bitcast3A_521, %and3A_523 : vector<16xi32>
        %shift_right_arithmetic3A_525 = arith.constant 31 : i32
        %shift_right_arithmetic3A_526 = vector.broadcast %shift_right_arithmetic3A_525 : i32 to vector<16xi32>
        %shift_right_arithmetic3A_527 = arith.shrsi %bitcast3A_521, %shift_right_arithmetic3A_526 : vector<16xi32>
        %and3A_528 = arith.constant 8192 : i32
        %and3A_529 = vector.broadcast %and3A_528 : i32 to vector<16xi32>
        %and3A_530 = arith.andi %shift_right_arithmetic3A_527, %and3A_529 : vector<16xi32>
        %add3A_531 = arith.addi %add3A_493, %and3A_530 : vector<16xi32>
        %add3A_532 = arith.constant 10 : i32
        %add3A_533 = vector.broadcast %add3A_532 : i32 to vector<16xi32>
        %add3A_534 = arith.addi %select_n3A_16, %add3A_533 : vector<16xi32>
        %sub3A_535 = arith.subi %and3A_524, %sub3A_512 : vector<16xi32>
        %shift_right_arithmetic3A_536 = arith.constant 31 : i32
        %shift_right_arithmetic3A_537 = vector.broadcast %shift_right_arithmetic3A_536 : i32 to vector<16xi32>
        %shift_right_arithmetic3A_538 = arith.shrsi %sub3A_535, %shift_right_arithmetic3A_537 : vector<16xi32>
        %and3A_539 = arith.andi %shift_right_arithmetic3A_538, %sub3A_535 : vector<16xi32>
        %add3A_540 = arith.addi %sub3A_512, %and3A_539 : vector<16xi32>
        %sub3A_541 = arith.subi %add3A_534, %sub3A_516 : vector<16xi32>
        %and3A_542 = arith.andi %shift_right_arithmetic3A_538, %sub3A_541 : vector<16xi32>
        %add3A_543 = arith.addi %sub3A_516, %and3A_542 : vector<16xi32>
        %sub3A_544 = arith.subi %add3A_540, %add3A_511 : vector<16xi32>
        %shift_right_arithmetic3A_545 = arith.constant 31 : i32
        %shift_right_arithmetic3A_546 = vector.broadcast %shift_right_arithmetic3A_545 : i32 to vector<16xi32>
        %shift_right_arithmetic3A_547 = arith.shrsi %sub3A_544, %shift_right_arithmetic3A_546 : vector<16xi32>
        %and3A_548 = arith.andi %shift_right_arithmetic3A_547, %sub3A_544 : vector<16xi32>
        %add3A_549 = arith.addi %add3A_511, %and3A_548 : vector<16xi32>
        %sub3A_550 = arith.subi %add3A_540, %and3A_548 : vector<16xi32>
        %sub3A_551 = arith.subi %add3A_543, %add3A_515 : vector<16xi32>
        %and3A_552 = arith.andi %shift_right_arithmetic3A_547, %sub3A_551 : vector<16xi32>
        %add3A_553 = arith.addi %add3A_515, %and3A_552 : vector<16xi32>
        %sub3A_554 = arith.subi %add3A_543, %and3A_552 : vector<16xi32>
        %add3A_555 = arith.constant 11 : i32
        %add3A_556 = vector.broadcast %add3A_555 : i32 to vector<16xi32>
        %add3A_557 = arith.addi %add3A_130, %add3A_556 : vector<16xi32>
        %gather3A_558 = tpu.vector_load_idx %arg5[%broadcast_in_dim3A_5, %broadcast_in_dim3A_5, %add3A_557] : memref<2x320x97xf32, #tpu.memory_space<vmem>>[vector<16xi32>, vector<16xi32>, vector<16xi32>], vector<16xf32>,
        %bitcast3A_559 = vector.bitcast %gather3A_558 : vector<16xf32> to vector<16xi32>
        %and3A_560 = arith.constant 2147483647 : i32
        %and3A_561 = vector.broadcast %and3A_560 : i32 to vector<16xi32>
        %and3A_562 = arith.andi %bitcast3A_559, %and3A_561 : vector<16xi32>
        %shift_right_arithmetic3A_563 = arith.constant 31 : i32
        %shift_right_arithmetic3A_564 = vector.broadcast %shift_right_arithmetic3A_563 : i32 to vector<16xi32>
        %shift_right_arithmetic3A_565 = arith.shrsi %bitcast3A_559, %shift_right_arithmetic3A_564 : vector<16xi32>
        %and3A_566 = arith.constant 4096 : i32
        %and3A_567 = vector.broadcast %and3A_566 : i32 to vector<16xi32>
        %and3A_568 = arith.andi %shift_right_arithmetic3A_565, %and3A_567 : vector<16xi32>
        %add3A_569 = arith.addi %add3A_531, %and3A_568 : vector<16xi32>
        %add3A_570 = arith.constant 11 : i32
        %add3A_571 = vector.broadcast %add3A_570 : i32 to vector<16xi32>
        %add3A_572 = arith.addi %select_n3A_16, %add3A_571 : vector<16xi32>
        %sub3A_573 = arith.subi %and3A_562, %sub3A_550 : vector<16xi32>
        %shift_right_arithmetic3A_574 = arith.constant 31 : i32
        %shift_right_arithmetic3A_575 = vector.broadcast %shift_right_arithmetic3A_574 : i32 to vector<16xi32>
        %shift_right_arithmetic3A_576 = arith.shrsi %sub3A_573, %shift_right_arithmetic3A_575 : vector<16xi32>
        %and3A_577 = arith.andi %shift_right_arithmetic3A_576, %sub3A_573 : vector<16xi32>
        %add3A_578 = arith.addi %sub3A_550, %and3A_577 : vector<16xi32>
        %sub3A_579 = arith.subi %add3A_572, %sub3A_554 : vector<16xi32>
        %and3A_580 = arith.andi %shift_right_arithmetic3A_576, %sub3A_579 : vector<16xi32>
        %add3A_581 = arith.addi %sub3A_554, %and3A_580 : vector<16xi32>
        %sub3A_582 = arith.subi %add3A_578, %add3A_549 : vector<16xi32>
        %shift_right_arithmetic3A_583 = arith.constant 31 : i32
        %shift_right_arithmetic3A_584 = vector.broadcast %shift_right_arithmetic3A_583 : i32 to vector<16xi32>
        %shift_right_arithmetic3A_585 = arith.shrsi %sub3A_582, %shift_right_arithmetic3A_584 : vector<16xi32>
        %and3A_586 = arith.andi %shift_right_arithmetic3A_585, %sub3A_582 : vector<16xi32>
        %add3A_587 = arith.addi %add3A_549, %and3A_586 : vector<16xi32>
        %sub3A_588 = arith.subi %add3A_578, %and3A_586 : vector<16xi32>
        %sub3A_589 = arith.subi %add3A_581, %add3A_553 : vector<16xi32>
        %and3A_590 = arith.andi %shift_right_arithmetic3A_585, %sub3A_589 : vector<16xi32>
        %add3A_591 = arith.addi %add3A_553, %and3A_590 : vector<16xi32>
        %sub3A_592 = arith.subi %add3A_581, %and3A_590 : vector<16xi32>
        %add3A_593 = arith.constant 12 : i32
        %add3A_594 = vector.broadcast %add3A_593 : i32 to vector<16xi32>
        %add3A_595 = arith.addi %add3A_130, %add3A_594 : vector<16xi32>
        %gather3A_596 = tpu.vector_load_idx %arg5[%broadcast_in_dim3A_5, %broadcast_in_dim3A_5, %add3A_595] : memref<2x320x97xf32, #tpu.memory_space<vmem>>[vector<16xi32>, vector<16xi32>, vector<16xi32>], vector<16xf32>,
        %bitcast3A_597 = vector.bitcast %gather3A_596 : vector<16xf32> to vector<16xi32>
        %and3A_598 = arith.constant 2147483647 : i32
        %and3A_599 = vector.broadcast %and3A_598 : i32 to vector<16xi32>
        %and3A_600 = arith.andi %bitcast3A_597, %and3A_599 : vector<16xi32>
        %shift_right_arithmetic3A_601 = arith.constant 31 : i32
        %shift_right_arithmetic3A_602 = vector.broadcast %shift_right_arithmetic3A_601 : i32 to vector<16xi32>
        %shift_right_arithmetic3A_603 = arith.shrsi %bitcast3A_597, %shift_right_arithmetic3A_602 : vector<16xi32>
        %and3A_604 = arith.constant 2048 : i32
        %and3A_605 = vector.broadcast %and3A_604 : i32 to vector<16xi32>
        %and3A_606 = arith.andi %shift_right_arithmetic3A_603, %and3A_605 : vector<16xi32>
        %add3A_607 = arith.addi %add3A_569, %and3A_606 : vector<16xi32>
        %add3A_608 = arith.constant 12 : i32
        %add3A_609 = vector.broadcast %add3A_608 : i32 to vector<16xi32>
        %add3A_610 = arith.addi %select_n3A_16, %add3A_609 : vector<16xi32>
        %sub3A_611 = arith.subi %and3A_600, %sub3A_588 : vector<16xi32>
        %shift_right_arithmetic3A_612 = arith.constant 31 : i32
        %shift_right_arithmetic3A_613 = vector.broadcast %shift_right_arithmetic3A_612 : i32 to vector<16xi32>
        %shift_right_arithmetic3A_614 = arith.shrsi %sub3A_611, %shift_right_arithmetic3A_613 : vector<16xi32>
        %and3A_615 = arith.andi %shift_right_arithmetic3A_614, %sub3A_611 : vector<16xi32>
        %add3A_616 = arith.addi %sub3A_588, %and3A_615 : vector<16xi32>
        %sub3A_617 = arith.subi %add3A_610, %sub3A_592 : vector<16xi32>
        %and3A_618 = arith.andi %shift_right_arithmetic3A_614, %sub3A_617 : vector<16xi32>
        %add3A_619 = arith.addi %sub3A_592, %and3A_618 : vector<16xi32>
        %sub3A_620 = arith.subi %add3A_616, %add3A_587 : vector<16xi32>
        %shift_right_arithmetic3A_621 = arith.constant 31 : i32
        %shift_right_arithmetic3A_622 = vector.broadcast %shift_right_arithmetic3A_621 : i32 to vector<16xi32>
        %shift_right_arithmetic3A_623 = arith.shrsi %sub3A_620, %shift_right_arithmetic3A_622 : vector<16xi32>
        %and3A_624 = arith.andi %shift_right_arithmetic3A_623, %sub3A_620 : vector<16xi32>
        %add3A_625 = arith.addi %add3A_587, %and3A_624 : vector<16xi32>
        %sub3A_626 = arith.subi %add3A_616, %and3A_624 : vector<16xi32>
        %sub3A_627 = arith.subi %add3A_619, %add3A_591 : vector<16xi32>
        %and3A_628 = arith.andi %shift_right_arithmetic3A_623, %sub3A_627 : vector<16xi32>
        %add3A_629 = arith.addi %add3A_591, %and3A_628 : vector<16xi32>
        %sub3A_630 = arith.subi %add3A_619, %and3A_628 : vector<16xi32>
        %add3A_631 = arith.constant 13 : i32
        %add3A_632 = vector.broadcast %add3A_631 : i32 to vector<16xi32>
        %add3A_633 = arith.addi %add3A_130, %add3A_632 : vector<16xi32>
        %gather3A_634 = tpu.vector_load_idx %arg5[%broadcast_in_dim3A_5, %broadcast_in_dim3A_5, %add3A_633] : memref<2x320x97xf32, #tpu.memory_space<vmem>>[vector<16xi32>, vector<16xi32>, vector<16xi32>], vector<16xf32>,
        %bitcast3A_635 = vector.bitcast %gather3A_634 : vector<16xf32> to vector<16xi32>
        %and3A_636 = arith.constant 2147483647 : i32
        %and3A_637 = vector.broadcast %and3A_636 : i32 to vector<16xi32>
        %and3A_638 = arith.andi %bitcast3A_635, %and3A_637 : vector<16xi32>
        %shift_right_arithmetic3A_639 = arith.constant 31 : i32
        %shift_right_arithmetic3A_640 = vector.broadcast %shift_right_arithmetic3A_639 : i32 to vector<16xi32>
        %shift_right_arithmetic3A_641 = arith.shrsi %bitcast3A_635, %shift_right_arithmetic3A_640 : vector<16xi32>
        %and3A_642 = arith.constant 1024 : i32
        %and3A_643 = vector.broadcast %and3A_642 : i32 to vector<16xi32>
        %and3A_644 = arith.andi %shift_right_arithmetic3A_641, %and3A_643 : vector<16xi32>
        %add3A_645 = arith.addi %add3A_607, %and3A_644 : vector<16xi32>
        %add3A_646 = arith.constant 13 : i32
        %add3A_647 = vector.broadcast %add3A_646 : i32 to vector<16xi32>
        %add3A_648 = arith.addi %select_n3A_16, %add3A_647 : vector<16xi32>
        %sub3A_649 = arith.subi %and3A_638, %sub3A_626 : vector<16xi32>
        %shift_right_arithmetic3A_650 = arith.constant 31 : i32
        %shift_right_arithmetic3A_651 = vector.broadcast %shift_right_arithmetic3A_650 : i32 to vector<16xi32>
        %shift_right_arithmetic3A_652 = arith.shrsi %sub3A_649, %shift_right_arithmetic3A_651 : vector<16xi32>
        %and3A_653 = arith.andi %shift_right_arithmetic3A_652, %sub3A_649 : vector<16xi32>
        %add3A_654 = arith.addi %sub3A_626, %and3A_653 : vector<16xi32>
        %sub3A_655 = arith.subi %add3A_648, %sub3A_630 : vector<16xi32>
        %and3A_656 = arith.andi %shift_right_arithmetic3A_652, %sub3A_655 : vector<16xi32>
        %add3A_657 = arith.addi %sub3A_630, %and3A_656 : vector<16xi32>
        %sub3A_658 = arith.subi %add3A_654, %add3A_625 : vector<16xi32>
        %shift_right_arithmetic3A_659 = arith.constant 31 : i32
        %shift_right_arithmetic3A_660 = vector.broadcast %shift_right_arithmetic3A_659 : i32 to vector<16xi32>
        %shift_right_arithmetic3A_661 = arith.shrsi %sub3A_658, %shift_right_arithmetic3A_660 : vector<16xi32>
        %and3A_662 = arith.andi %shift_right_arithmetic3A_661, %sub3A_658 : vector<16xi32>
        %add3A_663 = arith.addi %add3A_625, %and3A_662 : vector<16xi32>
        %sub3A_664 = arith.subi %add3A_654, %and3A_662 : vector<16xi32>
        %sub3A_665 = arith.subi %add3A_657, %add3A_629 : vector<16xi32>
        %and3A_666 = arith.andi %shift_right_arithmetic3A_661, %sub3A_665 : vector<16xi32>
        %add3A_667 = arith.addi %add3A_629, %and3A_666 : vector<16xi32>
        %sub3A_668 = arith.subi %add3A_657, %and3A_666 : vector<16xi32>
        %add3A_669 = arith.constant 14 : i32
        %add3A_670 = vector.broadcast %add3A_669 : i32 to vector<16xi32>
        %add3A_671 = arith.addi %add3A_130, %add3A_670 : vector<16xi32>
        %gather3A_672 = tpu.vector_load_idx %arg5[%broadcast_in_dim3A_5, %broadcast_in_dim3A_5, %add3A_671] : memref<2x320x97xf32, #tpu.memory_space<vmem>>[vector<16xi32>, vector<16xi32>, vector<16xi32>], vector<16xf32>,
        %bitcast3A_673 = vector.bitcast %gather3A_672 : vector<16xf32> to vector<16xi32>
        %and3A_674 = arith.constant 2147483647 : i32
        %and3A_675 = vector.broadcast %and3A_674 : i32 to vector<16xi32>
        %and3A_676 = arith.andi %bitcast3A_673, %and3A_675 : vector<16xi32>
        %shift_right_arithmetic3A_677 = arith.constant 31 : i32
        %shift_right_arithmetic3A_678 = vector.broadcast %shift_right_arithmetic3A_677 : i32 to vector<16xi32>
        %shift_right_arithmetic3A_679 = arith.shrsi %bitcast3A_673, %shift_right_arithmetic3A_678 : vector<16xi32>
        %and3A_680 = arith.constant 512 : i32
        %and3A_681 = vector.broadcast %and3A_680 : i32 to vector<16xi32>
        %and3A_682 = arith.andi %shift_right_arithmetic3A_679, %and3A_681 : vector<16xi32>
        %add3A_683 = arith.addi %add3A_645, %and3A_682 : vector<16xi32>
        %add3A_684 = arith.constant 14 : i32
        %add3A_685 = vector.broadcast %add3A_684 : i32 to vector<16xi32>
        %add3A_686 = arith.addi %select_n3A_16, %add3A_685 : vector<16xi32>
        %sub3A_687 = arith.subi %and3A_676, %sub3A_664 : vector<16xi32>
        %shift_right_arithmetic3A_688 = arith.constant 31 : i32
        %shift_right_arithmetic3A_689 = vector.broadcast %shift_right_arithmetic3A_688 : i32 to vector<16xi32>
        %shift_right_arithmetic3A_690 = arith.shrsi %sub3A_687, %shift_right_arithmetic3A_689 : vector<16xi32>
        %and3A_691 = arith.andi %shift_right_arithmetic3A_690, %sub3A_687 : vector<16xi32>
        %add3A_692 = arith.addi %sub3A_664, %and3A_691 : vector<16xi32>
        %sub3A_693 = arith.subi %add3A_686, %sub3A_668 : vector<16xi32>
        %and3A_694 = arith.andi %shift_right_arithmetic3A_690, %sub3A_693 : vector<16xi32>
        %add3A_695 = arith.addi %sub3A_668, %and3A_694 : vector<16xi32>
        %sub3A_696 = arith.subi %add3A_692, %add3A_663 : vector<16xi32>
        %shift_right_arithmetic3A_697 = arith.constant 31 : i32
        %shift_right_arithmetic3A_698 = vector.broadcast %shift_right_arithmetic3A_697 : i32 to vector<16xi32>
        %shift_right_arithmetic3A_699 = arith.shrsi %sub3A_696, %shift_right_arithmetic3A_698 : vector<16xi32>
        %and3A_700 = arith.andi %shift_right_arithmetic3A_699, %sub3A_696 : vector<16xi32>
        %add3A_701 = arith.addi %add3A_663, %and3A_700 : vector<16xi32>
        %sub3A_702 = arith.subi %add3A_692, %and3A_700 : vector<16xi32>
        %sub3A_703 = arith.subi %add3A_695, %add3A_667 : vector<16xi32>
        %and3A_704 = arith.andi %shift_right_arithmetic3A_699, %sub3A_703 : vector<16xi32>
        %add3A_705 = arith.addi %add3A_667, %and3A_704 : vector<16xi32>
        %sub3A_706 = arith.subi %add3A_695, %and3A_704 : vector<16xi32>
        %add3A_707 = arith.constant 15 : i32
        %add3A_708 = vector.broadcast %add3A_707 : i32 to vector<16xi32>
        %add3A_709 = arith.addi %add3A_130, %add3A_708 : vector<16xi32>
        %gather3A_710 = tpu.vector_load_idx %arg5[%broadcast_in_dim3A_5, %broadcast_in_dim3A_5, %add3A_709] : memref<2x320x97xf32, #tpu.memory_space<vmem>>[vector<16xi32>, vector<16xi32>, vector<16xi32>], vector<16xf32>,
        %bitcast3A_711 = vector.bitcast %gather3A_710 : vector<16xf32> to vector<16xi32>
        %and3A_712 = arith.constant 2147483647 : i32
        %and3A_713 = vector.broadcast %and3A_712 : i32 to vector<16xi32>
        %and3A_714 = arith.andi %bitcast3A_711, %and3A_713 : vector<16xi32>
        %shift_right_arithmetic3A_715 = arith.constant 31 : i32
        %shift_right_arithmetic3A_716 = vector.broadcast %shift_right_arithmetic3A_715 : i32 to vector<16xi32>
        %shift_right_arithmetic3A_717 = arith.shrsi %bitcast3A_711, %shift_right_arithmetic3A_716 : vector<16xi32>
        %and3A_718 = arith.constant 256 : i32
        %and3A_719 = vector.broadcast %and3A_718 : i32 to vector<16xi32>
        %and3A_720 = arith.andi %shift_right_arithmetic3A_717, %and3A_719 : vector<16xi32>
        %add3A_721 = arith.addi %add3A_683, %and3A_720 : vector<16xi32>
        %add3A_722 = arith.constant 15 : i32
        %add3A_723 = vector.broadcast %add3A_722 : i32 to vector<16xi32>
        %add3A_724 = arith.addi %select_n3A_16, %add3A_723 : vector<16xi32>
        %sub3A_725 = arith.subi %and3A_714, %sub3A_702 : vector<16xi32>
        %shift_right_arithmetic3A_726 = arith.constant 31 : i32
        %shift_right_arithmetic3A_727 = vector.broadcast %shift_right_arithmetic3A_726 : i32 to vector<16xi32>
        %shift_right_arithmetic3A_728 = arith.shrsi %sub3A_725, %shift_right_arithmetic3A_727 : vector<16xi32>
        %and3A_729 = arith.andi %shift_right_arithmetic3A_728, %sub3A_725 : vector<16xi32>
        %add3A_730 = arith.addi %sub3A_702, %and3A_729 : vector<16xi32>
        %sub3A_731 = arith.subi %add3A_724, %sub3A_706 : vector<16xi32>
        %and3A_732 = arith.andi %shift_right_arithmetic3A_728, %sub3A_731 : vector<16xi32>
        %add3A_733 = arith.addi %sub3A_706, %and3A_732 : vector<16xi32>
        %sub3A_734 = arith.subi %add3A_730, %add3A_701 : vector<16xi32>
        %shift_right_arithmetic3A_735 = arith.constant 31 : i32
        %shift_right_arithmetic3A_736 = vector.broadcast %shift_right_arithmetic3A_735 : i32 to vector<16xi32>
        %shift_right_arithmetic3A_737 = arith.shrsi %sub3A_734, %shift_right_arithmetic3A_736 : vector<16xi32>
        %and3A_738 = arith.andi %shift_right_arithmetic3A_737, %sub3A_734 : vector<16xi32>
        %add3A_739 = arith.addi %add3A_701, %and3A_738 : vector<16xi32>
        %sub3A_740 = arith.subi %add3A_730, %and3A_738 : vector<16xi32>
        %sub3A_741 = arith.subi %add3A_733, %add3A_705 : vector<16xi32>
        %and3A_742 = arith.andi %shift_right_arithmetic3A_737, %sub3A_741 : vector<16xi32>
        %add3A_743 = arith.addi %add3A_705, %and3A_742 : vector<16xi32>
        %sub3A_744 = arith.subi %add3A_733, %and3A_742 : vector<16xi32>
        %add3A_745 = arith.constant 16 : i32
        %add3A_746 = vector.broadcast %add3A_745 : i32 to vector<16xi32>
        %add3A_747 = arith.addi %add3A_130, %add3A_746 : vector<16xi32>
        %gather3A_748 = tpu.vector_load_idx %arg5[%broadcast_in_dim3A_5, %broadcast_in_dim3A_5, %add3A_747] : memref<2x320x97xf32, #tpu.memory_space<vmem>>[vector<16xi32>, vector<16xi32>, vector<16xi32>], vector<16xf32>,
        %bitcast3A_749 = vector.bitcast %gather3A_748 : vector<16xf32> to vector<16xi32>
        %and3A_750 = arith.constant 2147483647 : i32
        %and3A_751 = vector.broadcast %and3A_750 : i32 to vector<16xi32>
        %and3A_752 = arith.andi %bitcast3A_749, %and3A_751 : vector<16xi32>
        %shift_right_arithmetic3A_753 = arith.constant 31 : i32
        %shift_right_arithmetic3A_754 = vector.broadcast %shift_right_arithmetic3A_753 : i32 to vector<16xi32>
        %shift_right_arithmetic3A_755 = arith.shrsi %bitcast3A_749, %shift_right_arithmetic3A_754 : vector<16xi32>
        %and3A_756 = arith.constant 128 : i32
        %and3A_757 = vector.broadcast %and3A_756 : i32 to vector<16xi32>
        %and3A_758 = arith.andi %shift_right_arithmetic3A_755, %and3A_757 : vector<16xi32>
        %add3A_759 = arith.addi %add3A_721, %and3A_758 : vector<16xi32>
        %add3A_760 = arith.constant 16 : i32
        %add3A_761 = vector.broadcast %add3A_760 : i32 to vector<16xi32>
        %add3A_762 = arith.addi %select_n3A_16, %add3A_761 : vector<16xi32>
        %sub3A_763 = arith.subi %and3A_752, %sub3A_740 : vector<16xi32>
        %shift_right_arithmetic3A_764 = arith.constant 31 : i32
        %shift_right_arithmetic3A_765 = vector.broadcast %shift_right_arithmetic3A_764 : i32 to vector<16xi32>
        %shift_right_arithmetic3A_766 = arith.shrsi %sub3A_763, %shift_right_arithmetic3A_765 : vector<16xi32>
        %and3A_767 = arith.andi %shift_right_arithmetic3A_766, %sub3A_763 : vector<16xi32>
        %add3A_768 = arith.addi %sub3A_740, %and3A_767 : vector<16xi32>
        %sub3A_769 = arith.subi %add3A_762, %sub3A_744 : vector<16xi32>
        %and3A_770 = arith.andi %shift_right_arithmetic3A_766, %sub3A_769 : vector<16xi32>
        %add3A_771 = arith.addi %sub3A_744, %and3A_770 : vector<16xi32>
        %sub3A_772 = arith.subi %add3A_768, %add3A_739 : vector<16xi32>
        %shift_right_arithmetic3A_773 = arith.constant 31 : i32
        %shift_right_arithmetic3A_774 = vector.broadcast %shift_right_arithmetic3A_773 : i32 to vector<16xi32>
        %shift_right_arithmetic3A_775 = arith.shrsi %sub3A_772, %shift_right_arithmetic3A_774 : vector<16xi32>
        %and3A_776 = arith.andi %shift_right_arithmetic3A_775, %sub3A_772 : vector<16xi32>
        %add3A_777 = arith.addi %add3A_739, %and3A_776 : vector<16xi32>
        %sub3A_778 = arith.subi %add3A_768, %and3A_776 : vector<16xi32>
        %sub3A_779 = arith.subi %add3A_771, %add3A_743 : vector<16xi32>
        %and3A_780 = arith.andi %shift_right_arithmetic3A_775, %sub3A_779 : vector<16xi32>
        %add3A_781 = arith.addi %add3A_743, %and3A_780 : vector<16xi32>
        %sub3A_782 = arith.subi %add3A_771, %and3A_780 : vector<16xi32>
        %add3A_783 = arith.constant 17 : i32
        %add3A_784 = vector.broadcast %add3A_783 : i32 to vector<16xi32>
        %add3A_785 = arith.addi %add3A_130, %add3A_784 : vector<16xi32>
        %gather3A_786 = tpu.vector_load_idx %arg5[%broadcast_in_dim3A_5, %broadcast_in_dim3A_5, %add3A_785] : memref<2x320x97xf32, #tpu.memory_space<vmem>>[vector<16xi32>, vector<16xi32>, vector<16xi32>], vector<16xf32>,
        %bitcast3A_787 = vector.bitcast %gather3A_786 : vector<16xf32> to vector<16xi32>
        %and3A_788 = arith.constant 2147483647 : i32
        %and3A_789 = vector.broadcast %and3A_788 : i32 to vector<16xi32>
        %and3A_790 = arith.andi %bitcast3A_787, %and3A_789 : vector<16xi32>
        %shift_right_arithmetic3A_791 = arith.constant 31 : i32
        %shift_right_arithmetic3A_792 = vector.broadcast %shift_right_arithmetic3A_791 : i32 to vector<16xi32>
        %shift_right_arithmetic3A_793 = arith.shrsi %bitcast3A_787, %shift_right_arithmetic3A_792 : vector<16xi32>
        %and3A_794 = arith.constant 64 : i32
        %and3A_795 = vector.broadcast %and3A_794 : i32 to vector<16xi32>
        %and3A_796 = arith.andi %shift_right_arithmetic3A_793, %and3A_795 : vector<16xi32>
        %add3A_797 = arith.addi %add3A_759, %and3A_796 : vector<16xi32>
        %add3A_798 = arith.constant 17 : i32
        %add3A_799 = vector.broadcast %add3A_798 : i32 to vector<16xi32>
        %add3A_800 = arith.addi %select_n3A_16, %add3A_799 : vector<16xi32>
        %sub3A_801 = arith.subi %and3A_790, %sub3A_778 : vector<16xi32>
        %shift_right_arithmetic3A_802 = arith.constant 31 : i32
        %shift_right_arithmetic3A_803 = vector.broadcast %shift_right_arithmetic3A_802 : i32 to vector<16xi32>
        %shift_right_arithmetic3A_804 = arith.shrsi %sub3A_801, %shift_right_arithmetic3A_803 : vector<16xi32>
        %and3A_805 = arith.andi %shift_right_arithmetic3A_804, %sub3A_801 : vector<16xi32>
        %add3A_806 = arith.addi %sub3A_778, %and3A_805 : vector<16xi32>
        %sub3A_807 = arith.subi %add3A_800, %sub3A_782 : vector<16xi32>
        %and3A_808 = arith.andi %shift_right_arithmetic3A_804, %sub3A_807 : vector<16xi32>
        %add3A_809 = arith.addi %sub3A_782, %and3A_808 : vector<16xi32>
        %sub3A_810 = arith.subi %add3A_806, %add3A_777 : vector<16xi32>
        %shift_right_arithmetic3A_811 = arith.constant 31 : i32
        %shift_right_arithmetic3A_812 = vector.broadcast %shift_right_arithmetic3A_811 : i32 to vector<16xi32>
        %shift_right_arithmetic3A_813 = arith.shrsi %sub3A_810, %shift_right_arithmetic3A_812 : vector<16xi32>
        %and3A_814 = arith.andi %shift_right_arithmetic3A_813, %sub3A_810 : vector<16xi32>
        %add3A_815 = arith.addi %add3A_777, %and3A_814 : vector<16xi32>
        %sub3A_816 = arith.subi %add3A_806, %and3A_814 : vector<16xi32>
        %sub3A_817 = arith.subi %add3A_809, %add3A_781 : vector<16xi32>
        %and3A_818 = arith.andi %shift_right_arithmetic3A_813, %sub3A_817 : vector<16xi32>
        %add3A_819 = arith.addi %add3A_781, %and3A_818 : vector<16xi32>
        %sub3A_820 = arith.subi %add3A_809, %and3A_818 : vector<16xi32>
        %add3A_821 = arith.constant 18 : i32
        %add3A_822 = vector.broadcast %add3A_821 : i32 to vector<16xi32>
        %add3A_823 = arith.addi %add3A_130, %add3A_822 : vector<16xi32>
        %gather3A_824 = tpu.vector_load_idx %arg5[%broadcast_in_dim3A_5, %broadcast_in_dim3A_5, %add3A_823] : memref<2x320x97xf32, #tpu.memory_space<vmem>>[vector<16xi32>, vector<16xi32>, vector<16xi32>], vector<16xf32>,
        %bitcast3A_825 = vector.bitcast %gather3A_824 : vector<16xf32> to vector<16xi32>
        %and3A_826 = arith.constant 2147483647 : i32
        %and3A_827 = vector.broadcast %and3A_826 : i32 to vector<16xi32>
        %and3A_828 = arith.andi %bitcast3A_825, %and3A_827 : vector<16xi32>
        %shift_right_arithmetic3A_829 = arith.constant 31 : i32
        %shift_right_arithmetic3A_830 = vector.broadcast %shift_right_arithmetic3A_829 : i32 to vector<16xi32>
        %shift_right_arithmetic3A_831 = arith.shrsi %bitcast3A_825, %shift_right_arithmetic3A_830 : vector<16xi32>
        %and3A_832 = arith.constant 32 : i32
        %and3A_833 = vector.broadcast %and3A_832 : i32 to vector<16xi32>
        %and3A_834 = arith.andi %shift_right_arithmetic3A_831, %and3A_833 : vector<16xi32>
        %add3A_835 = arith.addi %add3A_797, %and3A_834 : vector<16xi32>
        %add3A_836 = arith.constant 18 : i32
        %add3A_837 = vector.broadcast %add3A_836 : i32 to vector<16xi32>
        %add3A_838 = arith.addi %select_n3A_16, %add3A_837 : vector<16xi32>
        %sub3A_839 = arith.subi %and3A_828, %sub3A_816 : vector<16xi32>
        %shift_right_arithmetic3A_840 = arith.constant 31 : i32
        %shift_right_arithmetic3A_841 = vector.broadcast %shift_right_arithmetic3A_840 : i32 to vector<16xi32>
        %shift_right_arithmetic3A_842 = arith.shrsi %sub3A_839, %shift_right_arithmetic3A_841 : vector<16xi32>
        %and3A_843 = arith.andi %shift_right_arithmetic3A_842, %sub3A_839 : vector<16xi32>
        %add3A_844 = arith.addi %sub3A_816, %and3A_843 : vector<16xi32>
        %sub3A_845 = arith.subi %add3A_838, %sub3A_820 : vector<16xi32>
        %and3A_846 = arith.andi %shift_right_arithmetic3A_842, %sub3A_845 : vector<16xi32>
        %add3A_847 = arith.addi %sub3A_820, %and3A_846 : vector<16xi32>
        %sub3A_848 = arith.subi %add3A_844, %add3A_815 : vector<16xi32>
        %shift_right_arithmetic3A_849 = arith.constant 31 : i32
        %shift_right_arithmetic3A_850 = vector.broadcast %shift_right_arithmetic3A_849 : i32 to vector<16xi32>
        %shift_right_arithmetic3A_851 = arith.shrsi %sub3A_848, %shift_right_arithmetic3A_850 : vector<16xi32>
        %and3A_852 = arith.andi %shift_right_arithmetic3A_851, %sub3A_848 : vector<16xi32>
        %add3A_853 = arith.addi %add3A_815, %and3A_852 : vector<16xi32>
        %sub3A_854 = arith.subi %add3A_844, %and3A_852 : vector<16xi32>
        %sub3A_855 = arith.subi %add3A_847, %add3A_819 : vector<16xi32>
        %and3A_856 = arith.andi %shift_right_arithmetic3A_851, %sub3A_855 : vector<16xi32>
        %add3A_857 = arith.addi %add3A_819, %and3A_856 : vector<16xi32>
        %sub3A_858 = arith.subi %add3A_847, %and3A_856 : vector<16xi32>
        %add3A_859 = arith.constant 19 : i32
        %add3A_860 = vector.broadcast %add3A_859 : i32 to vector<16xi32>
        %add3A_861 = arith.addi %add3A_130, %add3A_860 : vector<16xi32>
        %gather3A_862 = tpu.vector_load_idx %arg5[%broadcast_in_dim3A_5, %broadcast_in_dim3A_5, %add3A_861] : memref<2x320x97xf32, #tpu.memory_space<vmem>>[vector<16xi32>, vector<16xi32>, vector<16xi32>], vector<16xf32>,
        %bitcast3A_863 = vector.bitcast %gather3A_862 : vector<16xf32> to vector<16xi32>
        %and3A_864 = arith.constant 2147483647 : i32
        %and3A_865 = vector.broadcast %and3A_864 : i32 to vector<16xi32>
        %and3A_866 = arith.andi %bitcast3A_863, %and3A_865 : vector<16xi32>
        %shift_right_arithmetic3A_867 = arith.constant 31 : i32
        %shift_right_arithmetic3A_868 = vector.broadcast %shift_right_arithmetic3A_867 : i32 to vector<16xi32>
        %shift_right_arithmetic3A_869 = arith.shrsi %bitcast3A_863, %shift_right_arithmetic3A_868 : vector<16xi32>
        %and3A_870 = arith.constant 16 : i32
        %and3A_871 = vector.broadcast %and3A_870 : i32 to vector<16xi32>
        %and3A_872 = arith.andi %shift_right_arithmetic3A_869, %and3A_871 : vector<16xi32>
        %add3A_873 = arith.addi %add3A_835, %and3A_872 : vector<16xi32>
        %add3A_874 = arith.constant 19 : i32
        %add3A_875 = vector.broadcast %add3A_874 : i32 to vector<16xi32>
        %add3A_876 = arith.addi %select_n3A_16, %add3A_875 : vector<16xi32>
        %sub3A_877 = arith.subi %and3A_866, %sub3A_854 : vector<16xi32>
        %shift_right_arithmetic3A_878 = arith.constant 31 : i32
        %shift_right_arithmetic3A_879 = vector.broadcast %shift_right_arithmetic3A_878 : i32 to vector<16xi32>
        %shift_right_arithmetic3A_880 = arith.shrsi %sub3A_877, %shift_right_arithmetic3A_879 : vector<16xi32>
        %and3A_881 = arith.andi %shift_right_arithmetic3A_880, %sub3A_877 : vector<16xi32>
        %add3A_882 = arith.addi %sub3A_854, %and3A_881 : vector<16xi32>
        %sub3A_883 = arith.subi %add3A_876, %sub3A_858 : vector<16xi32>
        %and3A_884 = arith.andi %shift_right_arithmetic3A_880, %sub3A_883 : vector<16xi32>
        %add3A_885 = arith.addi %sub3A_858, %and3A_884 : vector<16xi32>
        %sub3A_886 = arith.subi %add3A_882, %add3A_853 : vector<16xi32>
        %shift_right_arithmetic3A_887 = arith.constant 31 : i32
        %shift_right_arithmetic3A_888 = vector.broadcast %shift_right_arithmetic3A_887 : i32 to vector<16xi32>
        %shift_right_arithmetic3A_889 = arith.shrsi %sub3A_886, %shift_right_arithmetic3A_888 : vector<16xi32>
        %and3A_890 = arith.andi %shift_right_arithmetic3A_889, %sub3A_886 : vector<16xi32>
        %add3A_891 = arith.addi %add3A_853, %and3A_890 : vector<16xi32>
        %sub3A_892 = arith.subi %add3A_882, %and3A_890 : vector<16xi32>
        %sub3A_893 = arith.subi %add3A_885, %add3A_857 : vector<16xi32>
        %and3A_894 = arith.andi %shift_right_arithmetic3A_889, %sub3A_893 : vector<16xi32>
        %add3A_895 = arith.addi %add3A_857, %and3A_894 : vector<16xi32>
        %sub3A_896 = arith.subi %add3A_885, %and3A_894 : vector<16xi32>
        %add3A_897 = arith.constant 20 : i32
        %add3A_898 = vector.broadcast %add3A_897 : i32 to vector<16xi32>
        %add3A_899 = arith.addi %add3A_130, %add3A_898 : vector<16xi32>
        %gather3A_900 = tpu.vector_load_idx %arg5[%broadcast_in_dim3A_5, %broadcast_in_dim3A_5, %add3A_899] : memref<2x320x97xf32, #tpu.memory_space<vmem>>[vector<16xi32>, vector<16xi32>, vector<16xi32>], vector<16xf32>,
        %bitcast3A_901 = vector.bitcast %gather3A_900 : vector<16xf32> to vector<16xi32>
        %and3A_902 = arith.constant 2147483647 : i32
        %and3A_903 = vector.broadcast %and3A_902 : i32 to vector<16xi32>
        %and3A_904 = arith.andi %bitcast3A_901, %and3A_903 : vector<16xi32>
        %shift_right_arithmetic3A_905 = arith.constant 31 : i32
        %shift_right_arithmetic3A_906 = vector.broadcast %shift_right_arithmetic3A_905 : i32 to vector<16xi32>
        %shift_right_arithmetic3A_907 = arith.shrsi %bitcast3A_901, %shift_right_arithmetic3A_906 : vector<16xi32>
        %and3A_908 = arith.constant 8 : i32
        %and3A_909 = vector.broadcast %and3A_908 : i32 to vector<16xi32>
        %and3A_910 = arith.andi %shift_right_arithmetic3A_907, %and3A_909 : vector<16xi32>
        %add3A_911 = arith.addi %add3A_873, %and3A_910 : vector<16xi32>
        %add3A_912 = arith.constant 20 : i32
        %add3A_913 = vector.broadcast %add3A_912 : i32 to vector<16xi32>
        %add3A_914 = arith.addi %select_n3A_16, %add3A_913 : vector<16xi32>
        %sub3A_915 = arith.subi %and3A_904, %sub3A_892 : vector<16xi32>
        %shift_right_arithmetic3A_916 = arith.constant 31 : i32
        %shift_right_arithmetic3A_917 = vector.broadcast %shift_right_arithmetic3A_916 : i32 to vector<16xi32>
        %shift_right_arithmetic3A_918 = arith.shrsi %sub3A_915, %shift_right_arithmetic3A_917 : vector<16xi32>
        %and3A_919 = arith.andi %shift_right_arithmetic3A_918, %sub3A_915 : vector<16xi32>
        %add3A_920 = arith.addi %sub3A_892, %and3A_919 : vector<16xi32>
        %sub3A_921 = arith.subi %add3A_914, %sub3A_896 : vector<16xi32>
        %and3A_922 = arith.andi %shift_right_arithmetic3A_918, %sub3A_921 : vector<16xi32>
        %add3A_923 = arith.addi %sub3A_896, %and3A_922 : vector<16xi32>
        %sub3A_924 = arith.subi %add3A_920, %add3A_891 : vector<16xi32>
        %shift_right_arithmetic3A_925 = arith.constant 31 : i32
        %shift_right_arithmetic3A_926 = vector.broadcast %shift_right_arithmetic3A_925 : i32 to vector<16xi32>
        %shift_right_arithmetic3A_927 = arith.shrsi %sub3A_924, %shift_right_arithmetic3A_926 : vector<16xi32>
        %and3A_928 = arith.andi %shift_right_arithmetic3A_927, %sub3A_924 : vector<16xi32>
        %add3A_929 = arith.addi %add3A_891, %and3A_928 : vector<16xi32>
        %sub3A_930 = arith.subi %add3A_920, %and3A_928 : vector<16xi32>
        %sub3A_931 = arith.subi %add3A_923, %add3A_895 : vector<16xi32>
        %and3A_932 = arith.andi %shift_right_arithmetic3A_927, %sub3A_931 : vector<16xi32>
        %add3A_933 = arith.addi %add3A_895, %and3A_932 : vector<16xi32>
        %sub3A_934 = arith.subi %add3A_923, %and3A_932 : vector<16xi32>
        %add3A_935 = arith.constant 21 : i32
        %add3A_936 = vector.broadcast %add3A_935 : i32 to vector<16xi32>
        %add3A_937 = arith.addi %add3A_130, %add3A_936 : vector<16xi32>
        %gather3A_938 = tpu.vector_load_idx %arg5[%broadcast_in_dim3A_5, %broadcast_in_dim3A_5, %add3A_937] : memref<2x320x97xf32, #tpu.memory_space<vmem>>[vector<16xi32>, vector<16xi32>, vector<16xi32>], vector<16xf32>,
        %bitcast3A_939 = vector.bitcast %gather3A_938 : vector<16xf32> to vector<16xi32>
        %and3A_940 = arith.constant 2147483647 : i32
        %and3A_941 = vector.broadcast %and3A_940 : i32 to vector<16xi32>
        %and3A_942 = arith.andi %bitcast3A_939, %and3A_941 : vector<16xi32>
        %shift_right_arithmetic3A_943 = arith.constant 31 : i32
        %shift_right_arithmetic3A_944 = vector.broadcast %shift_right_arithmetic3A_943 : i32 to vector<16xi32>
        %shift_right_arithmetic3A_945 = arith.shrsi %bitcast3A_939, %shift_right_arithmetic3A_944 : vector<16xi32>
        %and3A_946 = arith.constant 4 : i32
        %and3A_947 = vector.broadcast %and3A_946 : i32 to vector<16xi32>
        %and3A_948 = arith.andi %shift_right_arithmetic3A_945, %and3A_947 : vector<16xi32>
        %add3A_949 = arith.addi %add3A_911, %and3A_948 : vector<16xi32>
        %add3A_950 = arith.constant 21 : i32
        %add3A_951 = vector.broadcast %add3A_950 : i32 to vector<16xi32>
        %add3A_952 = arith.addi %select_n3A_16, %add3A_951 : vector<16xi32>
        %sub3A_953 = arith.subi %and3A_942, %sub3A_930 : vector<16xi32>
        %shift_right_arithmetic3A_954 = arith.constant 31 : i32
        %shift_right_arithmetic3A_955 = vector.broadcast %shift_right_arithmetic3A_954 : i32 to vector<16xi32>
        %shift_right_arithmetic3A_956 = arith.shrsi %sub3A_953, %shift_right_arithmetic3A_955 : vector<16xi32>
        %and3A_957 = arith.andi %shift_right_arithmetic3A_956, %sub3A_953 : vector<16xi32>
        %add3A_958 = arith.addi %sub3A_930, %and3A_957 : vector<16xi32>
        %sub3A_959 = arith.subi %add3A_952, %sub3A_934 : vector<16xi32>
        %and3A_960 = arith.andi %shift_right_arithmetic3A_956, %sub3A_959 : vector<16xi32>
        %add3A_961 = arith.addi %sub3A_934, %and3A_960 : vector<16xi32>
        %sub3A_962 = arith.subi %add3A_958, %add3A_929 : vector<16xi32>
        %shift_right_arithmetic3A_963 = arith.constant 31 : i32
        %shift_right_arithmetic3A_964 = vector.broadcast %shift_right_arithmetic3A_963 : i32 to vector<16xi32>
        %shift_right_arithmetic3A_965 = arith.shrsi %sub3A_962, %shift_right_arithmetic3A_964 : vector<16xi32>
        %and3A_966 = arith.andi %shift_right_arithmetic3A_965, %sub3A_962 : vector<16xi32>
        %add3A_967 = arith.addi %add3A_929, %and3A_966 : vector<16xi32>
        %sub3A_968 = arith.subi %add3A_958, %and3A_966 : vector<16xi32>
        %sub3A_969 = arith.subi %add3A_961, %add3A_933 : vector<16xi32>
        %and3A_970 = arith.andi %shift_right_arithmetic3A_965, %sub3A_969 : vector<16xi32>
        %add3A_971 = arith.addi %add3A_933, %and3A_970 : vector<16xi32>
        %sub3A_972 = arith.subi %add3A_961, %and3A_970 : vector<16xi32>
        %add3A_973 = arith.constant 22 : i32
        %add3A_974 = vector.broadcast %add3A_973 : i32 to vector<16xi32>
        %add3A_975 = arith.addi %add3A_130, %add3A_974 : vector<16xi32>
        %gather3A_976 = tpu.vector_load_idx %arg5[%broadcast_in_dim3A_5, %broadcast_in_dim3A_5, %add3A_975] : memref<2x320x97xf32, #tpu.memory_space<vmem>>[vector<16xi32>, vector<16xi32>, vector<16xi32>], vector<16xf32>,
        %bitcast3A_977 = vector.bitcast %gather3A_976 : vector<16xf32> to vector<16xi32>
        %and3A_978 = arith.constant 2147483647 : i32
        %and3A_979 = vector.broadcast %and3A_978 : i32 to vector<16xi32>
        %and3A_980 = arith.andi %bitcast3A_977, %and3A_979 : vector<16xi32>
        %shift_right_arithmetic3A_981 = arith.constant 31 : i32
        %shift_right_arithmetic3A_982 = vector.broadcast %shift_right_arithmetic3A_981 : i32 to vector<16xi32>
        %shift_right_arithmetic3A_983 = arith.shrsi %bitcast3A_977, %shift_right_arithmetic3A_982 : vector<16xi32>
        %and3A_984 = arith.constant 2 : i32
        %and3A_985 = vector.broadcast %and3A_984 : i32 to vector<16xi32>
        %and3A_986 = arith.andi %shift_right_arithmetic3A_983, %and3A_985 : vector<16xi32>
        %add3A_987 = arith.addi %add3A_949, %and3A_986 : vector<16xi32>
        %add3A_988 = arith.constant 22 : i32
        %add3A_989 = vector.broadcast %add3A_988 : i32 to vector<16xi32>
        %add3A_990 = arith.addi %select_n3A_16, %add3A_989 : vector<16xi32>
        %sub3A_991 = arith.subi %and3A_980, %sub3A_968 : vector<16xi32>
        %shift_right_arithmetic3A_992 = arith.constant 31 : i32
        %shift_right_arithmetic3A_993 = vector.broadcast %shift_right_arithmetic3A_992 : i32 to vector<16xi32>
        %shift_right_arithmetic3A_994 = arith.shrsi %sub3A_991, %shift_right_arithmetic3A_993 : vector<16xi32>
        %and3A_995 = arith.andi %shift_right_arithmetic3A_994, %sub3A_991 : vector<16xi32>
        %add3A_996 = arith.addi %sub3A_968, %and3A_995 : vector<16xi32>
        %sub3A_997 = arith.subi %add3A_990, %sub3A_972 : vector<16xi32>
        %and3A_998 = arith.andi %shift_right_arithmetic3A_994, %sub3A_997 : vector<16xi32>
        %add3A_999 = arith.addi %sub3A_972, %and3A_998 : vector<16xi32>
        %sub3A_1000 = arith.subi %add3A_996, %add3A_967 : vector<16xi32>
        %shift_right_arithmetic3A_1001 = arith.constant 31 : i32
        %shift_right_arithmetic3A_1002 = vector.broadcast %shift_right_arithmetic3A_1001 : i32 to vector<16xi32>
        %shift_right_arithmetic3A_1003 = arith.shrsi %sub3A_1000, %shift_right_arithmetic3A_1002 : vector<16xi32>
        %and3A_1004 = arith.andi %shift_right_arithmetic3A_1003, %sub3A_1000 : vector<16xi32>
        %add3A_1005 = arith.addi %add3A_967, %and3A_1004 : vector<16xi32>
        %sub3A_1006 = arith.subi %add3A_996, %and3A_1004 : vector<16xi32>
        %sub3A_1007 = arith.subi %add3A_999, %add3A_971 : vector<16xi32>
        %and3A_1008 = arith.andi %shift_right_arithmetic3A_1003, %sub3A_1007 : vector<16xi32>
        %add3A_1009 = arith.addi %add3A_971, %and3A_1008 : vector<16xi32>
        %sub3A_1010 = arith.subi %add3A_999, %and3A_1008 : vector<16xi32>
        %add3A_1011 = arith.constant 23 : i32
        %add3A_1012 = vector.broadcast %add3A_1011 : i32 to vector<16xi32>
        %add3A_1013 = arith.addi %add3A_130, %add3A_1012 : vector<16xi32>
        %gather3A_1014 = tpu.vector_load_idx %arg5[%broadcast_in_dim3A_5, %broadcast_in_dim3A_5, %add3A_1013] : memref<2x320x97xf32, #tpu.memory_space<vmem>>[vector<16xi32>, vector<16xi32>, vector<16xi32>], vector<16xf32>,
        %bitcast3A_1015 = vector.bitcast %gather3A_1014 : vector<16xf32> to vector<16xi32>
        %and3A_1016 = arith.constant 2147483647 : i32
        %and3A_1017 = vector.broadcast %and3A_1016 : i32 to vector<16xi32>
        %and3A_1018 = arith.andi %bitcast3A_1015, %and3A_1017 : vector<16xi32>
        %shift_right_arithmetic3A_1019 = arith.constant 31 : i32
        %shift_right_arithmetic3A_1020 = vector.broadcast %shift_right_arithmetic3A_1019 : i32 to vector<16xi32>
        %shift_right_arithmetic3A_1021 = arith.shrsi %bitcast3A_1015, %shift_right_arithmetic3A_1020 : vector<16xi32>
        %and3A_1022 = arith.constant 1 : i32
        %and3A_1023 = vector.broadcast %and3A_1022 : i32 to vector<16xi32>
        %and3A_1024 = arith.andi %shift_right_arithmetic3A_1021, %and3A_1023 : vector<16xi32>
        %add3A_1025 = arith.addi %add3A_987, %and3A_1024 : vector<16xi32>
        %add3A_1026 = arith.constant 23 : i32
        %add3A_1027 = vector.broadcast %add3A_1026 : i32 to vector<16xi32>
        %add3A_1028 = arith.addi %select_n3A_16, %add3A_1027 : vector<16xi32>
        %sub3A_1029 = arith.subi %and3A_1018, %sub3A_1006 : vector<16xi32>
        %shift_right_arithmetic3A_1030 = arith.constant 31 : i32
        %shift_right_arithmetic3A_1031 = vector.broadcast %shift_right_arithmetic3A_1030 : i32 to vector<16xi32>
        %shift_right_arithmetic3A_1032 = arith.shrsi %sub3A_1029, %shift_right_arithmetic3A_1031 : vector<16xi32>
        %and3A_1033 = arith.andi %shift_right_arithmetic3A_1032, %sub3A_1029 : vector<16xi32>
        %add3A_1034 = arith.addi %sub3A_1006, %and3A_1033 : vector<16xi32>
        %sub3A_1035 = arith.subi %add3A_1028, %sub3A_1010 : vector<16xi32>
        %and3A_1036 = arith.andi %shift_right_arithmetic3A_1032, %sub3A_1035 : vector<16xi32>
        %add3A_1037 = arith.addi %sub3A_1010, %and3A_1036 : vector<16xi32>
        %sub3A_1038 = arith.subi %add3A_1034, %add3A_1005 : vector<16xi32>
        %shift_right_arithmetic3A_1039 = arith.constant 31 : i32
        %shift_right_arithmetic3A_1040 = vector.broadcast %shift_right_arithmetic3A_1039 : i32 to vector<16xi32>
        %shift_right_arithmetic3A_1041 = arith.shrsi %sub3A_1038, %shift_right_arithmetic3A_1040 : vector<16xi32>
        %and3A_1042 = arith.andi %shift_right_arithmetic3A_1041, %sub3A_1038 : vector<16xi32>
        %add3A_1043 = arith.addi %add3A_1005, %and3A_1042 : vector<16xi32>
        %sub3A_1044 = arith.subi %add3A_1034, %and3A_1042 : vector<16xi32>
        %sub3A_1045 = arith.subi %add3A_1037, %add3A_1009 : vector<16xi32>
        %and3A_1046 = arith.andi %shift_right_arithmetic3A_1041, %sub3A_1045 : vector<16xi32>
        %add3A_1047 = arith.addi %add3A_1009, %and3A_1046 : vector<16xi32>
        %sub3A_1048 = arith.subi %add3A_1037, %and3A_1046 : vector<16xi32>
        %rev3A = arith.constant 15 : i32
        %rev3A_1049 = vector.broadcast %rev3A : i32 to vector<16xi32>
        %rev3A_1050 = tpu.iota {dimensions = array<i32: 0>} : vector<16xi32>
        %rev3A_1051 = arith.subi %rev3A_1049, %rev3A_1050 : vector<16xi32>
        %rev3A_1052 = tpu.dynamic_gather %add3A_1043[%rev3A_1051] in [0] : vector<16xi32>, vector<16xi32> -> vector<16xi32>
        %rev3A_1053 = arith.constant 15 : i32
        %rev3A_1054 = vector.broadcast %rev3A_1053 : i32 to vector<16xi32>
        %rev3A_1055 = tpu.iota {dimensions = array<i32: 0>} : vector<16xi32>
        %rev3A_1056 = arith.subi %rev3A_1054, %rev3A_1055 : vector<16xi32>
        %rev3A_1057 = tpu.dynamic_gather %add3A_1047[%rev3A_1056] in [0] : vector<16xi32>, vector<16xi32> -> vector<16xi32>
        %rev3A_1058 = arith.constant 15 : i32
        %rev3A_1059 = vector.broadcast %rev3A_1058 : i32 to vector<16xi32>
        %rev3A_1060 = tpu.iota {dimensions = array<i32: 0>} : vector<16xi32>
        %rev3A_1061 = arith.subi %rev3A_1059, %rev3A_1060 : vector<16xi32>
        %rev3A_1062 = tpu.dynamic_gather %sub3A_1044[%rev3A_1061] in [0] : vector<16xi32>, vector<16xi32> -> vector<16xi32>
        %rev3A_1063 = arith.constant 15 : i32
        %rev3A_1064 = vector.broadcast %rev3A_1063 : i32 to vector<16xi32>
        %rev3A_1065 = tpu.iota {dimensions = array<i32: 0>} : vector<16xi32>
        %rev3A_1066 = arith.subi %rev3A_1064, %rev3A_1065 : vector<16xi32>
        %rev3A_1067 = tpu.dynamic_gather %sub3A_1048[%rev3A_1066] in [0] : vector<16xi32>, vector<16xi32> -> vector<16xi32>
        %lt3A_1068 = arith.cmpi slt, %rev3A_1052, %add3A_1043 : vector<16xi32>
        %eq3A = arith.cmpi eq, %rev3A_1052, %add3A_1043 : vector<16xi32>
        %lt3A_1069 = arith.cmpi slt, %rev3A_1057, %add3A_1047 : vector<16xi32>
        %and3A_1070 = arith.andi %eq3A, %lt3A_1069 : vector<16xi1>
        %or3A = arith.ori %lt3A_1068, %and3A_1070 : vector<16xi1>
        %select_n3A_1071 = arith.select %or3A, %rev3A_1052, %add3A_1043 : vector<16xi1>, vector<16xi32>
        %select_n3A_1072 = arith.select %or3A, %rev3A_1057, %add3A_1047 : vector<16xi1>, vector<16xi32>
        %select_n3A_1073 = arith.select %or3A, %rev3A_1062, %sub3A_1044 : vector<16xi1>, vector<16xi32>
        %select_n3A_1074 = arith.select %or3A, %rev3A_1067, %sub3A_1048 : vector<16xi1>, vector<16xi32>
        %select_n3A_1075 = arith.select %or3A, %add3A_1043, %rev3A_1052 : vector<16xi1>, vector<16xi32>
        %select_n3A_1076 = arith.select %or3A, %add3A_1047, %rev3A_1057 : vector<16xi1>, vector<16xi32>
        %lt3A_1077 = arith.cmpi slt, %select_n3A_1075, %select_n3A_1073 : vector<16xi32>
        %eq3A_1078 = arith.cmpi eq, %select_n3A_1075, %select_n3A_1073 : vector<16xi32>
        %lt3A_1079 = arith.cmpi slt, %select_n3A_1076, %select_n3A_1074 : vector<16xi32>
        %and3A_1080 = arith.andi %eq3A_1078, %lt3A_1079 : vector<16xi1>
        %or3A_1081 = arith.ori %lt3A_1077, %and3A_1080 : vector<16xi1>
        %select_n3A_1082 = arith.select %or3A_1081, %select_n3A_1076, %select_n3A_1074 : vector<16xi1>, vector<16xi32>
        %rev3A_1083 = arith.constant 15 : i32
        %rev3A_1084 = vector.broadcast %rev3A_1083 : i32 to vector<16xi32>
        %rev3A_1085 = tpu.iota {dimensions = array<i32: 0>} : vector<16xi32>
        %rev3A_1086 = arith.subi %rev3A_1084, %rev3A_1085 : vector<16xi32>
        %rev3A_1087 = tpu.dynamic_gather %add3A_1025[%rev3A_1086] in [0] : vector<16xi32>, vector<16xi32> -> vector<16xi32>
        %select_n3A_1088 = arith.select %lt3A_8, %add3A_1025, %rev3A_1087 : vector<16xi1>, vector<16xi32>
        %sub3A_1089 = arith.constant 16777215 : i32
        %sub3A_1090 = vector.broadcast %sub3A_1089 : i32 to vector<16xi32>
        %sub3A_1091 = arith.subi %sub3A_1090, %select_n3A_1088 : vector<16xi32>
        %select_n3A_1092 = arith.select %lt3A_8, %rev3A_1087, %add3A_1025 : vector<16xi1>, vector<16xi32>
        %sub3A_1093 = arith.constant 16777215 : i32
        %sub3A_1094 = vector.broadcast %sub3A_1093 : i32 to vector<16xi32>
        %sub3A_1095 = arith.subi %sub3A_1094, %select_n3A_1092 : vector<16xi32>
        %sub3A_1096 = arith.constant 23 : i32
        %sub3A_1097 = vector.broadcast %sub3A_1096 : i32 to vector<16xi32>
        %sub3A_1098 = arith.subi %sub3A_1097, %select_n3A_1072 : vector<16xi32>
        %max3A = arith.constant 0 : i32
        %max3A_1099 = vector.broadcast %max3A : i32 to vector<16xi32>
        %max3A_1100 = arith.maxsi %sub3A_1098, %max3A_1099 : vector<16xi32>
        %lt3A_1101 = arith.constant 24 : i32
        %lt3A_1102 = vector.broadcast %lt3A_1101 : i32 to vector<16xi32>
        %lt3A_1103 = arith.cmpi slt, %select_n3A_1072, %lt3A_1102 : vector<16xi32>
        %shift_left3A = arith.constant 1 : i32
        %shift_left3A_1104 = vector.broadcast %shift_left3A : i32 to vector<16xi32>
        %shift_left3A_1105 = arith.shli %shift_left3A_1104, %max3A_1100 : vector<16xi32>
        %jit3A_1106 = arith.constant 0 : i64
        %convert_element_type3A_1107 = arith.trunci %jit3A_1106 : i64 to i32
        %broadcast_in_dim3A_1108 = vector.broadcast %convert_element_type3A_1107 : i32 to vector<16xi32>
        %select_n3A_1109 = arith.select %lt3A_1103, %shift_left3A_1105, %broadcast_in_dim3A_1108 : vector<16xi1>, vector<16xi32>
        %ge3A_1110 = arith.constant 24 : i32
        %ge3A_1111 = vector.broadcast %ge3A_1110 : i32 to vector<16xi32>
        %ge3A_1112 = arith.cmpi sge, %select_n3A_1072, %ge3A_1111 : vector<16xi32>
        %sub3A_1113 = arith.constant 47 : i32
        %sub3A_1114 = vector.broadcast %sub3A_1113 : i32 to vector<16xi32>
        %sub3A_1115 = arith.subi %sub3A_1114, %select_n3A_1072 : vector<16xi32>
        %jit3A_1116 = arith.constant 0 : i64
        %convert_element_type3A_1117 = arith.trunci %jit3A_1116 : i64 to i32
        %broadcast_in_dim3A_1118 = vector.broadcast %convert_element_type3A_1117 : i32 to vector<16xi32>
        %select_n3A_1119 = arith.select %ge3A_1112, %sub3A_1115, %broadcast_in_dim3A_1118 : vector<16xi1>, vector<16xi32>
        %ge3A_1120 = arith.constant 24 : i32
        %ge3A_1121 = vector.broadcast %ge3A_1120 : i32 to vector<16xi32>
        %ge3A_1122 = arith.cmpi sge, %select_n3A_1072, %ge3A_1121 : vector<16xi32>
        %shift_left3A_1123 = arith.constant 1 : i32
        %shift_left3A_1124 = vector.broadcast %shift_left3A_1123 : i32 to vector<16xi32>
        %shift_left3A_1125 = arith.shli %shift_left3A_1124, %select_n3A_1119 : vector<16xi32>
        %jit3A_1126 = arith.constant 0 : i64
        %convert_element_type3A_1127 = arith.trunci %jit3A_1126 : i64 to i32
        %broadcast_in_dim3A_1128 = vector.broadcast %convert_element_type3A_1127 : i32 to vector<16xi32>
        %select_n3A_1129 = arith.select %ge3A_1122, %shift_left3A_1125, %broadcast_in_dim3A_1128 : vector<16xi1>, vector<16xi32>
        %sub3A_1130 = arith.constant 23 : i32
        %sub3A_1131 = vector.broadcast %sub3A_1130 : i32 to vector<16xi32>
        %sub3A_1132 = arith.subi %sub3A_1131, %select_n3A_1082 : vector<16xi32>
        %max3A_1133 = arith.constant 0 : i32
        %max3A_1134 = vector.broadcast %max3A_1133 : i32 to vector<16xi32>
        %max3A_1135 = arith.maxsi %sub3A_1132, %max3A_1134 : vector<16xi32>
        %lt3A_1136 = arith.constant 24 : i32
        %lt3A_1137 = vector.broadcast %lt3A_1136 : i32 to vector<16xi32>
        %lt3A_1138 = arith.cmpi slt, %select_n3A_1082, %lt3A_1137 : vector<16xi32>
        %shift_left3A_1139 = arith.constant 1 : i32
        %shift_left3A_1140 = vector.broadcast %shift_left3A_1139 : i32 to vector<16xi32>
        %shift_left3A_1141 = arith.shli %shift_left3A_1140, %max3A_1135 : vector<16xi32>
        %jit3A_1142 = arith.constant 0 : i64
        %convert_element_type3A_1143 = arith.trunci %jit3A_1142 : i64 to i32
        %broadcast_in_dim3A_1144 = vector.broadcast %convert_element_type3A_1143 : i32 to vector<16xi32>
        %select_n3A_1145 = arith.select %lt3A_1138, %shift_left3A_1141, %broadcast_in_dim3A_1144 : vector<16xi1>, vector<16xi32>
        %ge3A_1146 = arith.constant 24 : i32
        %ge3A_1147 = vector.broadcast %ge3A_1146 : i32 to vector<16xi32>
        %ge3A_1148 = arith.cmpi sge, %select_n3A_1082, %ge3A_1147 : vector<16xi32>
        %sub3A_1149 = arith.constant 47 : i32
        %sub3A_1150 = vector.broadcast %sub3A_1149 : i32 to vector<16xi32>
        %sub3A_1151 = arith.subi %sub3A_1150, %select_n3A_1082 : vector<16xi32>
        %jit3A_1152 = arith.constant 0 : i64
        %convert_element_type3A_1153 = arith.trunci %jit3A_1152 : i64 to i32
        %broadcast_in_dim3A_1154 = vector.broadcast %convert_element_type3A_1153 : i32 to vector<16xi32>
        %select_n3A_1155 = arith.select %ge3A_1148, %sub3A_1151, %broadcast_in_dim3A_1154 : vector<16xi1>, vector<16xi32>
        %ge3A_1156 = arith.constant 24 : i32
        %ge3A_1157 = vector.broadcast %ge3A_1156 : i32 to vector<16xi32>
        %ge3A_1158 = arith.cmpi sge, %select_n3A_1082, %ge3A_1157 : vector<16xi32>
        %shift_left3A_1159 = arith.constant 1 : i32
        %shift_left3A_1160 = vector.broadcast %shift_left3A_1159 : i32 to vector<16xi32>
        %shift_left3A_1161 = arith.shli %shift_left3A_1160, %select_n3A_1155 : vector<16xi32>
        %jit3A_1162 = arith.constant 0 : i64
        %convert_element_type3A_1163 = arith.trunci %jit3A_1162 : i64 to i32
        %broadcast_in_dim3A_1164 = vector.broadcast %convert_element_type3A_1163 : i32 to vector<16xi32>
        %select_n3A_1165 = arith.select %ge3A_1158, %shift_left3A_1161, %broadcast_in_dim3A_1164 : vector<16xi1>, vector<16xi32>
        %add3A_1166 = arith.addi %add3A_129, %select_n3A_1072 : vector<16xi32>
        %gather3A_1167 = tpu.vector_load_idx %arg5[%broadcast_in_dim3A_5, %broadcast_in_dim3A_5, %add3A_1166] : memref<2x320x97xf32, #tpu.memory_space<vmem>>[vector<16xi32>, vector<16xi32>, vector<16xi32>], vector<16xf32>,
        %add3A_1168 = arith.addi %add3A_129, %select_n3A_1082 : vector<16xi32>
        %gather3A_1169 = tpu.vector_load_idx %arg5[%broadcast_in_dim3A_5, %broadcast_in_dim3A_5, %add3A_1168] : memref<2x320x97xf32, #tpu.memory_space<vmem>>[vector<16xi32>, vector<16xi32>, vector<16xi32>], vector<16xf32>,
        %bitcast3A_1170 = vector.bitcast %gather3A_1167 : vector<16xf32> to vector<16xi32>
        %not3A = arith.constant dense<-1> : vector<16xi32>
        %not3A_1171 = arith.xori %bitcast3A_1170, %not3A : vector<16xi32>
        %shift_right_arithmetic3A_1172 = arith.constant 31 : i32
        %shift_right_arithmetic3A_1173 = vector.broadcast %shift_right_arithmetic3A_1172 : i32 to vector<16xi32>
        %shift_right_arithmetic3A_1174 = arith.shrsi %not3A_1171, %shift_right_arithmetic3A_1173 : vector<16xi32>
        %bitcast3A_1175 = vector.bitcast %gather3A_1169 : vector<16xf32> to vector<16xi32>
        %not3A_1176 = arith.constant dense<-1> : vector<16xi32>
        %not3A_1177 = arith.xori %bitcast3A_1175, %not3A_1176 : vector<16xi32>
        %shift_right_arithmetic3A_1178 = arith.constant 31 : i32
        %shift_right_arithmetic3A_1179 = vector.broadcast %shift_right_arithmetic3A_1178 : i32 to vector<16xi32>
        %shift_right_arithmetic3A_1180 = arith.shrsi %not3A_1177, %shift_right_arithmetic3A_1179 : vector<16xi32>
        %and3A_1181 = arith.andi %shift_right_arithmetic3A_1174, %select_n3A_1109 : vector<16xi32>
        %sub3A_1182 = arith.subi %sub3A_1091, %and3A_1181 : vector<16xi32>
        %and3A_1183 = arith.andi %shift_right_arithmetic3A_1180, %select_n3A_1145 : vector<16xi32>
        %sub3A_1184 = arith.subi %sub3A_1182, %and3A_1183 : vector<16xi32>
        %and3A_1185 = arith.andi %shift_right_arithmetic3A_1174, %select_n3A_1129 : vector<16xi32>
        %sub3A_1186 = arith.subi %sub3A_1095, %and3A_1185 : vector<16xi32>
        %and3A_1187 = arith.andi %shift_right_arithmetic3A_1180, %select_n3A_1165 : vector<16xi32>
        %sub3A_1188 = arith.subi %sub3A_1186, %and3A_1187 : vector<16xi32>
        %mul3A_1189 = arith.constant 8 : i32
        %mul3A_1190 = arith.muli %while3A_108, %mul3A_1189 : i32
        %add3A_1191 = arith.addi %mul3A_95, %mul3A_1190 : i32
        %add3A_1192 = vector.broadcast %add3A_1191 : i32 to vector<16xi32>
        %add3A_1193 = arith.addi %add3A_1192, %select_n3A_11 : vector<16xi32>
        %gather3A_1194 = tpu.vector_load_idx %arg6[%add3A_1193] : memref<640xi32, #tpu.memory_space<vmem>>[vector<16xi32>], vector<16xi32>,
        %shift_right_arithmetic3A_1195 = arith.constant 24 : i32
        %shift_right_arithmetic3A_1196 = vector.broadcast %shift_right_arithmetic3A_1195 : i32 to vector<16xi32>
        %shift_right_arithmetic3A_1197 = arith.shrsi %gather3A_1194, %shift_right_arithmetic3A_1196 : vector<16xi32>
        %and3A_1198 = arith.constant 16777215 : i32
        %and3A_1199 = vector.broadcast %and3A_1198 : i32 to vector<16xi32>
        %and3A_1200 = arith.andi %gather3A_1194, %and3A_1199 : vector<16xi32>
        %sub3A_1201 = arith.constant 128 : i32
        %sub3A_1202 = vector.broadcast %sub3A_1201 : i32 to vector<16xi32>
        %sub3A_1203 = arith.subi %and3A_1200, %sub3A_1202 : vector<16xi32>
        %shift_right_arithmetic3A_1204 = arith.constant 24 : i32
        %shift_right_arithmetic3A_1205 = vector.broadcast %shift_right_arithmetic3A_1204 : i32 to vector<16xi32>
        %shift_right_arithmetic3A_1206 = arith.shrsi %sub3A_1203, %shift_right_arithmetic3A_1205 : vector<16xi32>
        %add3A_1207 = arith.addi %shift_right_arithmetic3A_1197, %shift_right_arithmetic3A_1206 : vector<16xi32>
        %and3A_1208 = arith.constant 16777215 : i32
        %and3A_1209 = vector.broadcast %and3A_1208 : i32 to vector<16xi32>
        %and3A_1210 = arith.andi %sub3A_1203, %and3A_1209 : vector<16xi32>
        %add3A_1211 = arith.constant 128 : i32
        %add3A_1212 = vector.broadcast %add3A_1211 : i32 to vector<16xi32>
        %add3A_1213 = arith.addi %and3A_1200, %add3A_1212 : vector<16xi32>
        %shift_right_arithmetic3A_1214 = arith.constant 24 : i32
        %shift_right_arithmetic3A_1215 = vector.broadcast %shift_right_arithmetic3A_1214 : i32 to vector<16xi32>
        %shift_right_arithmetic3A_1216 = arith.shrsi %add3A_1213, %shift_right_arithmetic3A_1215 : vector<16xi32>
        %add3A_1217 = arith.addi %shift_right_arithmetic3A_1197, %shift_right_arithmetic3A_1216 : vector<16xi32>
        %and3A_1218 = arith.constant 16777215 : i32
        %and3A_1219 = vector.broadcast %and3A_1218 : i32 to vector<16xi32>
        %and3A_1220 = arith.andi %add3A_1213, %and3A_1219 : vector<16xi32>
        %eq3A_1221 = arith.constant 0 : i32
        %eq3A_1222 = vector.broadcast %eq3A_1221 : i32 to vector<16xi32>
        %eq3A_1223 = arith.cmpi eq, %shift_right_arithmetic3A_1197, %eq3A_1222 : vector<16xi32>
        %le3A = arith.constant 128 : i32
        %le3A_1224 = vector.broadcast %le3A : i32 to vector<16xi32>
        %le3A_1225 = arith.cmpi sle, %and3A_1200, %le3A_1224 : vector<16xi32>
        %and3A_1226 = arith.andi %eq3A_1223, %le3A_1225 : vector<16xi1>
        %jit3A_1227 = arith.constant 0 : i32
        %jit3A_1228 = arith.constant -1 : i32
        %broadcast_in_dim3A_1229 = vector.broadcast %jit3A_1227 : i32 to vector<16xi32>
        %broadcast_in_dim3A_1230 = vector.broadcast %jit3A_1228 : i32 to vector<16xi32>
        %select_n3A_1231 = arith.select %and3A_1226, %broadcast_in_dim3A_1229, %broadcast_in_dim3A_1230 : vector<16xi1>, vector<16xi32>
        %sub3A_1232 = arith.constant 128 : i32
        %sub3A_1233 = vector.broadcast %sub3A_1232 : i32 to vector<16xi32>
        %sub3A_1234 = arith.subi %sub3A_1233, %and3A_1200 : vector<16xi32>
        %jit3A_1235 = arith.constant -1 : i32
        %broadcast_in_dim3A_1236 = vector.broadcast %jit3A_1235 : i32 to vector<16xi32>
        %select_n3A_1237 = arith.select %ge3A_123, %add3A_1207, %broadcast_in_dim3A_1236 : vector<16xi1>, vector<16xi32>
        %jit3A_1238 = arith.constant 0 : i32
        %broadcast_in_dim3A_1239 = vector.broadcast %jit3A_1238 : i32 to vector<16xi32>
        %select_n3A_1240 = arith.select %ge3A_123, %and3A_1210, %broadcast_in_dim3A_1239 : vector<16xi1>, vector<16xi32>
        %select_n3A_1241 = arith.select %ge3A_123, %add3A_1217, %select_n3A_1231 : vector<16xi1>, vector<16xi32>
        %select_n3A_1242 = arith.select %ge3A_123, %and3A_1220, %sub3A_1234 : vector<16xi1>, vector<16xi32>
        %gt3A = arith.cmpi sgt, %sub3A_1184, %select_n3A_1237 : vector<16xi32>
        %eq3A_1243 = arith.cmpi eq, %sub3A_1184, %select_n3A_1237 : vector<16xi32>
        %ge3A_1244 = arith.cmpi sge, %sub3A_1188, %select_n3A_1240 : vector<16xi32>
        %and3A_1245 = arith.andi %eq3A_1243, %ge3A_1244 : vector<16xi1>
        %or3A_1246 = arith.ori %gt3A, %and3A_1245 : vector<16xi1>
        %lt3A_1247 = arith.cmpi slt, %sub3A_1184, %select_n3A_1241 : vector<16xi32>
        %eq3A_1248 = arith.cmpi eq, %sub3A_1184, %select_n3A_1241 : vector<16xi32>
        %le3A_1249 = arith.cmpi sle, %sub3A_1188, %select_n3A_1242 : vector<16xi32>
        %and3A_1250 = arith.andi %eq3A_1248, %le3A_1249 : vector<16xi1>
        %or3A_1251 = arith.ori %lt3A_1247, %and3A_1250 : vector<16xi1>
        %and3A_1252 = arith.andi %or3A_1246, %or3A_1251 : vector<16xi1>
        %add3A_1253 = arith.addi %sub3A_1184, %select_n3A_1145 : vector<16xi32>
        %add3A_1254 = arith.addi %sub3A_1188, %select_n3A_1165 : vector<16xi32>
        %gt3A_1255 = arith.cmpi sgt, %add3A_1253, %select_n3A_1237 : vector<16xi32>
        %eq3A_1256 = arith.cmpi eq, %add3A_1253, %select_n3A_1237 : vector<16xi32>
        %ge3A_1257 = arith.cmpi sge, %add3A_1254, %select_n3A_1240 : vector<16xi32>
        %and3A_1258 = arith.andi %eq3A_1256, %ge3A_1257 : vector<16xi1>
        %or3A_1259 = arith.ori %gt3A_1255, %and3A_1258 : vector<16xi1>
        %lt3A_1260 = arith.cmpi slt, %add3A_1253, %select_n3A_1241 : vector<16xi32>
        %eq3A_1261 = arith.cmpi eq, %add3A_1253, %select_n3A_1241 : vector<16xi32>
        %le3A_1262 = arith.cmpi sle, %add3A_1254, %select_n3A_1242 : vector<16xi32>
        %and3A_1263 = arith.andi %eq3A_1261, %le3A_1262 : vector<16xi1>
        %or3A_1264 = arith.ori %lt3A_1260, %and3A_1263 : vector<16xi1>
        %and3A_1265 = arith.andi %or3A_1259, %or3A_1264 : vector<16xi1>
        %or3A_1266 = arith.ori %and3A_1252, %and3A_1265 : vector<16xi1>
        %add3A_1267 = arith.addi %sub3A_1184, %select_n3A_1109 : vector<16xi32>
        %add3A_1268 = arith.addi %sub3A_1188, %select_n3A_1129 : vector<16xi32>
        %gt3A_1269 = arith.cmpi sgt, %add3A_1267, %select_n3A_1237 : vector<16xi32>
        %eq3A_1270 = arith.cmpi eq, %add3A_1267, %select_n3A_1237 : vector<16xi32>
        %ge3A_1271 = arith.cmpi sge, %add3A_1268, %select_n3A_1240 : vector<16xi32>
        %and3A_1272 = arith.andi %eq3A_1270, %ge3A_1271 : vector<16xi1>
        %or3A_1273 = arith.ori %gt3A_1269, %and3A_1272 : vector<16xi1>
        %lt3A_1274 = arith.cmpi slt, %add3A_1267, %select_n3A_1241 : vector<16xi32>
        %eq3A_1275 = arith.cmpi eq, %add3A_1267, %select_n3A_1241 : vector<16xi32>
        %le3A_1276 = arith.cmpi sle, %add3A_1268, %select_n3A_1242 : vector<16xi32>
        %and3A_1277 = arith.andi %eq3A_1275, %le3A_1276 : vector<16xi1>
        %or3A_1278 = arith.ori %lt3A_1274, %and3A_1277 : vector<16xi1>
        %and3A_1279 = arith.andi %or3A_1273, %or3A_1278 : vector<16xi1>
        %or3A_1280 = arith.ori %or3A_1266, %and3A_1279 : vector<16xi1>
        %add3A_1281 = arith.addi %sub3A_1184, %select_n3A_1109 : vector<16xi32>
        %add3A_1282 = arith.addi %add3A_1281, %select_n3A_1145 : vector<16xi32>
        %add3A_1283 = arith.addi %sub3A_1188, %select_n3A_1129 : vector<16xi32>
        %add3A_1284 = arith.addi %add3A_1283, %select_n3A_1165 : vector<16xi32>
        %gt3A_1285 = arith.cmpi sgt, %add3A_1282, %select_n3A_1237 : vector<16xi32>
        %eq3A_1286 = arith.cmpi eq, %add3A_1282, %select_n3A_1237 : vector<16xi32>
        %ge3A_1287 = arith.cmpi sge, %add3A_1284, %select_n3A_1240 : vector<16xi32>
        %and3A_1288 = arith.andi %eq3A_1286, %ge3A_1287 : vector<16xi1>
        %or3A_1289 = arith.ori %gt3A_1285, %and3A_1288 : vector<16xi1>
        %lt3A_1290 = arith.cmpi slt, %add3A_1282, %select_n3A_1241 : vector<16xi32>
        %eq3A_1291 = arith.cmpi eq, %add3A_1282, %select_n3A_1241 : vector<16xi32>
        %le3A_1292 = arith.cmpi sle, %add3A_1284, %select_n3A_1242 : vector<16xi32>
        %and3A_1293 = arith.andi %eq3A_1291, %le3A_1292 : vector<16xi1>
        %or3A_1294 = arith.ori %lt3A_1290, %and3A_1293 : vector<16xi1>
        %and3A_1295 = arith.andi %or3A_1289, %or3A_1294 : vector<16xi1>
        %or3A_1296 = arith.ori %or3A_1280, %and3A_1295 : vector<16xi1>
        %jit3A_1297 = arith.constant 0 : i64
        %convert_element_type3A_1298 = arith.trunci %jit3A_1297 : i64 to i32
        %broadcast_in_dim3A_1299 = vector.broadcast %convert_element_type3A_1298 : i32 to vector<16xi32>
        %select_n3A_1300 = arith.select %or3A_1296, %select_n3A_21, %broadcast_in_dim3A_1299 : vector<16xi1>, vector<16xi32>
        %add3A_1301 = arith.addi %while3A_109, %select_n3A_1300 : vector<16xi32>
        scf.yield %add3A_1301 : vector<16xi32>
      }
      %while3A_106 = arith.constant 1 : i32
      %while3A_107 = scf.for %while3A_108 = %while3A_103 to %while3A_99 step %while3A_106 iter_args(%while3A_109 = %while3A_105) -> (vector<16xi32>)  : i32 {
        %mul3A_110 = arith.constant 8 : i32
        %mul3A_111 = arith.muli %while3A_108, %mul3A_110 : i32
        %add3A_112 = vector.broadcast %mul3A_111 : i32 to vector<16xi32>
        %add3A_113 = arith.addi %add3A_112, %select_n3A_11 : vector<16xi32>
        %mul3A_114 = arith.constant 128 : i32
        %mul3A_115 = vector.broadcast %mul3A_114 : i32 to vector<16xi32>
        %mul3A_116 = arith.muli %add3A_113, %mul3A_115 : vector<16xi32>
        %add3A_117 = vector.broadcast %mul3A_93 : i32 to vector<16xi32>
        %add3A_118 = arith.addi %add3A_117, %mul3A_116 : vector<16xi32>
        %add3A_119 = arith.constant 96 : i32
        %add3A_120 = vector.broadcast %add3A_119 : i32 to vector<16xi32>
        %add3A_121 = arith.addi %add3A_118, %add3A_120 : vector<16xi32>
        %gather3A = tpu.vector_load_idx %arg5[%broadcast_in_dim3A_5, %broadcast_in_dim3A_5, %add3A_121] : memref<2x320x97xf32, #tpu.memory_space<vmem>>[vector<16xi32>, vector<16xi32>, vector<16xi32>], vector<16xf32>,
        %ge3A = arith.constant 0.000000e+00 : f32
        %ge3A_122 = vector.broadcast %ge3A : f32 to vector<16xf32>
        %ge3A_123 = arith.cmpf oge, %gather3A, %ge3A_122 : vector<16xf32>
        %jit3A_124 = arith.constant 0 : i32
        %jit3A_125 = arith.constant 48 : i32
        %broadcast_in_dim3A_126 = vector.broadcast %jit3A_124 : i32 to vector<16xi32>
        %broadcast_in_dim3A_127 = vector.broadcast %jit3A_125 : i32 to vector<16xi32>
        %select_n3A_128 = arith.select %ge3A_123, %broadcast_in_dim3A_126, %broadcast_in_dim3A_127 : vector<16xi1>, vector<16xi32>
        %add3A_129 = arith.addi %add3A_118, %select_n3A_128 : vector<16xi32>
        %add3A_130 = arith.addi %add3A_129, %select_n3A_16 : vector<16xi32>
        %broadcast_in_dim3A_131 = arith.constant 2147483647 : i32
        %broadcast_in_dim3A_132 = vector.broadcast %broadcast_in_dim3A_131 : i32 to vector<16xi32>
        %broadcast_in_dim3A_133 = arith.constant 0 : i32
        %broadcast_in_dim3A_134 = vector.broadcast %broadcast_in_dim3A_133 : i32 to vector<16xi32>
        %broadcast_in_dim3A_135 = arith.constant 0 : i32
        %broadcast_in_dim3A_136 = vector.broadcast %broadcast_in_dim3A_135 : i32 to vector<16xi32>
        %broadcast_in_dim3A_137 = arith.constant 0 : i32
        %broadcast_in_dim3A_138 = vector.broadcast %broadcast_in_dim3A_137 : i32 to vector<16xi32>
        %add3A_139 = arith.constant 0 : i32
        %add3A_140 = vector.broadcast %add3A_139 : i32 to vector<16xi32>
        %add3A_141 = arith.addi %add3A_130, %add3A_140 : vector<16xi32>
        %gather3A_142 = tpu.vector_load_idx %arg5[%broadcast_in_dim3A_5, %broadcast_in_dim3A_5, %add3A_141] : memref<2x320x97xf32, #tpu.memory_space<vmem>>[vector<16xi32>, vector<16xi32>, vector<16xi32>], vector<16xf32>,
        %bitcast3A = vector.bitcast %gather3A_142 : vector<16xf32> to vector<16xi32>
        %and3A_143 = arith.constant 2147483647 : i32
        %and3A_144 = vector.broadcast %and3A_143 : i32 to vector<16xi32>
        %and3A_145 = arith.andi %bitcast3A, %and3A_144 : vector<16xi32>
        %shift_right_arithmetic3A = arith.constant 31 : i32
        %shift_right_arithmetic3A_146 = vector.broadcast %shift_right_arithmetic3A : i32 to vector<16xi32>
        %shift_right_arithmetic3A_147 = arith.shrsi %bitcast3A, %shift_right_arithmetic3A_146 : vector<16xi32>
        %and3A_148 = arith.constant 8388608 : i32
        %and3A_149 = vector.broadcast %and3A_148 : i32 to vector<16xi32>
        %and3A_150 = arith.andi %shift_right_arithmetic3A_147, %and3A_149 : vector<16xi32>
        %add3A_151 = arith.addi %broadcast_in_dim3A_138, %and3A_150 : vector<16xi32>
        %add3A_152 = arith.constant 0 : i32
        %add3A_153 = vector.broadcast %add3A_152 : i32 to vector<16xi32>
        %add3A_154 = arith.addi %select_n3A_16, %add3A_153 : vector<16xi32>
        %sub3A_155 = arith.subi %and3A_145, %broadcast_in_dim3A_132 : vector<16xi32>
        %shift_right_arithmetic3A_156 = arith.constant 31 : i32
        %shift_right_arithmetic3A_157 = vector.broadcast %shift_right_arithmetic3A_156 : i32 to vector<16xi32>
        %shift_right_arithmetic3A_158 = arith.shrsi %sub3A_155, %shift_right_arithmetic3A_157 : vector<16xi32>
        %and3A_159 = arith.andi %shift_right_arithmetic3A_158, %sub3A_155 : vector<16xi32>
        %add3A_160 = arith.addi %broadcast_in_dim3A_132, %and3A_159 : vector<16xi32>
        %sub3A_161 = arith.subi %add3A_154, %broadcast_in_dim3A_136 : vector<16xi32>
        %and3A_162 = arith.andi %shift_right_arithmetic3A_158, %sub3A_161 : vector<16xi32>
        %add3A_163 = arith.addi %broadcast_in_dim3A_136, %and3A_162 : vector<16xi32>
        %sub3A_164 = arith.subi %add3A_160, %broadcast_in_dim3A_132 : vector<16xi32>
        %shift_right_arithmetic3A_165 = arith.constant 31 : i32
        %shift_right_arithmetic3A_166 = vector.broadcast %shift_right_arithmetic3A_165 : i32 to vector<16xi32>
        %shift_right_arithmetic3A_167 = arith.shrsi %sub3A_164, %shift_right_arithmetic3A_166 : vector<16xi32>
        %and3A_168 = arith.andi %shift_right_arithmetic3A_167, %sub3A_164 : vector<16xi32>
        %add3A_169 = arith.addi %broadcast_in_dim3A_132, %and3A_168 : vector<16xi32>
        %sub3A_170 = arith.subi %add3A_160, %and3A_168 : vector<16xi32>
        %sub3A_171 = arith.subi %add3A_163, %broadcast_in_dim3A_134 : vector<16xi32>
        %and3A_172 = arith.andi %shift_right_arithmetic3A_167, %sub3A_171 : vector<16xi32>
        %add3A_173 = arith.addi %broadcast_in_dim3A_134, %and3A_172 : vector<16xi32>
        %sub3A_174 = arith.subi %add3A_163, %and3A_172 : vector<16xi32>
        %add3A_175 = arith.constant 1 : i32
        %add3A_176 = vector.broadcast %add3A_175 : i32 to vector<16xi32>
        %add3A_177 = arith.addi %add3A_130, %add3A_176 : vector<16xi32>
        %gather3A_178 = tpu.vector_load_idx %arg5[%broadcast_in_dim3A_5, %broadcast_in_dim3A_5, %add3A_177] : memref<2x320x97xf32, #tpu.memory_space<vmem>>[vector<16xi32>, vector<16xi32>, vector<16xi32>], vector<16xf32>,
        %bitcast3A_179 = vector.bitcast %gather3A_178 : vector<16xf32> to vector<16xi32>
        %and3A_180 = arith.constant 2147483647 : i32
        %and3A_181 = vector.broadcast %and3A_180 : i32 to vector<16xi32>
        %and3A_182 = arith.andi %bitcast3A_179, %and3A_181 : vector<16xi32>
        %shift_right_arithmetic3A_183 = arith.constant 31 : i32
        %shift_right_arithmetic3A_184 = vector.broadcast %shift_right_arithmetic3A_183 : i32 to vector<16xi32>
        %shift_right_arithmetic3A_185 = arith.shrsi %bitcast3A_179, %shift_right_arithmetic3A_184 : vector<16xi32>
        %and3A_186 = arith.constant 4194304 : i32
        %and3A_187 = vector.broadcast %and3A_186 : i32 to vector<16xi32>
        %and3A_188 = arith.andi %shift_right_arithmetic3A_185, %and3A_187 : vector<16xi32>
        %add3A_189 = arith.addi %add3A_151, %and3A_188 : vector<16xi32>
        %add3A_190 = arith.constant 1 : i32
        %add3A_191 = vector.broadcast %add3A_190 : i32 to vector<16xi32>
        %add3A_192 = arith.addi %select_n3A_16, %add3A_191 : vector<16xi32>
        %sub3A_193 = arith.subi %and3A_182, %sub3A_170 : vector<16xi32>
        %shift_right_arithmetic3A_194 = arith.constant 31 : i32
        %shift_right_arithmetic3A_195 = vector.broadcast %shift_right_arithmetic3A_194 : i32 to vector<16xi32>
        %shift_right_arithmetic3A_196 = arith.shrsi %sub3A_193, %shift_right_arithmetic3A_195 : vector<16xi32>
        %and3A_197 = arith.andi %shift_right_arithmetic3A_196, %sub3A_193 : vector<16xi32>
        %add3A_198 = arith.addi %sub3A_170, %and3A_197 : vector<16xi32>
        %sub3A_199 = arith.subi %add3A_192, %sub3A_174 : vector<16xi32>
        %and3A_200 = arith.andi %shift_right_arithmetic3A_196, %sub3A_199 : vector<16xi32>
        %add3A_201 = arith.addi %sub3A_174, %and3A_200 : vector<16xi32>
        %sub3A_202 = arith.subi %add3A_198, %add3A_169 : vector<16xi32>
        %shift_right_arithmetic3A_203 = arith.constant 31 : i32
        %shift_right_arithmetic3A_204 = vector.broadcast %shift_right_arithmetic3A_203 : i32 to vector<16xi32>
        %shift_right_arithmetic3A_205 = arith.shrsi %sub3A_202, %shift_right_arithmetic3A_204 : vector<16xi32>
        %and3A_206 = arith.andi %shift_right_arithmetic3A_205, %sub3A_202 : vector<16xi32>
        %add3A_207 = arith.addi %add3A_169, %and3A_206 : vector<16xi32>
        %sub3A_208 = arith.subi %add3A_198, %and3A_206 : vector<16xi32>
        %sub3A_209 = arith.subi %add3A_201, %add3A_173 : vector<16xi32>
        %and3A_210 = arith.andi %shift_right_arithmetic3A_205, %sub3A_209 : vector<16xi32>
        %add3A_211 = arith.addi %add3A_173, %and3A_210 : vector<16xi32>
        %sub3A_212 = arith.subi %add3A_201, %and3A_210 : vector<16xi32>
        %add3A_213 = arith.constant 2 : i32
        %add3A_214 = vector.broadcast %add3A_213 : i32 to vector<16xi32>
        %add3A_215 = arith.addi %add3A_130, %add3A_214 : vector<16xi32>
        %gather3A_216 = tpu.vector_load_idx %arg5[%broadcast_in_dim3A_5, %broadcast_in_dim3A_5, %add3A_215] : memref<2x320x97xf32, #tpu.memory_space<vmem>>[vector<16xi32>, vector<16xi32>, vector<16xi32>], vector<16xf32>,
        %bitcast3A_217 = vector.bitcast %gather3A_216 : vector<16xf32> to vector<16xi32>
        %and3A_218 = arith.constant 2147483647 : i32
        %and3A_219 = vector.broadcast %and3A_218 : i32 to vector<16xi32>
        %and3A_220 = arith.andi %bitcast3A_217, %and3A_219 : vector<16xi32>
        %shift_right_arithmetic3A_221 = arith.constant 31 : i32
        %shift_right_arithmetic3A_222 = vector.broadcast %shift_right_arithmetic3A_221 : i32 to vector<16xi32>
        %shift_right_arithmetic3A_223 = arith.shrsi %bitcast3A_217, %shift_right_arithmetic3A_222 : vector<16xi32>
        %and3A_224 = arith.constant 2097152 : i32
        %and3A_225 = vector.broadcast %and3A_224 : i32 to vector<16xi32>
        %and3A_226 = arith.andi %shift_right_arithmetic3A_223, %and3A_225 : vector<16xi32>
        %add3A_227 = arith.addi %add3A_189, %and3A_226 : vector<16xi32>
        %add3A_228 = arith.constant 2 : i32
        %add3A_229 = vector.broadcast %add3A_228 : i32 to vector<16xi32>
        %add3A_230 = arith.addi %select_n3A_16, %add3A_229 : vector<16xi32>
        %sub3A_231 = arith.subi %and3A_220, %sub3A_208 : vector<16xi32>
        %shift_right_arithmetic3A_232 = arith.constant 31 : i32
        %shift_right_arithmetic3A_233 = vector.broadcast %shift_right_arithmetic3A_232 : i32 to vector<16xi32>
        %shift_right_arithmetic3A_234 = arith.shrsi %sub3A_231, %shift_right_arithmetic3A_233 : vector<16xi32>
        %and3A_235 = arith.andi %shift_right_arithmetic3A_234, %sub3A_231 : vector<16xi32>
        %add3A_236 = arith.addi %sub3A_208, %and3A_235 : vector<16xi32>
        %sub3A_237 = arith.subi %add3A_230, %sub3A_212 : vector<16xi32>
        %and3A_238 = arith.andi %shift_right_arithmetic3A_234, %sub3A_237 : vector<16xi32>
        %add3A_239 = arith.addi %sub3A_212, %and3A_238 : vector<16xi32>
        %sub3A_240 = arith.subi %add3A_236, %add3A_207 : vector<16xi32>
        %shift_right_arithmetic3A_241 = arith.constant 31 : i32
        %shift_right_arithmetic3A_242 = vector.broadcast %shift_right_arithmetic3A_241 : i32 to vector<16xi32>
        %shift_right_arithmetic3A_243 = arith.shrsi %sub3A_240, %shift_right_arithmetic3A_242 : vector<16xi32>
        %and3A_244 = arith.andi %shift_right_arithmetic3A_243, %sub3A_240 : vector<16xi32>
        %add3A_245 = arith.addi %add3A_207, %and3A_244 : vector<16xi32>
        %sub3A_246 = arith.subi %add3A_236, %and3A_244 : vector<16xi32>
        %sub3A_247 = arith.subi %add3A_239, %add3A_211 : vector<16xi32>
        %and3A_248 = arith.andi %shift_right_arithmetic3A_243, %sub3A_247 : vector<16xi32>
        %add3A_249 = arith.addi %add3A_211, %and3A_248 : vector<16xi32>
        %sub3A_250 = arith.subi %add3A_239, %and3A_248 : vector<16xi32>
        %add3A_251 = arith.constant 3 : i32
        %add3A_252 = vector.broadcast %add3A_251 : i32 to vector<16xi32>
        %add3A_253 = arith.addi %add3A_130, %add3A_252 : vector<16xi32>
        %gather3A_254 = tpu.vector_load_idx %arg5[%broadcast_in_dim3A_5, %broadcast_in_dim3A_5, %add3A_253] : memref<2x320x97xf32, #tpu.memory_space<vmem>>[vector<16xi32>, vector<16xi32>, vector<16xi32>], vector<16xf32>,
        %bitcast3A_255 = vector.bitcast %gather3A_254 : vector<16xf32> to vector<16xi32>
        %and3A_256 = arith.constant 2147483647 : i32
        %and3A_257 = vector.broadcast %and3A_256 : i32 to vector<16xi32>
        %and3A_258 = arith.andi %bitcast3A_255, %and3A_257 : vector<16xi32>
        %shift_right_arithmetic3A_259 = arith.constant 31 : i32
        %shift_right_arithmetic3A_260 = vector.broadcast %shift_right_arithmetic3A_259 : i32 to vector<16xi32>
        %shift_right_arithmetic3A_261 = arith.shrsi %bitcast3A_255, %shift_right_arithmetic3A_260 : vector<16xi32>
        %and3A_262 = arith.constant 1048576 : i32
        %and3A_263 = vector.broadcast %and3A_262 : i32 to vector<16xi32>
        %and3A_264 = arith.andi %shift_right_arithmetic3A_261, %and3A_263 : vector<16xi32>
        %add3A_265 = arith.addi %add3A_227, %and3A_264 : vector<16xi32>
        %add3A_266 = arith.constant 3 : i32
        %add3A_267 = vector.broadcast %add3A_266 : i32 to vector<16xi32>
        %add3A_268 = arith.addi %select_n3A_16, %add3A_267 : vector<16xi32>
        %sub3A_269 = arith.subi %and3A_258, %sub3A_246 : vector<16xi32>
        %shift_right_arithmetic3A_270 = arith.constant 31 : i32
        %shift_right_arithmetic3A_271 = vector.broadcast %shift_right_arithmetic3A_270 : i32 to vector<16xi32>
        %shift_right_arithmetic3A_272 = arith.shrsi %sub3A_269, %shift_right_arithmetic3A_271 : vector<16xi32>
        %and3A_273 = arith.andi %shift_right_arithmetic3A_272, %sub3A_269 : vector<16xi32>
        %add3A_274 = arith.addi %sub3A_246, %and3A_273 : vector<16xi32>
        %sub3A_275 = arith.subi %add3A_268, %sub3A_250 : vector<16xi32>
        %and3A_276 = arith.andi %shift_right_arithmetic3A_272, %sub3A_275 : vector<16xi32>
        %add3A_277 = arith.addi %sub3A_250, %and3A_276 : vector<16xi32>
        %sub3A_278 = arith.subi %add3A_274, %add3A_245 : vector<16xi32>
        %shift_right_arithmetic3A_279 = arith.constant 31 : i32
        %shift_right_arithmetic3A_280 = vector.broadcast %shift_right_arithmetic3A_279 : i32 to vector<16xi32>
        %shift_right_arithmetic3A_281 = arith.shrsi %sub3A_278, %shift_right_arithmetic3A_280 : vector<16xi32>
        %and3A_282 = arith.andi %shift_right_arithmetic3A_281, %sub3A_278 : vector<16xi32>
        %add3A_283 = arith.addi %add3A_245, %and3A_282 : vector<16xi32>
        %sub3A_284 = arith.subi %add3A_274, %and3A_282 : vector<16xi32>
        %sub3A_285 = arith.subi %add3A_277, %add3A_249 : vector<16xi32>
        %and3A_286 = arith.andi %shift_right_arithmetic3A_281, %sub3A_285 : vector<16xi32>
        %add3A_287 = arith.addi %add3A_249, %and3A_286 : vector<16xi32>
        %sub3A_288 = arith.subi %add3A_277, %and3A_286 : vector<16xi32>
        %add3A_289 = arith.constant 4 : i32
        %add3A_290 = vector.broadcast %add3A_289 : i32 to vector<16xi32>
        %add3A_291 = arith.addi %add3A_130, %add3A_290 : vector<16xi32>
        %gather3A_292 = tpu.vector_load_idx %arg5[%broadcast_in_dim3A_5, %broadcast_in_dim3A_5, %add3A_291] : memref<2x320x97xf32, #tpu.memory_space<vmem>>[vector<16xi32>, vector<16xi32>, vector<16xi32>], vector<16xf32>,
        %bitcast3A_293 = vector.bitcast %gather3A_292 : vector<16xf32> to vector<16xi32>
        %and3A_294 = arith.constant 2147483647 : i32
        %and3A_295 = vector.broadcast %and3A_294 : i32 to vector<16xi32>
        %and3A_296 = arith.andi %bitcast3A_293, %and3A_295 : vector<16xi32>
        %shift_right_arithmetic3A_297 = arith.constant 31 : i32
        %shift_right_arithmetic3A_298 = vector.broadcast %shift_right_arithmetic3A_297 : i32 to vector<16xi32>
        %shift_right_arithmetic3A_299 = arith.shrsi %bitcast3A_293, %shift_right_arithmetic3A_298 : vector<16xi32>
        %and3A_300 = arith.constant 524288 : i32
        %and3A_301 = vector.broadcast %and3A_300 : i32 to vector<16xi32>
        %and3A_302 = arith.andi %shift_right_arithmetic3A_299, %and3A_301 : vector<16xi32>
        %add3A_303 = arith.addi %add3A_265, %and3A_302 : vector<16xi32>
        %add3A_304 = arith.constant 4 : i32
        %add3A_305 = vector.broadcast %add3A_304 : i32 to vector<16xi32>
        %add3A_306 = arith.addi %select_n3A_16, %add3A_305 : vector<16xi32>
        %sub3A_307 = arith.subi %and3A_296, %sub3A_284 : vector<16xi32>
        %shift_right_arithmetic3A_308 = arith.constant 31 : i32
        %shift_right_arithmetic3A_309 = vector.broadcast %shift_right_arithmetic3A_308 : i32 to vector<16xi32>
        %shift_right_arithmetic3A_310 = arith.shrsi %sub3A_307, %shift_right_arithmetic3A_309 : vector<16xi32>
        %and3A_311 = arith.andi %shift_right_arithmetic3A_310, %sub3A_307 : vector<16xi32>
        %add3A_312 = arith.addi %sub3A_284, %and3A_311 : vector<16xi32>
        %sub3A_313 = arith.subi %add3A_306, %sub3A_288 : vector<16xi32>
        %and3A_314 = arith.andi %shift_right_arithmetic3A_310, %sub3A_313 : vector<16xi32>
        %add3A_315 = arith.addi %sub3A_288, %and3A_314 : vector<16xi32>
        %sub3A_316 = arith.subi %add3A_312, %add3A_283 : vector<16xi32>
        %shift_right_arithmetic3A_317 = arith.constant 31 : i32
        %shift_right_arithmetic3A_318 = vector.broadcast %shift_right_arithmetic3A_317 : i32 to vector<16xi32>
        %shift_right_arithmetic3A_319 = arith.shrsi %sub3A_316, %shift_right_arithmetic3A_318 : vector<16xi32>
        %and3A_320 = arith.andi %shift_right_arithmetic3A_319, %sub3A_316 : vector<16xi32>
        %add3A_321 = arith.addi %add3A_283, %and3A_320 : vector<16xi32>
        %sub3A_322 = arith.subi %add3A_312, %and3A_320 : vector<16xi32>
        %sub3A_323 = arith.subi %add3A_315, %add3A_287 : vector<16xi32>
        %and3A_324 = arith.andi %shift_right_arithmetic3A_319, %sub3A_323 : vector<16xi32>
        %add3A_325 = arith.addi %add3A_287, %and3A_324 : vector<16xi32>
        %sub3A_326 = arith.subi %add3A_315, %and3A_324 : vector<16xi32>
        %add3A_327 = arith.constant 5 : i32
        %add3A_328 = vector.broadcast %add3A_327 : i32 to vector<16xi32>
        %add3A_329 = arith.addi %add3A_130, %add3A_328 : vector<16xi32>
        %gather3A_330 = tpu.vector_load_idx %arg5[%broadcast_in_dim3A_5, %broadcast_in_dim3A_5, %add3A_329] : memref<2x320x97xf32, #tpu.memory_space<vmem>>[vector<16xi32>, vector<16xi32>, vector<16xi32>], vector<16xf32>,
        %bitcast3A_331 = vector.bitcast %gather3A_330 : vector<16xf32> to vector<16xi32>
        %and3A_332 = arith.constant 2147483647 : i32
        %and3A_333 = vector.broadcast %and3A_332 : i32 to vector<16xi32>
        %and3A_334 = arith.andi %bitcast3A_331, %and3A_333 : vector<16xi32>
        %shift_right_arithmetic3A_335 = arith.constant 31 : i32
        %shift_right_arithmetic3A_336 = vector.broadcast %shift_right_arithmetic3A_335 : i32 to vector<16xi32>
        %shift_right_arithmetic3A_337 = arith.shrsi %bitcast3A_331, %shift_right_arithmetic3A_336 : vector<16xi32>
        %and3A_338 = arith.constant 262144 : i32
        %and3A_339 = vector.broadcast %and3A_338 : i32 to vector<16xi32>
        %and3A_340 = arith.andi %shift_right_arithmetic3A_337, %and3A_339 : vector<16xi32>
        %add3A_341 = arith.addi %add3A_303, %and3A_340 : vector<16xi32>
        %add3A_342 = arith.constant 5 : i32
        %add3A_343 = vector.broadcast %add3A_342 : i32 to vector<16xi32>
        %add3A_344 = arith.addi %select_n3A_16, %add3A_343 : vector<16xi32>
        %sub3A_345 = arith.subi %and3A_334, %sub3A_322 : vector<16xi32>
        %shift_right_arithmetic3A_346 = arith.constant 31 : i32
        %shift_right_arithmetic3A_347 = vector.broadcast %shift_right_arithmetic3A_346 : i32 to vector<16xi32>
        %shift_right_arithmetic3A_348 = arith.shrsi %sub3A_345, %shift_right_arithmetic3A_347 : vector<16xi32>
        %and3A_349 = arith.andi %shift_right_arithmetic3A_348, %sub3A_345 : vector<16xi32>
        %add3A_350 = arith.addi %sub3A_322, %and3A_349 : vector<16xi32>
        %sub3A_351 = arith.subi %add3A_344, %sub3A_326 : vector<16xi32>
        %and3A_352 = arith.andi %shift_right_arithmetic3A_348, %sub3A_351 : vector<16xi32>
        %add3A_353 = arith.addi %sub3A_326, %and3A_352 : vector<16xi32>
        %sub3A_354 = arith.subi %add3A_350, %add3A_321 : vector<16xi32>
        %shift_right_arithmetic3A_355 = arith.constant 31 : i32
        %shift_right_arithmetic3A_356 = vector.broadcast %shift_right_arithmetic3A_355 : i32 to vector<16xi32>
        %shift_right_arithmetic3A_357 = arith.shrsi %sub3A_354, %shift_right_arithmetic3A_356 : vector<16xi32>
        %and3A_358 = arith.andi %shift_right_arithmetic3A_357, %sub3A_354 : vector<16xi32>
        %add3A_359 = arith.addi %add3A_321, %and3A_358 : vector<16xi32>
        %sub3A_360 = arith.subi %add3A_350, %and3A_358 : vector<16xi32>
        %sub3A_361 = arith.subi %add3A_353, %add3A_325 : vector<16xi32>
        %and3A_362 = arith.andi %shift_right_arithmetic3A_357, %sub3A_361 : vector<16xi32>
        %add3A_363 = arith.addi %add3A_325, %and3A_362 : vector<16xi32>
        %sub3A_364 = arith.subi %add3A_353, %and3A_362 : vector<16xi32>
        %add3A_365 = arith.constant 6 : i32
        %add3A_366 = vector.broadcast %add3A_365 : i32 to vector<16xi32>
        %add3A_367 = arith.addi %add3A_130, %add3A_366 : vector<16xi32>
        %gather3A_368 = tpu.vector_load_idx %arg5[%broadcast_in_dim3A_5, %broadcast_in_dim3A_5, %add3A_367] : memref<2x320x97xf32, #tpu.memory_space<vmem>>[vector<16xi32>, vector<16xi32>, vector<16xi32>], vector<16xf32>,
        %bitcast3A_369 = vector.bitcast %gather3A_368 : vector<16xf32> to vector<16xi32>
        %and3A_370 = arith.constant 2147483647 : i32
        %and3A_371 = vector.broadcast %and3A_370 : i32 to vector<16xi32>
        %and3A_372 = arith.andi %bitcast3A_369, %and3A_371 : vector<16xi32>
        %shift_right_arithmetic3A_373 = arith.constant 31 : i32
        %shift_right_arithmetic3A_374 = vector.broadcast %shift_right_arithmetic3A_373 : i32 to vector<16xi32>
        %shift_right_arithmetic3A_375 = arith.shrsi %bitcast3A_369, %shift_right_arithmetic3A_374 : vector<16xi32>
        %and3A_376 = arith.constant 131072 : i32
        %and3A_377 = vector.broadcast %and3A_376 : i32 to vector<16xi32>
        %and3A_378 = arith.andi %shift_right_arithmetic3A_375, %and3A_377 : vector<16xi32>
        %add3A_379 = arith.addi %add3A_341, %and3A_378 : vector<16xi32>
        %add3A_380 = arith.constant 6 : i32
        %add3A_381 = vector.broadcast %add3A_380 : i32 to vector<16xi32>
        %add3A_382 = arith.addi %select_n3A_16, %add3A_381 : vector<16xi32>
        %sub3A_383 = arith.subi %and3A_372, %sub3A_360 : vector<16xi32>
        %shift_right_arithmetic3A_384 = arith.constant 31 : i32
        %shift_right_arithmetic3A_385 = vector.broadcast %shift_right_arithmetic3A_384 : i32 to vector<16xi32>
        %shift_right_arithmetic3A_386 = arith.shrsi %sub3A_383, %shift_right_arithmetic3A_385 : vector<16xi32>
        %and3A_387 = arith.andi %shift_right_arithmetic3A_386, %sub3A_383 : vector<16xi32>
        %add3A_388 = arith.addi %sub3A_360, %and3A_387 : vector<16xi32>
        %sub3A_389 = arith.subi %add3A_382, %sub3A_364 : vector<16xi32>
        %and3A_390 = arith.andi %shift_right_arithmetic3A_386, %sub3A_389 : vector<16xi32>
        %add3A_391 = arith.addi %sub3A_364, %and3A_390 : vector<16xi32>
        %sub3A_392 = arith.subi %add3A_388, %add3A_359 : vector<16xi32>
        %shift_right_arithmetic3A_393 = arith.constant 31 : i32
        %shift_right_arithmetic3A_394 = vector.broadcast %shift_right_arithmetic3A_393 : i32 to vector<16xi32>
        %shift_right_arithmetic3A_395 = arith.shrsi %sub3A_392, %shift_right_arithmetic3A_394 : vector<16xi32>
        %and3A_396 = arith.andi %shift_right_arithmetic3A_395, %sub3A_392 : vector<16xi32>
        %add3A_397 = arith.addi %add3A_359, %and3A_396 : vector<16xi32>
        %sub3A_398 = arith.subi %add3A_388, %and3A_396 : vector<16xi32>
        %sub3A_399 = arith.subi %add3A_391, %add3A_363 : vector<16xi32>
        %and3A_400 = arith.andi %shift_right_arithmetic3A_395, %sub3A_399 : vector<16xi32>
        %add3A_401 = arith.addi %add3A_363, %and3A_400 : vector<16xi32>
        %sub3A_402 = arith.subi %add3A_391, %and3A_400 : vector<16xi32>
        %add3A_403 = arith.constant 7 : i32
        %add3A_404 = vector.broadcast %add3A_403 : i32 to vector<16xi32>
        %add3A_405 = arith.addi %add3A_130, %add3A_404 : vector<16xi32>
        %gather3A_406 = tpu.vector_load_idx %arg5[%broadcast_in_dim3A_5, %broadcast_in_dim3A_5, %add3A_405] : memref<2x320x97xf32, #tpu.memory_space<vmem>>[vector<16xi32>, vector<16xi32>, vector<16xi32>], vector<16xf32>,
        %bitcast3A_407 = vector.bitcast %gather3A_406 : vector<16xf32> to vector<16xi32>
        %and3A_408 = arith.constant 2147483647 : i32
        %and3A_409 = vector.broadcast %and3A_408 : i32 to vector<16xi32>
        %and3A_410 = arith.andi %bitcast3A_407, %and3A_409 : vector<16xi32>
        %shift_right_arithmetic3A_411 = arith.constant 31 : i32
        %shift_right_arithmetic3A_412 = vector.broadcast %shift_right_arithmetic3A_411 : i32 to vector<16xi32>
        %shift_right_arithmetic3A_413 = arith.shrsi %bitcast3A_407, %shift_right_arithmetic3A_412 : vector<16xi32>
        %and3A_414 = arith.constant 65536 : i32
        %and3A_415 = vector.broadcast %and3A_414 : i32 to vector<16xi32>
        %and3A_416 = arith.andi %shift_right_arithmetic3A_413, %and3A_415 : vector<16xi32>
        %add3A_417 = arith.addi %add3A_379, %and3A_416 : vector<16xi32>
        %add3A_418 = arith.constant 7 : i32
        %add3A_419 = vector.broadcast %add3A_418 : i32 to vector<16xi32>
        %add3A_420 = arith.addi %select_n3A_16, %add3A_419 : vector<16xi32>
        %sub3A_421 = arith.subi %and3A_410, %sub3A_398 : vector<16xi32>
        %shift_right_arithmetic3A_422 = arith.constant 31 : i32
        %shift_right_arithmetic3A_423 = vector.broadcast %shift_right_arithmetic3A_422 : i32 to vector<16xi32>
        %shift_right_arithmetic3A_424 = arith.shrsi %sub3A_421, %shift_right_arithmetic3A_423 : vector<16xi32>
        %and3A_425 = arith.andi %shift_right_arithmetic3A_424, %sub3A_421 : vector<16xi32>
        %add3A_426 = arith.addi %sub3A_398, %and3A_425 : vector<16xi32>
        %sub3A_427 = arith.subi %add3A_420, %sub3A_402 : vector<16xi32>
        %and3A_428 = arith.andi %shift_right_arithmetic3A_424, %sub3A_427 : vector<16xi32>
        %add3A_429 = arith.addi %sub3A_402, %and3A_428 : vector<16xi32>
        %sub3A_430 = arith.subi %add3A_426, %add3A_397 : vector<16xi32>
        %shift_right_arithmetic3A_431 = arith.constant 31 : i32
        %shift_right_arithmetic3A_432 = vector.broadcast %shift_right_arithmetic3A_431 : i32 to vector<16xi32>
        %shift_right_arithmetic3A_433 = arith.shrsi %sub3A_430, %shift_right_arithmetic3A_432 : vector<16xi32>
        %and3A_434 = arith.andi %shift_right_arithmetic3A_433, %sub3A_430 : vector<16xi32>
        %add3A_435 = arith.addi %add3A_397, %and3A_434 : vector<16xi32>
        %sub3A_436 = arith.subi %add3A_426, %and3A_434 : vector<16xi32>
        %sub3A_437 = arith.subi %add3A_429, %add3A_401 : vector<16xi32>
        %and3A_438 = arith.andi %shift_right_arithmetic3A_433, %sub3A_437 : vector<16xi32>
        %add3A_439 = arith.addi %add3A_401, %and3A_438 : vector<16xi32>
        %sub3A_440 = arith.subi %add3A_429, %and3A_438 : vector<16xi32>
        %add3A_441 = arith.constant 8 : i32
        %add3A_442 = vector.broadcast %add3A_441 : i32 to vector<16xi32>
        %add3A_443 = arith.addi %add3A_130, %add3A_442 : vector<16xi32>
        %gather3A_444 = tpu.vector_load_idx %arg5[%broadcast_in_dim3A_5, %broadcast_in_dim3A_5, %add3A_443] : memref<2x320x97xf32, #tpu.memory_space<vmem>>[vector<16xi32>, vector<16xi32>, vector<16xi32>], vector<16xf32>,
        %bitcast3A_445 = vector.bitcast %gather3A_444 : vector<16xf32> to vector<16xi32>
        %and3A_446 = arith.constant 2147483647 : i32
        %and3A_447 = vector.broadcast %and3A_446 : i32 to vector<16xi32>
        %and3A_448 = arith.andi %bitcast3A_445, %and3A_447 : vector<16xi32>
        %shift_right_arithmetic3A_449 = arith.constant 31 : i32
        %shift_right_arithmetic3A_450 = vector.broadcast %shift_right_arithmetic3A_449 : i32 to vector<16xi32>
        %shift_right_arithmetic3A_451 = arith.shrsi %bitcast3A_445, %shift_right_arithmetic3A_450 : vector<16xi32>
        %and3A_452 = arith.constant 32768 : i32
        %and3A_453 = vector.broadcast %and3A_452 : i32 to vector<16xi32>
        %and3A_454 = arith.andi %shift_right_arithmetic3A_451, %and3A_453 : vector<16xi32>
        %add3A_455 = arith.addi %add3A_417, %and3A_454 : vector<16xi32>
        %add3A_456 = arith.constant 8 : i32
        %add3A_457 = vector.broadcast %add3A_456 : i32 to vector<16xi32>
        %add3A_458 = arith.addi %select_n3A_16, %add3A_457 : vector<16xi32>
        %sub3A_459 = arith.subi %and3A_448, %sub3A_436 : vector<16xi32>
        %shift_right_arithmetic3A_460 = arith.constant 31 : i32
        %shift_right_arithmetic3A_461 = vector.broadcast %shift_right_arithmetic3A_460 : i32 to vector<16xi32>
        %shift_right_arithmetic3A_462 = arith.shrsi %sub3A_459, %shift_right_arithmetic3A_461 : vector<16xi32>
        %and3A_463 = arith.andi %shift_right_arithmetic3A_462, %sub3A_459 : vector<16xi32>
        %add3A_464 = arith.addi %sub3A_436, %and3A_463 : vector<16xi32>
        %sub3A_465 = arith.subi %add3A_458, %sub3A_440 : vector<16xi32>
        %and3A_466 = arith.andi %shift_right_arithmetic3A_462, %sub3A_465 : vector<16xi32>
        %add3A_467 = arith.addi %sub3A_440, %and3A_466 : vector<16xi32>
        %sub3A_468 = arith.subi %add3A_464, %add3A_435 : vector<16xi32>
        %shift_right_arithmetic3A_469 = arith.constant 31 : i32
        %shift_right_arithmetic3A_470 = vector.broadcast %shift_right_arithmetic3A_469 : i32 to vector<16xi32>
        %shift_right_arithmetic3A_471 = arith.shrsi %sub3A_468, %shift_right_arithmetic3A_470 : vector<16xi32>
        %and3A_472 = arith.andi %shift_right_arithmetic3A_471, %sub3A_468 : vector<16xi32>
        %add3A_473 = arith.addi %add3A_435, %and3A_472 : vector<16xi32>
        %sub3A_474 = arith.subi %add3A_464, %and3A_472 : vector<16xi32>
        %sub3A_475 = arith.subi %add3A_467, %add3A_439 : vector<16xi32>
        %and3A_476 = arith.andi %shift_right_arithmetic3A_471, %sub3A_475 : vector<16xi32>
        %add3A_477 = arith.addi %add3A_439, %and3A_476 : vector<16xi32>
        %sub3A_478 = arith.subi %add3A_467, %and3A_476 : vector<16xi32>
        %add3A_479 = arith.constant 9 : i32
        %add3A_480 = vector.broadcast %add3A_479 : i32 to vector<16xi32>
        %add3A_481 = arith.addi %add3A_130, %add3A_480 : vector<16xi32>
        %gather3A_482 = tpu.vector_load_idx %arg5[%broadcast_in_dim3A_5, %broadcast_in_dim3A_5, %add3A_481] : memref<2x320x97xf32, #tpu.memory_space<vmem>>[vector<16xi32>, vector<16xi32>, vector<16xi32>], vector<16xf32>,
        %bitcast3A_483 = vector.bitcast %gather3A_482 : vector<16xf32> to vector<16xi32>
        %and3A_484 = arith.constant 2147483647 : i32
        %and3A_485 = vector.broadcast %and3A_484 : i32 to vector<16xi32>
        %and3A_486 = arith.andi %bitcast3A_483, %and3A_485 : vector<16xi32>
        %shift_right_arithmetic3A_487 = arith.constant 31 : i32
        %shift_right_arithmetic3A_488 = vector.broadcast %shift_right_arithmetic3A_487 : i32 to vector<16xi32>
        %shift_right_arithmetic3A_489 = arith.shrsi %bitcast3A_483, %shift_right_arithmetic3A_488 : vector<16xi32>
        %and3A_490 = arith.constant 16384 : i32
        %and3A_491 = vector.broadcast %and3A_490 : i32 to vector<16xi32>
        %and3A_492 = arith.andi %shift_right_arithmetic3A_489, %and3A_491 : vector<16xi32>
        %add3A_493 = arith.addi %add3A_455, %and3A_492 : vector<16xi32>
        %add3A_494 = arith.constant 9 : i32
        %add3A_495 = vector.broadcast %add3A_494 : i32 to vector<16xi32>
        %add3A_496 = arith.addi %select_n3A_16, %add3A_495 : vector<16xi32>
        %sub3A_497 = arith.subi %and3A_486, %sub3A_474 : vector<16xi32>
        %shift_right_arithmetic3A_498 = arith.constant 31 : i32
        %shift_right_arithmetic3A_499 = vector.broadcast %shift_right_arithmetic3A_498 : i32 to vector<16xi32>
        %shift_right_arithmetic3A_500 = arith.shrsi %sub3A_497, %shift_right_arithmetic3A_499 : vector<16xi32>
        %and3A_501 = arith.andi %shift_right_arithmetic3A_500, %sub3A_497 : vector<16xi32>
        %add3A_502 = arith.addi %sub3A_474, %and3A_501 : vector<16xi32>
        %sub3A_503 = arith.subi %add3A_496, %sub3A_478 : vector<16xi32>
        %and3A_504 = arith.andi %shift_right_arithmetic3A_500, %sub3A_503 : vector<16xi32>
        %add3A_505 = arith.addi %sub3A_478, %and3A_504 : vector<16xi32>
        %sub3A_506 = arith.subi %add3A_502, %add3A_473 : vector<16xi32>
        %shift_right_arithmetic3A_507 = arith.constant 31 : i32
        %shift_right_arithmetic3A_508 = vector.broadcast %shift_right_arithmetic3A_507 : i32 to vector<16xi32>
        %shift_right_arithmetic3A_509 = arith.shrsi %sub3A_506, %shift_right_arithmetic3A_508 : vector<16xi32>
        %and3A_510 = arith.andi %shift_right_arithmetic3A_509, %sub3A_506 : vector<16xi32>
        %add3A_511 = arith.addi %add3A_473, %and3A_510 : vector<16xi32>
        %sub3A_512 = arith.subi %add3A_502, %and3A_510 : vector<16xi32>
        %sub3A_513 = arith.subi %add3A_505, %add3A_477 : vector<16xi32>
        %and3A_514 = arith.andi %shift_right_arithmetic3A_509, %sub3A_513 : vector<16xi32>
        %add3A_515 = arith.addi %add3A_477, %and3A_514 : vector<16xi32>
        %sub3A_516 = arith.subi %add3A_505, %and3A_514 : vector<16xi32>
        %add3A_517 = arith.constant 10 : i32
        %add3A_518 = vector.broadcast %add3A_517 : i32 to vector<16xi32>
        %add3A_519 = arith.addi %add3A_130, %add3A_518 : vector<16xi32>
        %gather3A_520 = tpu.vector_load_idx %arg5[%broadcast_in_dim3A_5, %broadcast_in_dim3A_5, %add3A_519] : memref<2x320x97xf32, #tpu.memory_space<vmem>>[vector<16xi32>, vector<16xi32>, vector<16xi32>], vector<16xf32>,
        %bitcast3A_521 = vector.bitcast %gather3A_520 : vector<16xf32> to vector<16xi32>
        %and3A_522 = arith.constant 2147483647 : i32
        %and3A_523 = vector.broadcast %and3A_522 : i32 to vector<16xi32>
        %and3A_524 = arith.andi %bitcast3A_521, %and3A_523 : vector<16xi32>
        %shift_right_arithmetic3A_525 = arith.constant 31 : i32
        %shift_right_arithmetic3A_526 = vector.broadcast %shift_right_arithmetic3A_525 : i32 to vector<16xi32>
        %shift_right_arithmetic3A_527 = arith.shrsi %bitcast3A_521, %shift_right_arithmetic3A_526 : vector<16xi32>
        %and3A_528 = arith.constant 8192 : i32
        %and3A_529 = vector.broadcast %and3A_528 : i32 to vector<16xi32>
        %and3A_530 = arith.andi %shift_right_arithmetic3A_527, %and3A_529 : vector<16xi32>
        %add3A_531 = arith.addi %add3A_493, %and3A_530 : vector<16xi32>
        %add3A_532 = arith.constant 10 : i32
        %add3A_533 = vector.broadcast %add3A_532 : i32 to vector<16xi32>
        %add3A_534 = arith.addi %select_n3A_16, %add3A_533 : vector<16xi32>
        %sub3A_535 = arith.subi %and3A_524, %sub3A_512 : vector<16xi32>
        %shift_right_arithmetic3A_536 = arith.constant 31 : i32
        %shift_right_arithmetic3A_537 = vector.broadcast %shift_right_arithmetic3A_536 : i32 to vector<16xi32>
        %shift_right_arithmetic3A_538 = arith.shrsi %sub3A_535, %shift_right_arithmetic3A_537 : vector<16xi32>
        %and3A_539 = arith.andi %shift_right_arithmetic3A_538, %sub3A_535 : vector<16xi32>
        %add3A_540 = arith.addi %sub3A_512, %and3A_539 : vector<16xi32>
        %sub3A_541 = arith.subi %add3A_534, %sub3A_516 : vector<16xi32>
        %and3A_542 = arith.andi %shift_right_arithmetic3A_538, %sub3A_541 : vector<16xi32>
        %add3A_543 = arith.addi %sub3A_516, %and3A_542 : vector<16xi32>
        %sub3A_544 = arith.subi %add3A_540, %add3A_511 : vector<16xi32>
        %shift_right_arithmetic3A_545 = arith.constant 31 : i32
        %shift_right_arithmetic3A_546 = vector.broadcast %shift_right_arithmetic3A_545 : i32 to vector<16xi32>
        %shift_right_arithmetic3A_547 = arith.shrsi %sub3A_544, %shift_right_arithmetic3A_546 : vector<16xi32>
        %and3A_548 = arith.andi %shift_right_arithmetic3A_547, %sub3A_544 : vector<16xi32>
        %add3A_549 = arith.addi %add3A_511, %and3A_548 : vector<16xi32>
        %sub3A_550 = arith.subi %add3A_540, %and3A_548 : vector<16xi32>
        %sub3A_551 = arith.subi %add3A_543, %add3A_515 : vector<16xi32>
        %and3A_552 = arith.andi %shift_right_arithmetic3A_547, %sub3A_551 : vector<16xi32>
        %add3A_553 = arith.addi %add3A_515, %and3A_552 : vector<16xi32>
        %sub3A_554 = arith.subi %add3A_543, %and3A_552 : vector<16xi32>
        %add3A_555 = arith.constant 11 : i32
        %add3A_556 = vector.broadcast %add3A_555 : i32 to vector<16xi32>
        %add3A_557 = arith.addi %add3A_130, %add3A_556 : vector<16xi32>
        %gather3A_558 = tpu.vector_load_idx %arg5[%broadcast_in_dim3A_5, %broadcast_in_dim3A_5, %add3A_557] : memref<2x320x97xf32, #tpu.memory_space<vmem>>[vector<16xi32>, vector<16xi32>, vector<16xi32>], vector<16xf32>,
        %bitcast3A_559 = vector.bitcast %gather3A_558 : vector<16xf32> to vector<16xi32>
        %and3A_560 = arith.constant 2147483647 : i32
        %and3A_561 = vector.broadcast %and3A_560 : i32 to vector<16xi32>
        %and3A_562 = arith.andi %bitcast3A_559, %and3A_561 : vector<16xi32>
        %shift_right_arithmetic3A_563 = arith.constant 31 : i32
        %shift_right_arithmetic3A_564 = vector.broadcast %shift_right_arithmetic3A_563 : i32 to vector<16xi32>
        %shift_right_arithmetic3A_565 = arith.shrsi %bitcast3A_559, %shift_right_arithmetic3A_564 : vector<16xi32>
        %and3A_566 = arith.constant 4096 : i32
        %and3A_567 = vector.broadcast %and3A_566 : i32 to vector<16xi32>
        %and3A_568 = arith.andi %shift_right_arithmetic3A_565, %and3A_567 : vector<16xi32>
        %add3A_569 = arith.addi %add3A_531, %and3A_568 : vector<16xi32>
        %add3A_570 = arith.constant 11 : i32
        %add3A_571 = vector.broadcast %add3A_570 : i32 to vector<16xi32>
        %add3A_572 = arith.addi %select_n3A_16, %add3A_571 : vector<16xi32>
        %sub3A_573 = arith.subi %and3A_562, %sub3A_550 : vector<16xi32>
        %shift_right_arithmetic3A_574 = arith.constant 31 : i32
        %shift_right_arithmetic3A_575 = vector.broadcast %shift_right_arithmetic3A_574 : i32 to vector<16xi32>
        %shift_right_arithmetic3A_576 = arith.shrsi %sub3A_573, %shift_right_arithmetic3A_575 : vector<16xi32>
        %and3A_577 = arith.andi %shift_right_arithmetic3A_576, %sub3A_573 : vector<16xi32>
        %add3A_578 = arith.addi %sub3A_550, %and3A_577 : vector<16xi32>
        %sub3A_579 = arith.subi %add3A_572, %sub3A_554 : vector<16xi32>
        %and3A_580 = arith.andi %shift_right_arithmetic3A_576, %sub3A_579 : vector<16xi32>
        %add3A_581 = arith.addi %sub3A_554, %and3A_580 : vector<16xi32>
        %sub3A_582 = arith.subi %add3A_578, %add3A_549 : vector<16xi32>
        %shift_right_arithmetic3A_583 = arith.constant 31 : i32
        %shift_right_arithmetic3A_584 = vector.broadcast %shift_right_arithmetic3A_583 : i32 to vector<16xi32>
        %shift_right_arithmetic3A_585 = arith.shrsi %sub3A_582, %shift_right_arithmetic3A_584 : vector<16xi32>
        %and3A_586 = arith.andi %shift_right_arithmetic3A_585, %sub3A_582 : vector<16xi32>
        %add3A_587 = arith.addi %add3A_549, %and3A_586 : vector<16xi32>
        %sub3A_588 = arith.subi %add3A_578, %and3A_586 : vector<16xi32>
        %sub3A_589 = arith.subi %add3A_581, %add3A_553 : vector<16xi32>
        %and3A_590 = arith.andi %shift_right_arithmetic3A_585, %sub3A_589 : vector<16xi32>
        %add3A_591 = arith.addi %add3A_553, %and3A_590 : vector<16xi32>
        %sub3A_592 = arith.subi %add3A_581, %and3A_590 : vector<16xi32>
        %add3A_593 = arith.constant 12 : i32
        %add3A_594 = vector.broadcast %add3A_593 : i32 to vector<16xi32>
        %add3A_595 = arith.addi %add3A_130, %add3A_594 : vector<16xi32>
        %gather3A_596 = tpu.vector_load_idx %arg5[%broadcast_in_dim3A_5, %broadcast_in_dim3A_5, %add3A_595] : memref<2x320x97xf32, #tpu.memory_space<vmem>>[vector<16xi32>, vector<16xi32>, vector<16xi32>], vector<16xf32>,
        %bitcast3A_597 = vector.bitcast %gather3A_596 : vector<16xf32> to vector<16xi32>
        %and3A_598 = arith.constant 2147483647 : i32
        %and3A_599 = vector.broadcast %and3A_598 : i32 to vector<16xi32>
        %and3A_600 = arith.andi %bitcast3A_597, %and3A_599 : vector<16xi32>
        %shift_right_arithmetic3A_601 = arith.constant 31 : i32
        %shift_right_arithmetic3A_602 = vector.broadcast %shift_right_arithmetic3A_601 : i32 to vector<16xi32>
        %shift_right_arithmetic3A_603 = arith.shrsi %bitcast3A_597, %shift_right_arithmetic3A_602 : vector<16xi32>
        %and3A_604 = arith.constant 2048 : i32
        %and3A_605 = vector.broadcast %and3A_604 : i32 to vector<16xi32>
        %and3A_606 = arith.andi %shift_right_arithmetic3A_603, %and3A_605 : vector<16xi32>
        %add3A_607 = arith.addi %add3A_569, %and3A_606 : vector<16xi32>
        %add3A_608 = arith.constant 12 : i32
        %add3A_609 = vector.broadcast %add3A_608 : i32 to vector<16xi32>
        %add3A_610 = arith.addi %select_n3A_16, %add3A_609 : vector<16xi32>
        %sub3A_611 = arith.subi %and3A_600, %sub3A_588 : vector<16xi32>
        %shift_right_arithmetic3A_612 = arith.constant 31 : i32
        %shift_right_arithmetic3A_613 = vector.broadcast %shift_right_arithmetic3A_612 : i32 to vector<16xi32>
        %shift_right_arithmetic3A_614 = arith.shrsi %sub3A_611, %shift_right_arithmetic3A_613 : vector<16xi32>
        %and3A_615 = arith.andi %shift_right_arithmetic3A_614, %sub3A_611 : vector<16xi32>
        %add3A_616 = arith.addi %sub3A_588, %and3A_615 : vector<16xi32>
        %sub3A_617 = arith.subi %add3A_610, %sub3A_592 : vector<16xi32>
        %and3A_618 = arith.andi %shift_right_arithmetic3A_614, %sub3A_617 : vector<16xi32>
        %add3A_619 = arith.addi %sub3A_592, %and3A_618 : vector<16xi32>
        %sub3A_620 = arith.subi %add3A_616, %add3A_587 : vector<16xi32>
        %shift_right_arithmetic3A_621 = arith.constant 31 : i32
        %shift_right_arithmetic3A_622 = vector.broadcast %shift_right_arithmetic3A_621 : i32 to vector<16xi32>
        %shift_right_arithmetic3A_623 = arith.shrsi %sub3A_620, %shift_right_arithmetic3A_622 : vector<16xi32>
        %and3A_624 = arith.andi %shift_right_arithmetic3A_623, %sub3A_620 : vector<16xi32>
        %add3A_625 = arith.addi %add3A_587, %and3A_624 : vector<16xi32>
        %sub3A_626 = arith.subi %add3A_616, %and3A_624 : vector<16xi32>
        %sub3A_627 = arith.subi %add3A_619, %add3A_591 : vector<16xi32>
        %and3A_628 = arith.andi %shift_right_arithmetic3A_623, %sub3A_627 : vector<16xi32>
        %add3A_629 = arith.addi %add3A_591, %and3A_628 : vector<16xi32>
        %sub3A_630 = arith.subi %add3A_619, %and3A_628 : vector<16xi32>
        %add3A_631 = arith.constant 13 : i32
        %add3A_632 = vector.broadcast %add3A_631 : i32 to vector<16xi32>
        %add3A_633 = arith.addi %add3A_130, %add3A_632 : vector<16xi32>
        %gather3A_634 = tpu.vector_load_idx %arg5[%broadcast_in_dim3A_5, %broadcast_in_dim3A_5, %add3A_633] : memref<2x320x97xf32, #tpu.memory_space<vmem>>[vector<16xi32>, vector<16xi32>, vector<16xi32>], vector<16xf32>,
        %bitcast3A_635 = vector.bitcast %gather3A_634 : vector<16xf32> to vector<16xi32>
        %and3A_636 = arith.constant 2147483647 : i32
        %and3A_637 = vector.broadcast %and3A_636 : i32 to vector<16xi32>
        %and3A_638 = arith.andi %bitcast3A_635, %and3A_637 : vector<16xi32>
        %shift_right_arithmetic3A_639 = arith.constant 31 : i32
        %shift_right_arithmetic3A_640 = vector.broadcast %shift_right_arithmetic3A_639 : i32 to vector<16xi32>
        %shift_right_arithmetic3A_641 = arith.shrsi %bitcast3A_635, %shift_right_arithmetic3A_640 : vector<16xi32>
        %and3A_642 = arith.constant 1024 : i32
        %and3A_643 = vector.broadcast %and3A_642 : i32 to vector<16xi32>
        %and3A_644 = arith.andi %shift_right_arithmetic3A_641, %and3A_643 : vector<16xi32>
        %add3A_645 = arith.addi %add3A_607, %and3A_644 : vector<16xi32>
        %add3A_646 = arith.constant 13 : i32
        %add3A_647 = vector.broadcast %add3A_646 : i32 to vector<16xi32>
        %add3A_648 = arith.addi %select_n3A_16, %add3A_647 : vector<16xi32>
        %sub3A_649 = arith.subi %and3A_638, %sub3A_626 : vector<16xi32>
        %shift_right_arithmetic3A_650 = arith.constant 31 : i32
        %shift_right_arithmetic3A_651 = vector.broadcast %shift_right_arithmetic3A_650 : i32 to vector<16xi32>
        %shift_right_arithmetic3A_652 = arith.shrsi %sub3A_649, %shift_right_arithmetic3A_651 : vector<16xi32>
        %and3A_653 = arith.andi %shift_right_arithmetic3A_652, %sub3A_649 : vector<16xi32>
        %add3A_654 = arith.addi %sub3A_626, %and3A_653 : vector<16xi32>
        %sub3A_655 = arith.subi %add3A_648, %sub3A_630 : vector<16xi32>
        %and3A_656 = arith.andi %shift_right_arithmetic3A_652, %sub3A_655 : vector<16xi32>
        %add3A_657 = arith.addi %sub3A_630, %and3A_656 : vector<16xi32>
        %sub3A_658 = arith.subi %add3A_654, %add3A_625 : vector<16xi32>
        %shift_right_arithmetic3A_659 = arith.constant 31 : i32
        %shift_right_arithmetic3A_660 = vector.broadcast %shift_right_arithmetic3A_659 : i32 to vector<16xi32>
        %shift_right_arithmetic3A_661 = arith.shrsi %sub3A_658, %shift_right_arithmetic3A_660 : vector<16xi32>
        %and3A_662 = arith.andi %shift_right_arithmetic3A_661, %sub3A_658 : vector<16xi32>
        %add3A_663 = arith.addi %add3A_625, %and3A_662 : vector<16xi32>
        %sub3A_664 = arith.subi %add3A_654, %and3A_662 : vector<16xi32>
        %sub3A_665 = arith.subi %add3A_657, %add3A_629 : vector<16xi32>
        %and3A_666 = arith.andi %shift_right_arithmetic3A_661, %sub3A_665 : vector<16xi32>
        %add3A_667 = arith.addi %add3A_629, %and3A_666 : vector<16xi32>
        %sub3A_668 = arith.subi %add3A_657, %and3A_666 : vector<16xi32>
        %add3A_669 = arith.constant 14 : i32
        %add3A_670 = vector.broadcast %add3A_669 : i32 to vector<16xi32>
        %add3A_671 = arith.addi %add3A_130, %add3A_670 : vector<16xi32>
        %gather3A_672 = tpu.vector_load_idx %arg5[%broadcast_in_dim3A_5, %broadcast_in_dim3A_5, %add3A_671] : memref<2x320x97xf32, #tpu.memory_space<vmem>>[vector<16xi32>, vector<16xi32>, vector<16xi32>], vector<16xf32>,
        %bitcast3A_673 = vector.bitcast %gather3A_672 : vector<16xf32> to vector<16xi32>
        %and3A_674 = arith.constant 2147483647 : i32
        %and3A_675 = vector.broadcast %and3A_674 : i32 to vector<16xi32>
        %and3A_676 = arith.andi %bitcast3A_673, %and3A_675 : vector<16xi32>
        %shift_right_arithmetic3A_677 = arith.constant 31 : i32
        %shift_right_arithmetic3A_678 = vector.broadcast %shift_right_arithmetic3A_677 : i32 to vector<16xi32>
        %shift_right_arithmetic3A_679 = arith.shrsi %bitcast3A_673, %shift_right_arithmetic3A_678 : vector<16xi32>
        %and3A_680 = arith.constant 512 : i32
        %and3A_681 = vector.broadcast %and3A_680 : i32 to vector<16xi32>
        %and3A_682 = arith.andi %shift_right_arithmetic3A_679, %and3A_681 : vector<16xi32>
        %add3A_683 = arith.addi %add3A_645, %and3A_682 : vector<16xi32>
        %add3A_684 = arith.constant 14 : i32
        %add3A_685 = vector.broadcast %add3A_684 : i32 to vector<16xi32>
        %add3A_686 = arith.addi %select_n3A_16, %add3A_685 : vector<16xi32>
        %sub3A_687 = arith.subi %and3A_676, %sub3A_664 : vector<16xi32>
        %shift_right_arithmetic3A_688 = arith.constant 31 : i32
        %shift_right_arithmetic3A_689 = vector.broadcast %shift_right_arithmetic3A_688 : i32 to vector<16xi32>
        %shift_right_arithmetic3A_690 = arith.shrsi %sub3A_687, %shift_right_arithmetic3A_689 : vector<16xi32>
        %and3A_691 = arith.andi %shift_right_arithmetic3A_690, %sub3A_687 : vector<16xi32>
        %add3A_692 = arith.addi %sub3A_664, %and3A_691 : vector<16xi32>
        %sub3A_693 = arith.subi %add3A_686, %sub3A_668 : vector<16xi32>
        %and3A_694 = arith.andi %shift_right_arithmetic3A_690, %sub3A_693 : vector<16xi32>
        %add3A_695 = arith.addi %sub3A_668, %and3A_694 : vector<16xi32>
        %sub3A_696 = arith.subi %add3A_692, %add3A_663 : vector<16xi32>
        %shift_right_arithmetic3A_697 = arith.constant 31 : i32
        %shift_right_arithmetic3A_698 = vector.broadcast %shift_right_arithmetic3A_697 : i32 to vector<16xi32>
        %shift_right_arithmetic3A_699 = arith.shrsi %sub3A_696, %shift_right_arithmetic3A_698 : vector<16xi32>
        %and3A_700 = arith.andi %shift_right_arithmetic3A_699, %sub3A_696 : vector<16xi32>
        %add3A_701 = arith.addi %add3A_663, %and3A_700 : vector<16xi32>
        %sub3A_702 = arith.subi %add3A_692, %and3A_700 : vector<16xi32>
        %sub3A_703 = arith.subi %add3A_695, %add3A_667 : vector<16xi32>
        %and3A_704 = arith.andi %shift_right_arithmetic3A_699, %sub3A_703 : vector<16xi32>
        %add3A_705 = arith.addi %add3A_667, %and3A_704 : vector<16xi32>
        %sub3A_706 = arith.subi %add3A_695, %and3A_704 : vector<16xi32>
        %add3A_707 = arith.constant 15 : i32
        %add3A_708 = vector.broadcast %add3A_707 : i32 to vector<16xi32>
        %add3A_709 = arith.addi %add3A_130, %add3A_708 : vector<16xi32>
        %gather3A_710 = tpu.vector_load_idx %arg5[%broadcast_in_dim3A_5, %broadcast_in_dim3A_5, %add3A_709] : memref<2x320x97xf32, #tpu.memory_space<vmem>>[vector<16xi32>, vector<16xi32>, vector<16xi32>], vector<16xf32>,
        %bitcast3A_711 = vector.bitcast %gather3A_710 : vector<16xf32> to vector<16xi32>
        %and3A_712 = arith.constant 2147483647 : i32
        %and3A_713 = vector.broadcast %and3A_712 : i32 to vector<16xi32>
        %and3A_714 = arith.andi %bitcast3A_711, %and3A_713 : vector<16xi32>
        %shift_right_arithmetic3A_715 = arith.constant 31 : i32
        %shift_right_arithmetic3A_716 = vector.broadcast %shift_right_arithmetic3A_715 : i32 to vector<16xi32>
        %shift_right_arithmetic3A_717 = arith.shrsi %bitcast3A_711, %shift_right_arithmetic3A_716 : vector<16xi32>
        %and3A_718 = arith.constant 256 : i32
        %and3A_719 = vector.broadcast %and3A_718 : i32 to vector<16xi32>
        %and3A_720 = arith.andi %shift_right_arithmetic3A_717, %and3A_719 : vector<16xi32>
        %add3A_721 = arith.addi %add3A_683, %and3A_720 : vector<16xi32>
        %add3A_722 = arith.constant 15 : i32
        %add3A_723 = vector.broadcast %add3A_722 : i32 to vector<16xi32>
        %add3A_724 = arith.addi %select_n3A_16, %add3A_723 : vector<16xi32>
        %sub3A_725 = arith.subi %and3A_714, %sub3A_702 : vector<16xi32>
        %shift_right_arithmetic3A_726 = arith.constant 31 : i32
        %shift_right_arithmetic3A_727 = vector.broadcast %shift_right_arithmetic3A_726 : i32 to vector<16xi32>
        %shift_right_arithmetic3A_728 = arith.shrsi %sub3A_725, %shift_right_arithmetic3A_727 : vector<16xi32>
        %and3A_729 = arith.andi %shift_right_arithmetic3A_728, %sub3A_725 : vector<16xi32>
        %add3A_730 = arith.addi %sub3A_702, %and3A_729 : vector<16xi32>
        %sub3A_731 = arith.subi %add3A_724, %sub3A_706 : vector<16xi32>
        %and3A_732 = arith.andi %shift_right_arithmetic3A_728, %sub3A_731 : vector<16xi32>
        %add3A_733 = arith.addi %sub3A_706, %and3A_732 : vector<16xi32>
        %sub3A_734 = arith.subi %add3A_730, %add3A_701 : vector<16xi32>
        %shift_right_arithmetic3A_735 = arith.constant 31 : i32
        %shift_right_arithmetic3A_736 = vector.broadcast %shift_right_arithmetic3A_735 : i32 to vector<16xi32>
        %shift_right_arithmetic3A_737 = arith.shrsi %sub3A_734, %shift_right_arithmetic3A_736 : vector<16xi32>
        %and3A_738 = arith.andi %shift_right_arithmetic3A_737, %sub3A_734 : vector<16xi32>
        %add3A_739 = arith.addi %add3A_701, %and3A_738 : vector<16xi32>
        %sub3A_740 = arith.subi %add3A_730, %and3A_738 : vector<16xi32>
        %sub3A_741 = arith.subi %add3A_733, %add3A_705 : vector<16xi32>
        %and3A_742 = arith.andi %shift_right_arithmetic3A_737, %sub3A_741 : vector<16xi32>
        %add3A_743 = arith.addi %add3A_705, %and3A_742 : vector<16xi32>
        %sub3A_744 = arith.subi %add3A_733, %and3A_742 : vector<16xi32>
        %add3A_745 = arith.constant 16 : i32
        %add3A_746 = vector.broadcast %add3A_745 : i32 to vector<16xi32>
        %add3A_747 = arith.addi %add3A_130, %add3A_746 : vector<16xi32>
        %gather3A_748 = tpu.vector_load_idx %arg5[%broadcast_in_dim3A_5, %broadcast_in_dim3A_5, %add3A_747] : memref<2x320x97xf32, #tpu.memory_space<vmem>>[vector<16xi32>, vector<16xi32>, vector<16xi32>], vector<16xf32>,
        %bitcast3A_749 = vector.bitcast %gather3A_748 : vector<16xf32> to vector<16xi32>
        %and3A_750 = arith.constant 2147483647 : i32
        %and3A_751 = vector.broadcast %and3A_750 : i32 to vector<16xi32>
        %and3A_752 = arith.andi %bitcast3A_749, %and3A_751 : vector<16xi32>
        %shift_right_arithmetic3A_753 = arith.constant 31 : i32
        %shift_right_arithmetic3A_754 = vector.broadcast %shift_right_arithmetic3A_753 : i32 to vector<16xi32>
        %shift_right_arithmetic3A_755 = arith.shrsi %bitcast3A_749, %shift_right_arithmetic3A_754 : vector<16xi32>
        %and3A_756 = arith.constant 128 : i32
        %and3A_757 = vector.broadcast %and3A_756 : i32 to vector<16xi32>
        %and3A_758 = arith.andi %shift_right_arithmetic3A_755, %and3A_757 : vector<16xi32>
        %add3A_759 = arith.addi %add3A_721, %and3A_758 : vector<16xi32>
        %add3A_760 = arith.constant 16 : i32
        %add3A_761 = vector.broadcast %add3A_760 : i32 to vector<16xi32>
        %add3A_762 = arith.addi %select_n3A_16, %add3A_761 : vector<16xi32>
        %sub3A_763 = arith.subi %and3A_752, %sub3A_740 : vector<16xi32>
        %shift_right_arithmetic3A_764 = arith.constant 31 : i32
        %shift_right_arithmetic3A_765 = vector.broadcast %shift_right_arithmetic3A_764 : i32 to vector<16xi32>
        %shift_right_arithmetic3A_766 = arith.shrsi %sub3A_763, %shift_right_arithmetic3A_765 : vector<16xi32>
        %and3A_767 = arith.andi %shift_right_arithmetic3A_766, %sub3A_763 : vector<16xi32>
        %add3A_768 = arith.addi %sub3A_740, %and3A_767 : vector<16xi32>
        %sub3A_769 = arith.subi %add3A_762, %sub3A_744 : vector<16xi32>
        %and3A_770 = arith.andi %shift_right_arithmetic3A_766, %sub3A_769 : vector<16xi32>
        %add3A_771 = arith.addi %sub3A_744, %and3A_770 : vector<16xi32>
        %sub3A_772 = arith.subi %add3A_768, %add3A_739 : vector<16xi32>
        %shift_right_arithmetic3A_773 = arith.constant 31 : i32
        %shift_right_arithmetic3A_774 = vector.broadcast %shift_right_arithmetic3A_773 : i32 to vector<16xi32>
        %shift_right_arithmetic3A_775 = arith.shrsi %sub3A_772, %shift_right_arithmetic3A_774 : vector<16xi32>
        %and3A_776 = arith.andi %shift_right_arithmetic3A_775, %sub3A_772 : vector<16xi32>
        %add3A_777 = arith.addi %add3A_739, %and3A_776 : vector<16xi32>
        %sub3A_778 = arith.subi %add3A_768, %and3A_776 : vector<16xi32>
        %sub3A_779 = arith.subi %add3A_771, %add3A_743 : vector<16xi32>
        %and3A_780 = arith.andi %shift_right_arithmetic3A_775, %sub3A_779 : vector<16xi32>
        %add3A_781 = arith.addi %add3A_743, %and3A_780 : vector<16xi32>
        %sub3A_782 = arith.subi %add3A_771, %and3A_780 : vector<16xi32>
        %add3A_783 = arith.constant 17 : i32
        %add3A_784 = vector.broadcast %add3A_783 : i32 to vector<16xi32>
        %add3A_785 = arith.addi %add3A_130, %add3A_784 : vector<16xi32>
        %gather3A_786 = tpu.vector_load_idx %arg5[%broadcast_in_dim3A_5, %broadcast_in_dim3A_5, %add3A_785] : memref<2x320x97xf32, #tpu.memory_space<vmem>>[vector<16xi32>, vector<16xi32>, vector<16xi32>], vector<16xf32>,
        %bitcast3A_787 = vector.bitcast %gather3A_786 : vector<16xf32> to vector<16xi32>
        %and3A_788 = arith.constant 2147483647 : i32
        %and3A_789 = vector.broadcast %and3A_788 : i32 to vector<16xi32>
        %and3A_790 = arith.andi %bitcast3A_787, %and3A_789 : vector<16xi32>
        %shift_right_arithmetic3A_791 = arith.constant 31 : i32
        %shift_right_arithmetic3A_792 = vector.broadcast %shift_right_arithmetic3A_791 : i32 to vector<16xi32>
        %shift_right_arithmetic3A_793 = arith.shrsi %bitcast3A_787, %shift_right_arithmetic3A_792 : vector<16xi32>
        %and3A_794 = arith.constant 64 : i32
        %and3A_795 = vector.broadcast %and3A_794 : i32 to vector<16xi32>
        %and3A_796 = arith.andi %shift_right_arithmetic3A_793, %and3A_795 : vector<16xi32>
        %add3A_797 = arith.addi %add3A_759, %and3A_796 : vector<16xi32>
        %add3A_798 = arith.constant 17 : i32
        %add3A_799 = vector.broadcast %add3A_798 : i32 to vector<16xi32>
        %add3A_800 = arith.addi %select_n3A_16, %add3A_799 : vector<16xi32>
        %sub3A_801 = arith.subi %and3A_790, %sub3A_778 : vector<16xi32>
        %shift_right_arithmetic3A_802 = arith.constant 31 : i32
        %shift_right_arithmetic3A_803 = vector.broadcast %shift_right_arithmetic3A_802 : i32 to vector<16xi32>
        %shift_right_arithmetic3A_804 = arith.shrsi %sub3A_801, %shift_right_arithmetic3A_803 : vector<16xi32>
        %and3A_805 = arith.andi %shift_right_arithmetic3A_804, %sub3A_801 : vector<16xi32>
        %add3A_806 = arith.addi %sub3A_778, %and3A_805 : vector<16xi32>
        %sub3A_807 = arith.subi %add3A_800, %sub3A_782 : vector<16xi32>
        %and3A_808 = arith.andi %shift_right_arithmetic3A_804, %sub3A_807 : vector<16xi32>
        %add3A_809 = arith.addi %sub3A_782, %and3A_808 : vector<16xi32>
        %sub3A_810 = arith.subi %add3A_806, %add3A_777 : vector<16xi32>
        %shift_right_arithmetic3A_811 = arith.constant 31 : i32
        %shift_right_arithmetic3A_812 = vector.broadcast %shift_right_arithmetic3A_811 : i32 to vector<16xi32>
        %shift_right_arithmetic3A_813 = arith.shrsi %sub3A_810, %shift_right_arithmetic3A_812 : vector<16xi32>
        %and3A_814 = arith.andi %shift_right_arithmetic3A_813, %sub3A_810 : vector<16xi32>
        %add3A_815 = arith.addi %add3A_777, %and3A_814 : vector<16xi32>
        %sub3A_816 = arith.subi %add3A_806, %and3A_814 : vector<16xi32>
        %sub3A_817 = arith.subi %add3A_809, %add3A_781 : vector<16xi32>
        %and3A_818 = arith.andi %shift_right_arithmetic3A_813, %sub3A_817 : vector<16xi32>
        %add3A_819 = arith.addi %add3A_781, %and3A_818 : vector<16xi32>
        %sub3A_820 = arith.subi %add3A_809, %and3A_818 : vector<16xi32>
        %add3A_821 = arith.constant 18 : i32
        %add3A_822 = vector.broadcast %add3A_821 : i32 to vector<16xi32>
        %add3A_823 = arith.addi %add3A_130, %add3A_822 : vector<16xi32>
        %gather3A_824 = tpu.vector_load_idx %arg5[%broadcast_in_dim3A_5, %broadcast_in_dim3A_5, %add3A_823] : memref<2x320x97xf32, #tpu.memory_space<vmem>>[vector<16xi32>, vector<16xi32>, vector<16xi32>], vector<16xf32>,
        %bitcast3A_825 = vector.bitcast %gather3A_824 : vector<16xf32> to vector<16xi32>
        %and3A_826 = arith.constant 2147483647 : i32
        %and3A_827 = vector.broadcast %and3A_826 : i32 to vector<16xi32>
        %and3A_828 = arith.andi %bitcast3A_825, %and3A_827 : vector<16xi32>
        %shift_right_arithmetic3A_829 = arith.constant 31 : i32
        %shift_right_arithmetic3A_830 = vector.broadcast %shift_right_arithmetic3A_829 : i32 to vector<16xi32>
        %shift_right_arithmetic3A_831 = arith.shrsi %bitcast3A_825, %shift_right_arithmetic3A_830 : vector<16xi32>
        %and3A_832 = arith.constant 32 : i32
        %and3A_833 = vector.broadcast %and3A_832 : i32 to vector<16xi32>
        %and3A_834 = arith.andi %shift_right_arithmetic3A_831, %and3A_833 : vector<16xi32>
        %add3A_835 = arith.addi %add3A_797, %and3A_834 : vector<16xi32>
        %add3A_836 = arith.constant 18 : i32
        %add3A_837 = vector.broadcast %add3A_836 : i32 to vector<16xi32>
        %add3A_838 = arith.addi %select_n3A_16, %add3A_837 : vector<16xi32>
        %sub3A_839 = arith.subi %and3A_828, %sub3A_816 : vector<16xi32>
        %shift_right_arithmetic3A_840 = arith.constant 31 : i32
        %shift_right_arithmetic3A_841 = vector.broadcast %shift_right_arithmetic3A_840 : i32 to vector<16xi32>
        %shift_right_arithmetic3A_842 = arith.shrsi %sub3A_839, %shift_right_arithmetic3A_841 : vector<16xi32>
        %and3A_843 = arith.andi %shift_right_arithmetic3A_842, %sub3A_839 : vector<16xi32>
        %add3A_844 = arith.addi %sub3A_816, %and3A_843 : vector<16xi32>
        %sub3A_845 = arith.subi %add3A_838, %sub3A_820 : vector<16xi32>
        %and3A_846 = arith.andi %shift_right_arithmetic3A_842, %sub3A_845 : vector<16xi32>
        %add3A_847 = arith.addi %sub3A_820, %and3A_846 : vector<16xi32>
        %sub3A_848 = arith.subi %add3A_844, %add3A_815 : vector<16xi32>
        %shift_right_arithmetic3A_849 = arith.constant 31 : i32
        %shift_right_arithmetic3A_850 = vector.broadcast %shift_right_arithmetic3A_849 : i32 to vector<16xi32>
        %shift_right_arithmetic3A_851 = arith.shrsi %sub3A_848, %shift_right_arithmetic3A_850 : vector<16xi32>
        %and3A_852 = arith.andi %shift_right_arithmetic3A_851, %sub3A_848 : vector<16xi32>
        %add3A_853 = arith.addi %add3A_815, %and3A_852 : vector<16xi32>
        %sub3A_854 = arith.subi %add3A_844, %and3A_852 : vector<16xi32>
        %sub3A_855 = arith.subi %add3A_847, %add3A_819 : vector<16xi32>
        %and3A_856 = arith.andi %shift_right_arithmetic3A_851, %sub3A_855 : vector<16xi32>
        %add3A_857 = arith.addi %add3A_819, %and3A_856 : vector<16xi32>
        %sub3A_858 = arith.subi %add3A_847, %and3A_856 : vector<16xi32>
        %add3A_859 = arith.constant 19 : i32
        %add3A_860 = vector.broadcast %add3A_859 : i32 to vector<16xi32>
        %add3A_861 = arith.addi %add3A_130, %add3A_860 : vector<16xi32>
        %gather3A_862 = tpu.vector_load_idx %arg5[%broadcast_in_dim3A_5, %broadcast_in_dim3A_5, %add3A_861] : memref<2x320x97xf32, #tpu.memory_space<vmem>>[vector<16xi32>, vector<16xi32>, vector<16xi32>], vector<16xf32>,
        %bitcast3A_863 = vector.bitcast %gather3A_862 : vector<16xf32> to vector<16xi32>
        %and3A_864 = arith.constant 2147483647 : i32
        %and3A_865 = vector.broadcast %and3A_864 : i32 to vector<16xi32>
        %and3A_866 = arith.andi %bitcast3A_863, %and3A_865 : vector<16xi32>
        %shift_right_arithmetic3A_867 = arith.constant 31 : i32
        %shift_right_arithmetic3A_868 = vector.broadcast %shift_right_arithmetic3A_867 : i32 to vector<16xi32>
        %shift_right_arithmetic3A_869 = arith.shrsi %bitcast3A_863, %shift_right_arithmetic3A_868 : vector<16xi32>
        %and3A_870 = arith.constant 16 : i32
        %and3A_871 = vector.broadcast %and3A_870 : i32 to vector<16xi32>
        %and3A_872 = arith.andi %shift_right_arithmetic3A_869, %and3A_871 : vector<16xi32>
        %add3A_873 = arith.addi %add3A_835, %and3A_872 : vector<16xi32>
        %add3A_874 = arith.constant 19 : i32
        %add3A_875 = vector.broadcast %add3A_874 : i32 to vector<16xi32>
        %add3A_876 = arith.addi %select_n3A_16, %add3A_875 : vector<16xi32>
        %sub3A_877 = arith.subi %and3A_866, %sub3A_854 : vector<16xi32>
        %shift_right_arithmetic3A_878 = arith.constant 31 : i32
        %shift_right_arithmetic3A_879 = vector.broadcast %shift_right_arithmetic3A_878 : i32 to vector<16xi32>
        %shift_right_arithmetic3A_880 = arith.shrsi %sub3A_877, %shift_right_arithmetic3A_879 : vector<16xi32>
        %and3A_881 = arith.andi %shift_right_arithmetic3A_880, %sub3A_877 : vector<16xi32>
        %add3A_882 = arith.addi %sub3A_854, %and3A_881 : vector<16xi32>
        %sub3A_883 = arith.subi %add3A_876, %sub3A_858 : vector<16xi32>
        %and3A_884 = arith.andi %shift_right_arithmetic3A_880, %sub3A_883 : vector<16xi32>
        %add3A_885 = arith.addi %sub3A_858, %and3A_884 : vector<16xi32>
        %sub3A_886 = arith.subi %add3A_882, %add3A_853 : vector<16xi32>
        %shift_right_arithmetic3A_887 = arith.constant 31 : i32
        %shift_right_arithmetic3A_888 = vector.broadcast %shift_right_arithmetic3A_887 : i32 to vector<16xi32>
        %shift_right_arithmetic3A_889 = arith.shrsi %sub3A_886, %shift_right_arithmetic3A_888 : vector<16xi32>
        %and3A_890 = arith.andi %shift_right_arithmetic3A_889, %sub3A_886 : vector<16xi32>
        %add3A_891 = arith.addi %add3A_853, %and3A_890 : vector<16xi32>
        %sub3A_892 = arith.subi %add3A_882, %and3A_890 : vector<16xi32>
        %sub3A_893 = arith.subi %add3A_885, %add3A_857 : vector<16xi32>
        %and3A_894 = arith.andi %shift_right_arithmetic3A_889, %sub3A_893 : vector<16xi32>
        %add3A_895 = arith.addi %add3A_857, %and3A_894 : vector<16xi32>
        %sub3A_896 = arith.subi %add3A_885, %and3A_894 : vector<16xi32>
        %add3A_897 = arith.constant 20 : i32
        %add3A_898 = vector.broadcast %add3A_897 : i32 to vector<16xi32>
        %add3A_899 = arith.addi %add3A_130, %add3A_898 : vector<16xi32>
        %gather3A_900 = tpu.vector_load_idx %arg5[%broadcast_in_dim3A_5, %broadcast_in_dim3A_5, %add3A_899] : memref<2x320x97xf32, #tpu.memory_space<vmem>>[vector<16xi32>, vector<16xi32>, vector<16xi32>], vector<16xf32>,
        %bitcast3A_901 = vector.bitcast %gather3A_900 : vector<16xf32> to vector<16xi32>
        %and3A_902 = arith.constant 2147483647 : i32
        %and3A_903 = vector.broadcast %and3A_902 : i32 to vector<16xi32>
        %and3A_904 = arith.andi %bitcast3A_901, %and3A_903 : vector<16xi32>
        %shift_right_arithmetic3A_905 = arith.constant 31 : i32
        %shift_right_arithmetic3A_906 = vector.broadcast %shift_right_arithmetic3A_905 : i32 to vector<16xi32>
        %shift_right_arithmetic3A_907 = arith.shrsi %bitcast3A_901, %shift_right_arithmetic3A_906 : vector<16xi32>
        %and3A_908 = arith.constant 8 : i32
        %and3A_909 = vector.broadcast %and3A_908 : i32 to vector<16xi32>
        %and3A_910 = arith.andi %shift_right_arithmetic3A_907, %and3A_909 : vector<16xi32>
        %add3A_911 = arith.addi %add3A_873, %and3A_910 : vector<16xi32>
        %add3A_912 = arith.constant 20 : i32
        %add3A_913 = vector.broadcast %add3A_912 : i32 to vector<16xi32>
        %add3A_914 = arith.addi %select_n3A_16, %add3A_913 : vector<16xi32>
        %sub3A_915 = arith.subi %and3A_904, %sub3A_892 : vector<16xi32>
        %shift_right_arithmetic3A_916 = arith.constant 31 : i32
        %shift_right_arithmetic3A_917 = vector.broadcast %shift_right_arithmetic3A_916 : i32 to vector<16xi32>
        %shift_right_arithmetic3A_918 = arith.shrsi %sub3A_915, %shift_right_arithmetic3A_917 : vector<16xi32>
        %and3A_919 = arith.andi %shift_right_arithmetic3A_918, %sub3A_915 : vector<16xi32>
        %add3A_920 = arith.addi %sub3A_892, %and3A_919 : vector<16xi32>
        %sub3A_921 = arith.subi %add3A_914, %sub3A_896 : vector<16xi32>
        %and3A_922 = arith.andi %shift_right_arithmetic3A_918, %sub3A_921 : vector<16xi32>
        %add3A_923 = arith.addi %sub3A_896, %and3A_922 : vector<16xi32>
        %sub3A_924 = arith.subi %add3A_920, %add3A_891 : vector<16xi32>
        %shift_right_arithmetic3A_925 = arith.constant 31 : i32
        %shift_right_arithmetic3A_926 = vector.broadcast %shift_right_arithmetic3A_925 : i32 to vector<16xi32>
        %shift_right_arithmetic3A_927 = arith.shrsi %sub3A_924, %shift_right_arithmetic3A_926 : vector<16xi32>
        %and3A_928 = arith.andi %shift_right_arithmetic3A_927, %sub3A_924 : vector<16xi32>
        %add3A_929 = arith.addi %add3A_891, %and3A_928 : vector<16xi32>
        %sub3A_930 = arith.subi %add3A_920, %and3A_928 : vector<16xi32>
        %sub3A_931 = arith.subi %add3A_923, %add3A_895 : vector<16xi32>
        %and3A_932 = arith.andi %shift_right_arithmetic3A_927, %sub3A_931 : vector<16xi32>
        %add3A_933 = arith.addi %add3A_895, %and3A_932 : vector<16xi32>
        %sub3A_934 = arith.subi %add3A_923, %and3A_932 : vector<16xi32>
        %add3A_935 = arith.constant 21 : i32
        %add3A_936 = vector.broadcast %add3A_935 : i32 to vector<16xi32>
        %add3A_937 = arith.addi %add3A_130, %add3A_936 : vector<16xi32>
        %gather3A_938 = tpu.vector_load_idx %arg5[%broadcast_in_dim3A_5, %broadcast_in_dim3A_5, %add3A_937] : memref<2x320x97xf32, #tpu.memory_space<vmem>>[vector<16xi32>, vector<16xi32>, vector<16xi32>], vector<16xf32>,
        %bitcast3A_939 = vector.bitcast %gather3A_938 : vector<16xf32> to vector<16xi32>
        %and3A_940 = arith.constant 2147483647 : i32
        %and3A_941 = vector.broadcast %and3A_940 : i32 to vector<16xi32>
        %and3A_942 = arith.andi %bitcast3A_939, %and3A_941 : vector<16xi32>
        %shift_right_arithmetic3A_943 = arith.constant 31 : i32
        %shift_right_arithmetic3A_944 = vector.broadcast %shift_right_arithmetic3A_943 : i32 to vector<16xi32>
        %shift_right_arithmetic3A_945 = arith.shrsi %bitcast3A_939, %shift_right_arithmetic3A_944 : vector<16xi32>
        %and3A_946 = arith.constant 4 : i32
        %and3A_947 = vector.broadcast %and3A_946 : i32 to vector<16xi32>
        %and3A_948 = arith.andi %shift_right_arithmetic3A_945, %and3A_947 : vector<16xi32>
        %add3A_949 = arith.addi %add3A_911, %and3A_948 : vector<16xi32>
        %add3A_950 = arith.constant 21 : i32
        %add3A_951 = vector.broadcast %add3A_950 : i32 to vector<16xi32>
        %add3A_952 = arith.addi %select_n3A_16, %add3A_951 : vector<16xi32>
        %sub3A_953 = arith.subi %and3A_942, %sub3A_930 : vector<16xi32>
        %shift_right_arithmetic3A_954 = arith.constant 31 : i32
        %shift_right_arithmetic3A_955 = vector.broadcast %shift_right_arithmetic3A_954 : i32 to vector<16xi32>
        %shift_right_arithmetic3A_956 = arith.shrsi %sub3A_953, %shift_right_arithmetic3A_955 : vector<16xi32>
        %and3A_957 = arith.andi %shift_right_arithmetic3A_956, %sub3A_953 : vector<16xi32>
        %add3A_958 = arith.addi %sub3A_930, %and3A_957 : vector<16xi32>
        %sub3A_959 = arith.subi %add3A_952, %sub3A_934 : vector<16xi32>
        %and3A_960 = arith.andi %shift_right_arithmetic3A_956, %sub3A_959 : vector<16xi32>
        %add3A_961 = arith.addi %sub3A_934, %and3A_960 : vector<16xi32>
        %sub3A_962 = arith.subi %add3A_958, %add3A_929 : vector<16xi32>
        %shift_right_arithmetic3A_963 = arith.constant 31 : i32
        %shift_right_arithmetic3A_964 = vector.broadcast %shift_right_arithmetic3A_963 : i32 to vector<16xi32>
        %shift_right_arithmetic3A_965 = arith.shrsi %sub3A_962, %shift_right_arithmetic3A_964 : vector<16xi32>
        %and3A_966 = arith.andi %shift_right_arithmetic3A_965, %sub3A_962 : vector<16xi32>
        %add3A_967 = arith.addi %add3A_929, %and3A_966 : vector<16xi32>
        %sub3A_968 = arith.subi %add3A_958, %and3A_966 : vector<16xi32>
        %sub3A_969 = arith.subi %add3A_961, %add3A_933 : vector<16xi32>
        %and3A_970 = arith.andi %shift_right_arithmetic3A_965, %sub3A_969 : vector<16xi32>
        %add3A_971 = arith.addi %add3A_933, %and3A_970 : vector<16xi32>
        %sub3A_972 = arith.subi %add3A_961, %and3A_970 : vector<16xi32>
        %add3A_973 = arith.constant 22 : i32
        %add3A_974 = vector.broadcast %add3A_973 : i32 to vector<16xi32>
        %add3A_975 = arith.addi %add3A_130, %add3A_974 : vector<16xi32>
        %gather3A_976 = tpu.vector_load_idx %arg5[%broadcast_in_dim3A_5, %broadcast_in_dim3A_5, %add3A_975] : memref<2x320x97xf32, #tpu.memory_space<vmem>>[vector<16xi32>, vector<16xi32>, vector<16xi32>], vector<16xf32>,
        %bitcast3A_977 = vector.bitcast %gather3A_976 : vector<16xf32> to vector<16xi32>
        %and3A_978 = arith.constant 2147483647 : i32
        %and3A_979 = vector.broadcast %and3A_978 : i32 to vector<16xi32>
        %and3A_980 = arith.andi %bitcast3A_977, %and3A_979 : vector<16xi32>
        %shift_right_arithmetic3A_981 = arith.constant 31 : i32
        %shift_right_arithmetic3A_982 = vector.broadcast %shift_right_arithmetic3A_981 : i32 to vector<16xi32>
        %shift_right_arithmetic3A_983 = arith.shrsi %bitcast3A_977, %shift_right_arithmetic3A_982 : vector<16xi32>
        %and3A_984 = arith.constant 2 : i32
        %and3A_985 = vector.broadcast %and3A_984 : i32 to vector<16xi32>
        %and3A_986 = arith.andi %shift_right_arithmetic3A_983, %and3A_985 : vector<16xi32>
        %add3A_987 = arith.addi %add3A_949, %and3A_986 : vector<16xi32>
        %add3A_988 = arith.constant 22 : i32
        %add3A_989 = vector.broadcast %add3A_988 : i32 to vector<16xi32>
        %add3A_990 = arith.addi %select_n3A_16, %add3A_989 : vector<16xi32>
        %sub3A_991 = arith.subi %and3A_980, %sub3A_968 : vector<16xi32>
        %shift_right_arithmetic3A_992 = arith.constant 31 : i32
        %shift_right_arithmetic3A_993 = vector.broadcast %shift_right_arithmetic3A_992 : i32 to vector<16xi32>
        %shift_right_arithmetic3A_994 = arith.shrsi %sub3A_991, %shift_right_arithmetic3A_993 : vector<16xi32>
        %and3A_995 = arith.andi %shift_right_arithmetic3A_994, %sub3A_991 : vector<16xi32>
        %add3A_996 = arith.addi %sub3A_968, %and3A_995 : vector<16xi32>
        %sub3A_997 = arith.subi %add3A_990, %sub3A_972 : vector<16xi32>
        %and3A_998 = arith.andi %shift_right_arithmetic3A_994, %sub3A_997 : vector<16xi32>
        %add3A_999 = arith.addi %sub3A_972, %and3A_998 : vector<16xi32>
        %sub3A_1000 = arith.subi %add3A_996, %add3A_967 : vector<16xi32>
        %shift_right_arithmetic3A_1001 = arith.constant 31 : i32
        %shift_right_arithmetic3A_1002 = vector.broadcast %shift_right_arithmetic3A_1001 : i32 to vector<16xi32>
        %shift_right_arithmetic3A_1003 = arith.shrsi %sub3A_1000, %shift_right_arithmetic3A_1002 : vector<16xi32>
        %and3A_1004 = arith.andi %shift_right_arithmetic3A_1003, %sub3A_1000 : vector<16xi32>
        %add3A_1005 = arith.addi %add3A_967, %and3A_1004 : vector<16xi32>
        %sub3A_1006 = arith.subi %add3A_996, %and3A_1004 : vector<16xi32>
        %sub3A_1007 = arith.subi %add3A_999, %add3A_971 : vector<16xi32>
        %and3A_1008 = arith.andi %shift_right_arithmetic3A_1003, %sub3A_1007 : vector<16xi32>
        %add3A_1009 = arith.addi %add3A_971, %and3A_1008 : vector<16xi32>
        %sub3A_1010 = arith.subi %add3A_999, %and3A_1008 : vector<16xi32>
        %add3A_1011 = arith.constant 23 : i32
        %add3A_1012 = vector.broadcast %add3A_1011 : i32 to vector<16xi32>
        %add3A_1013 = arith.addi %add3A_130, %add3A_1012 : vector<16xi32>
        %gather3A_1014 = tpu.vector_load_idx %arg5[%broadcast_in_dim3A_5, %broadcast_in_dim3A_5, %add3A_1013] : memref<2x320x97xf32, #tpu.memory_space<vmem>>[vector<16xi32>, vector<16xi32>, vector<16xi32>], vector<16xf32>,
        %bitcast3A_1015 = vector.bitcast %gather3A_1014 : vector<16xf32> to vector<16xi32>
        %and3A_1016 = arith.constant 2147483647 : i32
        %and3A_1017 = vector.broadcast %and3A_1016 : i32 to vector<16xi32>
        %and3A_1018 = arith.andi %bitcast3A_1015, %and3A_1017 : vector<16xi32>
        %shift_right_arithmetic3A_1019 = arith.constant 31 : i32
        %shift_right_arithmetic3A_1020 = vector.broadcast %shift_right_arithmetic3A_1019 : i32 to vector<16xi32>
        %shift_right_arithmetic3A_1021 = arith.shrsi %bitcast3A_1015, %shift_right_arithmetic3A_1020 : vector<16xi32>
        %and3A_1022 = arith.constant 1 : i32
        %and3A_1023 = vector.broadcast %and3A_1022 : i32 to vector<16xi32>
        %and3A_1024 = arith.andi %shift_right_arithmetic3A_1021, %and3A_1023 : vector<16xi32>
        %add3A_1025 = arith.addi %add3A_987, %and3A_1024 : vector<16xi32>
        %add3A_1026 = arith.constant 23 : i32
        %add3A_1027 = vector.broadcast %add3A_1026 : i32 to vector<16xi32>
        %add3A_1028 = arith.addi %select_n3A_16, %add3A_1027 : vector<16xi32>
        %sub3A_1029 = arith.subi %and3A_1018, %sub3A_1006 : vector<16xi32>
        %shift_right_arithmetic3A_1030 = arith.constant 31 : i32
        %shift_right_arithmetic3A_1031 = vector.broadcast %shift_right_arithmetic3A_1030 : i32 to vector<16xi32>
        %shift_right_arithmetic3A_1032 = arith.shrsi %sub3A_1029, %shift_right_arithmetic3A_1031 : vector<16xi32>
        %and3A_1033 = arith.andi %shift_right_arithmetic3A_1032, %sub3A_1029 : vector<16xi32>
        %add3A_1034 = arith.addi %sub3A_1006, %and3A_1033 : vector<16xi32>
        %sub3A_1035 = arith.subi %add3A_1028, %sub3A_1010 : vector<16xi32>
        %and3A_1036 = arith.andi %shift_right_arithmetic3A_1032, %sub3A_1035 : vector<16xi32>
        %add3A_1037 = arith.addi %sub3A_1010, %and3A_1036 : vector<16xi32>
        %sub3A_1038 = arith.subi %add3A_1034, %add3A_1005 : vector<16xi32>
        %shift_right_arithmetic3A_1039 = arith.constant 31 : i32
        %shift_right_arithmetic3A_1040 = vector.broadcast %shift_right_arithmetic3A_1039 : i32 to vector<16xi32>
        %shift_right_arithmetic3A_1041 = arith.shrsi %sub3A_1038, %shift_right_arithmetic3A_1040 : vector<16xi32>
        %and3A_1042 = arith.andi %shift_right_arithmetic3A_1041, %sub3A_1038 : vector<16xi32>
        %add3A_1043 = arith.addi %add3A_1005, %and3A_1042 : vector<16xi32>
        %sub3A_1044 = arith.subi %add3A_1034, %and3A_1042 : vector<16xi32>
        %sub3A_1045 = arith.subi %add3A_1037, %add3A_1009 : vector<16xi32>
        %and3A_1046 = arith.andi %shift_right_arithmetic3A_1041, %sub3A_1045 : vector<16xi32>
        %add3A_1047 = arith.addi %add3A_1009, %and3A_1046 : vector<16xi32>
        %sub3A_1048 = arith.subi %add3A_1037, %and3A_1046 : vector<16xi32>
        %rev3A = arith.constant 15 : i32
        %rev3A_1049 = vector.broadcast %rev3A : i32 to vector<16xi32>
        %rev3A_1050 = tpu.iota {dimensions = array<i32: 0>} : vector<16xi32>
        %rev3A_1051 = arith.subi %rev3A_1049, %rev3A_1050 : vector<16xi32>
        %rev3A_1052 = tpu.dynamic_gather %add3A_1043[%rev3A_1051] in [0] : vector<16xi32>, vector<16xi32> -> vector<16xi32>
        %rev3A_1053 = arith.constant 15 : i32
        %rev3A_1054 = vector.broadcast %rev3A_1053 : i32 to vector<16xi32>
        %rev3A_1055 = tpu.iota {dimensions = array<i32: 0>} : vector<16xi32>
        %rev3A_1056 = arith.subi %rev3A_1054, %rev3A_1055 : vector<16xi32>
        %rev3A_1057 = tpu.dynamic_gather %add3A_1047[%rev3A_1056] in [0] : vector<16xi32>, vector<16xi32> -> vector<16xi32>
        %rev3A_1058 = arith.constant 15 : i32
        %rev3A_1059 = vector.broadcast %rev3A_1058 : i32 to vector<16xi32>
        %rev3A_1060 = tpu.iota {dimensions = array<i32: 0>} : vector<16xi32>
        %rev3A_1061 = arith.subi %rev3A_1059, %rev3A_1060 : vector<16xi32>
        %rev3A_1062 = tpu.dynamic_gather %sub3A_1044[%rev3A_1061] in [0] : vector<16xi32>, vector<16xi32> -> vector<16xi32>
        %rev3A_1063 = arith.constant 15 : i32
        %rev3A_1064 = vector.broadcast %rev3A_1063 : i32 to vector<16xi32>
        %rev3A_1065 = tpu.iota {dimensions = array<i32: 0>} : vector<16xi32>
        %rev3A_1066 = arith.subi %rev3A_1064, %rev3A_1065 : vector<16xi32>
        %rev3A_1067 = tpu.dynamic_gather %sub3A_1048[%rev3A_1066] in [0] : vector<16xi32>, vector<16xi32> -> vector<16xi32>
        %lt3A_1068 = arith.cmpi slt, %rev3A_1052, %add3A_1043 : vector<16xi32>
        %eq3A = arith.cmpi eq, %rev3A_1052, %add3A_1043 : vector<16xi32>
        %lt3A_1069 = arith.cmpi slt, %rev3A_1057, %add3A_1047 : vector<16xi32>
        %and3A_1070 = arith.andi %eq3A, %lt3A_1069 : vector<16xi1>
        %or3A = arith.ori %lt3A_1068, %and3A_1070 : vector<16xi1>
        %select_n3A_1071 = arith.select %or3A, %rev3A_1052, %add3A_1043 : vector<16xi1>, vector<16xi32>
        %select_n3A_1072 = arith.select %or3A, %rev3A_1057, %add3A_1047 : vector<16xi1>, vector<16xi32>
        %select_n3A_1073 = arith.select %or3A, %rev3A_1062, %sub3A_1044 : vector<16xi1>, vector<16xi32>
        %select_n3A_1074 = arith.select %or3A, %rev3A_1067, %sub3A_1048 : vector<16xi1>, vector<16xi32>
        %select_n3A_1075 = arith.select %or3A, %add3A_1043, %rev3A_1052 : vector<16xi1>, vector<16xi32>
        %select_n3A_1076 = arith.select %or3A, %add3A_1047, %rev3A_1057 : vector<16xi1>, vector<16xi32>
        %lt3A_1077 = arith.cmpi slt, %select_n3A_1075, %select_n3A_1073 : vector<16xi32>
        %eq3A_1078 = arith.cmpi eq, %select_n3A_1075, %select_n3A_1073 : vector<16xi32>
        %lt3A_1079 = arith.cmpi slt, %select_n3A_1076, %select_n3A_1074 : vector<16xi32>
        %and3A_1080 = arith.andi %eq3A_1078, %lt3A_1079 : vector<16xi1>
        %or3A_1081 = arith.ori %lt3A_1077, %and3A_1080 : vector<16xi1>
        %select_n3A_1082 = arith.select %or3A_1081, %select_n3A_1076, %select_n3A_1074 : vector<16xi1>, vector<16xi32>
        %rev3A_1083 = arith.constant 15 : i32
        %rev3A_1084 = vector.broadcast %rev3A_1083 : i32 to vector<16xi32>
        %rev3A_1085 = tpu.iota {dimensions = array<i32: 0>} : vector<16xi32>
        %rev3A_1086 = arith.subi %rev3A_1084, %rev3A_1085 : vector<16xi32>
        %rev3A_1087 = tpu.dynamic_gather %add3A_1025[%rev3A_1086] in [0] : vector<16xi32>, vector<16xi32> -> vector<16xi32>
        %select_n3A_1088 = arith.select %lt3A_8, %add3A_1025, %rev3A_1087 : vector<16xi1>, vector<16xi32>
        %sub3A_1089 = arith.constant 16777215 : i32
        %sub3A_1090 = vector.broadcast %sub3A_1089 : i32 to vector<16xi32>
        %sub3A_1091 = arith.subi %sub3A_1090, %select_n3A_1088 : vector<16xi32>
        %select_n3A_1092 = arith.select %lt3A_8, %rev3A_1087, %add3A_1025 : vector<16xi1>, vector<16xi32>
        %sub3A_1093 = arith.constant 16777215 : i32
        %sub3A_1094 = vector.broadcast %sub3A_1093 : i32 to vector<16xi32>
        %sub3A_1095 = arith.subi %sub3A_1094, %select_n3A_1092 : vector<16xi32>
        %sub3A_1096 = arith.constant 23 : i32
        %sub3A_1097 = vector.broadcast %sub3A_1096 : i32 to vector<16xi32>
        %sub3A_1098 = arith.subi %sub3A_1097, %select_n3A_1072 : vector<16xi32>
        %max3A = arith.constant 0 : i32
        %max3A_1099 = vector.broadcast %max3A : i32 to vector<16xi32>
        %max3A_1100 = arith.maxsi %sub3A_1098, %max3A_1099 : vector<16xi32>
        %lt3A_1101 = arith.constant 24 : i32
        %lt3A_1102 = vector.broadcast %lt3A_1101 : i32 to vector<16xi32>
        %lt3A_1103 = arith.cmpi slt, %select_n3A_1072, %lt3A_1102 : vector<16xi32>
        %shift_left3A = arith.constant 1 : i32
        %shift_left3A_1104 = vector.broadcast %shift_left3A : i32 to vector<16xi32>
        %shift_left3A_1105 = arith.shli %shift_left3A_1104, %max3A_1100 : vector<16xi32>
        %jit3A_1106 = arith.constant 0 : i64
        %convert_element_type3A_1107 = arith.trunci %jit3A_1106 : i64 to i32
        %broadcast_in_dim3A_1108 = vector.broadcast %convert_element_type3A_1107 : i32 to vector<16xi32>
        %select_n3A_1109 = arith.select %lt3A_1103, %shift_left3A_1105, %broadcast_in_dim3A_1108 : vector<16xi1>, vector<16xi32>
        %ge3A_1110 = arith.constant 24 : i32
        %ge3A_1111 = vector.broadcast %ge3A_1110 : i32 to vector<16xi32>
        %ge3A_1112 = arith.cmpi sge, %select_n3A_1072, %ge3A_1111 : vector<16xi32>
        %sub3A_1113 = arith.constant 47 : i32
        %sub3A_1114 = vector.broadcast %sub3A_1113 : i32 to vector<16xi32>
        %sub3A_1115 = arith.subi %sub3A_1114, %select_n3A_1072 : vector<16xi32>
        %jit3A_1116 = arith.constant 0 : i64
        %convert_element_type3A_1117 = arith.trunci %jit3A_1116 : i64 to i32
        %broadcast_in_dim3A_1118 = vector.broadcast %convert_element_type3A_1117 : i32 to vector<16xi32>
        %select_n3A_1119 = arith.select %ge3A_1112, %sub3A_1115, %broadcast_in_dim3A_1118 : vector<16xi1>, vector<16xi32>
        %ge3A_1120 = arith.constant 24 : i32
        %ge3A_1121 = vector.broadcast %ge3A_1120 : i32 to vector<16xi32>
        %ge3A_1122 = arith.cmpi sge, %select_n3A_1072, %ge3A_1121 : vector<16xi32>
        %shift_left3A_1123 = arith.constant 1 : i32
        %shift_left3A_1124 = vector.broadcast %shift_left3A_1123 : i32 to vector<16xi32>
        %shift_left3A_1125 = arith.shli %shift_left3A_1124, %select_n3A_1119 : vector<16xi32>
        %jit3A_1126 = arith.constant 0 : i64
        %convert_element_type3A_1127 = arith.trunci %jit3A_1126 : i64 to i32
        %broadcast_in_dim3A_1128 = vector.broadcast %convert_element_type3A_1127 : i32 to vector<16xi32>
        %select_n3A_1129 = arith.select %ge3A_1122, %shift_left3A_1125, %broadcast_in_dim3A_1128 : vector<16xi1>, vector<16xi32>
        %sub3A_1130 = arith.constant 23 : i32
        %sub3A_1131 = vector.broadcast %sub3A_1130 : i32 to vector<16xi32>
        %sub3A_1132 = arith.subi %sub3A_1131, %select_n3A_1082 : vector<16xi32>
        %max3A_1133 = arith.constant 0 : i32
        %max3A_1134 = vector.broadcast %max3A_1133 : i32 to vector<16xi32>
        %max3A_1135 = arith.maxsi %sub3A_1132, %max3A_1134 : vector<16xi32>
        %lt3A_1136 = arith.constant 24 : i32
        %lt3A_1137 = vector.broadcast %lt3A_1136 : i32 to vector<16xi32>
        %lt3A_1138 = arith.cmpi slt, %select_n3A_1082, %lt3A_1137 : vector<16xi32>
        %shift_left3A_1139 = arith.constant 1 : i32
        %shift_left3A_1140 = vector.broadcast %shift_left3A_1139 : i32 to vector<16xi32>
        %shift_left3A_1141 = arith.shli %shift_left3A_1140, %max3A_1135 : vector<16xi32>
        %jit3A_1142 = arith.constant 0 : i64
        %convert_element_type3A_1143 = arith.trunci %jit3A_1142 : i64 to i32
        %broadcast_in_dim3A_1144 = vector.broadcast %convert_element_type3A_1143 : i32 to vector<16xi32>
        %select_n3A_1145 = arith.select %lt3A_1138, %shift_left3A_1141, %broadcast_in_dim3A_1144 : vector<16xi1>, vector<16xi32>
        %ge3A_1146 = arith.constant 24 : i32
        %ge3A_1147 = vector.broadcast %ge3A_1146 : i32 to vector<16xi32>
        %ge3A_1148 = arith.cmpi sge, %select_n3A_1082, %ge3A_1147 : vector<16xi32>
        %sub3A_1149 = arith.constant 47 : i32
        %sub3A_1150 = vector.broadcast %sub3A_1149 : i32 to vector<16xi32>
        %sub3A_1151 = arith.subi %sub3A_1150, %select_n3A_1082 : vector<16xi32>
        %jit3A_1152 = arith.constant 0 : i64
        %convert_element_type3A_1153 = arith.trunci %jit3A_1152 : i64 to i32
        %broadcast_in_dim3A_1154 = vector.broadcast %convert_element_type3A_1153 : i32 to vector<16xi32>
        %select_n3A_1155 = arith.select %ge3A_1148, %sub3A_1151, %broadcast_in_dim3A_1154 : vector<16xi1>, vector<16xi32>
        %ge3A_1156 = arith.constant 24 : i32
        %ge3A_1157 = vector.broadcast %ge3A_1156 : i32 to vector<16xi32>
        %ge3A_1158 = arith.cmpi sge, %select_n3A_1082, %ge3A_1157 : vector<16xi32>
        %shift_left3A_1159 = arith.constant 1 : i32
        %shift_left3A_1160 = vector.broadcast %shift_left3A_1159 : i32 to vector<16xi32>
        %shift_left3A_1161 = arith.shli %shift_left3A_1160, %select_n3A_1155 : vector<16xi32>
        %jit3A_1162 = arith.constant 0 : i64
        %convert_element_type3A_1163 = arith.trunci %jit3A_1162 : i64 to i32
        %broadcast_in_dim3A_1164 = vector.broadcast %convert_element_type3A_1163 : i32 to vector<16xi32>
        %select_n3A_1165 = arith.select %ge3A_1158, %shift_left3A_1161, %broadcast_in_dim3A_1164 : vector<16xi1>, vector<16xi32>
        %add3A_1166 = arith.addi %add3A_129, %select_n3A_1072 : vector<16xi32>
        %gather3A_1167 = tpu.vector_load_idx %arg5[%broadcast_in_dim3A_5, %broadcast_in_dim3A_5, %add3A_1166] : memref<2x320x97xf32, #tpu.memory_space<vmem>>[vector<16xi32>, vector<16xi32>, vector<16xi32>], vector<16xf32>,
        %add3A_1168 = arith.addi %add3A_129, %select_n3A_1082 : vector<16xi32>
        %gather3A_1169 = tpu.vector_load_idx %arg5[%broadcast_in_dim3A_5, %broadcast_in_dim3A_5, %add3A_1168] : memref<2x320x97xf32, #tpu.memory_space<vmem>>[vector<16xi32>, vector<16xi32>, vector<16xi32>], vector<16xf32>,
        %bitcast3A_1170 = vector.bitcast %gather3A_1167 : vector<16xf32> to vector<16xi32>
        %not3A = arith.constant dense<-1> : vector<16xi32>
        %not3A_1171 = arith.xori %bitcast3A_1170, %not3A : vector<16xi32>
        %shift_right_arithmetic3A_1172 = arith.constant 31 : i32
        %shift_right_arithmetic3A_1173 = vector.broadcast %shift_right_arithmetic3A_1172 : i32 to vector<16xi32>
        %shift_right_arithmetic3A_1174 = arith.shrsi %not3A_1171, %shift_right_arithmetic3A_1173 : vector<16xi32>
        %bitcast3A_1175 = vector.bitcast %gather3A_1169 : vector<16xf32> to vector<16xi32>
        %not3A_1176 = arith.constant dense<-1> : vector<16xi32>
        %not3A_1177 = arith.xori %bitcast3A_1175, %not3A_1176 : vector<16xi32>
        %shift_right_arithmetic3A_1178 = arith.constant 31 : i32
        %shift_right_arithmetic3A_1179 = vector.broadcast %shift_right_arithmetic3A_1178 : i32 to vector<16xi32>
        %shift_right_arithmetic3A_1180 = arith.shrsi %not3A_1177, %shift_right_arithmetic3A_1179 : vector<16xi32>
        %and3A_1181 = arith.andi %shift_right_arithmetic3A_1174, %select_n3A_1109 : vector<16xi32>
        %sub3A_1182 = arith.subi %sub3A_1091, %and3A_1181 : vector<16xi32>
        %and3A_1183 = arith.andi %shift_right_arithmetic3A_1180, %select_n3A_1145 : vector<16xi32>
        %sub3A_1184 = arith.subi %sub3A_1182, %and3A_1183 : vector<16xi32>
        %and3A_1185 = arith.andi %shift_right_arithmetic3A_1174, %select_n3A_1129 : vector<16xi32>
        %sub3A_1186 = arith.subi %sub3A_1095, %and3A_1185 : vector<16xi32>
        %and3A_1187 = arith.andi %shift_right_arithmetic3A_1180, %select_n3A_1165 : vector<16xi32>
        %sub3A_1188 = arith.subi %sub3A_1186, %and3A_1187 : vector<16xi32>
        %mul3A_1189 = arith.constant 8 : i32
        %mul3A_1190 = arith.muli %while3A_108, %mul3A_1189 : i32
        %add3A_1191 = arith.addi %mul3A_95, %mul3A_1190 : i32
        %add3A_1192 = vector.broadcast %add3A_1191 : i32 to vector<16xi32>
        %add3A_1193 = arith.addi %add3A_1192, %select_n3A_11 : vector<16xi32>
        %gather3A_1194 = tpu.vector_load_idx %arg6[%add3A_1193] : memref<640xi32, #tpu.memory_space<vmem>>[vector<16xi32>], vector<16xi32>,
        %shift_right_arithmetic3A_1195 = arith.constant 24 : i32
        %shift_right_arithmetic3A_1196 = vector.broadcast %shift_right_arithmetic3A_1195 : i32 to vector<16xi32>
        %shift_right_arithmetic3A_1197 = arith.shrsi %gather3A_1194, %shift_right_arithmetic3A_1196 : vector<16xi32>
        %and3A_1198 = arith.constant 16777215 : i32
        %and3A_1199 = vector.broadcast %and3A_1198 : i32 to vector<16xi32>
        %and3A_1200 = arith.andi %gather3A_1194, %and3A_1199 : vector<16xi32>
        %sub3A_1201 = arith.constant 128 : i32
        %sub3A_1202 = vector.broadcast %sub3A_1201 : i32 to vector<16xi32>
        %sub3A_1203 = arith.subi %and3A_1200, %sub3A_1202 : vector<16xi32>
        %shift_right_arithmetic3A_1204 = arith.constant 24 : i32
        %shift_right_arithmetic3A_1205 = vector.broadcast %shift_right_arithmetic3A_1204 : i32 to vector<16xi32>
        %shift_right_arithmetic3A_1206 = arith.shrsi %sub3A_1203, %shift_right_arithmetic3A_1205 : vector<16xi32>
        %add3A_1207 = arith.addi %shift_right_arithmetic3A_1197, %shift_right_arithmetic3A_1206 : vector<16xi32>
        %and3A_1208 = arith.constant 16777215 : i32
        %and3A_1209 = vector.broadcast %and3A_1208 : i32 to vector<16xi32>
        %and3A_1210 = arith.andi %sub3A_1203, %and3A_1209 : vector<16xi32>
        %add3A_1211 = arith.constant 128 : i32
        %add3A_1212 = vector.broadcast %add3A_1211 : i32 to vector<16xi32>
        %add3A_1213 = arith.addi %and3A_1200, %add3A_1212 : vector<16xi32>
        %shift_right_arithmetic3A_1214 = arith.constant 24 : i32
        %shift_right_arithmetic3A_1215 = vector.broadcast %shift_right_arithmetic3A_1214 : i32 to vector<16xi32>
        %shift_right_arithmetic3A_1216 = arith.shrsi %add3A_1213, %shift_right_arithmetic3A_1215 : vector<16xi32>
        %add3A_1217 = arith.addi %shift_right_arithmetic3A_1197, %shift_right_arithmetic3A_1216 : vector<16xi32>
        %and3A_1218 = arith.constant 16777215 : i32
        %and3A_1219 = vector.broadcast %and3A_1218 : i32 to vector<16xi32>
        %and3A_1220 = arith.andi %add3A_1213, %and3A_1219 : vector<16xi32>
        %eq3A_1221 = arith.constant 0 : i32
        %eq3A_1222 = vector.broadcast %eq3A_1221 : i32 to vector<16xi32>
        %eq3A_1223 = arith.cmpi eq, %shift_right_arithmetic3A_1197, %eq3A_1222 : vector<16xi32>
        %le3A = arith.constant 128 : i32
        %le3A_1224 = vector.broadcast %le3A : i32 to vector<16xi32>
        %le3A_1225 = arith.cmpi sle, %and3A_1200, %le3A_1224 : vector<16xi32>
        %and3A_1226 = arith.andi %eq3A_1223, %le3A_1225 : vector<16xi1>
        %jit3A_1227 = arith.constant 0 : i32
        %jit3A_1228 = arith.constant -1 : i32
        %broadcast_in_dim3A_1229 = vector.broadcast %jit3A_1227 : i32 to vector<16xi32>
        %broadcast_in_dim3A_1230 = vector.broadcast %jit3A_1228 : i32 to vector<16xi32>
        %select_n3A_1231 = arith.select %and3A_1226, %broadcast_in_dim3A_1229, %broadcast_in_dim3A_1230 : vector<16xi1>, vector<16xi32>
        %sub3A_1232 = arith.constant 128 : i32
        %sub3A_1233 = vector.broadcast %sub3A_1232 : i32 to vector<16xi32>
        %sub3A_1234 = arith.subi %sub3A_1233, %and3A_1200 : vector<16xi32>
        %jit3A_1235 = arith.constant -1 : i32
        %broadcast_in_dim3A_1236 = vector.broadcast %jit3A_1235 : i32 to vector<16xi32>
        %select_n3A_1237 = arith.select %ge3A_123, %add3A_1207, %broadcast_in_dim3A_1236 : vector<16xi1>, vector<16xi32>
        %jit3A_1238 = arith.constant 0 : i32
        %broadcast_in_dim3A_1239 = vector.broadcast %jit3A_1238 : i32 to vector<16xi32>
        %select_n3A_1240 = arith.select %ge3A_123, %and3A_1210, %broadcast_in_dim3A_1239 : vector<16xi1>, vector<16xi32>
        %select_n3A_1241 = arith.select %ge3A_123, %add3A_1217, %select_n3A_1231 : vector<16xi1>, vector<16xi32>
        %select_n3A_1242 = arith.select %ge3A_123, %and3A_1220, %sub3A_1234 : vector<16xi1>, vector<16xi32>
        %gt3A = arith.cmpi sgt, %sub3A_1184, %select_n3A_1237 : vector<16xi32>
        %eq3A_1243 = arith.cmpi eq, %sub3A_1184, %select_n3A_1237 : vector<16xi32>
        %ge3A_1244 = arith.cmpi sge, %sub3A_1188, %select_n3A_1240 : vector<16xi32>
        %and3A_1245 = arith.andi %eq3A_1243, %ge3A_1244 : vector<16xi1>
        %or3A_1246 = arith.ori %gt3A, %and3A_1245 : vector<16xi1>
        %lt3A_1247 = arith.cmpi slt, %sub3A_1184, %select_n3A_1241 : vector<16xi32>
        %eq3A_1248 = arith.cmpi eq, %sub3A_1184, %select_n3A_1241 : vector<16xi32>
        %le3A_1249 = arith.cmpi sle, %sub3A_1188, %select_n3A_1242 : vector<16xi32>
        %and3A_1250 = arith.andi %eq3A_1248, %le3A_1249 : vector<16xi1>
        %or3A_1251 = arith.ori %lt3A_1247, %and3A_1250 : vector<16xi1>
        %and3A_1252 = arith.andi %or3A_1246, %or3A_1251 : vector<16xi1>
        %add3A_1253 = arith.addi %sub3A_1184, %select_n3A_1145 : vector<16xi32>
        %add3A_1254 = arith.addi %sub3A_1188, %select_n3A_1165 : vector<16xi32>
        %gt3A_1255 = arith.cmpi sgt, %add3A_1253, %select_n3A_1237 : vector<16xi32>
        %eq3A_1256 = arith.cmpi eq, %add3A_1253, %select_n3A_1237 : vector<16xi32>
        %ge3A_1257 = arith.cmpi sge, %add3A_1254, %select_n3A_1240 : vector<16xi32>
        %and3A_1258 = arith.andi %eq3A_1256, %ge3A_1257 : vector<16xi1>
        %or3A_1259 = arith.ori %gt3A_1255, %and3A_1258 : vector<16xi1>
        %lt3A_1260 = arith.cmpi slt, %add3A_1253, %select_n3A_1241 : vector<16xi32>
        %eq3A_1261 = arith.cmpi eq, %add3A_1253, %select_n3A_1241 : vector<16xi32>
        %le3A_1262 = arith.cmpi sle, %add3A_1254, %select_n3A_1242 : vector<16xi32>
        %and3A_1263 = arith.andi %eq3A_1261, %le3A_1262 : vector<16xi1>
        %or3A_1264 = arith.ori %lt3A_1260, %and3A_1263 : vector<16xi1>
        %and3A_1265 = arith.andi %or3A_1259, %or3A_1264 : vector<16xi1>
        %or3A_1266 = arith.ori %and3A_1252, %and3A_1265 : vector<16xi1>
        %add3A_1267 = arith.addi %sub3A_1184, %select_n3A_1109 : vector<16xi32>
        %add3A_1268 = arith.addi %sub3A_1188, %select_n3A_1129 : vector<16xi32>
        %gt3A_1269 = arith.cmpi sgt, %add3A_1267, %select_n3A_1237 : vector<16xi32>
        %eq3A_1270 = arith.cmpi eq, %add3A_1267, %select_n3A_1237 : vector<16xi32>
        %ge3A_1271 = arith.cmpi sge, %add3A_1268, %select_n3A_1240 : vector<16xi32>
        %and3A_1272 = arith.andi %eq3A_1270, %ge3A_1271 : vector<16xi1>
        %or3A_1273 = arith.ori %gt3A_1269, %and3A_1272 : vector<16xi1>
        %lt3A_1274 = arith.cmpi slt, %add3A_1267, %select_n3A_1241 : vector<16xi32>
        %eq3A_1275 = arith.cmpi eq, %add3A_1267, %select_n3A_1241 : vector<16xi32>
        %le3A_1276 = arith.cmpi sle, %add3A_1268, %select_n3A_1242 : vector<16xi32>
        %and3A_1277 = arith.andi %eq3A_1275, %le3A_1276 : vector<16xi1>
        %or3A_1278 = arith.ori %lt3A_1274, %and3A_1277 : vector<16xi1>
        %and3A_1279 = arith.andi %or3A_1273, %or3A_1278 : vector<16xi1>
        %or3A_1280 = arith.ori %or3A_1266, %and3A_1279 : vector<16xi1>
        %add3A_1281 = arith.addi %sub3A_1184, %select_n3A_1109 : vector<16xi32>
        %add3A_1282 = arith.addi %add3A_1281, %select_n3A_1145 : vector<16xi32>
        %add3A_1283 = arith.addi %sub3A_1188, %select_n3A_1129 : vector<16xi32>
        %add3A_1284 = arith.addi %add3A_1283, %select_n3A_1165 : vector<16xi32>
        %gt3A_1285 = arith.cmpi sgt, %add3A_1282, %select_n3A_1237 : vector<16xi32>
        %eq3A_1286 = arith.cmpi eq, %add3A_1282, %select_n3A_1237 : vector<16xi32>
        %ge3A_1287 = arith.cmpi sge, %add3A_1284, %select_n3A_1240 : vector<16xi32>
        %and3A_1288 = arith.andi %eq3A_1286, %ge3A_1287 : vector<16xi1>
        %or3A_1289 = arith.ori %gt3A_1285, %and3A_1288 : vector<16xi1>
        %lt3A_1290 = arith.cmpi slt, %add3A_1282, %select_n3A_1241 : vector<16xi32>
        %eq3A_1291 = arith.cmpi eq, %add3A_1282, %select_n3A_1241 : vector<16xi32>
        %le3A_1292 = arith.cmpi sle, %add3A_1284, %select_n3A_1242 : vector<16xi32>
        %and3A_1293 = arith.andi %eq3A_1291, %le3A_1292 : vector<16xi1>
        %or3A_1294 = arith.ori %lt3A_1290, %and3A_1293 : vector<16xi1>
        %and3A_1295 = arith.andi %or3A_1289, %or3A_1294 : vector<16xi1>
        %or3A_1296 = arith.ori %or3A_1280, %and3A_1295 : vector<16xi1>
        %jit3A_1297 = arith.constant 0 : i64
        %convert_element_type3A_1298 = arith.trunci %jit3A_1297 : i64 to i32
        %broadcast_in_dim3A_1299 = vector.broadcast %convert_element_type3A_1298 : i32 to vector<16xi32>
        %select_n3A_1300 = arith.select %or3A_1296, %select_n3A_21, %broadcast_in_dim3A_1299 : vector<16xi1>, vector<16xi32>
        %add3A_1301 = arith.addi %while3A_109, %select_n3A_1300 : vector<16xi32>
        scf.yield %add3A_1301 : vector<16xi32>
      }
      scf.yield %while3A_107 : vector<16xi32>
    }
    %while3A_59 = arith.constant 1 : i32
    %while3A_60 = scf.for %while3A_64 = %while3A_56 to %while3A_52 step %while3A_59 iter_args(%while3A_65 = %while3A_58) -> (vector<16xi32>)  : i32 {
      %and3A = arith.constant 1 : i32
      %and3A_66 = arith.andi %while3A_64, %and3A : i32
      %dma_wait3A = arith.constant 0 : i32
      %dma_wait3A_67 = arith.constant 0 : i32
      %dma_wait3A_68 = tpu.memref_slice %arg5[%and3A_66, %dma_wait3A, %dma_wait3A_67] : memref<2x320x97xf32, #tpu.memory_space<vmem>> -> memref<1x320x97xf32, #tpu.memory_space<vmem>>
      %dma_wait3A_69 = tpu.memref_squeeze %dma_wait3A_68 : memref<1x320x97xf32, #tpu.memory_space<vmem>> -> memref<320x97xf32, #tpu.memory_space<vmem>>
      %dma_wait3A_70 = arith.constant 0 : i32
      %dma_wait3A_71 = arith.constant 0 : i32
      %dma_wait3A_72 = tpu.memref_slice %arg2[%dma_wait3A_70, %dma_wait3A_71] : memref<1000000x97xf32, #tpu.memory_space<hbm>> -> memref<320x97xf32, #tpu.memory_space<hbm>>
      %dma_wait3A_73 = arith.constant 0 : i32
      %dma_wait3A_74 = arith.constant 0 : i32
      %dma_wait3A_75 = tpu.memref_slice %arg5[%and3A_66, %dma_wait3A_73, %dma_wait3A_74] : memref<2x320x97xf32, #tpu.memory_space<vmem>> -> memref<1x320x97xf32, #tpu.memory_space<vmem>>
      %dma_wait3A_76 = tpu.memref_squeeze %dma_wait3A_75 : memref<1x320x97xf32, #tpu.memory_space<vmem>> -> memref<320x97xf32, #tpu.memory_space<vmem>>
      %dma_wait3A_77 = arith.constant 0 : i32
      %dma_wait3A_78 = arith.constant 0 : i32
      %dma_wait3A_79 = tpu.memref_slice %arg2[%dma_wait3A_77, %dma_wait3A_78] : memref<1000000x97xf32, #tpu.memory_space<hbm>> -> memref<320x97xf32, #tpu.memory_space<hbm>>
      tpu.wait_dma2 semaphore(%arg8 : memref<!tpu.dma_semaphore, #tpu.memory_space<semaphore_mem>>) src(%dma_wait3A_79 : memref<320x97xf32, #tpu.memory_space<hbm>>) dst(%dma_wait3A_76 : memref<320x97xf32, #tpu.memory_space<vmem>>)
      %mul3A_80 = arith.constant 320 : i32
      %mul3A_81 = arith.muli %and3A_66, %mul3A_80 : i32
      %dma_wait3A_82 = tpu.memref_slice %arg6[%mul3A_81] : memref<640xi32, #tpu.memory_space<vmem>> -> memref<320xi32, #tpu.memory_space<vmem>>
      %dma_wait3A_83 = arith.constant 0 : i32
      %dma_wait3A_84 = tpu.memref_slice %arg3[%dma_wait3A_83] : memref<1000000xi32, #tpu.memory_space<hbm>> -> memref<320xi32, #tpu.memory_space<hbm>>
      %dma_wait3A_85 = tpu.memref_slice %arg6[%mul3A_81] : memref<640xi32, #tpu.memory_space<vmem>> -> memref<320xi32, #tpu.memory_space<vmem>>
      %dma_wait3A_86 = arith.constant 0 : i32
      %dma_wait3A_87 = tpu.memref_slice %arg3[%dma_wait3A_86] : memref<1000000xi32, #tpu.memory_space<hbm>> -> memref<320xi32, #tpu.memory_space<hbm>>
      tpu.wait_dma2 semaphore(%arg9 : memref<!tpu.dma_semaphore, #tpu.memory_space<semaphore_mem>>) src(%dma_wait3A_87 : memref<320xi32, #tpu.memory_space<hbm>>) dst(%dma_wait3A_85 : memref<320xi32, #tpu.memory_space<vmem>>)
      %add3A_88 = arith.constant 1 : i32
      %add3A_89 = arith.addi %while3A_64, %add3A_88 : i32
      %lt3A_90 = arith.cmpi slt, %add3A_89, %add3A_4 : i32
      %convert_element_type3A = arith.extui %lt3A_90 : i1 to i32
      %cond3A = arith.constant 0 : i32
      %cond3A_91 = arith.cmpi ne, %convert_element_type3A, %cond3A : i32
      scf.if %cond3A_91 {
        %add3A_108 = arith.constant 1 : i32
        %add3A_109 = arith.addi %while3A_64, %add3A_108 : i32
        %sub3A_110 = arith.constant 1 : i32
        %sub3A_111 = arith.subi %sub3A_110, %and3A_66 : i32
        %mul3A_112 = arith.constant 32 : i32
        %mul3A_113 = arith.muli %mul3A_112, %add3A_109 : i32
        %add3A_114 = arith.addi %add3A, %mul3A_113 : i32
        %mul3A_115 = arith.constant 320 : i32
        %mul3A_116 = arith.muli %add3A_114, %mul3A_115 : i32
        %dma_start3A_117 = arith.constant 0 : i32
        %dma_start3A_118 = arith.constant 0 : i32
        %dma_start3A_119 = tpu.memref_slice %arg5[%sub3A_111, %dma_start3A_117, %dma_start3A_118] : memref<2x320x97xf32, #tpu.memory_space<vmem>> -> memref<1x320x97xf32, #tpu.memory_space<vmem>>
        %dma_start3A_120 = tpu.memref_squeeze %dma_start3A_119 : memref<1x320x97xf32, #tpu.memory_space<vmem>> -> memref<320x97xf32, #tpu.memory_space<vmem>>
        %dma_start3A_121 = arith.constant 0 : i32
        %dma_start3A_122 = tpu.memref_slice %arg2[%mul3A_116, %dma_start3A_121] : memref<1000000x97xf32, #tpu.memory_space<hbm>> -> memref<320x97xf32, #tpu.memory_space<hbm>>
        %dma_start3A_123 = arith.constant 0 : i32
        %dma_start3A_124 = arith.constant 0 : i32
        %dma_start3A_125 = tpu.memref_slice %arg5[%sub3A_111, %dma_start3A_123, %dma_start3A_124] : memref<2x320x97xf32, #tpu.memory_space<vmem>> -> memref<1x320x97xf32, #tpu.memory_space<vmem>>
        %dma_start3A_126 = tpu.memref_squeeze %dma_start3A_125 : memref<1x320x97xf32, #tpu.memory_space<vmem>> -> memref<320x97xf32, #tpu.memory_space<vmem>>
        %dma_start3A_127 = arith.constant 0 : i32
        %dma_start3A_128 = tpu.memref_slice %arg2[%mul3A_116, %dma_start3A_127] : memref<1000000x97xf32, #tpu.memory_space<hbm>> -> memref<320x97xf32, #tpu.memory_space<hbm>>
        tpu.enqueue_dma source(%dma_start3A_128 : memref<320x97xf32, #tpu.memory_space<hbm>>) target(%dma_start3A_126 : memref<320x97xf32, #tpu.memory_space<vmem>>) target_semaphore(%arg8 : memref<!tpu.dma_semaphore, #tpu.memory_space<semaphore_mem>>)
        %mul3A_129 = arith.constant 320 : i32
        %mul3A_130 = arith.muli %add3A_114, %mul3A_129 : i32
        %mul3A_131 = arith.constant 320 : i32
        %mul3A_132 = arith.muli %sub3A_111, %mul3A_131 : i32
        %dma_start3A_133 = tpu.memref_slice %arg6[%mul3A_132] : memref<640xi32, #tpu.memory_space<vmem>> -> memref<320xi32, #tpu.memory_space<vmem>>
        %dma_start3A_134 = tpu.memref_slice %arg3[%mul3A_130] : memref<1000000xi32, #tpu.memory_space<hbm>> -> memref<320xi32, #tpu.memory_space<hbm>>
        %dma_start3A_135 = tpu.memref_slice %arg6[%mul3A_132] : memref<640xi32, #tpu.memory_space<vmem>> -> memref<320xi32, #tpu.memory_space<vmem>>
        %dma_start3A_136 = tpu.memref_slice %arg3[%mul3A_130] : memref<1000000xi32, #tpu.memory_space<hbm>> -> memref<320xi32, #tpu.memory_space<hbm>>
        tpu.enqueue_dma source(%dma_start3A_136 : memref<320xi32, #tpu.memory_space<hbm>>) target(%dma_start3A_135 : memref<320xi32, #tpu.memory_space<vmem>>) target_semaphore(%arg9 : memref<!tpu.dma_semaphore, #tpu.memory_space<semaphore_mem>>)
      } else {
      }
      %mul3A_92 = arith.constant 40960 : i32
      %mul3A_93 = arith.muli %and3A_66, %mul3A_92 : i32
      %mul3A_94 = arith.constant 320 : i32
      %mul3A_95 = arith.muli %and3A_66, %mul3A_94 : i32
      %while3A_96 = arith.constant 0 : i32
      %while3A_97 = arith.constant 40 : i32
      %while3A_98 = arith.subi %while3A_97, %while3A_96 : i32
      %while3A_99 = arith.addi %while3A_96, %while3A_98 : i32
      %while3A_100 = arith.constant 1 : i32
      %while3A_101 = arith.divsi %while3A_98, %while3A_100 : i32
      %while3A_102 = arith.muli %while3A_101, %while3A_100 : i32
      %while3A_103 = arith.addi %while3A_96, %while3A_102 : i32
      %while3A_104 = arith.constant 1 : i32
      %while3A_105 = scf.for %while3A_108 = %while3A_96 to %while3A_103 step %while3A_104 iter_args(%while3A_109 = %while3A_65) -> (vector<16xi32>)  : i32 {
        %mul3A_110 = arith.constant 8 : i32
        %mul3A_111 = arith.muli %while3A_108, %mul3A_110 : i32
        %add3A_112 = vector.broadcast %mul3A_111 : i32 to vector<16xi32>
        %add3A_113 = arith.addi %add3A_112, %select_n3A_11 : vector<16xi32>
        %mul3A_114 = arith.constant 128 : i32
        %mul3A_115 = vector.broadcast %mul3A_114 : i32 to vector<16xi32>
        %mul3A_116 = arith.muli %add3A_113, %mul3A_115 : vector<16xi32>
        %add3A_117 = vector.broadcast %mul3A_93 : i32 to vector<16xi32>
        %add3A_118 = arith.addi %add3A_117, %mul3A_116 : vector<16xi32>
        %add3A_119 = arith.constant 96 : i32
        %add3A_120 = vector.broadcast %add3A_119 : i32 to vector<16xi32>
        %add3A_121 = arith.addi %add3A_118, %add3A_120 : vector<16xi32>
        %gather3A = tpu.vector_load_idx %arg5[%broadcast_in_dim3A_5, %broadcast_in_dim3A_5, %add3A_121] : memref<2x320x97xf32, #tpu.memory_space<vmem>>[vector<16xi32>, vector<16xi32>, vector<16xi32>], vector<16xf32>,
        %ge3A = arith.constant 0.000000e+00 : f32
        %ge3A_122 = vector.broadcast %ge3A : f32 to vector<16xf32>
        %ge3A_123 = arith.cmpf oge, %gather3A, %ge3A_122 : vector<16xf32>
        %jit3A_124 = arith.constant 0 : i32
        %jit3A_125 = arith.constant 48 : i32
        %broadcast_in_dim3A_126 = vector.broadcast %jit3A_124 : i32 to vector<16xi32>
        %broadcast_in_dim3A_127 = vector.broadcast %jit3A_125 : i32 to vector<16xi32>
        %select_n3A_128 = arith.select %ge3A_123, %broadcast_in_dim3A_126, %broadcast_in_dim3A_127 : vector<16xi1>, vector<16xi32>
        %add3A_129 = arith.addi %add3A_118, %select_n3A_128 : vector<16xi32>
        %add3A_130 = arith.addi %add3A_129, %select_n3A_16 : vector<16xi32>
        %broadcast_in_dim3A_131 = arith.constant 2147483647 : i32
        %broadcast_in_dim3A_132 = vector.broadcast %broadcast_in_dim3A_131 : i32 to vector<16xi32>
        %broadcast_in_dim3A_133 = arith.constant 0 : i32
        %broadcast_in_dim3A_134 = vector.broadcast %broadcast_in_dim3A_133 : i32 to vector<16xi32>
        %broadcast_in_dim3A_135 = arith.constant 0 : i32
        %broadcast_in_dim3A_136 = vector.broadcast %broadcast_in_dim3A_135 : i32 to vector<16xi32>
        %broadcast_in_dim3A_137 = arith.constant 0 : i32
        %broadcast_in_dim3A_138 = vector.broadcast %broadcast_in_dim3A_137 : i32 to vector<16xi32>
        %add3A_139 = arith.constant 0 : i32
        %add3A_140 = vector.broadcast %add3A_139 : i32 to vector<16xi32>
        %add3A_141 = arith.addi %add3A_130, %add3A_140 : vector<16xi32>
        %gather3A_142 = tpu.vector_load_idx %arg5[%broadcast_in_dim3A_5, %broadcast_in_dim3A_5, %add3A_141] : memref<2x320x97xf32, #tpu.memory_space<vmem>>[vector<16xi32>, vector<16xi32>, vector<16xi32>], vector<16xf32>,
        %bitcast3A = vector.bitcast %gather3A_142 : vector<16xf32> to vector<16xi32>
        %and3A_143 = arith.constant 2147483647 : i32
        %and3A_144 = vector.broadcast %and3A_143 : i32 to vector<16xi32>
        %and3A_145 = arith.andi %bitcast3A, %and3A_144 : vector<16xi32>
        %shift_right_arithmetic3A = arith.constant 31 : i32
        %shift_right_arithmetic3A_146 = vector.broadcast %shift_right_arithmetic3A : i32 to vector<16xi32>
        %shift_right_arithmetic3A_147 = arith.shrsi %bitcast3A, %shift_right_arithmetic3A_146 : vector<16xi32>
        %and3A_148 = arith.constant 8388608 : i32
        %and3A_149 = vector.broadcast %and3A_148 : i32 to vector<16xi32>
        %and3A_150 = arith.andi %shift_right_arithmetic3A_147, %and3A_149 : vector<16xi32>
        %add3A_151 = arith.addi %broadcast_in_dim3A_138, %and3A_150 : vector<16xi32>
        %add3A_152 = arith.constant 0 : i32
        %add3A_153 = vector.broadcast %add3A_152 : i32 to vector<16xi32>
        %add3A_154 = arith.addi %select_n3A_16, %add3A_153 : vector<16xi32>
        %sub3A_155 = arith.subi %and3A_145, %broadcast_in_dim3A_132 : vector<16xi32>
        %shift_right_arithmetic3A_156 = arith.constant 31 : i32
        %shift_right_arithmetic3A_157 = vector.broadcast %shift_right_arithmetic3A_156 : i32 to vector<16xi32>
        %shift_right_arithmetic3A_158 = arith.shrsi %sub3A_155, %shift_right_arithmetic3A_157 : vector<16xi32>
        %and3A_159 = arith.andi %shift_right_arithmetic3A_158, %sub3A_155 : vector<16xi32>
        %add3A_160 = arith.addi %broadcast_in_dim3A_132, %and3A_159 : vector<16xi32>
        %sub3A_161 = arith.subi %add3A_154, %broadcast_in_dim3A_136 : vector<16xi32>
        %and3A_162 = arith.andi %shift_right_arithmetic3A_158, %sub3A_161 : vector<16xi32>
        %add3A_163 = arith.addi %broadcast_in_dim3A_136, %and3A_162 : vector<16xi32>
        %sub3A_164 = arith.subi %add3A_160, %broadcast_in_dim3A_132 : vector<16xi32>
        %shift_right_arithmetic3A_165 = arith.constant 31 : i32
        %shift_right_arithmetic3A_166 = vector.broadcast %shift_right_arithmetic3A_165 : i32 to vector<16xi32>
        %shift_right_arithmetic3A_167 = arith.shrsi %sub3A_164, %shift_right_arithmetic3A_166 : vector<16xi32>
        %and3A_168 = arith.andi %shift_right_arithmetic3A_167, %sub3A_164 : vector<16xi32>
        %add3A_169 = arith.addi %broadcast_in_dim3A_132, %and3A_168 : vector<16xi32>
        %sub3A_170 = arith.subi %add3A_160, %and3A_168 : vector<16xi32>
        %sub3A_171 = arith.subi %add3A_163, %broadcast_in_dim3A_134 : vector<16xi32>
        %and3A_172 = arith.andi %shift_right_arithmetic3A_167, %sub3A_171 : vector<16xi32>
        %add3A_173 = arith.addi %broadcast_in_dim3A_134, %and3A_172 : vector<16xi32>
        %sub3A_174 = arith.subi %add3A_163, %and3A_172 : vector<16xi32>
        %add3A_175 = arith.constant 1 : i32
        %add3A_176 = vector.broadcast %add3A_175 : i32 to vector<16xi32>
        %add3A_177 = arith.addi %add3A_130, %add3A_176 : vector<16xi32>
        %gather3A_178 = tpu.vector_load_idx %arg5[%broadcast_in_dim3A_5, %broadcast_in_dim3A_5, %add3A_177] : memref<2x320x97xf32, #tpu.memory_space<vmem>>[vector<16xi32>, vector<16xi32>, vector<16xi32>], vector<16xf32>,
        %bitcast3A_179 = vector.bitcast %gather3A_178 : vector<16xf32> to vector<16xi32>
        %and3A_180 = arith.constant 2147483647 : i32
        %and3A_181 = vector.broadcast %and3A_180 : i32 to vector<16xi32>
        %and3A_182 = arith.andi %bitcast3A_179, %and3A_181 : vector<16xi32>
        %shift_right_arithmetic3A_183 = arith.constant 31 : i32
        %shift_right_arithmetic3A_184 = vector.broadcast %shift_right_arithmetic3A_183 : i32 to vector<16xi32>
        %shift_right_arithmetic3A_185 = arith.shrsi %bitcast3A_179, %shift_right_arithmetic3A_184 : vector<16xi32>
        %and3A_186 = arith.constant 4194304 : i32
        %and3A_187 = vector.broadcast %and3A_186 : i32 to vector<16xi32>
        %and3A_188 = arith.andi %shift_right_arithmetic3A_185, %and3A_187 : vector<16xi32>
        %add3A_189 = arith.addi %add3A_151, %and3A_188 : vector<16xi32>
        %add3A_190 = arith.constant 1 : i32
        %add3A_191 = vector.broadcast %add3A_190 : i32 to vector<16xi32>
        %add3A_192 = arith.addi %select_n3A_16, %add3A_191 : vector<16xi32>
        %sub3A_193 = arith.subi %and3A_182, %sub3A_170 : vector<16xi32>
        %shift_right_arithmetic3A_194 = arith.constant 31 : i32
        %shift_right_arithmetic3A_195 = vector.broadcast %shift_right_arithmetic3A_194 : i32 to vector<16xi32>
        %shift_right_arithmetic3A_196 = arith.shrsi %sub3A_193, %shift_right_arithmetic3A_195 : vector<16xi32>
        %and3A_197 = arith.andi %shift_right_arithmetic3A_196, %sub3A_193 : vector<16xi32>
        %add3A_198 = arith.addi %sub3A_170, %and3A_197 : vector<16xi32>
        %sub3A_199 = arith.subi %add3A_192, %sub3A_174 : vector<16xi32>
        %and3A_200 = arith.andi %shift_right_arithmetic3A_196, %sub3A_199 : vector<16xi32>
        %add3A_201 = arith.addi %sub3A_174, %and3A_200 : vector<16xi32>
        %sub3A_202 = arith.subi %add3A_198, %add3A_169 : vector<16xi32>
        %shift_right_arithmetic3A_203 = arith.constant 31 : i32
        %shift_right_arithmetic3A_204 = vector.broadcast %shift_right_arithmetic3A_203 : i32 to vector<16xi32>
        %shift_right_arithmetic3A_205 = arith.shrsi %sub3A_202, %shift_right_arithmetic3A_204 : vector<16xi32>
        %and3A_206 = arith.andi %shift_right_arithmetic3A_205, %sub3A_202 : vector<16xi32>
        %add3A_207 = arith.addi %add3A_169, %and3A_206 : vector<16xi32>
        %sub3A_208 = arith.subi %add3A_198, %and3A_206 : vector<16xi32>
        %sub3A_209 = arith.subi %add3A_201, %add3A_173 : vector<16xi32>
        %and3A_210 = arith.andi %shift_right_arithmetic3A_205, %sub3A_209 : vector<16xi32>
        %add3A_211 = arith.addi %add3A_173, %and3A_210 : vector<16xi32>
        %sub3A_212 = arith.subi %add3A_201, %and3A_210 : vector<16xi32>
        %add3A_213 = arith.constant 2 : i32
        %add3A_214 = vector.broadcast %add3A_213 : i32 to vector<16xi32>
        %add3A_215 = arith.addi %add3A_130, %add3A_214 : vector<16xi32>
        %gather3A_216 = tpu.vector_load_idx %arg5[%broadcast_in_dim3A_5, %broadcast_in_dim3A_5, %add3A_215] : memref<2x320x97xf32, #tpu.memory_space<vmem>>[vector<16xi32>, vector<16xi32>, vector<16xi32>], vector<16xf32>,
        %bitcast3A_217 = vector.bitcast %gather3A_216 : vector<16xf32> to vector<16xi32>
        %and3A_218 = arith.constant 2147483647 : i32
        %and3A_219 = vector.broadcast %and3A_218 : i32 to vector<16xi32>
        %and3A_220 = arith.andi %bitcast3A_217, %and3A_219 : vector<16xi32>
        %shift_right_arithmetic3A_221 = arith.constant 31 : i32
        %shift_right_arithmetic3A_222 = vector.broadcast %shift_right_arithmetic3A_221 : i32 to vector<16xi32>
        %shift_right_arithmetic3A_223 = arith.shrsi %bitcast3A_217, %shift_right_arithmetic3A_222 : vector<16xi32>
        %and3A_224 = arith.constant 2097152 : i32
        %and3A_225 = vector.broadcast %and3A_224 : i32 to vector<16xi32>
        %and3A_226 = arith.andi %shift_right_arithmetic3A_223, %and3A_225 : vector<16xi32>
        %add3A_227 = arith.addi %add3A_189, %and3A_226 : vector<16xi32>
        %add3A_228 = arith.constant 2 : i32
        %add3A_229 = vector.broadcast %add3A_228 : i32 to vector<16xi32>
        %add3A_230 = arith.addi %select_n3A_16, %add3A_229 : vector<16xi32>
        %sub3A_231 = arith.subi %and3A_220, %sub3A_208 : vector<16xi32>
        %shift_right_arithmetic3A_232 = arith.constant 31 : i32
        %shift_right_arithmetic3A_233 = vector.broadcast %shift_right_arithmetic3A_232 : i32 to vector<16xi32>
        %shift_right_arithmetic3A_234 = arith.shrsi %sub3A_231, %shift_right_arithmetic3A_233 : vector<16xi32>
        %and3A_235 = arith.andi %shift_right_arithmetic3A_234, %sub3A_231 : vector<16xi32>
        %add3A_236 = arith.addi %sub3A_208, %and3A_235 : vector<16xi32>
        %sub3A_237 = arith.subi %add3A_230, %sub3A_212 : vector<16xi32>
        %and3A_238 = arith.andi %shift_right_arithmetic3A_234, %sub3A_237 : vector<16xi32>
        %add3A_239 = arith.addi %sub3A_212, %and3A_238 : vector<16xi32>
        %sub3A_240 = arith.subi %add3A_236, %add3A_207 : vector<16xi32>
        %shift_right_arithmetic3A_241 = arith.constant 31 : i32
        %shift_right_arithmetic3A_242 = vector.broadcast %shift_right_arithmetic3A_241 : i32 to vector<16xi32>
        %shift_right_arithmetic3A_243 = arith.shrsi %sub3A_240, %shift_right_arithmetic3A_242 : vector<16xi32>
        %and3A_244 = arith.andi %shift_right_arithmetic3A_243, %sub3A_240 : vector<16xi32>
        %add3A_245 = arith.addi %add3A_207, %and3A_244 : vector<16xi32>
        %sub3A_246 = arith.subi %add3A_236, %and3A_244 : vector<16xi32>
        %sub3A_247 = arith.subi %add3A_239, %add3A_211 : vector<16xi32>
        %and3A_248 = arith.andi %shift_right_arithmetic3A_243, %sub3A_247 : vector<16xi32>
        %add3A_249 = arith.addi %add3A_211, %and3A_248 : vector<16xi32>
        %sub3A_250 = arith.subi %add3A_239, %and3A_248 : vector<16xi32>
        %add3A_251 = arith.constant 3 : i32
        %add3A_252 = vector.broadcast %add3A_251 : i32 to vector<16xi32>
        %add3A_253 = arith.addi %add3A_130, %add3A_252 : vector<16xi32>
        %gather3A_254 = tpu.vector_load_idx %arg5[%broadcast_in_dim3A_5, %broadcast_in_dim3A_5, %add3A_253] : memref<2x320x97xf32, #tpu.memory_space<vmem>>[vector<16xi32>, vector<16xi32>, vector<16xi32>], vector<16xf32>,
        %bitcast3A_255 = vector.bitcast %gather3A_254 : vector<16xf32> to vector<16xi32>
        %and3A_256 = arith.constant 2147483647 : i32
        %and3A_257 = vector.broadcast %and3A_256 : i32 to vector<16xi32>
        %and3A_258 = arith.andi %bitcast3A_255, %and3A_257 : vector<16xi32>
        %shift_right_arithmetic3A_259 = arith.constant 31 : i32
        %shift_right_arithmetic3A_260 = vector.broadcast %shift_right_arithmetic3A_259 : i32 to vector<16xi32>
        %shift_right_arithmetic3A_261 = arith.shrsi %bitcast3A_255, %shift_right_arithmetic3A_260 : vector<16xi32>
        %and3A_262 = arith.constant 1048576 : i32
        %and3A_263 = vector.broadcast %and3A_262 : i32 to vector<16xi32>
        %and3A_264 = arith.andi %shift_right_arithmetic3A_261, %and3A_263 : vector<16xi32>
        %add3A_265 = arith.addi %add3A_227, %and3A_264 : vector<16xi32>
        %add3A_266 = arith.constant 3 : i32
        %add3A_267 = vector.broadcast %add3A_266 : i32 to vector<16xi32>
        %add3A_268 = arith.addi %select_n3A_16, %add3A_267 : vector<16xi32>
        %sub3A_269 = arith.subi %and3A_258, %sub3A_246 : vector<16xi32>
        %shift_right_arithmetic3A_270 = arith.constant 31 : i32
        %shift_right_arithmetic3A_271 = vector.broadcast %shift_right_arithmetic3A_270 : i32 to vector<16xi32>
        %shift_right_arithmetic3A_272 = arith.shrsi %sub3A_269, %shift_right_arithmetic3A_271 : vector<16xi32>
        %and3A_273 = arith.andi %shift_right_arithmetic3A_272, %sub3A_269 : vector<16xi32>
        %add3A_274 = arith.addi %sub3A_246, %and3A_273 : vector<16xi32>
        %sub3A_275 = arith.subi %add3A_268, %sub3A_250 : vector<16xi32>
        %and3A_276 = arith.andi %shift_right_arithmetic3A_272, %sub3A_275 : vector<16xi32>
        %add3A_277 = arith.addi %sub3A_250, %and3A_276 : vector<16xi32>
        %sub3A_278 = arith.subi %add3A_274, %add3A_245 : vector<16xi32>
        %shift_right_arithmetic3A_279 = arith.constant 31 : i32
        %shift_right_arithmetic3A_280 = vector.broadcast %shift_right_arithmetic3A_279 : i32 to vector<16xi32>
        %shift_right_arithmetic3A_281 = arith.shrsi %sub3A_278, %shift_right_arithmetic3A_280 : vector<16xi32>
        %and3A_282 = arith.andi %shift_right_arithmetic3A_281, %sub3A_278 : vector<16xi32>
        %add3A_283 = arith.addi %add3A_245, %and3A_282 : vector<16xi32>
        %sub3A_284 = arith.subi %add3A_274, %and3A_282 : vector<16xi32>
        %sub3A_285 = arith.subi %add3A_277, %add3A_249 : vector<16xi32>
        %and3A_286 = arith.andi %shift_right_arithmetic3A_281, %sub3A_285 : vector<16xi32>
        %add3A_287 = arith.addi %add3A_249, %and3A_286 : vector<16xi32>
        %sub3A_288 = arith.subi %add3A_277, %and3A_286 : vector<16xi32>
        %add3A_289 = arith.constant 4 : i32
        %add3A_290 = vector.broadcast %add3A_289 : i32 to vector<16xi32>
        %add3A_291 = arith.addi %add3A_130, %add3A_290 : vector<16xi32>
        %gather3A_292 = tpu.vector_load_idx %arg5[%broadcast_in_dim3A_5, %broadcast_in_dim3A_5, %add3A_291] : memref<2x320x97xf32, #tpu.memory_space<vmem>>[vector<16xi32>, vector<16xi32>, vector<16xi32>], vector<16xf32>,
        %bitcast3A_293 = vector.bitcast %gather3A_292 : vector<16xf32> to vector<16xi32>
        %and3A_294 = arith.constant 2147483647 : i32
        %and3A_295 = vector.broadcast %and3A_294 : i32 to vector<16xi32>
        %and3A_296 = arith.andi %bitcast3A_293, %and3A_295 : vector<16xi32>
        %shift_right_arithmetic3A_297 = arith.constant 31 : i32
        %shift_right_arithmetic3A_298 = vector.broadcast %shift_right_arithmetic3A_297 : i32 to vector<16xi32>
        %shift_right_arithmetic3A_299 = arith.shrsi %bitcast3A_293, %shift_right_arithmetic3A_298 : vector<16xi32>
        %and3A_300 = arith.constant 524288 : i32
        %and3A_301 = vector.broadcast %and3A_300 : i32 to vector<16xi32>
        %and3A_302 = arith.andi %shift_right_arithmetic3A_299, %and3A_301 : vector<16xi32>
        %add3A_303 = arith.addi %add3A_265, %and3A_302 : vector<16xi32>
        %add3A_304 = arith.constant 4 : i32
        %add3A_305 = vector.broadcast %add3A_304 : i32 to vector<16xi32>
        %add3A_306 = arith.addi %select_n3A_16, %add3A_305 : vector<16xi32>
        %sub3A_307 = arith.subi %and3A_296, %sub3A_284 : vector<16xi32>
        %shift_right_arithmetic3A_308 = arith.constant 31 : i32
        %shift_right_arithmetic3A_309 = vector.broadcast %shift_right_arithmetic3A_308 : i32 to vector<16xi32>
        %shift_right_arithmetic3A_310 = arith.shrsi %sub3A_307, %shift_right_arithmetic3A_309 : vector<16xi32>
        %and3A_311 = arith.andi %shift_right_arithmetic3A_310, %sub3A_307 : vector<16xi32>
        %add3A_312 = arith.addi %sub3A_284, %and3A_311 : vector<16xi32>
        %sub3A_313 = arith.subi %add3A_306, %sub3A_288 : vector<16xi32>
        %and3A_314 = arith.andi %shift_right_arithmetic3A_310, %sub3A_313 : vector<16xi32>
        %add3A_315 = arith.addi %sub3A_288, %and3A_314 : vector<16xi32>
        %sub3A_316 = arith.subi %add3A_312, %add3A_283 : vector<16xi32>
        %shift_right_arithmetic3A_317 = arith.constant 31 : i32
        %shift_right_arithmetic3A_318 = vector.broadcast %shift_right_arithmetic3A_317 : i32 to vector<16xi32>
        %shift_right_arithmetic3A_319 = arith.shrsi %sub3A_316, %shift_right_arithmetic3A_318 : vector<16xi32>
        %and3A_320 = arith.andi %shift_right_arithmetic3A_319, %sub3A_316 : vector<16xi32>
        %add3A_321 = arith.addi %add3A_283, %and3A_320 : vector<16xi32>
        %sub3A_322 = arith.subi %add3A_312, %and3A_320 : vector<16xi32>
        %sub3A_323 = arith.subi %add3A_315, %add3A_287 : vector<16xi32>
        %and3A_324 = arith.andi %shift_right_arithmetic3A_319, %sub3A_323 : vector<16xi32>
        %add3A_325 = arith.addi %add3A_287, %and3A_324 : vector<16xi32>
        %sub3A_326 = arith.subi %add3A_315, %and3A_324 : vector<16xi32>
        %add3A_327 = arith.constant 5 : i32
        %add3A_328 = vector.broadcast %add3A_327 : i32 to vector<16xi32>
        %add3A_329 = arith.addi %add3A_130, %add3A_328 : vector<16xi32>
        %gather3A_330 = tpu.vector_load_idx %arg5[%broadcast_in_dim3A_5, %broadcast_in_dim3A_5, %add3A_329] : memref<2x320x97xf32, #tpu.memory_space<vmem>>[vector<16xi32>, vector<16xi32>, vector<16xi32>], vector<16xf32>,
        %bitcast3A_331 = vector.bitcast %gather3A_330 : vector<16xf32> to vector<16xi32>
        %and3A_332 = arith.constant 2147483647 : i32
        %and3A_333 = vector.broadcast %and3A_332 : i32 to vector<16xi32>
        %and3A_334 = arith.andi %bitcast3A_331, %and3A_333 : vector<16xi32>
        %shift_right_arithmetic3A_335 = arith.constant 31 : i32
        %shift_right_arithmetic3A_336 = vector.broadcast %shift_right_arithmetic3A_335 : i32 to vector<16xi32>
        %shift_right_arithmetic3A_337 = arith.shrsi %bitcast3A_331, %shift_right_arithmetic3A_336 : vector<16xi32>
        %and3A_338 = arith.constant 262144 : i32
        %and3A_339 = vector.broadcast %and3A_338 : i32 to vector<16xi32>
        %and3A_340 = arith.andi %shift_right_arithmetic3A_337, %and3A_339 : vector<16xi32>
        %add3A_341 = arith.addi %add3A_303, %and3A_340 : vector<16xi32>
        %add3A_342 = arith.constant 5 : i32
        %add3A_343 = vector.broadcast %add3A_342 : i32 to vector<16xi32>
        %add3A_344 = arith.addi %select_n3A_16, %add3A_343 : vector<16xi32>
        %sub3A_345 = arith.subi %and3A_334, %sub3A_322 : vector<16xi32>
        %shift_right_arithmetic3A_346 = arith.constant 31 : i32
        %shift_right_arithmetic3A_347 = vector.broadcast %shift_right_arithmetic3A_346 : i32 to vector<16xi32>
        %shift_right_arithmetic3A_348 = arith.shrsi %sub3A_345, %shift_right_arithmetic3A_347 : vector<16xi32>
        %and3A_349 = arith.andi %shift_right_arithmetic3A_348, %sub3A_345 : vector<16xi32>
        %add3A_350 = arith.addi %sub3A_322, %and3A_349 : vector<16xi32>
        %sub3A_351 = arith.subi %add3A_344, %sub3A_326 : vector<16xi32>
        %and3A_352 = arith.andi %shift_right_arithmetic3A_348, %sub3A_351 : vector<16xi32>
        %add3A_353 = arith.addi %sub3A_326, %and3A_352 : vector<16xi32>
        %sub3A_354 = arith.subi %add3A_350, %add3A_321 : vector<16xi32>
        %shift_right_arithmetic3A_355 = arith.constant 31 : i32
        %shift_right_arithmetic3A_356 = vector.broadcast %shift_right_arithmetic3A_355 : i32 to vector<16xi32>
        %shift_right_arithmetic3A_357 = arith.shrsi %sub3A_354, %shift_right_arithmetic3A_356 : vector<16xi32>
        %and3A_358 = arith.andi %shift_right_arithmetic3A_357, %sub3A_354 : vector<16xi32>
        %add3A_359 = arith.addi %add3A_321, %and3A_358 : vector<16xi32>
        %sub3A_360 = arith.subi %add3A_350, %and3A_358 : vector<16xi32>
        %sub3A_361 = arith.subi %add3A_353, %add3A_325 : vector<16xi32>
        %and3A_362 = arith.andi %shift_right_arithmetic3A_357, %sub3A_361 : vector<16xi32>
        %add3A_363 = arith.addi %add3A_325, %and3A_362 : vector<16xi32>
        %sub3A_364 = arith.subi %add3A_353, %and3A_362 : vector<16xi32>
        %add3A_365 = arith.constant 6 : i32
        %add3A_366 = vector.broadcast %add3A_365 : i32 to vector<16xi32>
        %add3A_367 = arith.addi %add3A_130, %add3A_366 : vector<16xi32>
        %gather3A_368 = tpu.vector_load_idx %arg5[%broadcast_in_dim3A_5, %broadcast_in_dim3A_5, %add3A_367] : memref<2x320x97xf32, #tpu.memory_space<vmem>>[vector<16xi32>, vector<16xi32>, vector<16xi32>], vector<16xf32>,
        %bitcast3A_369 = vector.bitcast %gather3A_368 : vector<16xf32> to vector<16xi32>
        %and3A_370 = arith.constant 2147483647 : i32
        %and3A_371 = vector.broadcast %and3A_370 : i32 to vector<16xi32>
        %and3A_372 = arith.andi %bitcast3A_369, %and3A_371 : vector<16xi32>
        %shift_right_arithmetic3A_373 = arith.constant 31 : i32
        %shift_right_arithmetic3A_374 = vector.broadcast %shift_right_arithmetic3A_373 : i32 to vector<16xi32>
        %shift_right_arithmetic3A_375 = arith.shrsi %bitcast3A_369, %shift_right_arithmetic3A_374 : vector<16xi32>
        %and3A_376 = arith.constant 131072 : i32
        %and3A_377 = vector.broadcast %and3A_376 : i32 to vector<16xi32>
        %and3A_378 = arith.andi %shift_right_arithmetic3A_375, %and3A_377 : vector<16xi32>
        %add3A_379 = arith.addi %add3A_341, %and3A_378 : vector<16xi32>
        %add3A_380 = arith.constant 6 : i32
        %add3A_381 = vector.broadcast %add3A_380 : i32 to vector<16xi32>
        %add3A_382 = arith.addi %select_n3A_16, %add3A_381 : vector<16xi32>
        %sub3A_383 = arith.subi %and3A_372, %sub3A_360 : vector<16xi32>
        %shift_right_arithmetic3A_384 = arith.constant 31 : i32
        %shift_right_arithmetic3A_385 = vector.broadcast %shift_right_arithmetic3A_384 : i32 to vector<16xi32>
        %shift_right_arithmetic3A_386 = arith.shrsi %sub3A_383, %shift_right_arithmetic3A_385 : vector<16xi32>
        %and3A_387 = arith.andi %shift_right_arithmetic3A_386, %sub3A_383 : vector<16xi32>
        %add3A_388 = arith.addi %sub3A_360, %and3A_387 : vector<16xi32>
        %sub3A_389 = arith.subi %add3A_382, %sub3A_364 : vector<16xi32>
        %and3A_390 = arith.andi %shift_right_arithmetic3A_386, %sub3A_389 : vector<16xi32>
        %add3A_391 = arith.addi %sub3A_364, %and3A_390 : vector<16xi32>
        %sub3A_392 = arith.subi %add3A_388, %add3A_359 : vector<16xi32>
        %shift_right_arithmetic3A_393 = arith.constant 31 : i32
        %shift_right_arithmetic3A_394 = vector.broadcast %shift_right_arithmetic3A_393 : i32 to vector<16xi32>
        %shift_right_arithmetic3A_395 = arith.shrsi %sub3A_392, %shift_right_arithmetic3A_394 : vector<16xi32>
        %and3A_396 = arith.andi %shift_right_arithmetic3A_395, %sub3A_392 : vector<16xi32>
        %add3A_397 = arith.addi %add3A_359, %and3A_396 : vector<16xi32>
        %sub3A_398 = arith.subi %add3A_388, %and3A_396 : vector<16xi32>
        %sub3A_399 = arith.subi %add3A_391, %add3A_363 : vector<16xi32>
        %and3A_400 = arith.andi %shift_right_arithmetic3A_395, %sub3A_399 : vector<16xi32>
        %add3A_401 = arith.addi %add3A_363, %and3A_400 : vector<16xi32>
        %sub3A_402 = arith.subi %add3A_391, %and3A_400 : vector<16xi32>
        %add3A_403 = arith.constant 7 : i32
        %add3A_404 = vector.broadcast %add3A_403 : i32 to vector<16xi32>
        %add3A_405 = arith.addi %add3A_130, %add3A_404 : vector<16xi32>
        %gather3A_406 = tpu.vector_load_idx %arg5[%broadcast_in_dim3A_5, %broadcast_in_dim3A_5, %add3A_405] : memref<2x320x97xf32, #tpu.memory_space<vmem>>[vector<16xi32>, vector<16xi32>, vector<16xi32>], vector<16xf32>,
        %bitcast3A_407 = vector.bitcast %gather3A_406 : vector<16xf32> to vector<16xi32>
        %and3A_408 = arith.constant 2147483647 : i32
        %and3A_409 = vector.broadcast %and3A_408 : i32 to vector<16xi32>
        %and3A_410 = arith.andi %bitcast3A_407, %and3A_409 : vector<16xi32>
        %shift_right_arithmetic3A_411 = arith.constant 31 : i32
        %shift_right_arithmetic3A_412 = vector.broadcast %shift_right_arithmetic3A_411 : i32 to vector<16xi32>
        %shift_right_arithmetic3A_413 = arith.shrsi %bitcast3A_407, %shift_right_arithmetic3A_412 : vector<16xi32>
        %and3A_414 = arith.constant 65536 : i32
        %and3A_415 = vector.broadcast %and3A_414 : i32 to vector<16xi32>
        %and3A_416 = arith.andi %shift_right_arithmetic3A_413, %and3A_415 : vector<16xi32>
        %add3A_417 = arith.addi %add3A_379, %and3A_416 : vector<16xi32>
        %add3A_418 = arith.constant 7 : i32
        %add3A_419 = vector.broadcast %add3A_418 : i32 to vector<16xi32>
        %add3A_420 = arith.addi %select_n3A_16, %add3A_419 : vector<16xi32>
        %sub3A_421 = arith.subi %and3A_410, %sub3A_398 : vector<16xi32>
        %shift_right_arithmetic3A_422 = arith.constant 31 : i32
        %shift_right_arithmetic3A_423 = vector.broadcast %shift_right_arithmetic3A_422 : i32 to vector<16xi32>
        %shift_right_arithmetic3A_424 = arith.shrsi %sub3A_421, %shift_right_arithmetic3A_423 : vector<16xi32>
        %and3A_425 = arith.andi %shift_right_arithmetic3A_424, %sub3A_421 : vector<16xi32>
        %add3A_426 = arith.addi %sub3A_398, %and3A_425 : vector<16xi32>
        %sub3A_427 = arith.subi %add3A_420, %sub3A_402 : vector<16xi32>
        %and3A_428 = arith.andi %shift_right_arithmetic3A_424, %sub3A_427 : vector<16xi32>
        %add3A_429 = arith.addi %sub3A_402, %and3A_428 : vector<16xi32>
        %sub3A_430 = arith.subi %add3A_426, %add3A_397 : vector<16xi32>
        %shift_right_arithmetic3A_431 = arith.constant 31 : i32
        %shift_right_arithmetic3A_432 = vector.broadcast %shift_right_arithmetic3A_431 : i32 to vector<16xi32>
        %shift_right_arithmetic3A_433 = arith.shrsi %sub3A_430, %shift_right_arithmetic3A_432 : vector<16xi32>
        %and3A_434 = arith.andi %shift_right_arithmetic3A_433, %sub3A_430 : vector<16xi32>
        %add3A_435 = arith.addi %add3A_397, %and3A_434 : vector<16xi32>
        %sub3A_436 = arith.subi %add3A_426, %and3A_434 : vector<16xi32>
        %sub3A_437 = arith.subi %add3A_429, %add3A_401 : vector<16xi32>
        %and3A_438 = arith.andi %shift_right_arithmetic3A_433, %sub3A_437 : vector<16xi32>
        %add3A_439 = arith.addi %add3A_401, %and3A_438 : vector<16xi32>
        %sub3A_440 = arith.subi %add3A_429, %and3A_438 : vector<16xi32>
        %add3A_441 = arith.constant 8 : i32
        %add3A_442 = vector.broadcast %add3A_441 : i32 to vector<16xi32>
        %add3A_443 = arith.addi %add3A_130, %add3A_442 : vector<16xi32>
        %gather3A_444 = tpu.vector_load_idx %arg5[%broadcast_in_dim3A_5, %broadcast_in_dim3A_5, %add3A_443] : memref<2x320x97xf32, #tpu.memory_space<vmem>>[vector<16xi32>, vector<16xi32>, vector<16xi32>], vector<16xf32>,
        %bitcast3A_445 = vector.bitcast %gather3A_444 : vector<16xf32> to vector<16xi32>
        %and3A_446 = arith.constant 2147483647 : i32
        %and3A_447 = vector.broadcast %and3A_446 : i32 to vector<16xi32>
        %and3A_448 = arith.andi %bitcast3A_445, %and3A_447 : vector<16xi32>
        %shift_right_arithmetic3A_449 = arith.constant 31 : i32
        %shift_right_arithmetic3A_450 = vector.broadcast %shift_right_arithmetic3A_449 : i32 to vector<16xi32>
        %shift_right_arithmetic3A_451 = arith.shrsi %bitcast3A_445, %shift_right_arithmetic3A_450 : vector<16xi32>
        %and3A_452 = arith.constant 32768 : i32
        %and3A_453 = vector.broadcast %and3A_452 : i32 to vector<16xi32>
        %and3A_454 = arith.andi %shift_right_arithmetic3A_451, %and3A_453 : vector<16xi32>
        %add3A_455 = arith.addi %add3A_417, %and3A_454 : vector<16xi32>
        %add3A_456 = arith.constant 8 : i32
        %add3A_457 = vector.broadcast %add3A_456 : i32 to vector<16xi32>
        %add3A_458 = arith.addi %select_n3A_16, %add3A_457 : vector<16xi32>
        %sub3A_459 = arith.subi %and3A_448, %sub3A_436 : vector<16xi32>
        %shift_right_arithmetic3A_460 = arith.constant 31 : i32
        %shift_right_arithmetic3A_461 = vector.broadcast %shift_right_arithmetic3A_460 : i32 to vector<16xi32>
        %shift_right_arithmetic3A_462 = arith.shrsi %sub3A_459, %shift_right_arithmetic3A_461 : vector<16xi32>
        %and3A_463 = arith.andi %shift_right_arithmetic3A_462, %sub3A_459 : vector<16xi32>
        %add3A_464 = arith.addi %sub3A_436, %and3A_463 : vector<16xi32>
        %sub3A_465 = arith.subi %add3A_458, %sub3A_440 : vector<16xi32>
        %and3A_466 = arith.andi %shift_right_arithmetic3A_462, %sub3A_465 : vector<16xi32>
        %add3A_467 = arith.addi %sub3A_440, %and3A_466 : vector<16xi32>
        %sub3A_468 = arith.subi %add3A_464, %add3A_435 : vector<16xi32>
        %shift_right_arithmetic3A_469 = arith.constant 31 : i32
        %shift_right_arithmetic3A_470 = vector.broadcast %shift_right_arithmetic3A_469 : i32 to vector<16xi32>
        %shift_right_arithmetic3A_471 = arith.shrsi %sub3A_468, %shift_right_arithmetic3A_470 : vector<16xi32>
        %and3A_472 = arith.andi %shift_right_arithmetic3A_471, %sub3A_468 : vector<16xi32>
        %add3A_473 = arith.addi %add3A_435, %and3A_472 : vector<16xi32>
        %sub3A_474 = arith.subi %add3A_464, %and3A_472 : vector<16xi32>
        %sub3A_475 = arith.subi %add3A_467, %add3A_439 : vector<16xi32>
        %and3A_476 = arith.andi %shift_right_arithmetic3A_471, %sub3A_475 : vector<16xi32>
        %add3A_477 = arith.addi %add3A_439, %and3A_476 : vector<16xi32>
        %sub3A_478 = arith.subi %add3A_467, %and3A_476 : vector<16xi32>
        %add3A_479 = arith.constant 9 : i32
        %add3A_480 = vector.broadcast %add3A_479 : i32 to vector<16xi32>
        %add3A_481 = arith.addi %add3A_130, %add3A_480 : vector<16xi32>
        %gather3A_482 = tpu.vector_load_idx %arg5[%broadcast_in_dim3A_5, %broadcast_in_dim3A_5, %add3A_481] : memref<2x320x97xf32, #tpu.memory_space<vmem>>[vector<16xi32>, vector<16xi32>, vector<16xi32>], vector<16xf32>,
        %bitcast3A_483 = vector.bitcast %gather3A_482 : vector<16xf32> to vector<16xi32>
        %and3A_484 = arith.constant 2147483647 : i32
        %and3A_485 = vector.broadcast %and3A_484 : i32 to vector<16xi32>
        %and3A_486 = arith.andi %bitcast3A_483, %and3A_485 : vector<16xi32>
        %shift_right_arithmetic3A_487 = arith.constant 31 : i32
        %shift_right_arithmetic3A_488 = vector.broadcast %shift_right_arithmetic3A_487 : i32 to vector<16xi32>
        %shift_right_arithmetic3A_489 = arith.shrsi %bitcast3A_483, %shift_right_arithmetic3A_488 : vector<16xi32>
        %and3A_490 = arith.constant 16384 : i32
        %and3A_491 = vector.broadcast %and3A_490 : i32 to vector<16xi32>
        %and3A_492 = arith.andi %shift_right_arithmetic3A_489, %and3A_491 : vector<16xi32>
        %add3A_493 = arith.addi %add3A_455, %and3A_492 : vector<16xi32>
        %add3A_494 = arith.constant 9 : i32
        %add3A_495 = vector.broadcast %add3A_494 : i32 to vector<16xi32>
        %add3A_496 = arith.addi %select_n3A_16, %add3A_495 : vector<16xi32>
        %sub3A_497 = arith.subi %and3A_486, %sub3A_474 : vector<16xi32>
        %shift_right_arithmetic3A_498 = arith.constant 31 : i32
        %shift_right_arithmetic3A_499 = vector.broadcast %shift_right_arithmetic3A_498 : i32 to vector<16xi32>
        %shift_right_arithmetic3A_500 = arith.shrsi %sub3A_497, %shift_right_arithmetic3A_499 : vector<16xi32>
        %and3A_501 = arith.andi %shift_right_arithmetic3A_500, %sub3A_497 : vector<16xi32>
        %add3A_502 = arith.addi %sub3A_474, %and3A_501 : vector<16xi32>
        %sub3A_503 = arith.subi %add3A_496, %sub3A_478 : vector<16xi32>
        %and3A_504 = arith.andi %shift_right_arithmetic3A_500, %sub3A_503 : vector<16xi32>
        %add3A_505 = arith.addi %sub3A_478, %and3A_504 : vector<16xi32>
        %sub3A_506 = arith.subi %add3A_502, %add3A_473 : vector<16xi32>
        %shift_right_arithmetic3A_507 = arith.constant 31 : i32
        %shift_right_arithmetic3A_508 = vector.broadcast %shift_right_arithmetic3A_507 : i32 to vector<16xi32>
        %shift_right_arithmetic3A_509 = arith.shrsi %sub3A_506, %shift_right_arithmetic3A_508 : vector<16xi32>
        %and3A_510 = arith.andi %shift_right_arithmetic3A_509, %sub3A_506 : vector<16xi32>
        %add3A_511 = arith.addi %add3A_473, %and3A_510 : vector<16xi32>
        %sub3A_512 = arith.subi %add3A_502, %and3A_510 : vector<16xi32>
        %sub3A_513 = arith.subi %add3A_505, %add3A_477 : vector<16xi32>
        %and3A_514 = arith.andi %shift_right_arithmetic3A_509, %sub3A_513 : vector<16xi32>
        %add3A_515 = arith.addi %add3A_477, %and3A_514 : vector<16xi32>
        %sub3A_516 = arith.subi %add3A_505, %and3A_514 : vector<16xi32>
        %add3A_517 = arith.constant 10 : i32
        %add3A_518 = vector.broadcast %add3A_517 : i32 to vector<16xi32>
        %add3A_519 = arith.addi %add3A_130, %add3A_518 : vector<16xi32>
        %gather3A_520 = tpu.vector_load_idx %arg5[%broadcast_in_dim3A_5, %broadcast_in_dim3A_5, %add3A_519] : memref<2x320x97xf32, #tpu.memory_space<vmem>>[vector<16xi32>, vector<16xi32>, vector<16xi32>], vector<16xf32>,
        %bitcast3A_521 = vector.bitcast %gather3A_520 : vector<16xf32> to vector<16xi32>
        %and3A_522 = arith.constant 2147483647 : i32
        %and3A_523 = vector.broadcast %and3A_522 : i32 to vector<16xi32>
        %and3A_524 = arith.andi %bitcast3A_521, %and3A_523 : vector<16xi32>
        %shift_right_arithmetic3A_525 = arith.constant 31 : i32
        %shift_right_arithmetic3A_526 = vector.broadcast %shift_right_arithmetic3A_525 : i32 to vector<16xi32>
        %shift_right_arithmetic3A_527 = arith.shrsi %bitcast3A_521, %shift_right_arithmetic3A_526 : vector<16xi32>
        %and3A_528 = arith.constant 8192 : i32
        %and3A_529 = vector.broadcast %and3A_528 : i32 to vector<16xi32>
        %and3A_530 = arith.andi %shift_right_arithmetic3A_527, %and3A_529 : vector<16xi32>
        %add3A_531 = arith.addi %add3A_493, %and3A_530 : vector<16xi32>
        %add3A_532 = arith.constant 10 : i32
        %add3A_533 = vector.broadcast %add3A_532 : i32 to vector<16xi32>
        %add3A_534 = arith.addi %select_n3A_16, %add3A_533 : vector<16xi32>
        %sub3A_535 = arith.subi %and3A_524, %sub3A_512 : vector<16xi32>
        %shift_right_arithmetic3A_536 = arith.constant 31 : i32
        %shift_right_arithmetic3A_537 = vector.broadcast %shift_right_arithmetic3A_536 : i32 to vector<16xi32>
        %shift_right_arithmetic3A_538 = arith.shrsi %sub3A_535, %shift_right_arithmetic3A_537 : vector<16xi32>
        %and3A_539 = arith.andi %shift_right_arithmetic3A_538, %sub3A_535 : vector<16xi32>
        %add3A_540 = arith.addi %sub3A_512, %and3A_539 : vector<16xi32>
        %sub3A_541 = arith.subi %add3A_534, %sub3A_516 : vector<16xi32>
        %and3A_542 = arith.andi %shift_right_arithmetic3A_538, %sub3A_541 : vector<16xi32>
        %add3A_543 = arith.addi %sub3A_516, %and3A_542 : vector<16xi32>
        %sub3A_544 = arith.subi %add3A_540, %add3A_511 : vector<16xi32>
        %shift_right_arithmetic3A_545 = arith.constant 31 : i32
        %shift_right_arithmetic3A_546 = vector.broadcast %shift_right_arithmetic3A_545 : i32 to vector<16xi32>
        %shift_right_arithmetic3A_547 = arith.shrsi %sub3A_544, %shift_right_arithmetic3A_546 : vector<16xi32>
        %and3A_548 = arith.andi %shift_right_arithmetic3A_547, %sub3A_544 : vector<16xi32>
        %add3A_549 = arith.addi %add3A_511, %and3A_548 : vector<16xi32>
        %sub3A_550 = arith.subi %add3A_540, %and3A_548 : vector<16xi32>
        %sub3A_551 = arith.subi %add3A_543, %add3A_515 : vector<16xi32>
        %and3A_552 = arith.andi %shift_right_arithmetic3A_547, %sub3A_551 : vector<16xi32>
        %add3A_553 = arith.addi %add3A_515, %and3A_552 : vector<16xi32>
        %sub3A_554 = arith.subi %add3A_543, %and3A_552 : vector<16xi32>
        %add3A_555 = arith.constant 11 : i32
        %add3A_556 = vector.broadcast %add3A_555 : i32 to vector<16xi32>
        %add3A_557 = arith.addi %add3A_130, %add3A_556 : vector<16xi32>
        %gather3A_558 = tpu.vector_load_idx %arg5[%broadcast_in_dim3A_5, %broadcast_in_dim3A_5, %add3A_557] : memref<2x320x97xf32, #tpu.memory_space<vmem>>[vector<16xi32>, vector<16xi32>, vector<16xi32>], vector<16xf32>,
        %bitcast3A_559 = vector.bitcast %gather3A_558 : vector<16xf32> to vector<16xi32>
        %and3A_560 = arith.constant 2147483647 : i32
        %and3A_561 = vector.broadcast %and3A_560 : i32 to vector<16xi32>
        %and3A_562 = arith.andi %bitcast3A_559, %and3A_561 : vector<16xi32>
        %shift_right_arithmetic3A_563 = arith.constant 31 : i32
        %shift_right_arithmetic3A_564 = vector.broadcast %shift_right_arithmetic3A_563 : i32 to vector<16xi32>
        %shift_right_arithmetic3A_565 = arith.shrsi %bitcast3A_559, %shift_right_arithmetic3A_564 : vector<16xi32>
        %and3A_566 = arith.constant 4096 : i32
        %and3A_567 = vector.broadcast %and3A_566 : i32 to vector<16xi32>
        %and3A_568 = arith.andi %shift_right_arithmetic3A_565, %and3A_567 : vector<16xi32>
        %add3A_569 = arith.addi %add3A_531, %and3A_568 : vector<16xi32>
        %add3A_570 = arith.constant 11 : i32
        %add3A_571 = vector.broadcast %add3A_570 : i32 to vector<16xi32>
        %add3A_572 = arith.addi %select_n3A_16, %add3A_571 : vector<16xi32>
        %sub3A_573 = arith.subi %and3A_562, %sub3A_550 : vector<16xi32>
        %shift_right_arithmetic3A_574 = arith.constant 31 : i32
        %shift_right_arithmetic3A_575 = vector.broadcast %shift_right_arithmetic3A_574 : i32 to vector<16xi32>
        %shift_right_arithmetic3A_576 = arith.shrsi %sub3A_573, %shift_right_arithmetic3A_575 : vector<16xi32>
        %and3A_577 = arith.andi %shift_right_arithmetic3A_576, %sub3A_573 : vector<16xi32>
        %add3A_578 = arith.addi %sub3A_550, %and3A_577 : vector<16xi32>
        %sub3A_579 = arith.subi %add3A_572, %sub3A_554 : vector<16xi32>
        %and3A_580 = arith.andi %shift_right_arithmetic3A_576, %sub3A_579 : vector<16xi32>
        %add3A_581 = arith.addi %sub3A_554, %and3A_580 : vector<16xi32>
        %sub3A_582 = arith.subi %add3A_578, %add3A_549 : vector<16xi32>
        %shift_right_arithmetic3A_583 = arith.constant 31 : i32
        %shift_right_arithmetic3A_584 = vector.broadcast %shift_right_arithmetic3A_583 : i32 to vector<16xi32>
        %shift_right_arithmetic3A_585 = arith.shrsi %sub3A_582, %shift_right_arithmetic3A_584 : vector<16xi32>
        %and3A_586 = arith.andi %shift_right_arithmetic3A_585, %sub3A_582 : vector<16xi32>
        %add3A_587 = arith.addi %add3A_549, %and3A_586 : vector<16xi32>
        %sub3A_588 = arith.subi %add3A_578, %and3A_586 : vector<16xi32>
        %sub3A_589 = arith.subi %add3A_581, %add3A_553 : vector<16xi32>
        %and3A_590 = arith.andi %shift_right_arithmetic3A_585, %sub3A_589 : vector<16xi32>
        %add3A_591 = arith.addi %add3A_553, %and3A_590 : vector<16xi32>
        %sub3A_592 = arith.subi %add3A_581, %and3A_590 : vector<16xi32>
        %add3A_593 = arith.constant 12 : i32
        %add3A_594 = vector.broadcast %add3A_593 : i32 to vector<16xi32>
        %add3A_595 = arith.addi %add3A_130, %add3A_594 : vector<16xi32>
        %gather3A_596 = tpu.vector_load_idx %arg5[%broadcast_in_dim3A_5, %broadcast_in_dim3A_5, %add3A_595] : memref<2x320x97xf32, #tpu.memory_space<vmem>>[vector<16xi32>, vector<16xi32>, vector<16xi32>], vector<16xf32>,
        %bitcast3A_597 = vector.bitcast %gather3A_596 : vector<16xf32> to vector<16xi32>
        %and3A_598 = arith.constant 2147483647 : i32
        %and3A_599 = vector.broadcast %and3A_598 : i32 to vector<16xi32>
        %and3A_600 = arith.andi %bitcast3A_597, %and3A_599 : vector<16xi32>
        %shift_right_arithmetic3A_601 = arith.constant 31 : i32
        %shift_right_arithmetic3A_602 = vector.broadcast %shift_right_arithmetic3A_601 : i32 to vector<16xi32>
        %shift_right_arithmetic3A_603 = arith.shrsi %bitcast3A_597, %shift_right_arithmetic3A_602 : vector<16xi32>
        %and3A_604 = arith.constant 2048 : i32
        %and3A_605 = vector.broadcast %and3A_604 : i32 to vector<16xi32>
        %and3A_606 = arith.andi %shift_right_arithmetic3A_603, %and3A_605 : vector<16xi32>
        %add3A_607 = arith.addi %add3A_569, %and3A_606 : vector<16xi32>
        %add3A_608 = arith.constant 12 : i32
        %add3A_609 = vector.broadcast %add3A_608 : i32 to vector<16xi32>
        %add3A_610 = arith.addi %select_n3A_16, %add3A_609 : vector<16xi32>
        %sub3A_611 = arith.subi %and3A_600, %sub3A_588 : vector<16xi32>
        %shift_right_arithmetic3A_612 = arith.constant 31 : i32
        %shift_right_arithmetic3A_613 = vector.broadcast %shift_right_arithmetic3A_612 : i32 to vector<16xi32>
        %shift_right_arithmetic3A_614 = arith.shrsi %sub3A_611, %shift_right_arithmetic3A_613 : vector<16xi32>
        %and3A_615 = arith.andi %shift_right_arithmetic3A_614, %sub3A_611 : vector<16xi32>
        %add3A_616 = arith.addi %sub3A_588, %and3A_615 : vector<16xi32>
        %sub3A_617 = arith.subi %add3A_610, %sub3A_592 : vector<16xi32>
        %and3A_618 = arith.andi %shift_right_arithmetic3A_614, %sub3A_617 : vector<16xi32>
        %add3A_619 = arith.addi %sub3A_592, %and3A_618 : vector<16xi32>
        %sub3A_620 = arith.subi %add3A_616, %add3A_587 : vector<16xi32>
        %shift_right_arithmetic3A_621 = arith.constant 31 : i32
        %shift_right_arithmetic3A_622 = vector.broadcast %shift_right_arithmetic3A_621 : i32 to vector<16xi32>
        %shift_right_arithmetic3A_623 = arith.shrsi %sub3A_620, %shift_right_arithmetic3A_622 : vector<16xi32>
        %and3A_624 = arith.andi %shift_right_arithmetic3A_623, %sub3A_620 : vector<16xi32>
        %add3A_625 = arith.addi %add3A_587, %and3A_624 : vector<16xi32>
        %sub3A_626 = arith.subi %add3A_616, %and3A_624 : vector<16xi32>
        %sub3A_627 = arith.subi %add3A_619, %add3A_591 : vector<16xi32>
        %and3A_628 = arith.andi %shift_right_arithmetic3A_623, %sub3A_627 : vector<16xi32>
        %add3A_629 = arith.addi %add3A_591, %and3A_628 : vector<16xi32>
        %sub3A_630 = arith.subi %add3A_619, %and3A_628 : vector<16xi32>
        %add3A_631 = arith.constant 13 : i32
        %add3A_632 = vector.broadcast %add3A_631 : i32 to vector<16xi32>
        %add3A_633 = arith.addi %add3A_130, %add3A_632 : vector<16xi32>
        %gather3A_634 = tpu.vector_load_idx %arg5[%broadcast_in_dim3A_5, %broadcast_in_dim3A_5, %add3A_633] : memref<2x320x97xf32, #tpu.memory_space<vmem>>[vector<16xi32>, vector<16xi32>, vector<16xi32>], vector<16xf32>,
        %bitcast3A_635 = vector.bitcast %gather3A_634 : vector<16xf32> to vector<16xi32>
        %and3A_636 = arith.constant 2147483647 : i32
        %and3A_637 = vector.broadcast %and3A_636 : i32 to vector<16xi32>
        %and3A_638 = arith.andi %bitcast3A_635, %and3A_637 : vector<16xi32>
        %shift_right_arithmetic3A_639 = arith.constant 31 : i32
        %shift_right_arithmetic3A_640 = vector.broadcast %shift_right_arithmetic3A_639 : i32 to vector<16xi32>
        %shift_right_arithmetic3A_641 = arith.shrsi %bitcast3A_635, %shift_right_arithmetic3A_640 : vector<16xi32>
        %and3A_642 = arith.constant 1024 : i32
        %and3A_643 = vector.broadcast %and3A_642 : i32 to vector<16xi32>
        %and3A_644 = arith.andi %shift_right_arithmetic3A_641, %and3A_643 : vector<16xi32>
        %add3A_645 = arith.addi %add3A_607, %and3A_644 : vector<16xi32>
        %add3A_646 = arith.constant 13 : i32
        %add3A_647 = vector.broadcast %add3A_646 : i32 to vector<16xi32>
        %add3A_648 = arith.addi %select_n3A_16, %add3A_647 : vector<16xi32>
        %sub3A_649 = arith.subi %and3A_638, %sub3A_626 : vector<16xi32>
        %shift_right_arithmetic3A_650 = arith.constant 31 : i32
        %shift_right_arithmetic3A_651 = vector.broadcast %shift_right_arithmetic3A_650 : i32 to vector<16xi32>
        %shift_right_arithmetic3A_652 = arith.shrsi %sub3A_649, %shift_right_arithmetic3A_651 : vector<16xi32>
        %and3A_653 = arith.andi %shift_right_arithmetic3A_652, %sub3A_649 : vector<16xi32>
        %add3A_654 = arith.addi %sub3A_626, %and3A_653 : vector<16xi32>
        %sub3A_655 = arith.subi %add3A_648, %sub3A_630 : vector<16xi32>
        %and3A_656 = arith.andi %shift_right_arithmetic3A_652, %sub3A_655 : vector<16xi32>
        %add3A_657 = arith.addi %sub3A_630, %and3A_656 : vector<16xi32>
        %sub3A_658 = arith.subi %add3A_654, %add3A_625 : vector<16xi32>
        %shift_right_arithmetic3A_659 = arith.constant 31 : i32
        %shift_right_arithmetic3A_660 = vector.broadcast %shift_right_arithmetic3A_659 : i32 to vector<16xi32>
        %shift_right_arithmetic3A_661 = arith.shrsi %sub3A_658, %shift_right_arithmetic3A_660 : vector<16xi32>
        %and3A_662 = arith.andi %shift_right_arithmetic3A_661, %sub3A_658 : vector<16xi32>
        %add3A_663 = arith.addi %add3A_625, %and3A_662 : vector<16xi32>
        %sub3A_664 = arith.subi %add3A_654, %and3A_662 : vector<16xi32>
        %sub3A_665 = arith.subi %add3A_657, %add3A_629 : vector<16xi32>
        %and3A_666 = arith.andi %shift_right_arithmetic3A_661, %sub3A_665 : vector<16xi32>
        %add3A_667 = arith.addi %add3A_629, %and3A_666 : vector<16xi32>
        %sub3A_668 = arith.subi %add3A_657, %and3A_666 : vector<16xi32>
        %add3A_669 = arith.constant 14 : i32
        %add3A_670 = vector.broadcast %add3A_669 : i32 to vector<16xi32>
        %add3A_671 = arith.addi %add3A_130, %add3A_670 : vector<16xi32>
        %gather3A_672 = tpu.vector_load_idx %arg5[%broadcast_in_dim3A_5, %broadcast_in_dim3A_5, %add3A_671] : memref<2x320x97xf32, #tpu.memory_space<vmem>>[vector<16xi32>, vector<16xi32>, vector<16xi32>], vector<16xf32>,
        %bitcast3A_673 = vector.bitcast %gather3A_672 : vector<16xf32> to vector<16xi32>
        %and3A_674 = arith.constant 2147483647 : i32
        %and3A_675 = vector.broadcast %and3A_674 : i32 to vector<16xi32>
        %and3A_676 = arith.andi %bitcast3A_673, %and3A_675 : vector<16xi32>
        %shift_right_arithmetic3A_677 = arith.constant 31 : i32
        %shift_right_arithmetic3A_678 = vector.broadcast %shift_right_arithmetic3A_677 : i32 to vector<16xi32>
        %shift_right_arithmetic3A_679 = arith.shrsi %bitcast3A_673, %shift_right_arithmetic3A_678 : vector<16xi32>
        %and3A_680 = arith.constant 512 : i32
        %and3A_681 = vector.broadcast %and3A_680 : i32 to vector<16xi32>
        %and3A_682 = arith.andi %shift_right_arithmetic3A_679, %and3A_681 : vector<16xi32>
        %add3A_683 = arith.addi %add3A_645, %and3A_682 : vector<16xi32>
        %add3A_684 = arith.constant 14 : i32
        %add3A_685 = vector.broadcast %add3A_684 : i32 to vector<16xi32>
        %add3A_686 = arith.addi %select_n3A_16, %add3A_685 : vector<16xi32>
        %sub3A_687 = arith.subi %and3A_676, %sub3A_664 : vector<16xi32>
        %shift_right_arithmetic3A_688 = arith.constant 31 : i32
        %shift_right_arithmetic3A_689 = vector.broadcast %shift_right_arithmetic3A_688 : i32 to vector<16xi32>
        %shift_right_arithmetic3A_690 = arith.shrsi %sub3A_687, %shift_right_arithmetic3A_689 : vector<16xi32>
        %and3A_691 = arith.andi %shift_right_arithmetic3A_690, %sub3A_687 : vector<16xi32>
        %add3A_692 = arith.addi %sub3A_664, %and3A_691 : vector<16xi32>
        %sub3A_693 = arith.subi %add3A_686, %sub3A_668 : vector<16xi32>
        %and3A_694 = arith.andi %shift_right_arithmetic3A_690, %sub3A_693 : vector<16xi32>
        %add3A_695 = arith.addi %sub3A_668, %and3A_694 : vector<16xi32>
        %sub3A_696 = arith.subi %add3A_692, %add3A_663 : vector<16xi32>
        %shift_right_arithmetic3A_697 = arith.constant 31 : i32
        %shift_right_arithmetic3A_698 = vector.broadcast %shift_right_arithmetic3A_697 : i32 to vector<16xi32>
        %shift_right_arithmetic3A_699 = arith.shrsi %sub3A_696, %shift_right_arithmetic3A_698 : vector<16xi32>
        %and3A_700 = arith.andi %shift_right_arithmetic3A_699, %sub3A_696 : vector<16xi32>
        %add3A_701 = arith.addi %add3A_663, %and3A_700 : vector<16xi32>
        %sub3A_702 = arith.subi %add3A_692, %and3A_700 : vector<16xi32>
        %sub3A_703 = arith.subi %add3A_695, %add3A_667 : vector<16xi32>
        %and3A_704 = arith.andi %shift_right_arithmetic3A_699, %sub3A_703 : vector<16xi32>
        %add3A_705 = arith.addi %add3A_667, %and3A_704 : vector<16xi32>
        %sub3A_706 = arith.subi %add3A_695, %and3A_704 : vector<16xi32>
        %add3A_707 = arith.constant 15 : i32
        %add3A_708 = vector.broadcast %add3A_707 : i32 to vector<16xi32>
        %add3A_709 = arith.addi %add3A_130, %add3A_708 : vector<16xi32>
        %gather3A_710 = tpu.vector_load_idx %arg5[%broadcast_in_dim3A_5, %broadcast_in_dim3A_5, %add3A_709] : memref<2x320x97xf32, #tpu.memory_space<vmem>>[vector<16xi32>, vector<16xi32>, vector<16xi32>], vector<16xf32>,
        %bitcast3A_711 = vector.bitcast %gather3A_710 : vector<16xf32> to vector<16xi32>
        %and3A_712 = arith.constant 2147483647 : i32
        %and3A_713 = vector.broadcast %and3A_712 : i32 to vector<16xi32>
        %and3A_714 = arith.andi %bitcast3A_711, %and3A_713 : vector<16xi32>
        %shift_right_arithmetic3A_715 = arith.constant 31 : i32
        %shift_right_arithmetic3A_716 = vector.broadcast %shift_right_arithmetic3A_715 : i32 to vector<16xi32>
        %shift_right_arithmetic3A_717 = arith.shrsi %bitcast3A_711, %shift_right_arithmetic3A_716 : vector<16xi32>
        %and3A_718 = arith.constant 256 : i32
        %and3A_719 = vector.broadcast %and3A_718 : i32 to vector<16xi32>
        %and3A_720 = arith.andi %shift_right_arithmetic3A_717, %and3A_719 : vector<16xi32>
        %add3A_721 = arith.addi %add3A_683, %and3A_720 : vector<16xi32>
        %add3A_722 = arith.constant 15 : i32
        %add3A_723 = vector.broadcast %add3A_722 : i32 to vector<16xi32>
        %add3A_724 = arith.addi %select_n3A_16, %add3A_723 : vector<16xi32>
        %sub3A_725 = arith.subi %and3A_714, %sub3A_702 : vector<16xi32>
        %shift_right_arithmetic3A_726 = arith.constant 31 : i32
        %shift_right_arithmetic3A_727 = vector.broadcast %shift_right_arithmetic3A_726 : i32 to vector<16xi32>
        %shift_right_arithmetic3A_728 = arith.shrsi %sub3A_725, %shift_right_arithmetic3A_727 : vector<16xi32>
        %and3A_729 = arith.andi %shift_right_arithmetic3A_728, %sub3A_725 : vector<16xi32>
        %add3A_730 = arith.addi %sub3A_702, %and3A_729 : vector<16xi32>
        %sub3A_731 = arith.subi %add3A_724, %sub3A_706 : vector<16xi32>
        %and3A_732 = arith.andi %shift_right_arithmetic3A_728, %sub3A_731 : vector<16xi32>
        %add3A_733 = arith.addi %sub3A_706, %and3A_732 : vector<16xi32>
        %sub3A_734 = arith.subi %add3A_730, %add3A_701 : vector<16xi32>
        %shift_right_arithmetic3A_735 = arith.constant 31 : i32
        %shift_right_arithmetic3A_736 = vector.broadcast %shift_right_arithmetic3A_735 : i32 to vector<16xi32>
        %shift_right_arithmetic3A_737 = arith.shrsi %sub3A_734, %shift_right_arithmetic3A_736 : vector<16xi32>
        %and3A_738 = arith.andi %shift_right_arithmetic3A_737, %sub3A_734 : vector<16xi32>
        %add3A_739 = arith.addi %add3A_701, %and3A_738 : vector<16xi32>
        %sub3A_740 = arith.subi %add3A_730, %and3A_738 : vector<16xi32>
        %sub3A_741 = arith.subi %add3A_733, %add3A_705 : vector<16xi32>
        %and3A_742 = arith.andi %shift_right_arithmetic3A_737, %sub3A_741 : vector<16xi32>
        %add3A_743 = arith.addi %add3A_705, %and3A_742 : vector<16xi32>
        %sub3A_744 = arith.subi %add3A_733, %and3A_742 : vector<16xi32>
        %add3A_745 = arith.constant 16 : i32
        %add3A_746 = vector.broadcast %add3A_745 : i32 to vector<16xi32>
        %add3A_747 = arith.addi %add3A_130, %add3A_746 : vector<16xi32>
        %gather3A_748 = tpu.vector_load_idx %arg5[%broadcast_in_dim3A_5, %broadcast_in_dim3A_5, %add3A_747] : memref<2x320x97xf32, #tpu.memory_space<vmem>>[vector<16xi32>, vector<16xi32>, vector<16xi32>], vector<16xf32>,
        %bitcast3A_749 = vector.bitcast %gather3A_748 : vector<16xf32> to vector<16xi32>
        %and3A_750 = arith.constant 2147483647 : i32
        %and3A_751 = vector.broadcast %and3A_750 : i32 to vector<16xi32>
        %and3A_752 = arith.andi %bitcast3A_749, %and3A_751 : vector<16xi32>
        %shift_right_arithmetic3A_753 = arith.constant 31 : i32
        %shift_right_arithmetic3A_754 = vector.broadcast %shift_right_arithmetic3A_753 : i32 to vector<16xi32>
        %shift_right_arithmetic3A_755 = arith.shrsi %bitcast3A_749, %shift_right_arithmetic3A_754 : vector<16xi32>
        %and3A_756 = arith.constant 128 : i32
        %and3A_757 = vector.broadcast %and3A_756 : i32 to vector<16xi32>
        %and3A_758 = arith.andi %shift_right_arithmetic3A_755, %and3A_757 : vector<16xi32>
        %add3A_759 = arith.addi %add3A_721, %and3A_758 : vector<16xi32>
        %add3A_760 = arith.constant 16 : i32
        %add3A_761 = vector.broadcast %add3A_760 : i32 to vector<16xi32>
        %add3A_762 = arith.addi %select_n3A_16, %add3A_761 : vector<16xi32>
        %sub3A_763 = arith.subi %and3A_752, %sub3A_740 : vector<16xi32>
        %shift_right_arithmetic3A_764 = arith.constant 31 : i32
        %shift_right_arithmetic3A_765 = vector.broadcast %shift_right_arithmetic3A_764 : i32 to vector<16xi32>
        %shift_right_arithmetic3A_766 = arith.shrsi %sub3A_763, %shift_right_arithmetic3A_765 : vector<16xi32>
        %and3A_767 = arith.andi %shift_right_arithmetic3A_766, %sub3A_763 : vector<16xi32>
        %add3A_768 = arith.addi %sub3A_740, %and3A_767 : vector<16xi32>
        %sub3A_769 = arith.subi %add3A_762, %sub3A_744 : vector<16xi32>
        %and3A_770 = arith.andi %shift_right_arithmetic3A_766, %sub3A_769 : vector<16xi32>
        %add3A_771 = arith.addi %sub3A_744, %and3A_770 : vector<16xi32>
        %sub3A_772 = arith.subi %add3A_768, %add3A_739 : vector<16xi32>
        %shift_right_arithmetic3A_773 = arith.constant 31 : i32
        %shift_right_arithmetic3A_774 = vector.broadcast %shift_right_arithmetic3A_773 : i32 to vector<16xi32>
        %shift_right_arithmetic3A_775 = arith.shrsi %sub3A_772, %shift_right_arithmetic3A_774 : vector<16xi32>
        %and3A_776 = arith.andi %shift_right_arithmetic3A_775, %sub3A_772 : vector<16xi32>
        %add3A_777 = arith.addi %add3A_739, %and3A_776 : vector<16xi32>
        %sub3A_778 = arith.subi %add3A_768, %and3A_776 : vector<16xi32>
        %sub3A_779 = arith.subi %add3A_771, %add3A_743 : vector<16xi32>
        %and3A_780 = arith.andi %shift_right_arithmetic3A_775, %sub3A_779 : vector<16xi32>
        %add3A_781 = arith.addi %add3A_743, %and3A_780 : vector<16xi32>
        %sub3A_782 = arith.subi %add3A_771, %and3A_780 : vector<16xi32>
        %add3A_783 = arith.constant 17 : i32
        %add3A_784 = vector.broadcast %add3A_783 : i32 to vector<16xi32>
        %add3A_785 = arith.addi %add3A_130, %add3A_784 : vector<16xi32>
        %gather3A_786 = tpu.vector_load_idx %arg5[%broadcast_in_dim3A_5, %broadcast_in_dim3A_5, %add3A_785] : memref<2x320x97xf32, #tpu.memory_space<vmem>>[vector<16xi32>, vector<16xi32>, vector<16xi32>], vector<16xf32>,
        %bitcast3A_787 = vector.bitcast %gather3A_786 : vector<16xf32> to vector<16xi32>
        %and3A_788 = arith.constant 2147483647 : i32
        %and3A_789 = vector.broadcast %and3A_788 : i32 to vector<16xi32>
        %and3A_790 = arith.andi %bitcast3A_787, %and3A_789 : vector<16xi32>
        %shift_right_arithmetic3A_791 = arith.constant 31 : i32
        %shift_right_arithmetic3A_792 = vector.broadcast %shift_right_arithmetic3A_791 : i32 to vector<16xi32>
        %shift_right_arithmetic3A_793 = arith.shrsi %bitcast3A_787, %shift_right_arithmetic3A_792 : vector<16xi32>
        %and3A_794 = arith.constant 64 : i32
        %and3A_795 = vector.broadcast %and3A_794 : i32 to vector<16xi32>
        %and3A_796 = arith.andi %shift_right_arithmetic3A_793, %and3A_795 : vector<16xi32>
        %add3A_797 = arith.addi %add3A_759, %and3A_796 : vector<16xi32>
        %add3A_798 = arith.constant 17 : i32
        %add3A_799 = vector.broadcast %add3A_798 : i32 to vector<16xi32>
        %add3A_800 = arith.addi %select_n3A_16, %add3A_799 : vector<16xi32>
        %sub3A_801 = arith.subi %and3A_790, %sub3A_778 : vector<16xi32>
        %shift_right_arithmetic3A_802 = arith.constant 31 : i32
        %shift_right_arithmetic3A_803 = vector.broadcast %shift_right_arithmetic3A_802 : i32 to vector<16xi32>
        %shift_right_arithmetic3A_804 = arith.shrsi %sub3A_801, %shift_right_arithmetic3A_803 : vector<16xi32>
        %and3A_805 = arith.andi %shift_right_arithmetic3A_804, %sub3A_801 : vector<16xi32>
        %add3A_806 = arith.addi %sub3A_778, %and3A_805 : vector<16xi32>
        %sub3A_807 = arith.subi %add3A_800, %sub3A_782 : vector<16xi32>
        %and3A_808 = arith.andi %shift_right_arithmetic3A_804, %sub3A_807 : vector<16xi32>
        %add3A_809 = arith.addi %sub3A_782, %and3A_808 : vector<16xi32>
        %sub3A_810 = arith.subi %add3A_806, %add3A_777 : vector<16xi32>
        %shift_right_arithmetic3A_811 = arith.constant 31 : i32
        %shift_right_arithmetic3A_812 = vector.broadcast %shift_right_arithmetic3A_811 : i32 to vector<16xi32>
        %shift_right_arithmetic3A_813 = arith.shrsi %sub3A_810, %shift_right_arithmetic3A_812 : vector<16xi32>
        %and3A_814 = arith.andi %shift_right_arithmetic3A_813, %sub3A_810 : vector<16xi32>
        %add3A_815 = arith.addi %add3A_777, %and3A_814 : vector<16xi32>
        %sub3A_816 = arith.subi %add3A_806, %and3A_814 : vector<16xi32>
        %sub3A_817 = arith.subi %add3A_809, %add3A_781 : vector<16xi32>
        %and3A_818 = arith.andi %shift_right_arithmetic3A_813, %sub3A_817 : vector<16xi32>
        %add3A_819 = arith.addi %add3A_781, %and3A_818 : vector<16xi32>
        %sub3A_820 = arith.subi %add3A_809, %and3A_818 : vector<16xi32>
        %add3A_821 = arith.constant 18 : i32
        %add3A_822 = vector.broadcast %add3A_821 : i32 to vector<16xi32>
        %add3A_823 = arith.addi %add3A_130, %add3A_822 : vector<16xi32>
        %gather3A_824 = tpu.vector_load_idx %arg5[%broadcast_in_dim3A_5, %broadcast_in_dim3A_5, %add3A_823] : memref<2x320x97xf32, #tpu.memory_space<vmem>>[vector<16xi32>, vector<16xi32>, vector<16xi32>], vector<16xf32>,
        %bitcast3A_825 = vector.bitcast %gather3A_824 : vector<16xf32> to vector<16xi32>
        %and3A_826 = arith.constant 2147483647 : i32
        %and3A_827 = vector.broadcast %and3A_826 : i32 to vector<16xi32>
        %and3A_828 = arith.andi %bitcast3A_825, %and3A_827 : vector<16xi32>
        %shift_right_arithmetic3A_829 = arith.constant 31 : i32
        %shift_right_arithmetic3A_830 = vector.broadcast %shift_right_arithmetic3A_829 : i32 to vector<16xi32>
        %shift_right_arithmetic3A_831 = arith.shrsi %bitcast3A_825, %shift_right_arithmetic3A_830 : vector<16xi32>
        %and3A_832 = arith.constant 32 : i32
        %and3A_833 = vector.broadcast %and3A_832 : i32 to vector<16xi32>
        %and3A_834 = arith.andi %shift_right_arithmetic3A_831, %and3A_833 : vector<16xi32>
        %add3A_835 = arith.addi %add3A_797, %and3A_834 : vector<16xi32>
        %add3A_836 = arith.constant 18 : i32
        %add3A_837 = vector.broadcast %add3A_836 : i32 to vector<16xi32>
        %add3A_838 = arith.addi %select_n3A_16, %add3A_837 : vector<16xi32>
        %sub3A_839 = arith.subi %and3A_828, %sub3A_816 : vector<16xi32>
        %shift_right_arithmetic3A_840 = arith.constant 31 : i32
        %shift_right_arithmetic3A_841 = vector.broadcast %shift_right_arithmetic3A_840 : i32 to vector<16xi32>
        %shift_right_arithmetic3A_842 = arith.shrsi %sub3A_839, %shift_right_arithmetic3A_841 : vector<16xi32>
        %and3A_843 = arith.andi %shift_right_arithmetic3A_842, %sub3A_839 : vector<16xi32>
        %add3A_844 = arith.addi %sub3A_816, %and3A_843 : vector<16xi32>
        %sub3A_845 = arith.subi %add3A_838, %sub3A_820 : vector<16xi32>
        %and3A_846 = arith.andi %shift_right_arithmetic3A_842, %sub3A_845 : vector<16xi32>
        %add3A_847 = arith.addi %sub3A_820, %and3A_846 : vector<16xi32>
        %sub3A_848 = arith.subi %add3A_844, %add3A_815 : vector<16xi32>
        %shift_right_arithmetic3A_849 = arith.constant 31 : i32
        %shift_right_arithmetic3A_850 = vector.broadcast %shift_right_arithmetic3A_849 : i32 to vector<16xi32>
        %shift_right_arithmetic3A_851 = arith.shrsi %sub3A_848, %shift_right_arithmetic3A_850 : vector<16xi32>
        %and3A_852 = arith.andi %shift_right_arithmetic3A_851, %sub3A_848 : vector<16xi32>
        %add3A_853 = arith.addi %add3A_815, %and3A_852 : vector<16xi32>
        %sub3A_854 = arith.subi %add3A_844, %and3A_852 : vector<16xi32>
        %sub3A_855 = arith.subi %add3A_847, %add3A_819 : vector<16xi32>
        %and3A_856 = arith.andi %shift_right_arithmetic3A_851, %sub3A_855 : vector<16xi32>
        %add3A_857 = arith.addi %add3A_819, %and3A_856 : vector<16xi32>
        %sub3A_858 = arith.subi %add3A_847, %and3A_856 : vector<16xi32>
        %add3A_859 = arith.constant 19 : i32
        %add3A_860 = vector.broadcast %add3A_859 : i32 to vector<16xi32>
        %add3A_861 = arith.addi %add3A_130, %add3A_860 : vector<16xi32>
        %gather3A_862 = tpu.vector_load_idx %arg5[%broadcast_in_dim3A_5, %broadcast_in_dim3A_5, %add3A_861] : memref<2x320x97xf32, #tpu.memory_space<vmem>>[vector<16xi32>, vector<16xi32>, vector<16xi32>], vector<16xf32>,
        %bitcast3A_863 = vector.bitcast %gather3A_862 : vector<16xf32> to vector<16xi32>
        %and3A_864 = arith.constant 2147483647 : i32
        %and3A_865 = vector.broadcast %and3A_864 : i32 to vector<16xi32>
        %and3A_866 = arith.andi %bitcast3A_863, %and3A_865 : vector<16xi32>
        %shift_right_arithmetic3A_867 = arith.constant 31 : i32
        %shift_right_arithmetic3A_868 = vector.broadcast %shift_right_arithmetic3A_867 : i32 to vector<16xi32>
        %shift_right_arithmetic3A_869 = arith.shrsi %bitcast3A_863, %shift_right_arithmetic3A_868 : vector<16xi32>
        %and3A_870 = arith.constant 16 : i32
        %and3A_871 = vector.broadcast %and3A_870 : i32 to vector<16xi32>
        %and3A_872 = arith.andi %shift_right_arithmetic3A_869, %and3A_871 : vector<16xi32>
        %add3A_873 = arith.addi %add3A_835, %and3A_872 : vector<16xi32>
        %add3A_874 = arith.constant 19 : i32
        %add3A_875 = vector.broadcast %add3A_874 : i32 to vector<16xi32>
        %add3A_876 = arith.addi %select_n3A_16, %add3A_875 : vector<16xi32>
        %sub3A_877 = arith.subi %and3A_866, %sub3A_854 : vector<16xi32>
        %shift_right_arithmetic3A_878 = arith.constant 31 : i32
        %shift_right_arithmetic3A_879 = vector.broadcast %shift_right_arithmetic3A_878 : i32 to vector<16xi32>
        %shift_right_arithmetic3A_880 = arith.shrsi %sub3A_877, %shift_right_arithmetic3A_879 : vector<16xi32>
        %and3A_881 = arith.andi %shift_right_arithmetic3A_880, %sub3A_877 : vector<16xi32>
        %add3A_882 = arith.addi %sub3A_854, %and3A_881 : vector<16xi32>
        %sub3A_883 = arith.subi %add3A_876, %sub3A_858 : vector<16xi32>
        %and3A_884 = arith.andi %shift_right_arithmetic3A_880, %sub3A_883 : vector<16xi32>
        %add3A_885 = arith.addi %sub3A_858, %and3A_884 : vector<16xi32>
        %sub3A_886 = arith.subi %add3A_882, %add3A_853 : vector<16xi32>
        %shift_right_arithmetic3A_887 = arith.constant 31 : i32
        %shift_right_arithmetic3A_888 = vector.broadcast %shift_right_arithmetic3A_887 : i32 to vector<16xi32>
        %shift_right_arithmetic3A_889 = arith.shrsi %sub3A_886, %shift_right_arithmetic3A_888 : vector<16xi32>
        %and3A_890 = arith.andi %shift_right_arithmetic3A_889, %sub3A_886 : vector<16xi32>
        %add3A_891 = arith.addi %add3A_853, %and3A_890 : vector<16xi32>
        %sub3A_892 = arith.subi %add3A_882, %and3A_890 : vector<16xi32>
        %sub3A_893 = arith.subi %add3A_885, %add3A_857 : vector<16xi32>
        %and3A_894 = arith.andi %shift_right_arithmetic3A_889, %sub3A_893 : vector<16xi32>
        %add3A_895 = arith.addi %add3A_857, %and3A_894 : vector<16xi32>
        %sub3A_896 = arith.subi %add3A_885, %and3A_894 : vector<16xi32>
        %add3A_897 = arith.constant 20 : i32
        %add3A_898 = vector.broadcast %add3A_897 : i32 to vector<16xi32>
        %add3A_899 = arith.addi %add3A_130, %add3A_898 : vector<16xi32>
        %gather3A_900 = tpu.vector_load_idx %arg5[%broadcast_in_dim3A_5, %broadcast_in_dim3A_5, %add3A_899] : memref<2x320x97xf32, #tpu.memory_space<vmem>>[vector<16xi32>, vector<16xi32>, vector<16xi32>], vector<16xf32>,
        %bitcast3A_901 = vector.bitcast %gather3A_900 : vector<16xf32> to vector<16xi32>
        %and3A_902 = arith.constant 2147483647 : i32
        %and3A_903 = vector.broadcast %and3A_902 : i32 to vector<16xi32>
        %and3A_904 = arith.andi %bitcast3A_901, %and3A_903 : vector<16xi32>
        %shift_right_arithmetic3A_905 = arith.constant 31 : i32
        %shift_right_arithmetic3A_906 = vector.broadcast %shift_right_arithmetic3A_905 : i32 to vector<16xi32>
        %shift_right_arithmetic3A_907 = arith.shrsi %bitcast3A_901, %shift_right_arithmetic3A_906 : vector<16xi32>
        %and3A_908 = arith.constant 8 : i32
        %and3A_909 = vector.broadcast %and3A_908 : i32 to vector<16xi32>
        %and3A_910 = arith.andi %shift_right_arithmetic3A_907, %and3A_909 : vector<16xi32>
        %add3A_911 = arith.addi %add3A_873, %and3A_910 : vector<16xi32>
        %add3A_912 = arith.constant 20 : i32
        %add3A_913 = vector.broadcast %add3A_912 : i32 to vector<16xi32>
        %add3A_914 = arith.addi %select_n3A_16, %add3A_913 : vector<16xi32>
        %sub3A_915 = arith.subi %and3A_904, %sub3A_892 : vector<16xi32>
        %shift_right_arithmetic3A_916 = arith.constant 31 : i32
        %shift_right_arithmetic3A_917 = vector.broadcast %shift_right_arithmetic3A_916 : i32 to vector<16xi32>
        %shift_right_arithmetic3A_918 = arith.shrsi %sub3A_915, %shift_right_arithmetic3A_917 : vector<16xi32>
        %and3A_919 = arith.andi %shift_right_arithmetic3A_918, %sub3A_915 : vector<16xi32>
        %add3A_920 = arith.addi %sub3A_892, %and3A_919 : vector<16xi32>
        %sub3A_921 = arith.subi %add3A_914, %sub3A_896 : vector<16xi32>
        %and3A_922 = arith.andi %shift_right_arithmetic3A_918, %sub3A_921 : vector<16xi32>
        %add3A_923 = arith.addi %sub3A_896, %and3A_922 : vector<16xi32>
        %sub3A_924 = arith.subi %add3A_920, %add3A_891 : vector<16xi32>
        %shift_right_arithmetic3A_925 = arith.constant 31 : i32
        %shift_right_arithmetic3A_926 = vector.broadcast %shift_right_arithmetic3A_925 : i32 to vector<16xi32>
        %shift_right_arithmetic3A_927 = arith.shrsi %sub3A_924, %shift_right_arithmetic3A_926 : vector<16xi32>
        %and3A_928 = arith.andi %shift_right_arithmetic3A_927, %sub3A_924 : vector<16xi32>
        %add3A_929 = arith.addi %add3A_891, %and3A_928 : vector<16xi32>
        %sub3A_930 = arith.subi %add3A_920, %and3A_928 : vector<16xi32>
        %sub3A_931 = arith.subi %add3A_923, %add3A_895 : vector<16xi32>
        %and3A_932 = arith.andi %shift_right_arithmetic3A_927, %sub3A_931 : vector<16xi32>
        %add3A_933 = arith.addi %add3A_895, %and3A_932 : vector<16xi32>
        %sub3A_934 = arith.subi %add3A_923, %and3A_932 : vector<16xi32>
        %add3A_935 = arith.constant 21 : i32
        %add3A_936 = vector.broadcast %add3A_935 : i32 to vector<16xi32>
        %add3A_937 = arith.addi %add3A_130, %add3A_936 : vector<16xi32>
        %gather3A_938 = tpu.vector_load_idx %arg5[%broadcast_in_dim3A_5, %broadcast_in_dim3A_5, %add3A_937] : memref<2x320x97xf32, #tpu.memory_space<vmem>>[vector<16xi32>, vector<16xi32>, vector<16xi32>], vector<16xf32>,
        %bitcast3A_939 = vector.bitcast %gather3A_938 : vector<16xf32> to vector<16xi32>
        %and3A_940 = arith.constant 2147483647 : i32
        %and3A_941 = vector.broadcast %and3A_940 : i32 to vector<16xi32>
        %and3A_942 = arith.andi %bitcast3A_939, %and3A_941 : vector<16xi32>
        %shift_right_arithmetic3A_943 = arith.constant 31 : i32
        %shift_right_arithmetic3A_944 = vector.broadcast %shift_right_arithmetic3A_943 : i32 to vector<16xi32>
        %shift_right_arithmetic3A_945 = arith.shrsi %bitcast3A_939, %shift_right_arithmetic3A_944 : vector<16xi32>
        %and3A_946 = arith.constant 4 : i32
        %and3A_947 = vector.broadcast %and3A_946 : i32 to vector<16xi32>
        %and3A_948 = arith.andi %shift_right_arithmetic3A_945, %and3A_947 : vector<16xi32>
        %add3A_949 = arith.addi %add3A_911, %and3A_948 : vector<16xi32>
        %add3A_950 = arith.constant 21 : i32
        %add3A_951 = vector.broadcast %add3A_950 : i32 to vector<16xi32>
        %add3A_952 = arith.addi %select_n3A_16, %add3A_951 : vector<16xi32>
        %sub3A_953 = arith.subi %and3A_942, %sub3A_930 : vector<16xi32>
        %shift_right_arithmetic3A_954 = arith.constant 31 : i32
        %shift_right_arithmetic3A_955 = vector.broadcast %shift_right_arithmetic3A_954 : i32 to vector<16xi32>
        %shift_right_arithmetic3A_956 = arith.shrsi %sub3A_953, %shift_right_arithmetic3A_955 : vector<16xi32>
        %and3A_957 = arith.andi %shift_right_arithmetic3A_956, %sub3A_953 : vector<16xi32>
        %add3A_958 = arith.addi %sub3A_930, %and3A_957 : vector<16xi32>
        %sub3A_959 = arith.subi %add3A_952, %sub3A_934 : vector<16xi32>
        %and3A_960 = arith.andi %shift_right_arithmetic3A_956, %sub3A_959 : vector<16xi32>
        %add3A_961 = arith.addi %sub3A_934, %and3A_960 : vector<16xi32>
        %sub3A_962 = arith.subi %add3A_958, %add3A_929 : vector<16xi32>
        %shift_right_arithmetic3A_963 = arith.constant 31 : i32
        %shift_right_arithmetic3A_964 = vector.broadcast %shift_right_arithmetic3A_963 : i32 to vector<16xi32>
        %shift_right_arithmetic3A_965 = arith.shrsi %sub3A_962, %shift_right_arithmetic3A_964 : vector<16xi32>
        %and3A_966 = arith.andi %shift_right_arithmetic3A_965, %sub3A_962 : vector<16xi32>
        %add3A_967 = arith.addi %add3A_929, %and3A_966 : vector<16xi32>
        %sub3A_968 = arith.subi %add3A_958, %and3A_966 : vector<16xi32>
        %sub3A_969 = arith.subi %add3A_961, %add3A_933 : vector<16xi32>
        %and3A_970 = arith.andi %shift_right_arithmetic3A_965, %sub3A_969 : vector<16xi32>
        %add3A_971 = arith.addi %add3A_933, %and3A_970 : vector<16xi32>
        %sub3A_972 = arith.subi %add3A_961, %and3A_970 : vector<16xi32>
        %add3A_973 = arith.constant 22 : i32
        %add3A_974 = vector.broadcast %add3A_973 : i32 to vector<16xi32>
        %add3A_975 = arith.addi %add3A_130, %add3A_974 : vector<16xi32>
        %gather3A_976 = tpu.vector_load_idx %arg5[%broadcast_in_dim3A_5, %broadcast_in_dim3A_5, %add3A_975] : memref<2x320x97xf32, #tpu.memory_space<vmem>>[vector<16xi32>, vector<16xi32>, vector<16xi32>], vector<16xf32>,
        %bitcast3A_977 = vector.bitcast %gather3A_976 : vector<16xf32> to vector<16xi32>
        %and3A_978 = arith.constant 2147483647 : i32
        %and3A_979 = vector.broadcast %and3A_978 : i32 to vector<16xi32>
        %and3A_980 = arith.andi %bitcast3A_977, %and3A_979 : vector<16xi32>
        %shift_right_arithmetic3A_981 = arith.constant 31 : i32
        %shift_right_arithmetic3A_982 = vector.broadcast %shift_right_arithmetic3A_981 : i32 to vector<16xi32>
        %shift_right_arithmetic3A_983 = arith.shrsi %bitcast3A_977, %shift_right_arithmetic3A_982 : vector<16xi32>
        %and3A_984 = arith.constant 2 : i32
        %and3A_985 = vector.broadcast %and3A_984 : i32 to vector<16xi32>
        %and3A_986 = arith.andi %shift_right_arithmetic3A_983, %and3A_985 : vector<16xi32>
        %add3A_987 = arith.addi %add3A_949, %and3A_986 : vector<16xi32>
        %add3A_988 = arith.constant 22 : i32
        %add3A_989 = vector.broadcast %add3A_988 : i32 to vector<16xi32>
        %add3A_990 = arith.addi %select_n3A_16, %add3A_989 : vector<16xi32>
        %sub3A_991 = arith.subi %and3A_980, %sub3A_968 : vector<16xi32>
        %shift_right_arithmetic3A_992 = arith.constant 31 : i32
        %shift_right_arithmetic3A_993 = vector.broadcast %shift_right_arithmetic3A_992 : i32 to vector<16xi32>
        %shift_right_arithmetic3A_994 = arith.shrsi %sub3A_991, %shift_right_arithmetic3A_993 : vector<16xi32>
        %and3A_995 = arith.andi %shift_right_arithmetic3A_994, %sub3A_991 : vector<16xi32>
        %add3A_996 = arith.addi %sub3A_968, %and3A_995 : vector<16xi32>
        %sub3A_997 = arith.subi %add3A_990, %sub3A_972 : vector<16xi32>
        %and3A_998 = arith.andi %shift_right_arithmetic3A_994, %sub3A_997 : vector<16xi32>
        %add3A_999 = arith.addi %sub3A_972, %and3A_998 : vector<16xi32>
        %sub3A_1000 = arith.subi %add3A_996, %add3A_967 : vector<16xi32>
        %shift_right_arithmetic3A_1001 = arith.constant 31 : i32
        %shift_right_arithmetic3A_1002 = vector.broadcast %shift_right_arithmetic3A_1001 : i32 to vector<16xi32>
        %shift_right_arithmetic3A_1003 = arith.shrsi %sub3A_1000, %shift_right_arithmetic3A_1002 : vector<16xi32>
        %and3A_1004 = arith.andi %shift_right_arithmetic3A_1003, %sub3A_1000 : vector<16xi32>
        %add3A_1005 = arith.addi %add3A_967, %and3A_1004 : vector<16xi32>
        %sub3A_1006 = arith.subi %add3A_996, %and3A_1004 : vector<16xi32>
        %sub3A_1007 = arith.subi %add3A_999, %add3A_971 : vector<16xi32>
        %and3A_1008 = arith.andi %shift_right_arithmetic3A_1003, %sub3A_1007 : vector<16xi32>
        %add3A_1009 = arith.addi %add3A_971, %and3A_1008 : vector<16xi32>
        %sub3A_1010 = arith.subi %add3A_999, %and3A_1008 : vector<16xi32>
        %add3A_1011 = arith.constant 23 : i32
        %add3A_1012 = vector.broadcast %add3A_1011 : i32 to vector<16xi32>
        %add3A_1013 = arith.addi %add3A_130, %add3A_1012 : vector<16xi32>
        %gather3A_1014 = tpu.vector_load_idx %arg5[%broadcast_in_dim3A_5, %broadcast_in_dim3A_5, %add3A_1013] : memref<2x320x97xf32, #tpu.memory_space<vmem>>[vector<16xi32>, vector<16xi32>, vector<16xi32>], vector<16xf32>,
        %bitcast3A_1015 = vector.bitcast %gather3A_1014 : vector<16xf32> to vector<16xi32>
        %and3A_1016 = arith.constant 2147483647 : i32
        %and3A_1017 = vector.broadcast %and3A_1016 : i32 to vector<16xi32>
        %and3A_1018 = arith.andi %bitcast3A_1015, %and3A_1017 : vector<16xi32>
        %shift_right_arithmetic3A_1019 = arith.constant 31 : i32
        %shift_right_arithmetic3A_1020 = vector.broadcast %shift_right_arithmetic3A_1019 : i32 to vector<16xi32>
        %shift_right_arithmetic3A_1021 = arith.shrsi %bitcast3A_1015, %shift_right_arithmetic3A_1020 : vector<16xi32>
        %and3A_1022 = arith.constant 1 : i32
        %and3A_1023 = vector.broadcast %and3A_1022 : i32 to vector<16xi32>
        %and3A_1024 = arith.andi %shift_right_arithmetic3A_1021, %and3A_1023 : vector<16xi32>
        %add3A_1025 = arith.addi %add3A_987, %and3A_1024 : vector<16xi32>
        %add3A_1026 = arith.constant 23 : i32
        %add3A_1027 = vector.broadcast %add3A_1026 : i32 to vector<16xi32>
        %add3A_1028 = arith.addi %select_n3A_16, %add3A_1027 : vector<16xi32>
        %sub3A_1029 = arith.subi %and3A_1018, %sub3A_1006 : vector<16xi32>
        %shift_right_arithmetic3A_1030 = arith.constant 31 : i32
        %shift_right_arithmetic3A_1031 = vector.broadcast %shift_right_arithmetic3A_1030 : i32 to vector<16xi32>
        %shift_right_arithmetic3A_1032 = arith.shrsi %sub3A_1029, %shift_right_arithmetic3A_1031 : vector<16xi32>
        %and3A_1033 = arith.andi %shift_right_arithmetic3A_1032, %sub3A_1029 : vector<16xi32>
        %add3A_1034 = arith.addi %sub3A_1006, %and3A_1033 : vector<16xi32>
        %sub3A_1035 = arith.subi %add3A_1028, %sub3A_1010 : vector<16xi32>
        %and3A_1036 = arith.andi %shift_right_arithmetic3A_1032, %sub3A_1035 : vector<16xi32>
        %add3A_1037 = arith.addi %sub3A_1010, %and3A_1036 : vector<16xi32>
        %sub3A_1038 = arith.subi %add3A_1034, %add3A_1005 : vector<16xi32>
        %shift_right_arithmetic3A_1039 = arith.constant 31 : i32
        %shift_right_arithmetic3A_1040 = vector.broadcast %shift_right_arithmetic3A_1039 : i32 to vector<16xi32>
        %shift_right_arithmetic3A_1041 = arith.shrsi %sub3A_1038, %shift_right_arithmetic3A_1040 : vector<16xi32>
        %and3A_1042 = arith.andi %shift_right_arithmetic3A_1041, %sub3A_1038 : vector<16xi32>
        %add3A_1043 = arith.addi %add3A_1005, %and3A_1042 : vector<16xi32>
        %sub3A_1044 = arith.subi %add3A_1034, %and3A_1042 : vector<16xi32>
        %sub3A_1045 = arith.subi %add3A_1037, %add3A_1009 : vector<16xi32>
        %and3A_1046 = arith.andi %shift_right_arithmetic3A_1041, %sub3A_1045 : vector<16xi32>
        %add3A_1047 = arith.addi %add3A_1009, %and3A_1046 : vector<16xi32>
        %sub3A_1048 = arith.subi %add3A_1037, %and3A_1046 : vector<16xi32>
        %rev3A = arith.constant 15 : i32
        %rev3A_1049 = vector.broadcast %rev3A : i32 to vector<16xi32>
        %rev3A_1050 = tpu.iota {dimensions = array<i32: 0>} : vector<16xi32>
        %rev3A_1051 = arith.subi %rev3A_1049, %rev3A_1050 : vector<16xi32>
        %rev3A_1052 = tpu.dynamic_gather %add3A_1043[%rev3A_1051] in [0] : vector<16xi32>, vector<16xi32> -> vector<16xi32>
        %rev3A_1053 = arith.constant 15 : i32
        %rev3A_1054 = vector.broadcast %rev3A_1053 : i32 to vector<16xi32>
        %rev3A_1055 = tpu.iota {dimensions = array<i32: 0>} : vector<16xi32>
        %rev3A_1056 = arith.subi %rev3A_1054, %rev3A_1055 : vector<16xi32>
        %rev3A_1057 = tpu.dynamic_gather %add3A_1047[%rev3A_1056] in [0] : vector<16xi32>, vector<16xi32> -> vector<16xi32>
        %rev3A_1058 = arith.constant 15 : i32
        %rev3A_1059 = vector.broadcast %rev3A_1058 : i32 to vector<16xi32>
        %rev3A_1060 = tpu.iota {dimensions = array<i32: 0>} : vector<16xi32>
        %rev3A_1061 = arith.subi %rev3A_1059, %rev3A_1060 : vector<16xi32>
        %rev3A_1062 = tpu.dynamic_gather %sub3A_1044[%rev3A_1061] in [0] : vector<16xi32>, vector<16xi32> -> vector<16xi32>
        %rev3A_1063 = arith.constant 15 : i32
        %rev3A_1064 = vector.broadcast %rev3A_1063 : i32 to vector<16xi32>
        %rev3A_1065 = tpu.iota {dimensions = array<i32: 0>} : vector<16xi32>
        %rev3A_1066 = arith.subi %rev3A_1064, %rev3A_1065 : vector<16xi32>
        %rev3A_1067 = tpu.dynamic_gather %sub3A_1048[%rev3A_1066] in [0] : vector<16xi32>, vector<16xi32> -> vector<16xi32>
        %lt3A_1068 = arith.cmpi slt, %rev3A_1052, %add3A_1043 : vector<16xi32>
        %eq3A = arith.cmpi eq, %rev3A_1052, %add3A_1043 : vector<16xi32>
        %lt3A_1069 = arith.cmpi slt, %rev3A_1057, %add3A_1047 : vector<16xi32>
        %and3A_1070 = arith.andi %eq3A, %lt3A_1069 : vector<16xi1>
        %or3A = arith.ori %lt3A_1068, %and3A_1070 : vector<16xi1>
        %select_n3A_1071 = arith.select %or3A, %rev3A_1052, %add3A_1043 : vector<16xi1>, vector<16xi32>
        %select_n3A_1072 = arith.select %or3A, %rev3A_1057, %add3A_1047 : vector<16xi1>, vector<16xi32>
        %select_n3A_1073 = arith.select %or3A, %rev3A_1062, %sub3A_1044 : vector<16xi1>, vector<16xi32>
        %select_n3A_1074 = arith.select %or3A, %rev3A_1067, %sub3A_1048 : vector<16xi1>, vector<16xi32>
        %select_n3A_1075 = arith.select %or3A, %add3A_1043, %rev3A_1052 : vector<16xi1>, vector<16xi32>
        %select_n3A_1076 = arith.select %or3A, %add3A_1047, %rev3A_1057 : vector<16xi1>, vector<16xi32>
        %lt3A_1077 = arith.cmpi slt, %select_n3A_1075, %select_n3A_1073 : vector<16xi32>
        %eq3A_1078 = arith.cmpi eq, %select_n3A_1075, %select_n3A_1073 : vector<16xi32>
        %lt3A_1079 = arith.cmpi slt, %select_n3A_1076, %select_n3A_1074 : vector<16xi32>
        %and3A_1080 = arith.andi %eq3A_1078, %lt3A_1079 : vector<16xi1>
        %or3A_1081 = arith.ori %lt3A_1077, %and3A_1080 : vector<16xi1>
        %select_n3A_1082 = arith.select %or3A_1081, %select_n3A_1076, %select_n3A_1074 : vector<16xi1>, vector<16xi32>
        %rev3A_1083 = arith.constant 15 : i32
        %rev3A_1084 = vector.broadcast %rev3A_1083 : i32 to vector<16xi32>
        %rev3A_1085 = tpu.iota {dimensions = array<i32: 0>} : vector<16xi32>
        %rev3A_1086 = arith.subi %rev3A_1084, %rev3A_1085 : vector<16xi32>
        %rev3A_1087 = tpu.dynamic_gather %add3A_1025[%rev3A_1086] in [0] : vector<16xi32>, vector<16xi32> -> vector<16xi32>
        %select_n3A_1088 = arith.select %lt3A_8, %add3A_1025, %rev3A_1087 : vector<16xi1>, vector<16xi32>
        %sub3A_1089 = arith.constant 16777215 : i32
        %sub3A_1090 = vector.broadcast %sub3A_1089 : i32 to vector<16xi32>
        %sub3A_1091 = arith.subi %sub3A_1090, %select_n3A_1088 : vector<16xi32>
        %select_n3A_1092 = arith.select %lt3A_8, %rev3A_1087, %add3A_1025 : vector<16xi1>, vector<16xi32>
        %sub3A_1093 = arith.constant 16777215 : i32
        %sub3A_1094 = vector.broadcast %sub3A_1093 : i32 to vector<16xi32>
        %sub3A_1095 = arith.subi %sub3A_1094, %select_n3A_1092 : vector<16xi32>
        %sub3A_1096 = arith.constant 23 : i32
        %sub3A_1097 = vector.broadcast %sub3A_1096 : i32 to vector<16xi32>
        %sub3A_1098 = arith.subi %sub3A_1097, %select_n3A_1072 : vector<16xi32>
        %max3A = arith.constant 0 : i32
        %max3A_1099 = vector.broadcast %max3A : i32 to vector<16xi32>
        %max3A_1100 = arith.maxsi %sub3A_1098, %max3A_1099 : vector<16xi32>
        %lt3A_1101 = arith.constant 24 : i32
        %lt3A_1102 = vector.broadcast %lt3A_1101 : i32 to vector<16xi32>
        %lt3A_1103 = arith.cmpi slt, %select_n3A_1072, %lt3A_1102 : vector<16xi32>
        %shift_left3A = arith.constant 1 : i32
        %shift_left3A_1104 = vector.broadcast %shift_left3A : i32 to vector<16xi32>
        %shift_left3A_1105 = arith.shli %shift_left3A_1104, %max3A_1100 : vector<16xi32>
        %jit3A_1106 = arith.constant 0 : i64
        %convert_element_type3A_1107 = arith.trunci %jit3A_1106 : i64 to i32
        %broadcast_in_dim3A_1108 = vector.broadcast %convert_element_type3A_1107 : i32 to vector<16xi32>
        %select_n3A_1109 = arith.select %lt3A_1103, %shift_left3A_1105, %broadcast_in_dim3A_1108 : vector<16xi1>, vector<16xi32>
        %ge3A_1110 = arith.constant 24 : i32
        %ge3A_1111 = vector.broadcast %ge3A_1110 : i32 to vector<16xi32>
        %ge3A_1112 = arith.cmpi sge, %select_n3A_1072, %ge3A_1111 : vector<16xi32>
        %sub3A_1113 = arith.constant 47 : i32
        %sub3A_1114 = vector.broadcast %sub3A_1113 : i32 to vector<16xi32>
        %sub3A_1115 = arith.subi %sub3A_1114, %select_n3A_1072 : vector<16xi32>
        %jit3A_1116 = arith.constant 0 : i64
        %convert_element_type3A_1117 = arith.trunci %jit3A_1116 : i64 to i32
        %broadcast_in_dim3A_1118 = vector.broadcast %convert_element_type3A_1117 : i32 to vector<16xi32>
        %select_n3A_1119 = arith.select %ge3A_1112, %sub3A_1115, %broadcast_in_dim3A_1118 : vector<16xi1>, vector<16xi32>
        %ge3A_1120 = arith.constant 24 : i32
        %ge3A_1121 = vector.broadcast %ge3A_1120 : i32 to vector<16xi32>
        %ge3A_1122 = arith.cmpi sge, %select_n3A_1072, %ge3A_1121 : vector<16xi32>
        %shift_left3A_1123 = arith.constant 1 : i32
        %shift_left3A_1124 = vector.broadcast %shift_left3A_1123 : i32 to vector<16xi32>
        %shift_left3A_1125 = arith.shli %shift_left3A_1124, %select_n3A_1119 : vector<16xi32>
        %jit3A_1126 = arith.constant 0 : i64
        %convert_element_type3A_1127 = arith.trunci %jit3A_1126 : i64 to i32
        %broadcast_in_dim3A_1128 = vector.broadcast %convert_element_type3A_1127 : i32 to vector<16xi32>
        %select_n3A_1129 = arith.select %ge3A_1122, %shift_left3A_1125, %broadcast_in_dim3A_1128 : vector<16xi1>, vector<16xi32>
        %sub3A_1130 = arith.constant 23 : i32
        %sub3A_1131 = vector.broadcast %sub3A_1130 : i32 to vector<16xi32>
        %sub3A_1132 = arith.subi %sub3A_1131, %select_n3A_1082 : vector<16xi32>
        %max3A_1133 = arith.constant 0 : i32
        %max3A_1134 = vector.broadcast %max3A_1133 : i32 to vector<16xi32>
        %max3A_1135 = arith.maxsi %sub3A_1132, %max3A_1134 : vector<16xi32>
        %lt3A_1136 = arith.constant 24 : i32
        %lt3A_1137 = vector.broadcast %lt3A_1136 : i32 to vector<16xi32>
        %lt3A_1138 = arith.cmpi slt, %select_n3A_1082, %lt3A_1137 : vector<16xi32>
        %shift_left3A_1139 = arith.constant 1 : i32
        %shift_left3A_1140 = vector.broadcast %shift_left3A_1139 : i32 to vector<16xi32>
        %shift_left3A_1141 = arith.shli %shift_left3A_1140, %max3A_1135 : vector<16xi32>
        %jit3A_1142 = arith.constant 0 : i64
        %convert_element_type3A_1143 = arith.trunci %jit3A_1142 : i64 to i32
        %broadcast_in_dim3A_1144 = vector.broadcast %convert_element_type3A_1143 : i32 to vector<16xi32>
        %select_n3A_1145 = arith.select %lt3A_1138, %shift_left3A_1141, %broadcast_in_dim3A_1144 : vector<16xi1>, vector<16xi32>
        %ge3A_1146 = arith.constant 24 : i32
        %ge3A_1147 = vector.broadcast %ge3A_1146 : i32 to vector<16xi32>
        %ge3A_1148 = arith.cmpi sge, %select_n3A_1082, %ge3A_1147 : vector<16xi32>
        %sub3A_1149 = arith.constant 47 : i32
        %sub3A_1150 = vector.broadcast %sub3A_1149 : i32 to vector<16xi32>
        %sub3A_1151 = arith.subi %sub3A_1150, %select_n3A_1082 : vector<16xi32>
        %jit3A_1152 = arith.constant 0 : i64
        %convert_element_type3A_1153 = arith.trunci %jit3A_1152 : i64 to i32
        %broadcast_in_dim3A_1154 = vector.broadcast %convert_element_type3A_1153 : i32 to vector<16xi32>
        %select_n3A_1155 = arith.select %ge3A_1148, %sub3A_1151, %broadcast_in_dim3A_1154 : vector<16xi1>, vector<16xi32>
        %ge3A_1156 = arith.constant 24 : i32
        %ge3A_1157 = vector.broadcast %ge3A_1156 : i32 to vector<16xi32>
        %ge3A_1158 = arith.cmpi sge, %select_n3A_1082, %ge3A_1157 : vector<16xi32>
        %shift_left3A_1159 = arith.constant 1 : i32
        %shift_left3A_1160 = vector.broadcast %shift_left3A_1159 : i32 to vector<16xi32>
        %shift_left3A_1161 = arith.shli %shift_left3A_1160, %select_n3A_1155 : vector<16xi32>
        %jit3A_1162 = arith.constant 0 : i64
        %convert_element_type3A_1163 = arith.trunci %jit3A_1162 : i64 to i32
        %broadcast_in_dim3A_1164 = vector.broadcast %convert_element_type3A_1163 : i32 to vector<16xi32>
        %select_n3A_1165 = arith.select %ge3A_1158, %shift_left3A_1161, %broadcast_in_dim3A_1164 : vector<16xi1>, vector<16xi32>
        %add3A_1166 = arith.addi %add3A_129, %select_n3A_1072 : vector<16xi32>
        %gather3A_1167 = tpu.vector_load_idx %arg5[%broadcast_in_dim3A_5, %broadcast_in_dim3A_5, %add3A_1166] : memref<2x320x97xf32, #tpu.memory_space<vmem>>[vector<16xi32>, vector<16xi32>, vector<16xi32>], vector<16xf32>,
        %add3A_1168 = arith.addi %add3A_129, %select_n3A_1082 : vector<16xi32>
        %gather3A_1169 = tpu.vector_load_idx %arg5[%broadcast_in_dim3A_5, %broadcast_in_dim3A_5, %add3A_1168] : memref<2x320x97xf32, #tpu.memory_space<vmem>>[vector<16xi32>, vector<16xi32>, vector<16xi32>], vector<16xf32>,
        %bitcast3A_1170 = vector.bitcast %gather3A_1167 : vector<16xf32> to vector<16xi32>
        %not3A = arith.constant dense<-1> : vector<16xi32>
        %not3A_1171 = arith.xori %bitcast3A_1170, %not3A : vector<16xi32>
        %shift_right_arithmetic3A_1172 = arith.constant 31 : i32
        %shift_right_arithmetic3A_1173 = vector.broadcast %shift_right_arithmetic3A_1172 : i32 to vector<16xi32>
        %shift_right_arithmetic3A_1174 = arith.shrsi %not3A_1171, %shift_right_arithmetic3A_1173 : vector<16xi32>
        %bitcast3A_1175 = vector.bitcast %gather3A_1169 : vector<16xf32> to vector<16xi32>
        %not3A_1176 = arith.constant dense<-1> : vector<16xi32>
        %not3A_1177 = arith.xori %bitcast3A_1175, %not3A_1176 : vector<16xi32>
        %shift_right_arithmetic3A_1178 = arith.constant 31 : i32
        %shift_right_arithmetic3A_1179 = vector.broadcast %shift_right_arithmetic3A_1178 : i32 to vector<16xi32>
        %shift_right_arithmetic3A_1180 = arith.shrsi %not3A_1177, %shift_right_arithmetic3A_1179 : vector<16xi32>
        %and3A_1181 = arith.andi %shift_right_arithmetic3A_1174, %select_n3A_1109 : vector<16xi32>
        %sub3A_1182 = arith.subi %sub3A_1091, %and3A_1181 : vector<16xi32>
        %and3A_1183 = arith.andi %shift_right_arithmetic3A_1180, %select_n3A_1145 : vector<16xi32>
        %sub3A_1184 = arith.subi %sub3A_1182, %and3A_1183 : vector<16xi32>
        %and3A_1185 = arith.andi %shift_right_arithmetic3A_1174, %select_n3A_1129 : vector<16xi32>
        %sub3A_1186 = arith.subi %sub3A_1095, %and3A_1185 : vector<16xi32>
        %and3A_1187 = arith.andi %shift_right_arithmetic3A_1180, %select_n3A_1165 : vector<16xi32>
        %sub3A_1188 = arith.subi %sub3A_1186, %and3A_1187 : vector<16xi32>
        %mul3A_1189 = arith.constant 8 : i32
        %mul3A_1190 = arith.muli %while3A_108, %mul3A_1189 : i32
        %add3A_1191 = arith.addi %mul3A_95, %mul3A_1190 : i32
        %add3A_1192 = vector.broadcast %add3A_1191 : i32 to vector<16xi32>
        %add3A_1193 = arith.addi %add3A_1192, %select_n3A_11 : vector<16xi32>
        %gather3A_1194 = tpu.vector_load_idx %arg6[%add3A_1193] : memref<640xi32, #tpu.memory_space<vmem>>[vector<16xi32>], vector<16xi32>,
        %shift_right_arithmetic3A_1195 = arith.constant 24 : i32
        %shift_right_arithmetic3A_1196 = vector.broadcast %shift_right_arithmetic3A_1195 : i32 to vector<16xi32>
        %shift_right_arithmetic3A_1197 = arith.shrsi %gather3A_1194, %shift_right_arithmetic3A_1196 : vector<16xi32>
        %and3A_1198 = arith.constant 16777215 : i32
        %and3A_1199 = vector.broadcast %and3A_1198 : i32 to vector<16xi32>
        %and3A_1200 = arith.andi %gather3A_1194, %and3A_1199 : vector<16xi32>
        %sub3A_1201 = arith.constant 128 : i32
        %sub3A_1202 = vector.broadcast %sub3A_1201 : i32 to vector<16xi32>
        %sub3A_1203 = arith.subi %and3A_1200, %sub3A_1202 : vector<16xi32>
        %shift_right_arithmetic3A_1204 = arith.constant 24 : i32
        %shift_right_arithmetic3A_1205 = vector.broadcast %shift_right_arithmetic3A_1204 : i32 to vector<16xi32>
        %shift_right_arithmetic3A_1206 = arith.shrsi %sub3A_1203, %shift_right_arithmetic3A_1205 : vector<16xi32>
        %add3A_1207 = arith.addi %shift_right_arithmetic3A_1197, %shift_right_arithmetic3A_1206 : vector<16xi32>
        %and3A_1208 = arith.constant 16777215 : i32
        %and3A_1209 = vector.broadcast %and3A_1208 : i32 to vector<16xi32>
        %and3A_1210 = arith.andi %sub3A_1203, %and3A_1209 : vector<16xi32>
        %add3A_1211 = arith.constant 128 : i32
        %add3A_1212 = vector.broadcast %add3A_1211 : i32 to vector<16xi32>
        %add3A_1213 = arith.addi %and3A_1200, %add3A_1212 : vector<16xi32>
        %shift_right_arithmetic3A_1214 = arith.constant 24 : i32
        %shift_right_arithmetic3A_1215 = vector.broadcast %shift_right_arithmetic3A_1214 : i32 to vector<16xi32>
        %shift_right_arithmetic3A_1216 = arith.shrsi %add3A_1213, %shift_right_arithmetic3A_1215 : vector<16xi32>
        %add3A_1217 = arith.addi %shift_right_arithmetic3A_1197, %shift_right_arithmetic3A_1216 : vector<16xi32>
        %and3A_1218 = arith.constant 16777215 : i32
        %and3A_1219 = vector.broadcast %and3A_1218 : i32 to vector<16xi32>
        %and3A_1220 = arith.andi %add3A_1213, %and3A_1219 : vector<16xi32>
        %eq3A_1221 = arith.constant 0 : i32
        %eq3A_1222 = vector.broadcast %eq3A_1221 : i32 to vector<16xi32>
        %eq3A_1223 = arith.cmpi eq, %shift_right_arithmetic3A_1197, %eq3A_1222 : vector<16xi32>
        %le3A = arith.constant 128 : i32
        %le3A_1224 = vector.broadcast %le3A : i32 to vector<16xi32>
        %le3A_1225 = arith.cmpi sle, %and3A_1200, %le3A_1224 : vector<16xi32>
        %and3A_1226 = arith.andi %eq3A_1223, %le3A_1225 : vector<16xi1>
        %jit3A_1227 = arith.constant 0 : i32
        %jit3A_1228 = arith.constant -1 : i32
        %broadcast_in_dim3A_1229 = vector.broadcast %jit3A_1227 : i32 to vector<16xi32>
        %broadcast_in_dim3A_1230 = vector.broadcast %jit3A_1228 : i32 to vector<16xi32>
        %select_n3A_1231 = arith.select %and3A_1226, %broadcast_in_dim3A_1229, %broadcast_in_dim3A_1230 : vector<16xi1>, vector<16xi32>
        %sub3A_1232 = arith.constant 128 : i32
        %sub3A_1233 = vector.broadcast %sub3A_1232 : i32 to vector<16xi32>
        %sub3A_1234 = arith.subi %sub3A_1233, %and3A_1200 : vector<16xi32>
        %jit3A_1235 = arith.constant -1 : i32
        %broadcast_in_dim3A_1236 = vector.broadcast %jit3A_1235 : i32 to vector<16xi32>
        %select_n3A_1237 = arith.select %ge3A_123, %add3A_1207, %broadcast_in_dim3A_1236 : vector<16xi1>, vector<16xi32>
        %jit3A_1238 = arith.constant 0 : i32
        %broadcast_in_dim3A_1239 = vector.broadcast %jit3A_1238 : i32 to vector<16xi32>
        %select_n3A_1240 = arith.select %ge3A_123, %and3A_1210, %broadcast_in_dim3A_1239 : vector<16xi1>, vector<16xi32>
        %select_n3A_1241 = arith.select %ge3A_123, %add3A_1217, %select_n3A_1231 : vector<16xi1>, vector<16xi32>
        %select_n3A_1242 = arith.select %ge3A_123, %and3A_1220, %sub3A_1234 : vector<16xi1>, vector<16xi32>
        %gt3A = arith.cmpi sgt, %sub3A_1184, %select_n3A_1237 : vector<16xi32>
        %eq3A_1243 = arith.cmpi eq, %sub3A_1184, %select_n3A_1237 : vector<16xi32>
        %ge3A_1244 = arith.cmpi sge, %sub3A_1188, %select_n3A_1240 : vector<16xi32>
        %and3A_1245 = arith.andi %eq3A_1243, %ge3A_1244 : vector<16xi1>
        %or3A_1246 = arith.ori %gt3A, %and3A_1245 : vector<16xi1>
        %lt3A_1247 = arith.cmpi slt, %sub3A_1184, %select_n3A_1241 : vector<16xi32>
        %eq3A_1248 = arith.cmpi eq, %sub3A_1184, %select_n3A_1241 : vector<16xi32>
        %le3A_1249 = arith.cmpi sle, %sub3A_1188, %select_n3A_1242 : vector<16xi32>
        %and3A_1250 = arith.andi %eq3A_1248, %le3A_1249 : vector<16xi1>
        %or3A_1251 = arith.ori %lt3A_1247, %and3A_1250 : vector<16xi1>
        %and3A_1252 = arith.andi %or3A_1246, %or3A_1251 : vector<16xi1>
        %add3A_1253 = arith.addi %sub3A_1184, %select_n3A_1145 : vector<16xi32>
        %add3A_1254 = arith.addi %sub3A_1188, %select_n3A_1165 : vector<16xi32>
        %gt3A_1255 = arith.cmpi sgt, %add3A_1253, %select_n3A_1237 : vector<16xi32>
        %eq3A_1256 = arith.cmpi eq, %add3A_1253, %select_n3A_1237 : vector<16xi32>
        %ge3A_1257 = arith.cmpi sge, %add3A_1254, %select_n3A_1240 : vector<16xi32>
        %and3A_1258 = arith.andi %eq3A_1256, %ge3A_1257 : vector<16xi1>
        %or3A_1259 = arith.ori %gt3A_1255, %and3A_1258 : vector<16xi1>
        %lt3A_1260 = arith.cmpi slt, %add3A_1253, %select_n3A_1241 : vector<16xi32>
        %eq3A_1261 = arith.cmpi eq, %add3A_1253, %select_n3A_1241 : vector<16xi32>
        %le3A_1262 = arith.cmpi sle, %add3A_1254, %select_n3A_1242 : vector<16xi32>
        %and3A_1263 = arith.andi %eq3A_1261, %le3A_1262 : vector<16xi1>
        %or3A_1264 = arith.ori %lt3A_1260, %and3A_1263 : vector<16xi1>
        %and3A_1265 = arith.andi %or3A_1259, %or3A_1264 : vector<16xi1>
        %or3A_1266 = arith.ori %and3A_1252, %and3A_1265 : vector<16xi1>
        %add3A_1267 = arith.addi %sub3A_1184, %select_n3A_1109 : vector<16xi32>
        %add3A_1268 = arith.addi %sub3A_1188, %select_n3A_1129 : vector<16xi32>
        %gt3A_1269 = arith.cmpi sgt, %add3A_1267, %select_n3A_1237 : vector<16xi32>
        %eq3A_1270 = arith.cmpi eq, %add3A_1267, %select_n3A_1237 : vector<16xi32>
        %ge3A_1271 = arith.cmpi sge, %add3A_1268, %select_n3A_1240 : vector<16xi32>
        %and3A_1272 = arith.andi %eq3A_1270, %ge3A_1271 : vector<16xi1>
        %or3A_1273 = arith.ori %gt3A_1269, %and3A_1272 : vector<16xi1>
        %lt3A_1274 = arith.cmpi slt, %add3A_1267, %select_n3A_1241 : vector<16xi32>
        %eq3A_1275 = arith.cmpi eq, %add3A_1267, %select_n3A_1241 : vector<16xi32>
        %le3A_1276 = arith.cmpi sle, %add3A_1268, %select_n3A_1242 : vector<16xi32>
        %and3A_1277 = arith.andi %eq3A_1275, %le3A_1276 : vector<16xi1>
        %or3A_1278 = arith.ori %lt3A_1274, %and3A_1277 : vector<16xi1>
        %and3A_1279 = arith.andi %or3A_1273, %or3A_1278 : vector<16xi1>
        %or3A_1280 = arith.ori %or3A_1266, %and3A_1279 : vector<16xi1>
        %add3A_1281 = arith.addi %sub3A_1184, %select_n3A_1109 : vector<16xi32>
        %add3A_1282 = arith.addi %add3A_1281, %select_n3A_1145 : vector<16xi32>
        %add3A_1283 = arith.addi %sub3A_1188, %select_n3A_1129 : vector<16xi32>
        %add3A_1284 = arith.addi %add3A_1283, %select_n3A_1165 : vector<16xi32>
        %gt3A_1285 = arith.cmpi sgt, %add3A_1282, %select_n3A_1237 : vector<16xi32>
        %eq3A_1286 = arith.cmpi eq, %add3A_1282, %select_n3A_1237 : vector<16xi32>
        %ge3A_1287 = arith.cmpi sge, %add3A_1284, %select_n3A_1240 : vector<16xi32>
        %and3A_1288 = arith.andi %eq3A_1286, %ge3A_1287 : vector<16xi1>
        %or3A_1289 = arith.ori %gt3A_1285, %and3A_1288 : vector<16xi1>
        %lt3A_1290 = arith.cmpi slt, %add3A_1282, %select_n3A_1241 : vector<16xi32>
        %eq3A_1291 = arith.cmpi eq, %add3A_1282, %select_n3A_1241 : vector<16xi32>
        %le3A_1292 = arith.cmpi sle, %add3A_1284, %select_n3A_1242 : vector<16xi32>
        %and3A_1293 = arith.andi %eq3A_1291, %le3A_1292 : vector<16xi1>
        %or3A_1294 = arith.ori %lt3A_1290, %and3A_1293 : vector<16xi1>
        %and3A_1295 = arith.andi %or3A_1289, %or3A_1294 : vector<16xi1>
        %or3A_1296 = arith.ori %or3A_1280, %and3A_1295 : vector<16xi1>
        %jit3A_1297 = arith.constant 0 : i64
        %convert_element_type3A_1298 = arith.trunci %jit3A_1297 : i64 to i32
        %broadcast_in_dim3A_1299 = vector.broadcast %convert_element_type3A_1298 : i32 to vector<16xi32>
        %select_n3A_1300 = arith.select %or3A_1296, %select_n3A_21, %broadcast_in_dim3A_1299 : vector<16xi1>, vector<16xi32>
        %add3A_1301 = arith.addi %while3A_109, %select_n3A_1300 : vector<16xi32>
        scf.yield %add3A_1301 : vector<16xi32>
      }
      %while3A_106 = arith.constant 1 : i32
      %while3A_107 = scf.for %while3A_108 = %while3A_103 to %while3A_99 step %while3A_106 iter_args(%while3A_109 = %while3A_105) -> (vector<16xi32>)  : i32 {
        %mul3A_110 = arith.constant 8 : i32
        %mul3A_111 = arith.muli %while3A_108, %mul3A_110 : i32
        %add3A_112 = vector.broadcast %mul3A_111 : i32 to vector<16xi32>
        %add3A_113 = arith.addi %add3A_112, %select_n3A_11 : vector<16xi32>
        %mul3A_114 = arith.constant 128 : i32
        %mul3A_115 = vector.broadcast %mul3A_114 : i32 to vector<16xi32>
        %mul3A_116 = arith.muli %add3A_113, %mul3A_115 : vector<16xi32>
        %add3A_117 = vector.broadcast %mul3A_93 : i32 to vector<16xi32>
        %add3A_118 = arith.addi %add3A_117, %mul3A_116 : vector<16xi32>
        %add3A_119 = arith.constant 96 : i32
        %add3A_120 = vector.broadcast %add3A_119 : i32 to vector<16xi32>
        %add3A_121 = arith.addi %add3A_118, %add3A_120 : vector<16xi32>
        %gather3A = tpu.vector_load_idx %arg5[%broadcast_in_dim3A_5, %broadcast_in_dim3A_5, %add3A_121] : memref<2x320x97xf32, #tpu.memory_space<vmem>>[vector<16xi32>, vector<16xi32>, vector<16xi32>], vector<16xf32>,
        %ge3A = arith.constant 0.000000e+00 : f32
        %ge3A_122 = vector.broadcast %ge3A : f32 to vector<16xf32>
        %ge3A_123 = arith.cmpf oge, %gather3A, %ge3A_122 : vector<16xf32>
        %jit3A_124 = arith.constant 0 : i32
        %jit3A_125 = arith.constant 48 : i32
        %broadcast_in_dim3A_126 = vector.broadcast %jit3A_124 : i32 to vector<16xi32>
        %broadcast_in_dim3A_127 = vector.broadcast %jit3A_125 : i32 to vector<16xi32>
        %select_n3A_128 = arith.select %ge3A_123, %broadcast_in_dim3A_126, %broadcast_in_dim3A_127 : vector<16xi1>, vector<16xi32>
        %add3A_129 = arith.addi %add3A_118, %select_n3A_128 : vector<16xi32>
        %add3A_130 = arith.addi %add3A_129, %select_n3A_16 : vector<16xi32>
        %broadcast_in_dim3A_131 = arith.constant 2147483647 : i32
        %broadcast_in_dim3A_132 = vector.broadcast %broadcast_in_dim3A_131 : i32 to vector<16xi32>
        %broadcast_in_dim3A_133 = arith.constant 0 : i32
        %broadcast_in_dim3A_134 = vector.broadcast %broadcast_in_dim3A_133 : i32 to vector<16xi32>
        %broadcast_in_dim3A_135 = arith.constant 0 : i32
        %broadcast_in_dim3A_136 = vector.broadcast %broadcast_in_dim3A_135 : i32 to vector<16xi32>
        %broadcast_in_dim3A_137 = arith.constant 0 : i32
        %broadcast_in_dim3A_138 = vector.broadcast %broadcast_in_dim3A_137 : i32 to vector<16xi32>
        %add3A_139 = arith.constant 0 : i32
        %add3A_140 = vector.broadcast %add3A_139 : i32 to vector<16xi32>
        %add3A_141 = arith.addi %add3A_130, %add3A_140 : vector<16xi32>
        %gather3A_142 = tpu.vector_load_idx %arg5[%broadcast_in_dim3A_5, %broadcast_in_dim3A_5, %add3A_141] : memref<2x320x97xf32, #tpu.memory_space<vmem>>[vector<16xi32>, vector<16xi32>, vector<16xi32>], vector<16xf32>,
        %bitcast3A = vector.bitcast %gather3A_142 : vector<16xf32> to vector<16xi32>
        %and3A_143 = arith.constant 2147483647 : i32
        %and3A_144 = vector.broadcast %and3A_143 : i32 to vector<16xi32>
        %and3A_145 = arith.andi %bitcast3A, %and3A_144 : vector<16xi32>
        %shift_right_arithmetic3A = arith.constant 31 : i32
        %shift_right_arithmetic3A_146 = vector.broadcast %shift_right_arithmetic3A : i32 to vector<16xi32>
        %shift_right_arithmetic3A_147 = arith.shrsi %bitcast3A, %shift_right_arithmetic3A_146 : vector<16xi32>
        %and3A_148 = arith.constant 8388608 : i32
        %and3A_149 = vector.broadcast %and3A_148 : i32 to vector<16xi32>
        %and3A_150 = arith.andi %shift_right_arithmetic3A_147, %and3A_149 : vector<16xi32>
        %add3A_151 = arith.addi %broadcast_in_dim3A_138, %and3A_150 : vector<16xi32>
        %add3A_152 = arith.constant 0 : i32
        %add3A_153 = vector.broadcast %add3A_152 : i32 to vector<16xi32>
        %add3A_154 = arith.addi %select_n3A_16, %add3A_153 : vector<16xi32>
        %sub3A_155 = arith.subi %and3A_145, %broadcast_in_dim3A_132 : vector<16xi32>
        %shift_right_arithmetic3A_156 = arith.constant 31 : i32
        %shift_right_arithmetic3A_157 = vector.broadcast %shift_right_arithmetic3A_156 : i32 to vector<16xi32>
        %shift_right_arithmetic3A_158 = arith.shrsi %sub3A_155, %shift_right_arithmetic3A_157 : vector<16xi32>
        %and3A_159 = arith.andi %shift_right_arithmetic3A_158, %sub3A_155 : vector<16xi32>
        %add3A_160 = arith.addi %broadcast_in_dim3A_132, %and3A_159 : vector<16xi32>
        %sub3A_161 = arith.subi %add3A_154, %broadcast_in_dim3A_136 : vector<16xi32>
        %and3A_162 = arith.andi %shift_right_arithmetic3A_158, %sub3A_161 : vector<16xi32>
        %add3A_163 = arith.addi %broadcast_in_dim3A_136, %and3A_162 : vector<16xi32>
        %sub3A_164 = arith.subi %add3A_160, %broadcast_in_dim3A_132 : vector<16xi32>
        %shift_right_arithmetic3A_165 = arith.constant 31 : i32
        %shift_right_arithmetic3A_166 = vector.broadcast %shift_right_arithmetic3A_165 : i32 to vector<16xi32>
        %shift_right_arithmetic3A_167 = arith.shrsi %sub3A_164, %shift_right_arithmetic3A_166 : vector<16xi32>
        %and3A_168 = arith.andi %shift_right_arithmetic3A_167, %sub3A_164 : vector<16xi32>
        %add3A_169 = arith.addi %broadcast_in_dim3A_132, %and3A_168 : vector<16xi32>
        %sub3A_170 = arith.subi %add3A_160, %and3A_168 : vector<16xi32>
        %sub3A_171 = arith.subi %add3A_163, %broadcast_in_dim3A_134 : vector<16xi32>
        %and3A_172 = arith.andi %shift_right_arithmetic3A_167, %sub3A_171 : vector<16xi32>
        %add3A_173 = arith.addi %broadcast_in_dim3A_134, %and3A_172 : vector<16xi32>
        %sub3A_174 = arith.subi %add3A_163, %and3A_172 : vector<16xi32>
        %add3A_175 = arith.constant 1 : i32
        %add3A_176 = vector.broadcast %add3A_175 : i32 to vector<16xi32>
        %add3A_177 = arith.addi %add3A_130, %add3A_176 : vector<16xi32>
        %gather3A_178 = tpu.vector_load_idx %arg5[%broadcast_in_dim3A_5, %broadcast_in_dim3A_5, %add3A_177] : memref<2x320x97xf32, #tpu.memory_space<vmem>>[vector<16xi32>, vector<16xi32>, vector<16xi32>], vector<16xf32>,
        %bitcast3A_179 = vector.bitcast %gather3A_178 : vector<16xf32> to vector<16xi32>
        %and3A_180 = arith.constant 2147483647 : i32
        %and3A_181 = vector.broadcast %and3A_180 : i32 to vector<16xi32>
        %and3A_182 = arith.andi %bitcast3A_179, %and3A_181 : vector<16xi32>
        %shift_right_arithmetic3A_183 = arith.constant 31 : i32
        %shift_right_arithmetic3A_184 = vector.broadcast %shift_right_arithmetic3A_183 : i32 to vector<16xi32>
        %shift_right_arithmetic3A_185 = arith.shrsi %bitcast3A_179, %shift_right_arithmetic3A_184 : vector<16xi32>
        %and3A_186 = arith.constant 4194304 : i32
        %and3A_187 = vector.broadcast %and3A_186 : i32 to vector<16xi32>
        %and3A_188 = arith.andi %shift_right_arithmetic3A_185, %and3A_187 : vector<16xi32>
        %add3A_189 = arith.addi %add3A_151, %and3A_188 : vector<16xi32>
        %add3A_190 = arith.constant 1 : i32
        %add3A_191 = vector.broadcast %add3A_190 : i32 to vector<16xi32>
        %add3A_192 = arith.addi %select_n3A_16, %add3A_191 : vector<16xi32>
        %sub3A_193 = arith.subi %and3A_182, %sub3A_170 : vector<16xi32>
        %shift_right_arithmetic3A_194 = arith.constant 31 : i32
        %shift_right_arithmetic3A_195 = vector.broadcast %shift_right_arithmetic3A_194 : i32 to vector<16xi32>
        %shift_right_arithmetic3A_196 = arith.shrsi %sub3A_193, %shift_right_arithmetic3A_195 : vector<16xi32>
        %and3A_197 = arith.andi %shift_right_arithmetic3A_196, %sub3A_193 : vector<16xi32>
        %add3A_198 = arith.addi %sub3A_170, %and3A_197 : vector<16xi32>
        %sub3A_199 = arith.subi %add3A_192, %sub3A_174 : vector<16xi32>
        %and3A_200 = arith.andi %shift_right_arithmetic3A_196, %sub3A_199 : vector<16xi32>
        %add3A_201 = arith.addi %sub3A_174, %and3A_200 : vector<16xi32>
        %sub3A_202 = arith.subi %add3A_198, %add3A_169 : vector<16xi32>
        %shift_right_arithmetic3A_203 = arith.constant 31 : i32
        %shift_right_arithmetic3A_204 = vector.broadcast %shift_right_arithmetic3A_203 : i32 to vector<16xi32>
        %shift_right_arithmetic3A_205 = arith.shrsi %sub3A_202, %shift_right_arithmetic3A_204 : vector<16xi32>
        %and3A_206 = arith.andi %shift_right_arithmetic3A_205, %sub3A_202 : vector<16xi32>
        %add3A_207 = arith.addi %add3A_169, %and3A_206 : vector<16xi32>
        %sub3A_208 = arith.subi %add3A_198, %and3A_206 : vector<16xi32>
        %sub3A_209 = arith.subi %add3A_201, %add3A_173 : vector<16xi32>
        %and3A_210 = arith.andi %shift_right_arithmetic3A_205, %sub3A_209 : vector<16xi32>
        %add3A_211 = arith.addi %add3A_173, %and3A_210 : vector<16xi32>
        %sub3A_212 = arith.subi %add3A_201, %and3A_210 : vector<16xi32>
        %add3A_213 = arith.constant 2 : i32
        %add3A_214 = vector.broadcast %add3A_213 : i32 to vector<16xi32>
        %add3A_215 = arith.addi %add3A_130, %add3A_214 : vector<16xi32>
        %gather3A_216 = tpu.vector_load_idx %arg5[%broadcast_in_dim3A_5, %broadcast_in_dim3A_5, %add3A_215] : memref<2x320x97xf32, #tpu.memory_space<vmem>>[vector<16xi32>, vector<16xi32>, vector<16xi32>], vector<16xf32>,
        %bitcast3A_217 = vector.bitcast %gather3A_216 : vector<16xf32> to vector<16xi32>
        %and3A_218 = arith.constant 2147483647 : i32
        %and3A_219 = vector.broadcast %and3A_218 : i32 to vector<16xi32>
        %and3A_220 = arith.andi %bitcast3A_217, %and3A_219 : vector<16xi32>
        %shift_right_arithmetic3A_221 = arith.constant 31 : i32
        %shift_right_arithmetic3A_222 = vector.broadcast %shift_right_arithmetic3A_221 : i32 to vector<16xi32>
        %shift_right_arithmetic3A_223 = arith.shrsi %bitcast3A_217, %shift_right_arithmetic3A_222 : vector<16xi32>
        %and3A_224 = arith.constant 2097152 : i32
        %and3A_225 = vector.broadcast %and3A_224 : i32 to vector<16xi32>
        %and3A_226 = arith.andi %shift_right_arithmetic3A_223, %and3A_225 : vector<16xi32>
        %add3A_227 = arith.addi %add3A_189, %and3A_226 : vector<16xi32>
        %add3A_228 = arith.constant 2 : i32
        %add3A_229 = vector.broadcast %add3A_228 : i32 to vector<16xi32>
        %add3A_230 = arith.addi %select_n3A_16, %add3A_229 : vector<16xi32>
        %sub3A_231 = arith.subi %and3A_220, %sub3A_208 : vector<16xi32>
        %shift_right_arithmetic3A_232 = arith.constant 31 : i32
        %shift_right_arithmetic3A_233 = vector.broadcast %shift_right_arithmetic3A_232 : i32 to vector<16xi32>
        %shift_right_arithmetic3A_234 = arith.shrsi %sub3A_231, %shift_right_arithmetic3A_233 : vector<16xi32>
        %and3A_235 = arith.andi %shift_right_arithmetic3A_234, %sub3A_231 : vector<16xi32>
        %add3A_236 = arith.addi %sub3A_208, %and3A_235 : vector<16xi32>
        %sub3A_237 = arith.subi %add3A_230, %sub3A_212 : vector<16xi32>
        %and3A_238 = arith.andi %shift_right_arithmetic3A_234, %sub3A_237 : vector<16xi32>
        %add3A_239 = arith.addi %sub3A_212, %and3A_238 : vector<16xi32>
        %sub3A_240 = arith.subi %add3A_236, %add3A_207 : vector<16xi32>
        %shift_right_arithmetic3A_241 = arith.constant 31 : i32
        %shift_right_arithmetic3A_242 = vector.broadcast %shift_right_arithmetic3A_241 : i32 to vector<16xi32>
        %shift_right_arithmetic3A_243 = arith.shrsi %sub3A_240, %shift_right_arithmetic3A_242 : vector<16xi32>
        %and3A_244 = arith.andi %shift_right_arithmetic3A_243, %sub3A_240 : vector<16xi32>
        %add3A_245 = arith.addi %add3A_207, %and3A_244 : vector<16xi32>
        %sub3A_246 = arith.subi %add3A_236, %and3A_244 : vector<16xi32>
        %sub3A_247 = arith.subi %add3A_239, %add3A_211 : vector<16xi32>
        %and3A_248 = arith.andi %shift_right_arithmetic3A_243, %sub3A_247 : vector<16xi32>
        %add3A_249 = arith.addi %add3A_211, %and3A_248 : vector<16xi32>
        %sub3A_250 = arith.subi %add3A_239, %and3A_248 : vector<16xi32>
        %add3A_251 = arith.constant 3 : i32
        %add3A_252 = vector.broadcast %add3A_251 : i32 to vector<16xi32>
        %add3A_253 = arith.addi %add3A_130, %add3A_252 : vector<16xi32>
        %gather3A_254 = tpu.vector_load_idx %arg5[%broadcast_in_dim3A_5, %broadcast_in_dim3A_5, %add3A_253] : memref<2x320x97xf32, #tpu.memory_space<vmem>>[vector<16xi32>, vector<16xi32>, vector<16xi32>], vector<16xf32>,
        %bitcast3A_255 = vector.bitcast %gather3A_254 : vector<16xf32> to vector<16xi32>
        %and3A_256 = arith.constant 2147483647 : i32
        %and3A_257 = vector.broadcast %and3A_256 : i32 to vector<16xi32>
        %and3A_258 = arith.andi %bitcast3A_255, %and3A_257 : vector<16xi32>
        %shift_right_arithmetic3A_259 = arith.constant 31 : i32
        %shift_right_arithmetic3A_260 = vector.broadcast %shift_right_arithmetic3A_259 : i32 to vector<16xi32>
        %shift_right_arithmetic3A_261 = arith.shrsi %bitcast3A_255, %shift_right_arithmetic3A_260 : vector<16xi32>
        %and3A_262 = arith.constant 1048576 : i32
        %and3A_263 = vector.broadcast %and3A_262 : i32 to vector<16xi32>
        %and3A_264 = arith.andi %shift_right_arithmetic3A_261, %and3A_263 : vector<16xi32>
        %add3A_265 = arith.addi %add3A_227, %and3A_264 : vector<16xi32>
        %add3A_266 = arith.constant 3 : i32
        %add3A_267 = vector.broadcast %add3A_266 : i32 to vector<16xi32>
        %add3A_268 = arith.addi %select_n3A_16, %add3A_267 : vector<16xi32>
        %sub3A_269 = arith.subi %and3A_258, %sub3A_246 : vector<16xi32>
        %shift_right_arithmetic3A_270 = arith.constant 31 : i32
        %shift_right_arithmetic3A_271 = vector.broadcast %shift_right_arithmetic3A_270 : i32 to vector<16xi32>
        %shift_right_arithmetic3A_272 = arith.shrsi %sub3A_269, %shift_right_arithmetic3A_271 : vector<16xi32>
        %and3A_273 = arith.andi %shift_right_arithmetic3A_272, %sub3A_269 : vector<16xi32>
        %add3A_274 = arith.addi %sub3A_246, %and3A_273 : vector<16xi32>
        %sub3A_275 = arith.subi %add3A_268, %sub3A_250 : vector<16xi32>
        %and3A_276 = arith.andi %shift_right_arithmetic3A_272, %sub3A_275 : vector<16xi32>
        %add3A_277 = arith.addi %sub3A_250, %and3A_276 : vector<16xi32>
        %sub3A_278 = arith.subi %add3A_274, %add3A_245 : vector<16xi32>
        %shift_right_arithmetic3A_279 = arith.constant 31 : i32
        %shift_right_arithmetic3A_280 = vector.broadcast %shift_right_arithmetic3A_279 : i32 to vector<16xi32>
        %shift_right_arithmetic3A_281 = arith.shrsi %sub3A_278, %shift_right_arithmetic3A_280 : vector<16xi32>
        %and3A_282 = arith.andi %shift_right_arithmetic3A_281, %sub3A_278 : vector<16xi32>
        %add3A_283 = arith.addi %add3A_245, %and3A_282 : vector<16xi32>
        %sub3A_284 = arith.subi %add3A_274, %and3A_282 : vector<16xi32>
        %sub3A_285 = arith.subi %add3A_277, %add3A_249 : vector<16xi32>
        %and3A_286 = arith.andi %shift_right_arithmetic3A_281, %sub3A_285 : vector<16xi32>
        %add3A_287 = arith.addi %add3A_249, %and3A_286 : vector<16xi32>
        %sub3A_288 = arith.subi %add3A_277, %and3A_286 : vector<16xi32>
        %add3A_289 = arith.constant 4 : i32
        %add3A_290 = vector.broadcast %add3A_289 : i32 to vector<16xi32>
        %add3A_291 = arith.addi %add3A_130, %add3A_290 : vector<16xi32>
        %gather3A_292 = tpu.vector_load_idx %arg5[%broadcast_in_dim3A_5, %broadcast_in_dim3A_5, %add3A_291] : memref<2x320x97xf32, #tpu.memory_space<vmem>>[vector<16xi32>, vector<16xi32>, vector<16xi32>], vector<16xf32>,
        %bitcast3A_293 = vector.bitcast %gather3A_292 : vector<16xf32> to vector<16xi32>
        %and3A_294 = arith.constant 2147483647 : i32
        %and3A_295 = vector.broadcast %and3A_294 : i32 to vector<16xi32>
        %and3A_296 = arith.andi %bitcast3A_293, %and3A_295 : vector<16xi32>
        %shift_right_arithmetic3A_297 = arith.constant 31 : i32
        %shift_right_arithmetic3A_298 = vector.broadcast %shift_right_arithmetic3A_297 : i32 to vector<16xi32>
        %shift_right_arithmetic3A_299 = arith.shrsi %bitcast3A_293, %shift_right_arithmetic3A_298 : vector<16xi32>
        %and3A_300 = arith.constant 524288 : i32
        %and3A_301 = vector.broadcast %and3A_300 : i32 to vector<16xi32>
        %and3A_302 = arith.andi %shift_right_arithmetic3A_299, %and3A_301 : vector<16xi32>
        %add3A_303 = arith.addi %add3A_265, %and3A_302 : vector<16xi32>
        %add3A_304 = arith.constant 4 : i32
        %add3A_305 = vector.broadcast %add3A_304 : i32 to vector<16xi32>
        %add3A_306 = arith.addi %select_n3A_16, %add3A_305 : vector<16xi32>
        %sub3A_307 = arith.subi %and3A_296, %sub3A_284 : vector<16xi32>
        %shift_right_arithmetic3A_308 = arith.constant 31 : i32
        %shift_right_arithmetic3A_309 = vector.broadcast %shift_right_arithmetic3A_308 : i32 to vector<16xi32>
        %shift_right_arithmetic3A_310 = arith.shrsi %sub3A_307, %shift_right_arithmetic3A_309 : vector<16xi32>
        %and3A_311 = arith.andi %shift_right_arithmetic3A_310, %sub3A_307 : vector<16xi32>
        %add3A_312 = arith.addi %sub3A_284, %and3A_311 : vector<16xi32>
        %sub3A_313 = arith.subi %add3A_306, %sub3A_288 : vector<16xi32>
        %and3A_314 = arith.andi %shift_right_arithmetic3A_310, %sub3A_313 : vector<16xi32>
        %add3A_315 = arith.addi %sub3A_288, %and3A_314 : vector<16xi32>
        %sub3A_316 = arith.subi %add3A_312, %add3A_283 : vector<16xi32>
        %shift_right_arithmetic3A_317 = arith.constant 31 : i32
        %shift_right_arithmetic3A_318 = vector.broadcast %shift_right_arithmetic3A_317 : i32 to vector<16xi32>
        %shift_right_arithmetic3A_319 = arith.shrsi %sub3A_316, %shift_right_arithmetic3A_318 : vector<16xi32>
        %and3A_320 = arith.andi %shift_right_arithmetic3A_319, %sub3A_316 : vector<16xi32>
        %add3A_321 = arith.addi %add3A_283, %and3A_320 : vector<16xi32>
        %sub3A_322 = arith.subi %add3A_312, %and3A_320 : vector<16xi32>
        %sub3A_323 = arith.subi %add3A_315, %add3A_287 : vector<16xi32>
        %and3A_324 = arith.andi %shift_right_arithmetic3A_319, %sub3A_323 : vector<16xi32>
        %add3A_325 = arith.addi %add3A_287, %and3A_324 : vector<16xi32>
        %sub3A_326 = arith.subi %add3A_315, %and3A_324 : vector<16xi32>
        %add3A_327 = arith.constant 5 : i32
        %add3A_328 = vector.broadcast %add3A_327 : i32 to vector<16xi32>
        %add3A_329 = arith.addi %add3A_130, %add3A_328 : vector<16xi32>
        %gather3A_330 = tpu.vector_load_idx %arg5[%broadcast_in_dim3A_5, %broadcast_in_dim3A_5, %add3A_329] : memref<2x320x97xf32, #tpu.memory_space<vmem>>[vector<16xi32>, vector<16xi32>, vector<16xi32>], vector<16xf32>,
        %bitcast3A_331 = vector.bitcast %gather3A_330 : vector<16xf32> to vector<16xi32>
        %and3A_332 = arith.constant 2147483647 : i32
        %and3A_333 = vector.broadcast %and3A_332 : i32 to vector<16xi32>
        %and3A_334 = arith.andi %bitcast3A_331, %and3A_333 : vector<16xi32>
        %shift_right_arithmetic3A_335 = arith.constant 31 : i32
        %shift_right_arithmetic3A_336 = vector.broadcast %shift_right_arithmetic3A_335 : i32 to vector<16xi32>
        %shift_right_arithmetic3A_337 = arith.shrsi %bitcast3A_331, %shift_right_arithmetic3A_336 : vector<16xi32>
        %and3A_338 = arith.constant 262144 : i32
        %and3A_339 = vector.broadcast %and3A_338 : i32 to vector<16xi32>
        %and3A_340 = arith.andi %shift_right_arithmetic3A_337, %and3A_339 : vector<16xi32>
        %add3A_341 = arith.addi %add3A_303, %and3A_340 : vector<16xi32>
        %add3A_342 = arith.constant 5 : i32
        %add3A_343 = vector.broadcast %add3A_342 : i32 to vector<16xi32>
        %add3A_344 = arith.addi %select_n3A_16, %add3A_343 : vector<16xi32>
        %sub3A_345 = arith.subi %and3A_334, %sub3A_322 : vector<16xi32>
        %shift_right_arithmetic3A_346 = arith.constant 31 : i32
        %shift_right_arithmetic3A_347 = vector.broadcast %shift_right_arithmetic3A_346 : i32 to vector<16xi32>
        %shift_right_arithmetic3A_348 = arith.shrsi %sub3A_345, %shift_right_arithmetic3A_347 : vector<16xi32>
        %and3A_349 = arith.andi %shift_right_arithmetic3A_348, %sub3A_345 : vector<16xi32>
        %add3A_350 = arith.addi %sub3A_322, %and3A_349 : vector<16xi32>
        %sub3A_351 = arith.subi %add3A_344, %sub3A_326 : vector<16xi32>
        %and3A_352 = arith.andi %shift_right_arithmetic3A_348, %sub3A_351 : vector<16xi32>
        %add3A_353 = arith.addi %sub3A_326, %and3A_352 : vector<16xi32>
        %sub3A_354 = arith.subi %add3A_350, %add3A_321 : vector<16xi32>
        %shift_right_arithmetic3A_355 = arith.constant 31 : i32
        %shift_right_arithmetic3A_356 = vector.broadcast %shift_right_arithmetic3A_355 : i32 to vector<16xi32>
        %shift_right_arithmetic3A_357 = arith.shrsi %sub3A_354, %shift_right_arithmetic3A_356 : vector<16xi32>
        %and3A_358 = arith.andi %shift_right_arithmetic3A_357, %sub3A_354 : vector<16xi32>
        %add3A_359 = arith.addi %add3A_321, %and3A_358 : vector<16xi32>
        %sub3A_360 = arith.subi %add3A_350, %and3A_358 : vector<16xi32>
        %sub3A_361 = arith.subi %add3A_353, %add3A_325 : vector<16xi32>
        %and3A_362 = arith.andi %shift_right_arithmetic3A_357, %sub3A_361 : vector<16xi32>
        %add3A_363 = arith.addi %add3A_325, %and3A_362 : vector<16xi32>
        %sub3A_364 = arith.subi %add3A_353, %and3A_362 : vector<16xi32>
        %add3A_365 = arith.constant 6 : i32
        %add3A_366 = vector.broadcast %add3A_365 : i32 to vector<16xi32>
        %add3A_367 = arith.addi %add3A_130, %add3A_366 : vector<16xi32>
        %gather3A_368 = tpu.vector_load_idx %arg5[%broadcast_in_dim3A_5, %broadcast_in_dim3A_5, %add3A_367] : memref<2x320x97xf32, #tpu.memory_space<vmem>>[vector<16xi32>, vector<16xi32>, vector<16xi32>], vector<16xf32>,
        %bitcast3A_369 = vector.bitcast %gather3A_368 : vector<16xf32> to vector<16xi32>
        %and3A_370 = arith.constant 2147483647 : i32
        %and3A_371 = vector.broadcast %and3A_370 : i32 to vector<16xi32>
        %and3A_372 = arith.andi %bitcast3A_369, %and3A_371 : vector<16xi32>
        %shift_right_arithmetic3A_373 = arith.constant 31 : i32
        %shift_right_arithmetic3A_374 = vector.broadcast %shift_right_arithmetic3A_373 : i32 to vector<16xi32>
        %shift_right_arithmetic3A_375 = arith.shrsi %bitcast3A_369, %shift_right_arithmetic3A_374 : vector<16xi32>
        %and3A_376 = arith.constant 131072 : i32
        %and3A_377 = vector.broadcast %and3A_376 : i32 to vector<16xi32>
        %and3A_378 = arith.andi %shift_right_arithmetic3A_375, %and3A_377 : vector<16xi32>
        %add3A_379 = arith.addi %add3A_341, %and3A_378 : vector<16xi32>
        %add3A_380 = arith.constant 6 : i32
        %add3A_381 = vector.broadcast %add3A_380 : i32 to vector<16xi32>
        %add3A_382 = arith.addi %select_n3A_16, %add3A_381 : vector<16xi32>
        %sub3A_383 = arith.subi %and3A_372, %sub3A_360 : vector<16xi32>
        %shift_right_arithmetic3A_384 = arith.constant 31 : i32
        %shift_right_arithmetic3A_385 = vector.broadcast %shift_right_arithmetic3A_384 : i32 to vector<16xi32>
        %shift_right_arithmetic3A_386 = arith.shrsi %sub3A_383, %shift_right_arithmetic3A_385 : vector<16xi32>
        %and3A_387 = arith.andi %shift_right_arithmetic3A_386, %sub3A_383 : vector<16xi32>
        %add3A_388 = arith.addi %sub3A_360, %and3A_387 : vector<16xi32>
        %sub3A_389 = arith.subi %add3A_382, %sub3A_364 : vector<16xi32>
        %and3A_390 = arith.andi %shift_right_arithmetic3A_386, %sub3A_389 : vector<16xi32>
        %add3A_391 = arith.addi %sub3A_364, %and3A_390 : vector<16xi32>
        %sub3A_392 = arith.subi %add3A_388, %add3A_359 : vector<16xi32>
        %shift_right_arithmetic3A_393 = arith.constant 31 : i32
        %shift_right_arithmetic3A_394 = vector.broadcast %shift_right_arithmetic3A_393 : i32 to vector<16xi32>
        %shift_right_arithmetic3A_395 = arith.shrsi %sub3A_392, %shift_right_arithmetic3A_394 : vector<16xi32>
        %and3A_396 = arith.andi %shift_right_arithmetic3A_395, %sub3A_392 : vector<16xi32>
        %add3A_397 = arith.addi %add3A_359, %and3A_396 : vector<16xi32>
        %sub3A_398 = arith.subi %add3A_388, %and3A_396 : vector<16xi32>
        %sub3A_399 = arith.subi %add3A_391, %add3A_363 : vector<16xi32>
        %and3A_400 = arith.andi %shift_right_arithmetic3A_395, %sub3A_399 : vector<16xi32>
        %add3A_401 = arith.addi %add3A_363, %and3A_400 : vector<16xi32>
        %sub3A_402 = arith.subi %add3A_391, %and3A_400 : vector<16xi32>
        %add3A_403 = arith.constant 7 : i32
        %add3A_404 = vector.broadcast %add3A_403 : i32 to vector<16xi32>
        %add3A_405 = arith.addi %add3A_130, %add3A_404 : vector<16xi32>
        %gather3A_406 = tpu.vector_load_idx %arg5[%broadcast_in_dim3A_5, %broadcast_in_dim3A_5, %add3A_405] : memref<2x320x97xf32, #tpu.memory_space<vmem>>[vector<16xi32>, vector<16xi32>, vector<16xi32>], vector<16xf32>,
        %bitcast3A_407 = vector.bitcast %gather3A_406 : vector<16xf32> to vector<16xi32>
        %and3A_408 = arith.constant 2147483647 : i32
        %and3A_409 = vector.broadcast %and3A_408 : i32 to vector<16xi32>
        %and3A_410 = arith.andi %bitcast3A_407, %and3A_409 : vector<16xi32>
        %shift_right_arithmetic3A_411 = arith.constant 31 : i32
        %shift_right_arithmetic3A_412 = vector.broadcast %shift_right_arithmetic3A_411 : i32 to vector<16xi32>
        %shift_right_arithmetic3A_413 = arith.shrsi %bitcast3A_407, %shift_right_arithmetic3A_412 : vector<16xi32>
        %and3A_414 = arith.constant 65536 : i32
        %and3A_415 = vector.broadcast %and3A_414 : i32 to vector<16xi32>
        %and3A_416 = arith.andi %shift_right_arithmetic3A_413, %and3A_415 : vector<16xi32>
        %add3A_417 = arith.addi %add3A_379, %and3A_416 : vector<16xi32>
        %add3A_418 = arith.constant 7 : i32
        %add3A_419 = vector.broadcast %add3A_418 : i32 to vector<16xi32>
        %add3A_420 = arith.addi %select_n3A_16, %add3A_419 : vector<16xi32>
        %sub3A_421 = arith.subi %and3A_410, %sub3A_398 : vector<16xi32>
        %shift_right_arithmetic3A_422 = arith.constant 31 : i32
        %shift_right_arithmetic3A_423 = vector.broadcast %shift_right_arithmetic3A_422 : i32 to vector<16xi32>
        %shift_right_arithmetic3A_424 = arith.shrsi %sub3A_421, %shift_right_arithmetic3A_423 : vector<16xi32>
        %and3A_425 = arith.andi %shift_right_arithmetic3A_424, %sub3A_421 : vector<16xi32>
        %add3A_426 = arith.addi %sub3A_398, %and3A_425 : vector<16xi32>
        %sub3A_427 = arith.subi %add3A_420, %sub3A_402 : vector<16xi32>
        %and3A_428 = arith.andi %shift_right_arithmetic3A_424, %sub3A_427 : vector<16xi32>
        %add3A_429 = arith.addi %sub3A_402, %and3A_428 : vector<16xi32>
        %sub3A_430 = arith.subi %add3A_426, %add3A_397 : vector<16xi32>
        %shift_right_arithmetic3A_431 = arith.constant 31 : i32
        %shift_right_arithmetic3A_432 = vector.broadcast %shift_right_arithmetic3A_431 : i32 to vector<16xi32>
        %shift_right_arithmetic3A_433 = arith.shrsi %sub3A_430, %shift_right_arithmetic3A_432 : vector<16xi32>
        %and3A_434 = arith.andi %shift_right_arithmetic3A_433, %sub3A_430 : vector<16xi32>
        %add3A_435 = arith.addi %add3A_397, %and3A_434 : vector<16xi32>
        %sub3A_436 = arith.subi %add3A_426, %and3A_434 : vector<16xi32>
        %sub3A_437 = arith.subi %add3A_429, %add3A_401 : vector<16xi32>
        %and3A_438 = arith.andi %shift_right_arithmetic3A_433, %sub3A_437 : vector<16xi32>
        %add3A_439 = arith.addi %add3A_401, %and3A_438 : vector<16xi32>
        %sub3A_440 = arith.subi %add3A_429, %and3A_438 : vector<16xi32>
        %add3A_441 = arith.constant 8 : i32
        %add3A_442 = vector.broadcast %add3A_441 : i32 to vector<16xi32>
        %add3A_443 = arith.addi %add3A_130, %add3A_442 : vector<16xi32>
        %gather3A_444 = tpu.vector_load_idx %arg5[%broadcast_in_dim3A_5, %broadcast_in_dim3A_5, %add3A_443] : memref<2x320x97xf32, #tpu.memory_space<vmem>>[vector<16xi32>, vector<16xi32>, vector<16xi32>], vector<16xf32>,
        %bitcast3A_445 = vector.bitcast %gather3A_444 : vector<16xf32> to vector<16xi32>
        %and3A_446 = arith.constant 2147483647 : i32
        %and3A_447 = vector.broadcast %and3A_446 : i32 to vector<16xi32>
        %and3A_448 = arith.andi %bitcast3A_445, %and3A_447 : vector<16xi32>
        %shift_right_arithmetic3A_449 = arith.constant 31 : i32
        %shift_right_arithmetic3A_450 = vector.broadcast %shift_right_arithmetic3A_449 : i32 to vector<16xi32>
        %shift_right_arithmetic3A_451 = arith.shrsi %bitcast3A_445, %shift_right_arithmetic3A_450 : vector<16xi32>
        %and3A_452 = arith.constant 32768 : i32
        %and3A_453 = vector.broadcast %and3A_452 : i32 to vector<16xi32>
        %and3A_454 = arith.andi %shift_right_arithmetic3A_451, %and3A_453 : vector<16xi32>
        %add3A_455 = arith.addi %add3A_417, %and3A_454 : vector<16xi32>
        %add3A_456 = arith.constant 8 : i32
        %add3A_457 = vector.broadcast %add3A_456 : i32 to vector<16xi32>
        %add3A_458 = arith.addi %select_n3A_16, %add3A_457 : vector<16xi32>
        %sub3A_459 = arith.subi %and3A_448, %sub3A_436 : vector<16xi32>
        %shift_right_arithmetic3A_460 = arith.constant 31 : i32
        %shift_right_arithmetic3A_461 = vector.broadcast %shift_right_arithmetic3A_460 : i32 to vector<16xi32>
        %shift_right_arithmetic3A_462 = arith.shrsi %sub3A_459, %shift_right_arithmetic3A_461 : vector<16xi32>
        %and3A_463 = arith.andi %shift_right_arithmetic3A_462, %sub3A_459 : vector<16xi32>
        %add3A_464 = arith.addi %sub3A_436, %and3A_463 : vector<16xi32>
        %sub3A_465 = arith.subi %add3A_458, %sub3A_440 : vector<16xi32>
        %and3A_466 = arith.andi %shift_right_arithmetic3A_462, %sub3A_465 : vector<16xi32>
        %add3A_467 = arith.addi %sub3A_440, %and3A_466 : vector<16xi32>
        %sub3A_468 = arith.subi %add3A_464, %add3A_435 : vector<16xi32>
        %shift_right_arithmetic3A_469 = arith.constant 31 : i32
        %shift_right_arithmetic3A_470 = vector.broadcast %shift_right_arithmetic3A_469 : i32 to vector<16xi32>
        %shift_right_arithmetic3A_471 = arith.shrsi %sub3A_468, %shift_right_arithmetic3A_470 : vector<16xi32>
        %and3A_472 = arith.andi %shift_right_arithmetic3A_471, %sub3A_468 : vector<16xi32>
        %add3A_473 = arith.addi %add3A_435, %and3A_472 : vector<16xi32>
        %sub3A_474 = arith.subi %add3A_464, %and3A_472 : vector<16xi32>
        %sub3A_475 = arith.subi %add3A_467, %add3A_439 : vector<16xi32>
        %and3A_476 = arith.andi %shift_right_arithmetic3A_471, %sub3A_475 : vector<16xi32>
        %add3A_477 = arith.addi %add3A_439, %and3A_476 : vector<16xi32>
        %sub3A_478 = arith.subi %add3A_467, %and3A_476 : vector<16xi32>
        %add3A_479 = arith.constant 9 : i32
        %add3A_480 = vector.broadcast %add3A_479 : i32 to vector<16xi32>
        %add3A_481 = arith.addi %add3A_130, %add3A_480 : vector<16xi32>
        %gather3A_482 = tpu.vector_load_idx %arg5[%broadcast_in_dim3A_5, %broadcast_in_dim3A_5, %add3A_481] : memref<2x320x97xf32, #tpu.memory_space<vmem>>[vector<16xi32>, vector<16xi32>, vector<16xi32>], vector<16xf32>,
        %bitcast3A_483 = vector.bitcast %gather3A_482 : vector<16xf32> to vector<16xi32>
        %and3A_484 = arith.constant 2147483647 : i32
        %and3A_485 = vector.broadcast %and3A_484 : i32 to vector<16xi32>
        %and3A_486 = arith.andi %bitcast3A_483, %and3A_485 : vector<16xi32>
        %shift_right_arithmetic3A_487 = arith.constant 31 : i32
        %shift_right_arithmetic3A_488 = vector.broadcast %shift_right_arithmetic3A_487 : i32 to vector<16xi32>
        %shift_right_arithmetic3A_489 = arith.shrsi %bitcast3A_483, %shift_right_arithmetic3A_488 : vector<16xi32>
        %and3A_490 = arith.constant 16384 : i32
        %and3A_491 = vector.broadcast %and3A_490 : i32 to vector<16xi32>
        %and3A_492 = arith.andi %shift_right_arithmetic3A_489, %and3A_491 : vector<16xi32>
        %add3A_493 = arith.addi %add3A_455, %and3A_492 : vector<16xi32>
        %add3A_494 = arith.constant 9 : i32
        %add3A_495 = vector.broadcast %add3A_494 : i32 to vector<16xi32>
        %add3A_496 = arith.addi %select_n3A_16, %add3A_495 : vector<16xi32>
        %sub3A_497 = arith.subi %and3A_486, %sub3A_474 : vector<16xi32>
        %shift_right_arithmetic3A_498 = arith.constant 31 : i32
        %shift_right_arithmetic3A_499 = vector.broadcast %shift_right_arithmetic3A_498 : i32 to vector<16xi32>
        %shift_right_arithmetic3A_500 = arith.shrsi %sub3A_497, %shift_right_arithmetic3A_499 : vector<16xi32>
        %and3A_501 = arith.andi %shift_right_arithmetic3A_500, %sub3A_497 : vector<16xi32>
        %add3A_502 = arith.addi %sub3A_474, %and3A_501 : vector<16xi32>
        %sub3A_503 = arith.subi %add3A_496, %sub3A_478 : vector<16xi32>
        %and3A_504 = arith.andi %shift_right_arithmetic3A_500, %sub3A_503 : vector<16xi32>
        %add3A_505 = arith.addi %sub3A_478, %and3A_504 : vector<16xi32>
        %sub3A_506 = arith.subi %add3A_502, %add3A_473 : vector<16xi32>
        %shift_right_arithmetic3A_507 = arith.constant 31 : i32
        %shift_right_arithmetic3A_508 = vector.broadcast %shift_right_arithmetic3A_507 : i32 to vector<16xi32>
        %shift_right_arithmetic3A_509 = arith.shrsi %sub3A_506, %shift_right_arithmetic3A_508 : vector<16xi32>
        %and3A_510 = arith.andi %shift_right_arithmetic3A_509, %sub3A_506 : vector<16xi32>
        %add3A_511 = arith.addi %add3A_473, %and3A_510 : vector<16xi32>
        %sub3A_512 = arith.subi %add3A_502, %and3A_510 : vector<16xi32>
        %sub3A_513 = arith.subi %add3A_505, %add3A_477 : vector<16xi32>
        %and3A_514 = arith.andi %shift_right_arithmetic3A_509, %sub3A_513 : vector<16xi32>
        %add3A_515 = arith.addi %add3A_477, %and3A_514 : vector<16xi32>
        %sub3A_516 = arith.subi %add3A_505, %and3A_514 : vector<16xi32>
        %add3A_517 = arith.constant 10 : i32
        %add3A_518 = vector.broadcast %add3A_517 : i32 to vector<16xi32>
        %add3A_519 = arith.addi %add3A_130, %add3A_518 : vector<16xi32>
        %gather3A_520 = tpu.vector_load_idx %arg5[%broadcast_in_dim3A_5, %broadcast_in_dim3A_5, %add3A_519] : memref<2x320x97xf32, #tpu.memory_space<vmem>>[vector<16xi32>, vector<16xi32>, vector<16xi32>], vector<16xf32>,
        %bitcast3A_521 = vector.bitcast %gather3A_520 : vector<16xf32> to vector<16xi32>
        %and3A_522 = arith.constant 2147483647 : i32
        %and3A_523 = vector.broadcast %and3A_522 : i32 to vector<16xi32>
        %and3A_524 = arith.andi %bitcast3A_521, %and3A_523 : vector<16xi32>
        %shift_right_arithmetic3A_525 = arith.constant 31 : i32
        %shift_right_arithmetic3A_526 = vector.broadcast %shift_right_arithmetic3A_525 : i32 to vector<16xi32>
        %shift_right_arithmetic3A_527 = arith.shrsi %bitcast3A_521, %shift_right_arithmetic3A_526 : vector<16xi32>
        %and3A_528 = arith.constant 8192 : i32
        %and3A_529 = vector.broadcast %and3A_528 : i32 to vector<16xi32>
        %and3A_530 = arith.andi %shift_right_arithmetic3A_527, %and3A_529 : vector<16xi32>
        %add3A_531 = arith.addi %add3A_493, %and3A_530 : vector<16xi32>
        %add3A_532 = arith.constant 10 : i32
        %add3A_533 = vector.broadcast %add3A_532 : i32 to vector<16xi32>
        %add3A_534 = arith.addi %select_n3A_16, %add3A_533 : vector<16xi32>
        %sub3A_535 = arith.subi %and3A_524, %sub3A_512 : vector<16xi32>
        %shift_right_arithmetic3A_536 = arith.constant 31 : i32
        %shift_right_arithmetic3A_537 = vector.broadcast %shift_right_arithmetic3A_536 : i32 to vector<16xi32>
        %shift_right_arithmetic3A_538 = arith.shrsi %sub3A_535, %shift_right_arithmetic3A_537 : vector<16xi32>
        %and3A_539 = arith.andi %shift_right_arithmetic3A_538, %sub3A_535 : vector<16xi32>
        %add3A_540 = arith.addi %sub3A_512, %and3A_539 : vector<16xi32>
        %sub3A_541 = arith.subi %add3A_534, %sub3A_516 : vector<16xi32>
        %and3A_542 = arith.andi %shift_right_arithmetic3A_538, %sub3A_541 : vector<16xi32>
        %add3A_543 = arith.addi %sub3A_516, %and3A_542 : vector<16xi32>
        %sub3A_544 = arith.subi %add3A_540, %add3A_511 : vector<16xi32>
        %shift_right_arithmetic3A_545 = arith.constant 31 : i32
        %shift_right_arithmetic3A_546 = vector.broadcast %shift_right_arithmetic3A_545 : i32 to vector<16xi32>
        %shift_right_arithmetic3A_547 = arith.shrsi %sub3A_544, %shift_right_arithmetic3A_546 : vector<16xi32>
        %and3A_548 = arith.andi %shift_right_arithmetic3A_547, %sub3A_544 : vector<16xi32>
        %add3A_549 = arith.addi %add3A_511, %and3A_548 : vector<16xi32>
        %sub3A_550 = arith.subi %add3A_540, %and3A_548 : vector<16xi32>
        %sub3A_551 = arith.subi %add3A_543, %add3A_515 : vector<16xi32>
        %and3A_552 = arith.andi %shift_right_arithmetic3A_547, %sub3A_551 : vector<16xi32>
        %add3A_553 = arith.addi %add3A_515, %and3A_552 : vector<16xi32>
        %sub3A_554 = arith.subi %add3A_543, %and3A_552 : vector<16xi32>
        %add3A_555 = arith.constant 11 : i32
        %add3A_556 = vector.broadcast %add3A_555 : i32 to vector<16xi32>
        %add3A_557 = arith.addi %add3A_130, %add3A_556 : vector<16xi32>
        %gather3A_558 = tpu.vector_load_idx %arg5[%broadcast_in_dim3A_5, %broadcast_in_dim3A_5, %add3A_557] : memref<2x320x97xf32, #tpu.memory_space<vmem>>[vector<16xi32>, vector<16xi32>, vector<16xi32>], vector<16xf32>,
        %bitcast3A_559 = vector.bitcast %gather3A_558 : vector<16xf32> to vector<16xi32>
        %and3A_560 = arith.constant 2147483647 : i32
        %and3A_561 = vector.broadcast %and3A_560 : i32 to vector<16xi32>
        %and3A_562 = arith.andi %bitcast3A_559, %and3A_561 : vector<16xi32>
        %shift_right_arithmetic3A_563 = arith.constant 31 : i32
        %shift_right_arithmetic3A_564 = vector.broadcast %shift_right_arithmetic3A_563 : i32 to vector<16xi32>
        %shift_right_arithmetic3A_565 = arith.shrsi %bitcast3A_559, %shift_right_arithmetic3A_564 : vector<16xi32>
        %and3A_566 = arith.constant 4096 : i32
        %and3A_567 = vector.broadcast %and3A_566 : i32 to vector<16xi32>
        %and3A_568 = arith.andi %shift_right_arithmetic3A_565, %and3A_567 : vector<16xi32>
        %add3A_569 = arith.addi %add3A_531, %and3A_568 : vector<16xi32>
        %add3A_570 = arith.constant 11 : i32
        %add3A_571 = vector.broadcast %add3A_570 : i32 to vector<16xi32>
        %add3A_572 = arith.addi %select_n3A_16, %add3A_571 : vector<16xi32>
        %sub3A_573 = arith.subi %and3A_562, %sub3A_550 : vector<16xi32>
        %shift_right_arithmetic3A_574 = arith.constant 31 : i32
        %shift_right_arithmetic3A_575 = vector.broadcast %shift_right_arithmetic3A_574 : i32 to vector<16xi32>
        %shift_right_arithmetic3A_576 = arith.shrsi %sub3A_573, %shift_right_arithmetic3A_575 : vector<16xi32>
        %and3A_577 = arith.andi %shift_right_arithmetic3A_576, %sub3A_573 : vector<16xi32>
        %add3A_578 = arith.addi %sub3A_550, %and3A_577 : vector<16xi32>
        %sub3A_579 = arith.subi %add3A_572, %sub3A_554 : vector<16xi32>
        %and3A_580 = arith.andi %shift_right_arithmetic3A_576, %sub3A_579 : vector<16xi32>
        %add3A_581 = arith.addi %sub3A_554, %and3A_580 : vector<16xi32>
        %sub3A_582 = arith.subi %add3A_578, %add3A_549 : vector<16xi32>
        %shift_right_arithmetic3A_583 = arith.constant 31 : i32
        %shift_right_arithmetic3A_584 = vector.broadcast %shift_right_arithmetic3A_583 : i32 to vector<16xi32>
        %shift_right_arithmetic3A_585 = arith.shrsi %sub3A_582, %shift_right_arithmetic3A_584 : vector<16xi32>
        %and3A_586 = arith.andi %shift_right_arithmetic3A_585, %sub3A_582 : vector<16xi32>
        %add3A_587 = arith.addi %add3A_549, %and3A_586 : vector<16xi32>
        %sub3A_588 = arith.subi %add3A_578, %and3A_586 : vector<16xi32>
        %sub3A_589 = arith.subi %add3A_581, %add3A_553 : vector<16xi32>
        %and3A_590 = arith.andi %shift_right_arithmetic3A_585, %sub3A_589 : vector<16xi32>
        %add3A_591 = arith.addi %add3A_553, %and3A_590 : vector<16xi32>
        %sub3A_592 = arith.subi %add3A_581, %and3A_590 : vector<16xi32>
        %add3A_593 = arith.constant 12 : i32
        %add3A_594 = vector.broadcast %add3A_593 : i32 to vector<16xi32>
        %add3A_595 = arith.addi %add3A_130, %add3A_594 : vector<16xi32>
        %gather3A_596 = tpu.vector_load_idx %arg5[%broadcast_in_dim3A_5, %broadcast_in_dim3A_5, %add3A_595] : memref<2x320x97xf32, #tpu.memory_space<vmem>>[vector<16xi32>, vector<16xi32>, vector<16xi32>], vector<16xf32>,
        %bitcast3A_597 = vector.bitcast %gather3A_596 : vector<16xf32> to vector<16xi32>
        %and3A_598 = arith.constant 2147483647 : i32
        %and3A_599 = vector.broadcast %and3A_598 : i32 to vector<16xi32>
        %and3A_600 = arith.andi %bitcast3A_597, %and3A_599 : vector<16xi32>
        %shift_right_arithmetic3A_601 = arith.constant 31 : i32
        %shift_right_arithmetic3A_602 = vector.broadcast %shift_right_arithmetic3A_601 : i32 to vector<16xi32>
        %shift_right_arithmetic3A_603 = arith.shrsi %bitcast3A_597, %shift_right_arithmetic3A_602 : vector<16xi32>
        %and3A_604 = arith.constant 2048 : i32
        %and3A_605 = vector.broadcast %and3A_604 : i32 to vector<16xi32>
        %and3A_606 = arith.andi %shift_right_arithmetic3A_603, %and3A_605 : vector<16xi32>
        %add3A_607 = arith.addi %add3A_569, %and3A_606 : vector<16xi32>
        %add3A_608 = arith.constant 12 : i32
        %add3A_609 = vector.broadcast %add3A_608 : i32 to vector<16xi32>
        %add3A_610 = arith.addi %select_n3A_16, %add3A_609 : vector<16xi32>
        %sub3A_611 = arith.subi %and3A_600, %sub3A_588 : vector<16xi32>
        %shift_right_arithmetic3A_612 = arith.constant 31 : i32
        %shift_right_arithmetic3A_613 = vector.broadcast %shift_right_arithmetic3A_612 : i32 to vector<16xi32>
        %shift_right_arithmetic3A_614 = arith.shrsi %sub3A_611, %shift_right_arithmetic3A_613 : vector<16xi32>
        %and3A_615 = arith.andi %shift_right_arithmetic3A_614, %sub3A_611 : vector<16xi32>
        %add3A_616 = arith.addi %sub3A_588, %and3A_615 : vector<16xi32>
        %sub3A_617 = arith.subi %add3A_610, %sub3A_592 : vector<16xi32>
        %and3A_618 = arith.andi %shift_right_arithmetic3A_614, %sub3A_617 : vector<16xi32>
        %add3A_619 = arith.addi %sub3A_592, %and3A_618 : vector<16xi32>
        %sub3A_620 = arith.subi %add3A_616, %add3A_587 : vector<16xi32>
        %shift_right_arithmetic3A_621 = arith.constant 31 : i32
        %shift_right_arithmetic3A_622 = vector.broadcast %shift_right_arithmetic3A_621 : i32 to vector<16xi32>
        %shift_right_arithmetic3A_623 = arith.shrsi %sub3A_620, %shift_right_arithmetic3A_622 : vector<16xi32>
        %and3A_624 = arith.andi %shift_right_arithmetic3A_623, %sub3A_620 : vector<16xi32>
        %add3A_625 = arith.addi %add3A_587, %and3A_624 : vector<16xi32>
        %sub3A_626 = arith.subi %add3A_616, %and3A_624 : vector<16xi32>
        %sub3A_627 = arith.subi %add3A_619, %add3A_591 : vector<16xi32>
        %and3A_628 = arith.andi %shift_right_arithmetic3A_623, %sub3A_627 : vector<16xi32>
        %add3A_629 = arith.addi %add3A_591, %and3A_628 : vector<16xi32>
        %sub3A_630 = arith.subi %add3A_619, %and3A_628 : vector<16xi32>
        %add3A_631 = arith.constant 13 : i32
        %add3A_632 = vector.broadcast %add3A_631 : i32 to vector<16xi32>
        %add3A_633 = arith.addi %add3A_130, %add3A_632 : vector<16xi32>
        %gather3A_634 = tpu.vector_load_idx %arg5[%broadcast_in_dim3A_5, %broadcast_in_dim3A_5, %add3A_633] : memref<2x320x97xf32, #tpu.memory_space<vmem>>[vector<16xi32>, vector<16xi32>, vector<16xi32>], vector<16xf32>,
        %bitcast3A_635 = vector.bitcast %gather3A_634 : vector<16xf32> to vector<16xi32>
        %and3A_636 = arith.constant 2147483647 : i32
        %and3A_637 = vector.broadcast %and3A_636 : i32 to vector<16xi32>
        %and3A_638 = arith.andi %bitcast3A_635, %and3A_637 : vector<16xi32>
        %shift_right_arithmetic3A_639 = arith.constant 31 : i32
        %shift_right_arithmetic3A_640 = vector.broadcast %shift_right_arithmetic3A_639 : i32 to vector<16xi32>
        %shift_right_arithmetic3A_641 = arith.shrsi %bitcast3A_635, %shift_right_arithmetic3A_640 : vector<16xi32>
        %and3A_642 = arith.constant 1024 : i32
        %and3A_643 = vector.broadcast %and3A_642 : i32 to vector<16xi32>
        %and3A_644 = arith.andi %shift_right_arithmetic3A_641, %and3A_643 : vector<16xi32>
        %add3A_645 = arith.addi %add3A_607, %and3A_644 : vector<16xi32>
        %add3A_646 = arith.constant 13 : i32
        %add3A_647 = vector.broadcast %add3A_646 : i32 to vector<16xi32>
        %add3A_648 = arith.addi %select_n3A_16, %add3A_647 : vector<16xi32>
        %sub3A_649 = arith.subi %and3A_638, %sub3A_626 : vector<16xi32>
        %shift_right_arithmetic3A_650 = arith.constant 31 : i32
        %shift_right_arithmetic3A_651 = vector.broadcast %shift_right_arithmetic3A_650 : i32 to vector<16xi32>
        %shift_right_arithmetic3A_652 = arith.shrsi %sub3A_649, %shift_right_arithmetic3A_651 : vector<16xi32>
        %and3A_653 = arith.andi %shift_right_arithmetic3A_652, %sub3A_649 : vector<16xi32>
        %add3A_654 = arith.addi %sub3A_626, %and3A_653 : vector<16xi32>
        %sub3A_655 = arith.subi %add3A_648, %sub3A_630 : vector<16xi32>
        %and3A_656 = arith.andi %shift_right_arithmetic3A_652, %sub3A_655 : vector<16xi32>
        %add3A_657 = arith.addi %sub3A_630, %and3A_656 : vector<16xi32>
        %sub3A_658 = arith.subi %add3A_654, %add3A_625 : vector<16xi32>
        %shift_right_arithmetic3A_659 = arith.constant 31 : i32
        %shift_right_arithmetic3A_660 = vector.broadcast %shift_right_arithmetic3A_659 : i32 to vector<16xi32>
        %shift_right_arithmetic3A_661 = arith.shrsi %sub3A_658, %shift_right_arithmetic3A_660 : vector<16xi32>
        %and3A_662 = arith.andi %shift_right_arithmetic3A_661, %sub3A_658 : vector<16xi32>
        %add3A_663 = arith.addi %add3A_625, %and3A_662 : vector<16xi32>
        %sub3A_664 = arith.subi %add3A_654, %and3A_662 : vector<16xi32>
        %sub3A_665 = arith.subi %add3A_657, %add3A_629 : vector<16xi32>
        %and3A_666 = arith.andi %shift_right_arithmetic3A_661, %sub3A_665 : vector<16xi32>
        %add3A_667 = arith.addi %add3A_629, %and3A_666 : vector<16xi32>
        %sub3A_668 = arith.subi %add3A_657, %and3A_666 : vector<16xi32>
        %add3A_669 = arith.constant 14 : i32
        %add3A_670 = vector.broadcast %add3A_669 : i32 to vector<16xi32>
        %add3A_671 = arith.addi %add3A_130, %add3A_670 : vector<16xi32>
        %gather3A_672 = tpu.vector_load_idx %arg5[%broadcast_in_dim3A_5, %broadcast_in_dim3A_5, %add3A_671] : memref<2x320x97xf32, #tpu.memory_space<vmem>>[vector<16xi32>, vector<16xi32>, vector<16xi32>], vector<16xf32>,
        %bitcast3A_673 = vector.bitcast %gather3A_672 : vector<16xf32> to vector<16xi32>
        %and3A_674 = arith.constant 2147483647 : i32
        %and3A_675 = vector.broadcast %and3A_674 : i32 to vector<16xi32>
        %and3A_676 = arith.andi %bitcast3A_673, %and3A_675 : vector<16xi32>
        %shift_right_arithmetic3A_677 = arith.constant 31 : i32
        %shift_right_arithmetic3A_678 = vector.broadcast %shift_right_arithmetic3A_677 : i32 to vector<16xi32>
        %shift_right_arithmetic3A_679 = arith.shrsi %bitcast3A_673, %shift_right_arithmetic3A_678 : vector<16xi32>
        %and3A_680 = arith.constant 512 : i32
        %and3A_681 = vector.broadcast %and3A_680 : i32 to vector<16xi32>
        %and3A_682 = arith.andi %shift_right_arithmetic3A_679, %and3A_681 : vector<16xi32>
        %add3A_683 = arith.addi %add3A_645, %and3A_682 : vector<16xi32>
        %add3A_684 = arith.constant 14 : i32
        %add3A_685 = vector.broadcast %add3A_684 : i32 to vector<16xi32>
        %add3A_686 = arith.addi %select_n3A_16, %add3A_685 : vector<16xi32>
        %sub3A_687 = arith.subi %and3A_676, %sub3A_664 : vector<16xi32>
        %shift_right_arithmetic3A_688 = arith.constant 31 : i32
        %shift_right_arithmetic3A_689 = vector.broadcast %shift_right_arithmetic3A_688 : i32 to vector<16xi32>
        %shift_right_arithmetic3A_690 = arith.shrsi %sub3A_687, %shift_right_arithmetic3A_689 : vector<16xi32>
        %and3A_691 = arith.andi %shift_right_arithmetic3A_690, %sub3A_687 : vector<16xi32>
        %add3A_692 = arith.addi %sub3A_664, %and3A_691 : vector<16xi32>
        %sub3A_693 = arith.subi %add3A_686, %sub3A_668 : vector<16xi32>
        %and3A_694 = arith.andi %shift_right_arithmetic3A_690, %sub3A_693 : vector<16xi32>
        %add3A_695 = arith.addi %sub3A_668, %and3A_694 : vector<16xi32>
        %sub3A_696 = arith.subi %add3A_692, %add3A_663 : vector<16xi32>
        %shift_right_arithmetic3A_697 = arith.constant 31 : i32
        %shift_right_arithmetic3A_698 = vector.broadcast %shift_right_arithmetic3A_697 : i32 to vector<16xi32>
        %shift_right_arithmetic3A_699 = arith.shrsi %sub3A_696, %shift_right_arithmetic3A_698 : vector<16xi32>
        %and3A_700 = arith.andi %shift_right_arithmetic3A_699, %sub3A_696 : vector<16xi32>
        %add3A_701 = arith.addi %add3A_663, %and3A_700 : vector<16xi32>
        %sub3A_702 = arith.subi %add3A_692, %and3A_700 : vector<16xi32>
        %sub3A_703 = arith.subi %add3A_695, %add3A_667 : vector<16xi32>
        %and3A_704 = arith.andi %shift_right_arithmetic3A_699, %sub3A_703 : vector<16xi32>
        %add3A_705 = arith.addi %add3A_667, %and3A_704 : vector<16xi32>
        %sub3A_706 = arith.subi %add3A_695, %and3A_704 : vector<16xi32>
        %add3A_707 = arith.constant 15 : i32
        %add3A_708 = vector.broadcast %add3A_707 : i32 to vector<16xi32>
        %add3A_709 = arith.addi %add3A_130, %add3A_708 : vector<16xi32>
        %gather3A_710 = tpu.vector_load_idx %arg5[%broadcast_in_dim3A_5, %broadcast_in_dim3A_5, %add3A_709] : memref<2x320x97xf32, #tpu.memory_space<vmem>>[vector<16xi32>, vector<16xi32>, vector<16xi32>], vector<16xf32>,
        %bitcast3A_711 = vector.bitcast %gather3A_710 : vector<16xf32> to vector<16xi32>
        %and3A_712 = arith.constant 2147483647 : i32
        %and3A_713 = vector.broadcast %and3A_712 : i32 to vector<16xi32>
        %and3A_714 = arith.andi %bitcast3A_711, %and3A_713 : vector<16xi32>
        %shift_right_arithmetic3A_715 = arith.constant 31 : i32
        %shift_right_arithmetic3A_716 = vector.broadcast %shift_right_arithmetic3A_715 : i32 to vector<16xi32>
        %shift_right_arithmetic3A_717 = arith.shrsi %bitcast3A_711, %shift_right_arithmetic3A_716 : vector<16xi32>
        %and3A_718 = arith.constant 256 : i32
        %and3A_719 = vector.broadcast %and3A_718 : i32 to vector<16xi32>
        %and3A_720 = arith.andi %shift_right_arithmetic3A_717, %and3A_719 : vector<16xi32>
        %add3A_721 = arith.addi %add3A_683, %and3A_720 : vector<16xi32>
        %add3A_722 = arith.constant 15 : i32
        %add3A_723 = vector.broadcast %add3A_722 : i32 to vector<16xi32>
        %add3A_724 = arith.addi %select_n3A_16, %add3A_723 : vector<16xi32>
        %sub3A_725 = arith.subi %and3A_714, %sub3A_702 : vector<16xi32>
        %shift_right_arithmetic3A_726 = arith.constant 31 : i32
        %shift_right_arithmetic3A_727 = vector.broadcast %shift_right_arithmetic3A_726 : i32 to vector<16xi32>
        %shift_right_arithmetic3A_728 = arith.shrsi %sub3A_725, %shift_right_arithmetic3A_727 : vector<16xi32>
        %and3A_729 = arith.andi %shift_right_arithmetic3A_728, %sub3A_725 : vector<16xi32>
        %add3A_730 = arith.addi %sub3A_702, %and3A_729 : vector<16xi32>
        %sub3A_731 = arith.subi %add3A_724, %sub3A_706 : vector<16xi32>
        %and3A_732 = arith.andi %shift_right_arithmetic3A_728, %sub3A_731 : vector<16xi32>
        %add3A_733 = arith.addi %sub3A_706, %and3A_732 : vector<16xi32>
        %sub3A_734 = arith.subi %add3A_730, %add3A_701 : vector<16xi32>
        %shift_right_arithmetic3A_735 = arith.constant 31 : i32
        %shift_right_arithmetic3A_736 = vector.broadcast %shift_right_arithmetic3A_735 : i32 to vector<16xi32>
        %shift_right_arithmetic3A_737 = arith.shrsi %sub3A_734, %shift_right_arithmetic3A_736 : vector<16xi32>
        %and3A_738 = arith.andi %shift_right_arithmetic3A_737, %sub3A_734 : vector<16xi32>
        %add3A_739 = arith.addi %add3A_701, %and3A_738 : vector<16xi32>
        %sub3A_740 = arith.subi %add3A_730, %and3A_738 : vector<16xi32>
        %sub3A_741 = arith.subi %add3A_733, %add3A_705 : vector<16xi32>
        %and3A_742 = arith.andi %shift_right_arithmetic3A_737, %sub3A_741 : vector<16xi32>
        %add3A_743 = arith.addi %add3A_705, %and3A_742 : vector<16xi32>
        %sub3A_744 = arith.subi %add3A_733, %and3A_742 : vector<16xi32>
        %add3A_745 = arith.constant 16 : i32
        %add3A_746 = vector.broadcast %add3A_745 : i32 to vector<16xi32>
        %add3A_747 = arith.addi %add3A_130, %add3A_746 : vector<16xi32>
        %gather3A_748 = tpu.vector_load_idx %arg5[%broadcast_in_dim3A_5, %broadcast_in_dim3A_5, %add3A_747] : memref<2x320x97xf32, #tpu.memory_space<vmem>>[vector<16xi32>, vector<16xi32>, vector<16xi32>], vector<16xf32>,
        %bitcast3A_749 = vector.bitcast %gather3A_748 : vector<16xf32> to vector<16xi32>
        %and3A_750 = arith.constant 2147483647 : i32
        %and3A_751 = vector.broadcast %and3A_750 : i32 to vector<16xi32>
        %and3A_752 = arith.andi %bitcast3A_749, %and3A_751 : vector<16xi32>
        %shift_right_arithmetic3A_753 = arith.constant 31 : i32
        %shift_right_arithmetic3A_754 = vector.broadcast %shift_right_arithmetic3A_753 : i32 to vector<16xi32>
        %shift_right_arithmetic3A_755 = arith.shrsi %bitcast3A_749, %shift_right_arithmetic3A_754 : vector<16xi32>
        %and3A_756 = arith.constant 128 : i32
        %and3A_757 = vector.broadcast %and3A_756 : i32 to vector<16xi32>
        %and3A_758 = arith.andi %shift_right_arithmetic3A_755, %and3A_757 : vector<16xi32>
        %add3A_759 = arith.addi %add3A_721, %and3A_758 : vector<16xi32>
        %add3A_760 = arith.constant 16 : i32
        %add3A_761 = vector.broadcast %add3A_760 : i32 to vector<16xi32>
        %add3A_762 = arith.addi %select_n3A_16, %add3A_761 : vector<16xi32>
        %sub3A_763 = arith.subi %and3A_752, %sub3A_740 : vector<16xi32>
        %shift_right_arithmetic3A_764 = arith.constant 31 : i32
        %shift_right_arithmetic3A_765 = vector.broadcast %shift_right_arithmetic3A_764 : i32 to vector<16xi32>
        %shift_right_arithmetic3A_766 = arith.shrsi %sub3A_763, %shift_right_arithmetic3A_765 : vector<16xi32>
        %and3A_767 = arith.andi %shift_right_arithmetic3A_766, %sub3A_763 : vector<16xi32>
        %add3A_768 = arith.addi %sub3A_740, %and3A_767 : vector<16xi32>
        %sub3A_769 = arith.subi %add3A_762, %sub3A_744 : vector<16xi32>
        %and3A_770 = arith.andi %shift_right_arithmetic3A_766, %sub3A_769 : vector<16xi32>
        %add3A_771 = arith.addi %sub3A_744, %and3A_770 : vector<16xi32>
        %sub3A_772 = arith.subi %add3A_768, %add3A_739 : vector<16xi32>
        %shift_right_arithmetic3A_773 = arith.constant 31 : i32
        %shift_right_arithmetic3A_774 = vector.broadcast %shift_right_arithmetic3A_773 : i32 to vector<16xi32>
        %shift_right_arithmetic3A_775 = arith.shrsi %sub3A_772, %shift_right_arithmetic3A_774 : vector<16xi32>
        %and3A_776 = arith.andi %shift_right_arithmetic3A_775, %sub3A_772 : vector<16xi32>
        %add3A_777 = arith.addi %add3A_739, %and3A_776 : vector<16xi32>
        %sub3A_778 = arith.subi %add3A_768, %and3A_776 : vector<16xi32>
        %sub3A_779 = arith.subi %add3A_771, %add3A_743 : vector<16xi32>
        %and3A_780 = arith.andi %shift_right_arithmetic3A_775, %sub3A_779 : vector<16xi32>
        %add3A_781 = arith.addi %add3A_743, %and3A_780 : vector<16xi32>
        %sub3A_782 = arith.subi %add3A_771, %and3A_780 : vector<16xi32>
        %add3A_783 = arith.constant 17 : i32
        %add3A_784 = vector.broadcast %add3A_783 : i32 to vector<16xi32>
        %add3A_785 = arith.addi %add3A_130, %add3A_784 : vector<16xi32>
        %gather3A_786 = tpu.vector_load_idx %arg5[%broadcast_in_dim3A_5, %broadcast_in_dim3A_5, %add3A_785] : memref<2x320x97xf32, #tpu.memory_space<vmem>>[vector<16xi32>, vector<16xi32>, vector<16xi32>], vector<16xf32>,
        %bitcast3A_787 = vector.bitcast %gather3A_786 : vector<16xf32> to vector<16xi32>
        %and3A_788 = arith.constant 2147483647 : i32
        %and3A_789 = vector.broadcast %and3A_788 : i32 to vector<16xi32>
        %and3A_790 = arith.andi %bitcast3A_787, %and3A_789 : vector<16xi32>
        %shift_right_arithmetic3A_791 = arith.constant 31 : i32
        %shift_right_arithmetic3A_792 = vector.broadcast %shift_right_arithmetic3A_791 : i32 to vector<16xi32>
        %shift_right_arithmetic3A_793 = arith.shrsi %bitcast3A_787, %shift_right_arithmetic3A_792 : vector<16xi32>
        %and3A_794 = arith.constant 64 : i32
        %and3A_795 = vector.broadcast %and3A_794 : i32 to vector<16xi32>
        %and3A_796 = arith.andi %shift_right_arithmetic3A_793, %and3A_795 : vector<16xi32>
        %add3A_797 = arith.addi %add3A_759, %and3A_796 : vector<16xi32>
        %add3A_798 = arith.constant 17 : i32
        %add3A_799 = vector.broadcast %add3A_798 : i32 to vector<16xi32>
        %add3A_800 = arith.addi %select_n3A_16, %add3A_799 : vector<16xi32>
        %sub3A_801 = arith.subi %and3A_790, %sub3A_778 : vector<16xi32>
        %shift_right_arithmetic3A_802 = arith.constant 31 : i32
        %shift_right_arithmetic3A_803 = vector.broadcast %shift_right_arithmetic3A_802 : i32 to vector<16xi32>
        %shift_right_arithmetic3A_804 = arith.shrsi %sub3A_801, %shift_right_arithmetic3A_803 : vector<16xi32>
        %and3A_805 = arith.andi %shift_right_arithmetic3A_804, %sub3A_801 : vector<16xi32>
        %add3A_806 = arith.addi %sub3A_778, %and3A_805 : vector<16xi32>
        %sub3A_807 = arith.subi %add3A_800, %sub3A_782 : vector<16xi32>
        %and3A_808 = arith.andi %shift_right_arithmetic3A_804, %sub3A_807 : vector<16xi32>
        %add3A_809 = arith.addi %sub3A_782, %and3A_808 : vector<16xi32>
        %sub3A_810 = arith.subi %add3A_806, %add3A_777 : vector<16xi32>
        %shift_right_arithmetic3A_811 = arith.constant 31 : i32
        %shift_right_arithmetic3A_812 = vector.broadcast %shift_right_arithmetic3A_811 : i32 to vector<16xi32>
        %shift_right_arithmetic3A_813 = arith.shrsi %sub3A_810, %shift_right_arithmetic3A_812 : vector<16xi32>
        %and3A_814 = arith.andi %shift_right_arithmetic3A_813, %sub3A_810 : vector<16xi32>
        %add3A_815 = arith.addi %add3A_777, %and3A_814 : vector<16xi32>
        %sub3A_816 = arith.subi %add3A_806, %and3A_814 : vector<16xi32>
        %sub3A_817 = arith.subi %add3A_809, %add3A_781 : vector<16xi32>
        %and3A_818 = arith.andi %shift_right_arithmetic3A_813, %sub3A_817 : vector<16xi32>
        %add3A_819 = arith.addi %add3A_781, %and3A_818 : vector<16xi32>
        %sub3A_820 = arith.subi %add3A_809, %and3A_818 : vector<16xi32>
        %add3A_821 = arith.constant 18 : i32
        %add3A_822 = vector.broadcast %add3A_821 : i32 to vector<16xi32>
        %add3A_823 = arith.addi %add3A_130, %add3A_822 : vector<16xi32>
        %gather3A_824 = tpu.vector_load_idx %arg5[%broadcast_in_dim3A_5, %broadcast_in_dim3A_5, %add3A_823] : memref<2x320x97xf32, #tpu.memory_space<vmem>>[vector<16xi32>, vector<16xi32>, vector<16xi32>], vector<16xf32>,
        %bitcast3A_825 = vector.bitcast %gather3A_824 : vector<16xf32> to vector<16xi32>
        %and3A_826 = arith.constant 2147483647 : i32
        %and3A_827 = vector.broadcast %and3A_826 : i32 to vector<16xi32>
        %and3A_828 = arith.andi %bitcast3A_825, %and3A_827 : vector<16xi32>
        %shift_right_arithmetic3A_829 = arith.constant 31 : i32
        %shift_right_arithmetic3A_830 = vector.broadcast %shift_right_arithmetic3A_829 : i32 to vector<16xi32>
        %shift_right_arithmetic3A_831 = arith.shrsi %bitcast3A_825, %shift_right_arithmetic3A_830 : vector<16xi32>
        %and3A_832 = arith.constant 32 : i32
        %and3A_833 = vector.broadcast %and3A_832 : i32 to vector<16xi32>
        %and3A_834 = arith.andi %shift_right_arithmetic3A_831, %and3A_833 : vector<16xi32>
        %add3A_835 = arith.addi %add3A_797, %and3A_834 : vector<16xi32>
        %add3A_836 = arith.constant 18 : i32
        %add3A_837 = vector.broadcast %add3A_836 : i32 to vector<16xi32>
        %add3A_838 = arith.addi %select_n3A_16, %add3A_837 : vector<16xi32>
        %sub3A_839 = arith.subi %and3A_828, %sub3A_816 : vector<16xi32>
        %shift_right_arithmetic3A_840 = arith.constant 31 : i32
        %shift_right_arithmetic3A_841 = vector.broadcast %shift_right_arithmetic3A_840 : i32 to vector<16xi32>
        %shift_right_arithmetic3A_842 = arith.shrsi %sub3A_839, %shift_right_arithmetic3A_841 : vector<16xi32>
        %and3A_843 = arith.andi %shift_right_arithmetic3A_842, %sub3A_839 : vector<16xi32>
        %add3A_844 = arith.addi %sub3A_816, %and3A_843 : vector<16xi32>
        %sub3A_845 = arith.subi %add3A_838, %sub3A_820 : vector<16xi32>
        %and3A_846 = arith.andi %shift_right_arithmetic3A_842, %sub3A_845 : vector<16xi32>
        %add3A_847 = arith.addi %sub3A_820, %and3A_846 : vector<16xi32>
        %sub3A_848 = arith.subi %add3A_844, %add3A_815 : vector<16xi32>
        %shift_right_arithmetic3A_849 = arith.constant 31 : i32
        %shift_right_arithmetic3A_850 = vector.broadcast %shift_right_arithmetic3A_849 : i32 to vector<16xi32>
        %shift_right_arithmetic3A_851 = arith.shrsi %sub3A_848, %shift_right_arithmetic3A_850 : vector<16xi32>
        %and3A_852 = arith.andi %shift_right_arithmetic3A_851, %sub3A_848 : vector<16xi32>
        %add3A_853 = arith.addi %add3A_815, %and3A_852 : vector<16xi32>
        %sub3A_854 = arith.subi %add3A_844, %and3A_852 : vector<16xi32>
        %sub3A_855 = arith.subi %add3A_847, %add3A_819 : vector<16xi32>
        %and3A_856 = arith.andi %shift_right_arithmetic3A_851, %sub3A_855 : vector<16xi32>
        %add3A_857 = arith.addi %add3A_819, %and3A_856 : vector<16xi32>
        %sub3A_858 = arith.subi %add3A_847, %and3A_856 : vector<16xi32>
        %add3A_859 = arith.constant 19 : i32
        %add3A_860 = vector.broadcast %add3A_859 : i32 to vector<16xi32>
        %add3A_861 = arith.addi %add3A_130, %add3A_860 : vector<16xi32>
        %gather3A_862 = tpu.vector_load_idx %arg5[%broadcast_in_dim3A_5, %broadcast_in_dim3A_5, %add3A_861] : memref<2x320x97xf32, #tpu.memory_space<vmem>>[vector<16xi32>, vector<16xi32>, vector<16xi32>], vector<16xf32>,
        %bitcast3A_863 = vector.bitcast %gather3A_862 : vector<16xf32> to vector<16xi32>
        %and3A_864 = arith.constant 2147483647 : i32
        %and3A_865 = vector.broadcast %and3A_864 : i32 to vector<16xi32>
        %and3A_866 = arith.andi %bitcast3A_863, %and3A_865 : vector<16xi32>
        %shift_right_arithmetic3A_867 = arith.constant 31 : i32
        %shift_right_arithmetic3A_868 = vector.broadcast %shift_right_arithmetic3A_867 : i32 to vector<16xi32>
        %shift_right_arithmetic3A_869 = arith.shrsi %bitcast3A_863, %shift_right_arithmetic3A_868 : vector<16xi32>
        %and3A_870 = arith.constant 16 : i32
        %and3A_871 = vector.broadcast %and3A_870 : i32 to vector<16xi32>
        %and3A_872 = arith.andi %shift_right_arithmetic3A_869, %and3A_871 : vector<16xi32>
        %add3A_873 = arith.addi %add3A_835, %and3A_872 : vector<16xi32>
        %add3A_874 = arith.constant 19 : i32
        %add3A_875 = vector.broadcast %add3A_874 : i32 to vector<16xi32>
        %add3A_876 = arith.addi %select_n3A_16, %add3A_875 : vector<16xi32>
        %sub3A_877 = arith.subi %and3A_866, %sub3A_854 : vector<16xi32>
        %shift_right_arithmetic3A_878 = arith.constant 31 : i32
        %shift_right_arithmetic3A_879 = vector.broadcast %shift_right_arithmetic3A_878 : i32 to vector<16xi32>
        %shift_right_arithmetic3A_880 = arith.shrsi %sub3A_877, %shift_right_arithmetic3A_879 : vector<16xi32>
        %and3A_881 = arith.andi %shift_right_arithmetic3A_880, %sub3A_877 : vector<16xi32>
        %add3A_882 = arith.addi %sub3A_854, %and3A_881 : vector<16xi32>
        %sub3A_883 = arith.subi %add3A_876, %sub3A_858 : vector<16xi32>
        %and3A_884 = arith.andi %shift_right_arithmetic3A_880, %sub3A_883 : vector<16xi32>
        %add3A_885 = arith.addi %sub3A_858, %and3A_884 : vector<16xi32>
        %sub3A_886 = arith.subi %add3A_882, %add3A_853 : vector<16xi32>
        %shift_right_arithmetic3A_887 = arith.constant 31 : i32
        %shift_right_arithmetic3A_888 = vector.broadcast %shift_right_arithmetic3A_887 : i32 to vector<16xi32>
        %shift_right_arithmetic3A_889 = arith.shrsi %sub3A_886, %shift_right_arithmetic3A_888 : vector<16xi32>
        %and3A_890 = arith.andi %shift_right_arithmetic3A_889, %sub3A_886 : vector<16xi32>
        %add3A_891 = arith.addi %add3A_853, %and3A_890 : vector<16xi32>
        %sub3A_892 = arith.subi %add3A_882, %and3A_890 : vector<16xi32>
        %sub3A_893 = arith.subi %add3A_885, %add3A_857 : vector<16xi32>
        %and3A_894 = arith.andi %shift_right_arithmetic3A_889, %sub3A_893 : vector<16xi32>
        %add3A_895 = arith.addi %add3A_857, %and3A_894 : vector<16xi32>
        %sub3A_896 = arith.subi %add3A_885, %and3A_894 : vector<16xi32>
        %add3A_897 = arith.constant 20 : i32
        %add3A_898 = vector.broadcast %add3A_897 : i32 to vector<16xi32>
        %add3A_899 = arith.addi %add3A_130, %add3A_898 : vector<16xi32>
        %gather3A_900 = tpu.vector_load_idx %arg5[%broadcast_in_dim3A_5, %broadcast_in_dim3A_5, %add3A_899] : memref<2x320x97xf32, #tpu.memory_space<vmem>>[vector<16xi32>, vector<16xi32>, vector<16xi32>], vector<16xf32>,
        %bitcast3A_901 = vector.bitcast %gather3A_900 : vector<16xf32> to vector<16xi32>
        %and3A_902 = arith.constant 2147483647 : i32
        %and3A_903 = vector.broadcast %and3A_902 : i32 to vector<16xi32>
        %and3A_904 = arith.andi %bitcast3A_901, %and3A_903 : vector<16xi32>
        %shift_right_arithmetic3A_905 = arith.constant 31 : i32
        %shift_right_arithmetic3A_906 = vector.broadcast %shift_right_arithmetic3A_905 : i32 to vector<16xi32>
        %shift_right_arithmetic3A_907 = arith.shrsi %bitcast3A_901, %shift_right_arithmetic3A_906 : vector<16xi32>
        %and3A_908 = arith.constant 8 : i32
        %and3A_909 = vector.broadcast %and3A_908 : i32 to vector<16xi32>
        %and3A_910 = arith.andi %shift_right_arithmetic3A_907, %and3A_909 : vector<16xi32>
        %add3A_911 = arith.addi %add3A_873, %and3A_910 : vector<16xi32>
        %add3A_912 = arith.constant 20 : i32
        %add3A_913 = vector.broadcast %add3A_912 : i32 to vector<16xi32>
        %add3A_914 = arith.addi %select_n3A_16, %add3A_913 : vector<16xi32>
        %sub3A_915 = arith.subi %and3A_904, %sub3A_892 : vector<16xi32>
        %shift_right_arithmetic3A_916 = arith.constant 31 : i32
        %shift_right_arithmetic3A_917 = vector.broadcast %shift_right_arithmetic3A_916 : i32 to vector<16xi32>
        %shift_right_arithmetic3A_918 = arith.shrsi %sub3A_915, %shift_right_arithmetic3A_917 : vector<16xi32>
        %and3A_919 = arith.andi %shift_right_arithmetic3A_918, %sub3A_915 : vector<16xi32>
        %add3A_920 = arith.addi %sub3A_892, %and3A_919 : vector<16xi32>
        %sub3A_921 = arith.subi %add3A_914, %sub3A_896 : vector<16xi32>
        %and3A_922 = arith.andi %shift_right_arithmetic3A_918, %sub3A_921 : vector<16xi32>
        %add3A_923 = arith.addi %sub3A_896, %and3A_922 : vector<16xi32>
        %sub3A_924 = arith.subi %add3A_920, %add3A_891 : vector<16xi32>
        %shift_right_arithmetic3A_925 = arith.constant 31 : i32
        %shift_right_arithmetic3A_926 = vector.broadcast %shift_right_arithmetic3A_925 : i32 to vector<16xi32>
        %shift_right_arithmetic3A_927 = arith.shrsi %sub3A_924, %shift_right_arithmetic3A_926 : vector<16xi32>
        %and3A_928 = arith.andi %shift_right_arithmetic3A_927, %sub3A_924 : vector<16xi32>
        %add3A_929 = arith.addi %add3A_891, %and3A_928 : vector<16xi32>
        %sub3A_930 = arith.subi %add3A_920, %and3A_928 : vector<16xi32>
        %sub3A_931 = arith.subi %add3A_923, %add3A_895 : vector<16xi32>
        %and3A_932 = arith.andi %shift_right_arithmetic3A_927, %sub3A_931 : vector<16xi32>
        %add3A_933 = arith.addi %add3A_895, %and3A_932 : vector<16xi32>
        %sub3A_934 = arith.subi %add3A_923, %and3A_932 : vector<16xi32>
        %add3A_935 = arith.constant 21 : i32
        %add3A_936 = vector.broadcast %add3A_935 : i32 to vector<16xi32>
        %add3A_937 = arith.addi %add3A_130, %add3A_936 : vector<16xi32>
        %gather3A_938 = tpu.vector_load_idx %arg5[%broadcast_in_dim3A_5, %broadcast_in_dim3A_5, %add3A_937] : memref<2x320x97xf32, #tpu.memory_space<vmem>>[vector<16xi32>, vector<16xi32>, vector<16xi32>], vector<16xf32>,
        %bitcast3A_939 = vector.bitcast %gather3A_938 : vector<16xf32> to vector<16xi32>
        %and3A_940 = arith.constant 2147483647 : i32
        %and3A_941 = vector.broadcast %and3A_940 : i32 to vector<16xi32>
        %and3A_942 = arith.andi %bitcast3A_939, %and3A_941 : vector<16xi32>
        %shift_right_arithmetic3A_943 = arith.constant 31 : i32
        %shift_right_arithmetic3A_944 = vector.broadcast %shift_right_arithmetic3A_943 : i32 to vector<16xi32>
        %shift_right_arithmetic3A_945 = arith.shrsi %bitcast3A_939, %shift_right_arithmetic3A_944 : vector<16xi32>
        %and3A_946 = arith.constant 4 : i32
        %and3A_947 = vector.broadcast %and3A_946 : i32 to vector<16xi32>
        %and3A_948 = arith.andi %shift_right_arithmetic3A_945, %and3A_947 : vector<16xi32>
        %add3A_949 = arith.addi %add3A_911, %and3A_948 : vector<16xi32>
        %add3A_950 = arith.constant 21 : i32
        %add3A_951 = vector.broadcast %add3A_950 : i32 to vector<16xi32>
        %add3A_952 = arith.addi %select_n3A_16, %add3A_951 : vector<16xi32>
        %sub3A_953 = arith.subi %and3A_942, %sub3A_930 : vector<16xi32>
        %shift_right_arithmetic3A_954 = arith.constant 31 : i32
        %shift_right_arithmetic3A_955 = vector.broadcast %shift_right_arithmetic3A_954 : i32 to vector<16xi32>
        %shift_right_arithmetic3A_956 = arith.shrsi %sub3A_953, %shift_right_arithmetic3A_955 : vector<16xi32>
        %and3A_957 = arith.andi %shift_right_arithmetic3A_956, %sub3A_953 : vector<16xi32>
        %add3A_958 = arith.addi %sub3A_930, %and3A_957 : vector<16xi32>
        %sub3A_959 = arith.subi %add3A_952, %sub3A_934 : vector<16xi32>
        %and3A_960 = arith.andi %shift_right_arithmetic3A_956, %sub3A_959 : vector<16xi32>
        %add3A_961 = arith.addi %sub3A_934, %and3A_960 : vector<16xi32>
        %sub3A_962 = arith.subi %add3A_958, %add3A_929 : vector<16xi32>
        %shift_right_arithmetic3A_963 = arith.constant 31 : i32
        %shift_right_arithmetic3A_964 = vector.broadcast %shift_right_arithmetic3A_963 : i32 to vector<16xi32>
        %shift_right_arithmetic3A_965 = arith.shrsi %sub3A_962, %shift_right_arithmetic3A_964 : vector<16xi32>
        %and3A_966 = arith.andi %shift_right_arithmetic3A_965, %sub3A_962 : vector<16xi32>
        %add3A_967 = arith.addi %add3A_929, %and3A_966 : vector<16xi32>
        %sub3A_968 = arith.subi %add3A_958, %and3A_966 : vector<16xi32>
        %sub3A_969 = arith.subi %add3A_961, %add3A_933 : vector<16xi32>
        %and3A_970 = arith.andi %shift_right_arithmetic3A_965, %sub3A_969 : vector<16xi32>
        %add3A_971 = arith.addi %add3A_933, %and3A_970 : vector<16xi32>
        %sub3A_972 = arith.subi %add3A_961, %and3A_970 : vector<16xi32>
        %add3A_973 = arith.constant 22 : i32
        %add3A_974 = vector.broadcast %add3A_973 : i32 to vector<16xi32>
        %add3A_975 = arith.addi %add3A_130, %add3A_974 : vector<16xi32>
        %gather3A_976 = tpu.vector_load_idx %arg5[%broadcast_in_dim3A_5, %broadcast_in_dim3A_5, %add3A_975] : memref<2x320x97xf32, #tpu.memory_space<vmem>>[vector<16xi32>, vector<16xi32>, vector<16xi32>], vector<16xf32>,
        %bitcast3A_977 = vector.bitcast %gather3A_976 : vector<16xf32> to vector<16xi32>
        %and3A_978 = arith.constant 2147483647 : i32
        %and3A_979 = vector.broadcast %and3A_978 : i32 to vector<16xi32>
        %and3A_980 = arith.andi %bitcast3A_977, %and3A_979 : vector<16xi32>
        %shift_right_arithmetic3A_981 = arith.constant 31 : i32
        %shift_right_arithmetic3A_982 = vector.broadcast %shift_right_arithmetic3A_981 : i32 to vector<16xi32>
        %shift_right_arithmetic3A_983 = arith.shrsi %bitcast3A_977, %shift_right_arithmetic3A_982 : vector<16xi32>
        %and3A_984 = arith.constant 2 : i32
        %and3A_985 = vector.broadcast %and3A_984 : i32 to vector<16xi32>
        %and3A_986 = arith.andi %shift_right_arithmetic3A_983, %and3A_985 : vector<16xi32>
        %add3A_987 = arith.addi %add3A_949, %and3A_986 : vector<16xi32>
        %add3A_988 = arith.constant 22 : i32
        %add3A_989 = vector.broadcast %add3A_988 : i32 to vector<16xi32>
        %add3A_990 = arith.addi %select_n3A_16, %add3A_989 : vector<16xi32>
        %sub3A_991 = arith.subi %and3A_980, %sub3A_968 : vector<16xi32>
        %shift_right_arithmetic3A_992 = arith.constant 31 : i32
        %shift_right_arithmetic3A_993 = vector.broadcast %shift_right_arithmetic3A_992 : i32 to vector<16xi32>
        %shift_right_arithmetic3A_994 = arith.shrsi %sub3A_991, %shift_right_arithmetic3A_993 : vector<16xi32>
        %and3A_995 = arith.andi %shift_right_arithmetic3A_994, %sub3A_991 : vector<16xi32>
        %add3A_996 = arith.addi %sub3A_968, %and3A_995 : vector<16xi32>
        %sub3A_997 = arith.subi %add3A_990, %sub3A_972 : vector<16xi32>
        %and3A_998 = arith.andi %shift_right_arithmetic3A_994, %sub3A_997 : vector<16xi32>
        %add3A_999 = arith.addi %sub3A_972, %and3A_998 : vector<16xi32>
        %sub3A_1000 = arith.subi %add3A_996, %add3A_967 : vector<16xi32>
        %shift_right_arithmetic3A_1001 = arith.constant 31 : i32
        %shift_right_arithmetic3A_1002 = vector.broadcast %shift_right_arithmetic3A_1001 : i32 to vector<16xi32>
        %shift_right_arithmetic3A_1003 = arith.shrsi %sub3A_1000, %shift_right_arithmetic3A_1002 : vector<16xi32>
        %and3A_1004 = arith.andi %shift_right_arithmetic3A_1003, %sub3A_1000 : vector<16xi32>
        %add3A_1005 = arith.addi %add3A_967, %and3A_1004 : vector<16xi32>
        %sub3A_1006 = arith.subi %add3A_996, %and3A_1004 : vector<16xi32>
        %sub3A_1007 = arith.subi %add3A_999, %add3A_971 : vector<16xi32>
        %and3A_1008 = arith.andi %shift_right_arithmetic3A_1003, %sub3A_1007 : vector<16xi32>
        %add3A_1009 = arith.addi %add3A_971, %and3A_1008 : vector<16xi32>
        %sub3A_1010 = arith.subi %add3A_999, %and3A_1008 : vector<16xi32>
        %add3A_1011 = arith.constant 23 : i32
        %add3A_1012 = vector.broadcast %add3A_1011 : i32 to vector<16xi32>
        %add3A_1013 = arith.addi %add3A_130, %add3A_1012 : vector<16xi32>
        %gather3A_1014 = tpu.vector_load_idx %arg5[%broadcast_in_dim3A_5, %broadcast_in_dim3A_5, %add3A_1013] : memref<2x320x97xf32, #tpu.memory_space<vmem>>[vector<16xi32>, vector<16xi32>, vector<16xi32>], vector<16xf32>,
        %bitcast3A_1015 = vector.bitcast %gather3A_1014 : vector<16xf32> to vector<16xi32>
        %and3A_1016 = arith.constant 2147483647 : i32
        %and3A_1017 = vector.broadcast %and3A_1016 : i32 to vector<16xi32>
        %and3A_1018 = arith.andi %bitcast3A_1015, %and3A_1017 : vector<16xi32>
        %shift_right_arithmetic3A_1019 = arith.constant 31 : i32
        %shift_right_arithmetic3A_1020 = vector.broadcast %shift_right_arithmetic3A_1019 : i32 to vector<16xi32>
        %shift_right_arithmetic3A_1021 = arith.shrsi %bitcast3A_1015, %shift_right_arithmetic3A_1020 : vector<16xi32>
        %and3A_1022 = arith.constant 1 : i32
        %and3A_1023 = vector.broadcast %and3A_1022 : i32 to vector<16xi32>
        %and3A_1024 = arith.andi %shift_right_arithmetic3A_1021, %and3A_1023 : vector<16xi32>
        %add3A_1025 = arith.addi %add3A_987, %and3A_1024 : vector<16xi32>
        %add3A_1026 = arith.constant 23 : i32
        %add3A_1027 = vector.broadcast %add3A_1026 : i32 to vector<16xi32>
        %add3A_1028 = arith.addi %select_n3A_16, %add3A_1027 : vector<16xi32>
        %sub3A_1029 = arith.subi %and3A_1018, %sub3A_1006 : vector<16xi32>
        %shift_right_arithmetic3A_1030 = arith.constant 31 : i32
        %shift_right_arithmetic3A_1031 = vector.broadcast %shift_right_arithmetic3A_1030 : i32 to vector<16xi32>
        %shift_right_arithmetic3A_1032 = arith.shrsi %sub3A_1029, %shift_right_arithmetic3A_1031 : vector<16xi32>
        %and3A_1033 = arith.andi %shift_right_arithmetic3A_1032, %sub3A_1029 : vector<16xi32>
        %add3A_1034 = arith.addi %sub3A_1006, %and3A_1033 : vector<16xi32>
        %sub3A_1035 = arith.subi %add3A_1028, %sub3A_1010 : vector<16xi32>
        %and3A_1036 = arith.andi %shift_right_arithmetic3A_1032, %sub3A_1035 : vector<16xi32>
        %add3A_1037 = arith.addi %sub3A_1010, %and3A_1036 : vector<16xi32>
        %sub3A_1038 = arith.subi %add3A_1034, %add3A_1005 : vector<16xi32>
        %shift_right_arithmetic3A_1039 = arith.constant 31 : i32
        %shift_right_arithmetic3A_1040 = vector.broadcast %shift_right_arithmetic3A_1039 : i32 to vector<16xi32>
        %shift_right_arithmetic3A_1041 = arith.shrsi %sub3A_1038, %shift_right_arithmetic3A_1040 : vector<16xi32>
        %and3A_1042 = arith.andi %shift_right_arithmetic3A_1041, %sub3A_1038 : vector<16xi32>
        %add3A_1043 = arith.addi %add3A_1005, %and3A_1042 : vector<16xi32>
        %sub3A_1044 = arith.subi %add3A_1034, %and3A_1042 : vector<16xi32>
        %sub3A_1045 = arith.subi %add3A_1037, %add3A_1009 : vector<16xi32>
        %and3A_1046 = arith.andi %shift_right_arithmetic3A_1041, %sub3A_1045 : vector<16xi32>
        %add3A_1047 = arith.addi %add3A_1009, %and3A_1046 : vector<16xi32>
        %sub3A_1048 = arith.subi %add3A_1037, %and3A_1046 : vector<16xi32>
        %rev3A = arith.constant 15 : i32
        %rev3A_1049 = vector.broadcast %rev3A : i32 to vector<16xi32>
        %rev3A_1050 = tpu.iota {dimensions = array<i32: 0>} : vector<16xi32>
        %rev3A_1051 = arith.subi %rev3A_1049, %rev3A_1050 : vector<16xi32>
        %rev3A_1052 = tpu.dynamic_gather %add3A_1043[%rev3A_1051] in [0] : vector<16xi32>, vector<16xi32> -> vector<16xi32>
        %rev3A_1053 = arith.constant 15 : i32
        %rev3A_1054 = vector.broadcast %rev3A_1053 : i32 to vector<16xi32>
        %rev3A_1055 = tpu.iota {dimensions = array<i32: 0>} : vector<16xi32>
        %rev3A_1056 = arith.subi %rev3A_1054, %rev3A_1055 : vector<16xi32>
        %rev3A_1057 = tpu.dynamic_gather %add3A_1047[%rev3A_1056] in [0] : vector<16xi32>, vector<16xi32> -> vector<16xi32>
        %rev3A_1058 = arith.constant 15 : i32
        %rev3A_1059 = vector.broadcast %rev3A_1058 : i32 to vector<16xi32>
        %rev3A_1060 = tpu.iota {dimensions = array<i32: 0>} : vector<16xi32>
        %rev3A_1061 = arith.subi %rev3A_1059, %rev3A_1060 : vector<16xi32>
        %rev3A_1062 = tpu.dynamic_gather %sub3A_1044[%rev3A_1061] in [0] : vector<16xi32>, vector<16xi32> -> vector<16xi32>
        %rev3A_1063 = arith.constant 15 : i32
        %rev3A_1064 = vector.broadcast %rev3A_1063 : i32 to vector<16xi32>
        %rev3A_1065 = tpu.iota {dimensions = array<i32: 0>} : vector<16xi32>
        %rev3A_1066 = arith.subi %rev3A_1064, %rev3A_1065 : vector<16xi32>
        %rev3A_1067 = tpu.dynamic_gather %sub3A_1048[%rev3A_1066] in [0] : vector<16xi32>, vector<16xi32> -> vector<16xi32>
        %lt3A_1068 = arith.cmpi slt, %rev3A_1052, %add3A_1043 : vector<16xi32>
        %eq3A = arith.cmpi eq, %rev3A_1052, %add3A_1043 : vector<16xi32>
        %lt3A_1069 = arith.cmpi slt, %rev3A_1057, %add3A_1047 : vector<16xi32>
        %and3A_1070 = arith.andi %eq3A, %lt3A_1069 : vector<16xi1>
        %or3A = arith.ori %lt3A_1068, %and3A_1070 : vector<16xi1>
        %select_n3A_1071 = arith.select %or3A, %rev3A_1052, %add3A_1043 : vector<16xi1>, vector<16xi32>
        %select_n3A_1072 = arith.select %or3A, %rev3A_1057, %add3A_1047 : vector<16xi1>, vector<16xi32>
        %select_n3A_1073 = arith.select %or3A, %rev3A_1062, %sub3A_1044 : vector<16xi1>, vector<16xi32>
        %select_n3A_1074 = arith.select %or3A, %rev3A_1067, %sub3A_1048 : vector<16xi1>, vector<16xi32>
        %select_n3A_1075 = arith.select %or3A, %add3A_1043, %rev3A_1052 : vector<16xi1>, vector<16xi32>
        %select_n3A_1076 = arith.select %or3A, %add3A_1047, %rev3A_1057 : vector<16xi1>, vector<16xi32>
        %lt3A_1077 = arith.cmpi slt, %select_n3A_1075, %select_n3A_1073 : vector<16xi32>
        %eq3A_1078 = arith.cmpi eq, %select_n3A_1075, %select_n3A_1073 : vector<16xi32>
        %lt3A_1079 = arith.cmpi slt, %select_n3A_1076, %select_n3A_1074 : vector<16xi32>
        %and3A_1080 = arith.andi %eq3A_1078, %lt3A_1079 : vector<16xi1>
        %or3A_1081 = arith.ori %lt3A_1077, %and3A_1080 : vector<16xi1>
        %select_n3A_1082 = arith.select %or3A_1081, %select_n3A_1076, %select_n3A_1074 : vector<16xi1>, vector<16xi32>
        %rev3A_1083 = arith.constant 15 : i32
        %rev3A_1084 = vector.broadcast %rev3A_1083 : i32 to vector<16xi32>
        %rev3A_1085 = tpu.iota {dimensions = array<i32: 0>} : vector<16xi32>
        %rev3A_1086 = arith.subi %rev3A_1084, %rev3A_1085 : vector<16xi32>
        %rev3A_1087 = tpu.dynamic_gather %add3A_1025[%rev3A_1086] in [0] : vector<16xi32>, vector<16xi32> -> vector<16xi32>
        %select_n3A_1088 = arith.select %lt3A_8, %add3A_1025, %rev3A_1087 : vector<16xi1>, vector<16xi32>
        %sub3A_1089 = arith.constant 16777215 : i32
        %sub3A_1090 = vector.broadcast %sub3A_1089 : i32 to vector<16xi32>
        %sub3A_1091 = arith.subi %sub3A_1090, %select_n3A_1088 : vector<16xi32>
        %select_n3A_1092 = arith.select %lt3A_8, %rev3A_1087, %add3A_1025 : vector<16xi1>, vector<16xi32>
        %sub3A_1093 = arith.constant 16777215 : i32
        %sub3A_1094 = vector.broadcast %sub3A_1093 : i32 to vector<16xi32>
        %sub3A_1095 = arith.subi %sub3A_1094, %select_n3A_1092 : vector<16xi32>
        %sub3A_1096 = arith.constant 23 : i32
        %sub3A_1097 = vector.broadcast %sub3A_1096 : i32 to vector<16xi32>
        %sub3A_1098 = arith.subi %sub3A_1097, %select_n3A_1072 : vector<16xi32>
        %max3A = arith.constant 0 : i32
        %max3A_1099 = vector.broadcast %max3A : i32 to vector<16xi32>
        %max3A_1100 = arith.maxsi %sub3A_1098, %max3A_1099 : vector<16xi32>
        %lt3A_1101 = arith.constant 24 : i32
        %lt3A_1102 = vector.broadcast %lt3A_1101 : i32 to vector<16xi32>
        %lt3A_1103 = arith.cmpi slt, %select_n3A_1072, %lt3A_1102 : vector<16xi32>
        %shift_left3A = arith.constant 1 : i32
        %shift_left3A_1104 = vector.broadcast %shift_left3A : i32 to vector<16xi32>
        %shift_left3A_1105 = arith.shli %shift_left3A_1104, %max3A_1100 : vector<16xi32>
        %jit3A_1106 = arith.constant 0 : i64
        %convert_element_type3A_1107 = arith.trunci %jit3A_1106 : i64 to i32
        %broadcast_in_dim3A_1108 = vector.broadcast %convert_element_type3A_1107 : i32 to vector<16xi32>
        %select_n3A_1109 = arith.select %lt3A_1103, %shift_left3A_1105, %broadcast_in_dim3A_1108 : vector<16xi1>, vector<16xi32>
        %ge3A_1110 = arith.constant 24 : i32
        %ge3A_1111 = vector.broadcast %ge3A_1110 : i32 to vector<16xi32>
        %ge3A_1112 = arith.cmpi sge, %select_n3A_1072, %ge3A_1111 : vector<16xi32>
        %sub3A_1113 = arith.constant 47 : i32
        %sub3A_1114 = vector.broadcast %sub3A_1113 : i32 to vector<16xi32>
        %sub3A_1115 = arith.subi %sub3A_1114, %select_n3A_1072 : vector<16xi32>
        %jit3A_1116 = arith.constant 0 : i64
        %convert_element_type3A_1117 = arith.trunci %jit3A_1116 : i64 to i32
        %broadcast_in_dim3A_1118 = vector.broadcast %convert_element_type3A_1117 : i32 to vector<16xi32>
        %select_n3A_1119 = arith.select %ge3A_1112, %sub3A_1115, %broadcast_in_dim3A_1118 : vector<16xi1>, vector<16xi32>
        %ge3A_1120 = arith.constant 24 : i32
        %ge3A_1121 = vector.broadcast %ge3A_1120 : i32 to vector<16xi32>
        %ge3A_1122 = arith.cmpi sge, %select_n3A_1072, %ge3A_1121 : vector<16xi32>
        %shift_left3A_1123 = arith.constant 1 : i32
        %shift_left3A_1124 = vector.broadcast %shift_left3A_1123 : i32 to vector<16xi32>
        %shift_left3A_1125 = arith.shli %shift_left3A_1124, %select_n3A_1119 : vector<16xi32>
        %jit3A_1126 = arith.constant 0 : i64
        %convert_element_type3A_1127 = arith.trunci %jit3A_1126 : i64 to i32
        %broadcast_in_dim3A_1128 = vector.broadcast %convert_element_type3A_1127 : i32 to vector<16xi32>
        %select_n3A_1129 = arith.select %ge3A_1122, %shift_left3A_1125, %broadcast_in_dim3A_1128 : vector<16xi1>, vector<16xi32>
        %sub3A_1130 = arith.constant 23 : i32
        %sub3A_1131 = vector.broadcast %sub3A_1130 : i32 to vector<16xi32>
        %sub3A_1132 = arith.subi %sub3A_1131, %select_n3A_1082 : vector<16xi32>
        %max3A_1133 = arith.constant 0 : i32
        %max3A_1134 = vector.broadcast %max3A_1133 : i32 to vector<16xi32>
        %max3A_1135 = arith.maxsi %sub3A_1132, %max3A_1134 : vector<16xi32>
        %lt3A_1136 = arith.constant 24 : i32
        %lt3A_1137 = vector.broadcast %lt3A_1136 : i32 to vector<16xi32>
        %lt3A_1138 = arith.cmpi slt, %select_n3A_1082, %lt3A_1137 : vector<16xi32>
        %shift_left3A_1139 = arith.constant 1 : i32
        %shift_left3A_1140 = vector.broadcast %shift_left3A_1139 : i32 to vector<16xi32>
        %shift_left3A_1141 = arith.shli %shift_left3A_1140, %max3A_1135 : vector<16xi32>
        %jit3A_1142 = arith.constant 0 : i64
        %convert_element_type3A_1143 = arith.trunci %jit3A_1142 : i64 to i32
        %broadcast_in_dim3A_1144 = vector.broadcast %convert_element_type3A_1143 : i32 to vector<16xi32>
        %select_n3A_1145 = arith.select %lt3A_1138, %shift_left3A_1141, %broadcast_in_dim3A_1144 : vector<16xi1>, vector<16xi32>
        %ge3A_1146 = arith.constant 24 : i32
        %ge3A_1147 = vector.broadcast %ge3A_1146 : i32 to vector<16xi32>
        %ge3A_1148 = arith.cmpi sge, %select_n3A_1082, %ge3A_1147 : vector<16xi32>
        %sub3A_1149 = arith.constant 47 : i32
        %sub3A_1150 = vector.broadcast %sub3A_1149 : i32 to vector<16xi32>
        %sub3A_1151 = arith.subi %sub3A_1150, %select_n3A_1082 : vector<16xi32>
        %jit3A_1152 = arith.constant 0 : i64
        %convert_element_type3A_1153 = arith.trunci %jit3A_1152 : i64 to i32
        %broadcast_in_dim3A_1154 = vector.broadcast %convert_element_type3A_1153 : i32 to vector<16xi32>
        %select_n3A_1155 = arith.select %ge3A_1148, %sub3A_1151, %broadcast_in_dim3A_1154 : vector<16xi1>, vector<16xi32>
        %ge3A_1156 = arith.constant 24 : i32
        %ge3A_1157 = vector.broadcast %ge3A_1156 : i32 to vector<16xi32>
        %ge3A_1158 = arith.cmpi sge, %select_n3A_1082, %ge3A_1157 : vector<16xi32>
        %shift_left3A_1159 = arith.constant 1 : i32
        %shift_left3A_1160 = vector.broadcast %shift_left3A_1159 : i32 to vector<16xi32>
        %shift_left3A_1161 = arith.shli %shift_left3A_1160, %select_n3A_1155 : vector<16xi32>
        %jit3A_1162 = arith.constant 0 : i64
        %convert_element_type3A_1163 = arith.trunci %jit3A_1162 : i64 to i32
        %broadcast_in_dim3A_1164 = vector.broadcast %convert_element_type3A_1163 : i32 to vector<16xi32>
        %select_n3A_1165 = arith.select %ge3A_1158, %shift_left3A_1161, %broadcast_in_dim3A_1164 : vector<16xi1>, vector<16xi32>
        %add3A_1166 = arith.addi %add3A_129, %select_n3A_1072 : vector<16xi32>
        %gather3A_1167 = tpu.vector_load_idx %arg5[%broadcast_in_dim3A_5, %broadcast_in_dim3A_5, %add3A_1166] : memref<2x320x97xf32, #tpu.memory_space<vmem>>[vector<16xi32>, vector<16xi32>, vector<16xi32>], vector<16xf32>,
        %add3A_1168 = arith.addi %add3A_129, %select_n3A_1082 : vector<16xi32>
        %gather3A_1169 = tpu.vector_load_idx %arg5[%broadcast_in_dim3A_5, %broadcast_in_dim3A_5, %add3A_1168] : memref<2x320x97xf32, #tpu.memory_space<vmem>>[vector<16xi32>, vector<16xi32>, vector<16xi32>], vector<16xf32>,
        %bitcast3A_1170 = vector.bitcast %gather3A_1167 : vector<16xf32> to vector<16xi32>
        %not3A = arith.constant dense<-1> : vector<16xi32>
        %not3A_1171 = arith.xori %bitcast3A_1170, %not3A : vector<16xi32>
        %shift_right_arithmetic3A_1172 = arith.constant 31 : i32
        %shift_right_arithmetic3A_1173 = vector.broadcast %shift_right_arithmetic3A_1172 : i32 to vector<16xi32>
        %shift_right_arithmetic3A_1174 = arith.shrsi %not3A_1171, %shift_right_arithmetic3A_1173 : vector<16xi32>
        %bitcast3A_1175 = vector.bitcast %gather3A_1169 : vector<16xf32> to vector<16xi32>
        %not3A_1176 = arith.constant dense<-1> : vector<16xi32>
        %not3A_1177 = arith.xori %bitcast3A_1175, %not3A_1176 : vector<16xi32>
        %shift_right_arithmetic3A_1178 = arith.constant 31 : i32
        %shift_right_arithmetic3A_1179 = vector.broadcast %shift_right_arithmetic3A_1178 : i32 to vector<16xi32>
        %shift_right_arithmetic3A_1180 = arith.shrsi %not3A_1177, %shift_right_arithmetic3A_1179 : vector<16xi32>
        %and3A_1181 = arith.andi %shift_right_arithmetic3A_1174, %select_n3A_1109 : vector<16xi32>
        %sub3A_1182 = arith.subi %sub3A_1091, %and3A_1181 : vector<16xi32>
        %and3A_1183 = arith.andi %shift_right_arithmetic3A_1180, %select_n3A_1145 : vector<16xi32>
        %sub3A_1184 = arith.subi %sub3A_1182, %and3A_1183 : vector<16xi32>
        %and3A_1185 = arith.andi %shift_right_arithmetic3A_1174, %select_n3A_1129 : vector<16xi32>
        %sub3A_1186 = arith.subi %sub3A_1095, %and3A_1185 : vector<16xi32>
        %and3A_1187 = arith.andi %shift_right_arithmetic3A_1180, %select_n3A_1165 : vector<16xi32>
        %sub3A_1188 = arith.subi %sub3A_1186, %and3A_1187 : vector<16xi32>
        %mul3A_1189 = arith.constant 8 : i32
        %mul3A_1190 = arith.muli %while3A_108, %mul3A_1189 : i32
        %add3A_1191 = arith.addi %mul3A_95, %mul3A_1190 : i32
        %add3A_1192 = vector.broadcast %add3A_1191 : i32 to vector<16xi32>
        %add3A_1193 = arith.addi %add3A_1192, %select_n3A_11 : vector<16xi32>
        %gather3A_1194 = tpu.vector_load_idx %arg6[%add3A_1193] : memref<640xi32, #tpu.memory_space<vmem>>[vector<16xi32>], vector<16xi32>,
        %shift_right_arithmetic3A_1195 = arith.constant 24 : i32
        %shift_right_arithmetic3A_1196 = vector.broadcast %shift_right_arithmetic3A_1195 : i32 to vector<16xi32>
        %shift_right_arithmetic3A_1197 = arith.shrsi %gather3A_1194, %shift_right_arithmetic3A_1196 : vector<16xi32>
        %and3A_1198 = arith.constant 16777215 : i32
        %and3A_1199 = vector.broadcast %and3A_1198 : i32 to vector<16xi32>
        %and3A_1200 = arith.andi %gather3A_1194, %and3A_1199 : vector<16xi32>
        %sub3A_1201 = arith.constant 128 : i32
        %sub3A_1202 = vector.broadcast %sub3A_1201 : i32 to vector<16xi32>
        %sub3A_1203 = arith.subi %and3A_1200, %sub3A_1202 : vector<16xi32>
        %shift_right_arithmetic3A_1204 = arith.constant 24 : i32
        %shift_right_arithmetic3A_1205 = vector.broadcast %shift_right_arithmetic3A_1204 : i32 to vector<16xi32>
        %shift_right_arithmetic3A_1206 = arith.shrsi %sub3A_1203, %shift_right_arithmetic3A_1205 : vector<16xi32>
        %add3A_1207 = arith.addi %shift_right_arithmetic3A_1197, %shift_right_arithmetic3A_1206 : vector<16xi32>
        %and3A_1208 = arith.constant 16777215 : i32
        %and3A_1209 = vector.broadcast %and3A_1208 : i32 to vector<16xi32>
        %and3A_1210 = arith.andi %sub3A_1203, %and3A_1209 : vector<16xi32>
        %add3A_1211 = arith.constant 128 : i32
        %add3A_1212 = vector.broadcast %add3A_1211 : i32 to vector<16xi32>
        %add3A_1213 = arith.addi %and3A_1200, %add3A_1212 : vector<16xi32>
        %shift_right_arithmetic3A_1214 = arith.constant 24 : i32
        %shift_right_arithmetic3A_1215 = vector.broadcast %shift_right_arithmetic3A_1214 : i32 to vector<16xi32>
        %shift_right_arithmetic3A_1216 = arith.shrsi %add3A_1213, %shift_right_arithmetic3A_1215 : vector<16xi32>
        %add3A_1217 = arith.addi %shift_right_arithmetic3A_1197, %shift_right_arithmetic3A_1216 : vector<16xi32>
        %and3A_1218 = arith.constant 16777215 : i32
        %and3A_1219 = vector.broadcast %and3A_1218 : i32 to vector<16xi32>
        %and3A_1220 = arith.andi %add3A_1213, %and3A_1219 : vector<16xi32>
        %eq3A_1221 = arith.constant 0 : i32
        %eq3A_1222 = vector.broadcast %eq3A_1221 : i32 to vector<16xi32>
        %eq3A_1223 = arith.cmpi eq, %shift_right_arithmetic3A_1197, %eq3A_1222 : vector<16xi32>
        %le3A = arith.constant 128 : i32
        %le3A_1224 = vector.broadcast %le3A : i32 to vector<16xi32>
        %le3A_1225 = arith.cmpi sle, %and3A_1200, %le3A_1224 : vector<16xi32>
        %and3A_1226 = arith.andi %eq3A_1223, %le3A_1225 : vector<16xi1>
        %jit3A_1227 = arith.constant 0 : i32
        %jit3A_1228 = arith.constant -1 : i32
        %broadcast_in_dim3A_1229 = vector.broadcast %jit3A_1227 : i32 to vector<16xi32>
        %broadcast_in_dim3A_1230 = vector.broadcast %jit3A_1228 : i32 to vector<16xi32>
        %select_n3A_1231 = arith.select %and3A_1226, %broadcast_in_dim3A_1229, %broadcast_in_dim3A_1230 : vector<16xi1>, vector<16xi32>
        %sub3A_1232 = arith.constant 128 : i32
        %sub3A_1233 = vector.broadcast %sub3A_1232 : i32 to vector<16xi32>
        %sub3A_1234 = arith.subi %sub3A_1233, %and3A_1200 : vector<16xi32>
        %jit3A_1235 = arith.constant -1 : i32
        %broadcast_in_dim3A_1236 = vector.broadcast %jit3A_1235 : i32 to vector<16xi32>
        %select_n3A_1237 = arith.select %ge3A_123, %add3A_1207, %broadcast_in_dim3A_1236 : vector<16xi1>, vector<16xi32>
        %jit3A_1238 = arith.constant 0 : i32
        %broadcast_in_dim3A_1239 = vector.broadcast %jit3A_1238 : i32 to vector<16xi32>
        %select_n3A_1240 = arith.select %ge3A_123, %and3A_1210, %broadcast_in_dim3A_1239 : vector<16xi1>, vector<16xi32>
        %select_n3A_1241 = arith.select %ge3A_123, %add3A_1217, %select_n3A_1231 : vector<16xi1>, vector<16xi32>
        %select_n3A_1242 = arith.select %ge3A_123, %and3A_1220, %sub3A_1234 : vector<16xi1>, vector<16xi32>
        %gt3A = arith.cmpi sgt, %sub3A_1184, %select_n3A_1237 : vector<16xi32>
        %eq3A_1243 = arith.cmpi eq, %sub3A_1184, %select_n3A_1237 : vector<16xi32>
        %ge3A_1244 = arith.cmpi sge, %sub3A_1188, %select_n3A_1240 : vector<16xi32>
        %and3A_1245 = arith.andi %eq3A_1243, %ge3A_1244 : vector<16xi1>
        %or3A_1246 = arith.ori %gt3A, %and3A_1245 : vector<16xi1>
        %lt3A_1247 = arith.cmpi slt, %sub3A_1184, %select_n3A_1241 : vector<16xi32>
        %eq3A_1248 = arith.cmpi eq, %sub3A_1184, %select_n3A_1241 : vector<16xi32>
        %le3A_1249 = arith.cmpi sle, %sub3A_1188, %select_n3A_1242 : vector<16xi32>
        %and3A_1250 = arith.andi %eq3A_1248, %le3A_1249 : vector<16xi1>
        %or3A_1251 = arith.ori %lt3A_1247, %and3A_1250 : vector<16xi1>
        %and3A_1252 = arith.andi %or3A_1246, %or3A_1251 : vector<16xi1>
        %add3A_1253 = arith.addi %sub3A_1184, %select_n3A_1145 : vector<16xi32>
        %add3A_1254 = arith.addi %sub3A_1188, %select_n3A_1165 : vector<16xi32>
        %gt3A_1255 = arith.cmpi sgt, %add3A_1253, %select_n3A_1237 : vector<16xi32>
        %eq3A_1256 = arith.cmpi eq, %add3A_1253, %select_n3A_1237 : vector<16xi32>
        %ge3A_1257 = arith.cmpi sge, %add3A_1254, %select_n3A_1240 : vector<16xi32>
        %and3A_1258 = arith.andi %eq3A_1256, %ge3A_1257 : vector<16xi1>
        %or3A_1259 = arith.ori %gt3A_1255, %and3A_1258 : vector<16xi1>
        %lt3A_1260 = arith.cmpi slt, %add3A_1253, %select_n3A_1241 : vector<16xi32>
        %eq3A_1261 = arith.cmpi eq, %add3A_1253, %select_n3A_1241 : vector<16xi32>
        %le3A_1262 = arith.cmpi sle, %add3A_1254, %select_n3A_1242 : vector<16xi32>
        %and3A_1263 = arith.andi %eq3A_1261, %le3A_1262 : vector<16xi1>
        %or3A_1264 = arith.ori %lt3A_1260, %and3A_1263 : vector<16xi1>
        %and3A_1265 = arith.andi %or3A_1259, %or3A_1264 : vector<16xi1>
        %or3A_1266 = arith.ori %and3A_1252, %and3A_1265 : vector<16xi1>
        %add3A_1267 = arith.addi %sub3A_1184, %select_n3A_1109 : vector<16xi32>
        %add3A_1268 = arith.addi %sub3A_1188, %select_n3A_1129 : vector<16xi32>
        %gt3A_1269 = arith.cmpi sgt, %add3A_1267, %select_n3A_1237 : vector<16xi32>
        %eq3A_1270 = arith.cmpi eq, %add3A_1267, %select_n3A_1237 : vector<16xi32>
        %ge3A_1271 = arith.cmpi sge, %add3A_1268, %select_n3A_1240 : vector<16xi32>
        %and3A_1272 = arith.andi %eq3A_1270, %ge3A_1271 : vector<16xi1>
        %or3A_1273 = arith.ori %gt3A_1269, %and3A_1272 : vector<16xi1>
        %lt3A_1274 = arith.cmpi slt, %add3A_1267, %select_n3A_1241 : vector<16xi32>
        %eq3A_1275 = arith.cmpi eq, %add3A_1267, %select_n3A_1241 : vector<16xi32>
        %le3A_1276 = arith.cmpi sle, %add3A_1268, %select_n3A_1242 : vector<16xi32>
        %and3A_1277 = arith.andi %eq3A_1275, %le3A_1276 : vector<16xi1>
        %or3A_1278 = arith.ori %lt3A_1274, %and3A_1277 : vector<16xi1>
        %and3A_1279 = arith.andi %or3A_1273, %or3A_1278 : vector<16xi1>
        %or3A_1280 = arith.ori %or3A_1266, %and3A_1279 : vector<16xi1>
        %add3A_1281 = arith.addi %sub3A_1184, %select_n3A_1109 : vector<16xi32>
        %add3A_1282 = arith.addi %add3A_1281, %select_n3A_1145 : vector<16xi32>
        %add3A_1283 = arith.addi %sub3A_1188, %select_n3A_1129 : vector<16xi32>
        %add3A_1284 = arith.addi %add3A_1283, %select_n3A_1165 : vector<16xi32>
        %gt3A_1285 = arith.cmpi sgt, %add3A_1282, %select_n3A_1237 : vector<16xi32>
        %eq3A_1286 = arith.cmpi eq, %add3A_1282, %select_n3A_1237 : vector<16xi32>
        %ge3A_1287 = arith.cmpi sge, %add3A_1284, %select_n3A_1240 : vector<16xi32>
        %and3A_1288 = arith.andi %eq3A_1286, %ge3A_1287 : vector<16xi1>
        %or3A_1289 = arith.ori %gt3A_1285, %and3A_1288 : vector<16xi1>
        %lt3A_1290 = arith.cmpi slt, %add3A_1282, %select_n3A_1241 : vector<16xi32>
        %eq3A_1291 = arith.cmpi eq, %add3A_1282, %select_n3A_1241 : vector<16xi32>
        %le3A_1292 = arith.cmpi sle, %add3A_1284, %select_n3A_1242 : vector<16xi32>
        %and3A_1293 = arith.andi %eq3A_1291, %le3A_1292 : vector<16xi1>
        %or3A_1294 = arith.ori %lt3A_1290, %and3A_1293 : vector<16xi1>
        %and3A_1295 = arith.andi %or3A_1289, %or3A_1294 : vector<16xi1>
        %or3A_1296 = arith.ori %or3A_1280, %and3A_1295 : vector<16xi1>
        %jit3A_1297 = arith.constant 0 : i64
        %convert_element_type3A_1298 = arith.trunci %jit3A_1297 : i64 to i32
        %broadcast_in_dim3A_1299 = vector.broadcast %convert_element_type3A_1298 : i32 to vector<16xi32>
        %select_n3A_1300 = arith.select %or3A_1296, %select_n3A_21, %broadcast_in_dim3A_1299 : vector<16xi1>, vector<16xi32>
        %add3A_1301 = arith.addi %while3A_109, %select_n3A_1300 : vector<16xi32>
        scf.yield %add3A_1301 : vector<16xi32>
      }
      scf.yield %while3A_107 : vector<16xi32>
    }
    %swap3A = arith.constant 0 : index
    %swap3A_61 = tpu.vector_load %arg7[%swap3A] {strides = array<i32>} : memref<16xi32, #tpu.memory_space<vmem>>, vector<16xi32>,
    tpu.vector_store %arg7[%swap3A], %while3A_60 {strides = array<i32>} : memref<16xi32, #tpu.memory_space<vmem>>, vector<16xi32>,
    %mul3A_62 = arith.constant 16 : i32
    %mul3A_63 = arith.muli %add3A, %mul3A_62 : i32
    "tpu.region"() ({
      %run_scoped3A = tpu.sem_alloc : memref<!tpu.dma_semaphore, #tpu.memory_space<semaphore_mem>>
      %dma_start3A_64 = tpu.memref_slice %arg4[%mul3A_63] : memref<512xi32, #tpu.memory_space<hbm>> -> memref<16xi32, #tpu.memory_space<hbm>>
      %dma_start3A_65 = tpu.memref_slice %arg4[%mul3A_63] : memref<512xi32, #tpu.memory_space<hbm>> -> memref<16xi32, #tpu.memory_space<hbm>>
      tpu.enqueue_dma source(%arg7 : memref<16xi32, #tpu.memory_space<vmem>>) target(%dma_start3A_65 : memref<16xi32, #tpu.memory_space<hbm>>) target_semaphore(%run_scoped3A : memref<!tpu.dma_semaphore, #tpu.memory_space<semaphore_mem>>)
      %dma_wait3A = tpu.memref_slice %arg4[%mul3A_63] : memref<512xi32, #tpu.memory_space<hbm>> -> memref<16xi32, #tpu.memory_space<hbm>>
      %dma_wait3A_66 = tpu.memref_slice %arg4[%mul3A_63] : memref<512xi32, #tpu.memory_space<hbm>> -> memref<16xi32, #tpu.memory_space<hbm>>
      tpu.wait_dma2 semaphore(%run_scoped3A : memref<!tpu.dma_semaphore, #tpu.memory_space<semaphore_mem>>) src(%arg7 : memref<16xi32, #tpu.memory_space<vmem>>) dst(%dma_wait3A_66 : memref<16xi32, #tpu.memory_space<hbm>>)
      tpu.yield
    }) : () -> ()
    return
  }
}

</mosaic_0001>

<sc_bundles>
// kernel: _sc_accuracy.3.cloned.1.call-start
scs
__scs_entry_jumppad:
0x0: {  	(pc) =	sbr.rel $0x88, $3  }
0x1: {  	(tag) =	ssettag $0x0;
	lr =	simm.s32 $0x1  }
0x2: {  	[smem:$0x3F9F] =	sst lr;
	_ =	strace $0xD0000000  }
0x3: {  	_ = 	snop  }
0x4: {  	_ = 	snop  }
0x5: {  	_ = 	snop  }
0x6: {  	_ = 	snop  }
0x7: {  	_ = 	snop  }
__scs_overlays_trampoline_lowered:
0x8: {  	[smem:$0x3FAE] =	sst s0  }
0x9: {  	[smem:$0x3FAF] =	sst s1  }
0xa: {  	[smem:$0x3FB0] =	sst s2  }
0xb: {  	[smem:$0x3FB1] =	sst s3  }
0xc: {  	[smem:$0x3FB2] =	sst s4  }
0xd: {  	[smem:$0x3FB3] =	sst s5  }
0xe: {  	[smem:$0x3FB4] =	sst s6  }
0xf: {  	[smem:$0x3FB5] =	sst s7  }
0x10: {  	[smem:$0x3FB6] =	sst s8  }
0x11: {  	[smem:$0x3FB7] =	sst s9;
	s0 =	simm.s32 @!p0 $0x0  }
0x12: {  	s1 =	sld [smem:$0x3F9D];
	s0 =	simm.s32 @p0 $0x1  }
0x13: {  	[smem:$0x3FB8] =	sst s0;
	s0 =	simm.s32 @!p1 $0x0  }
0x14: {  	s2 =	sld [smem:$0x3F9C];
	s0 =	simm.s32 @p1 $0x1  }
0x15: {  	[smem:$0x3FB9] =	sst s0;
	s0 =	simm.s32 @!p2 $0x0  }
0x16: {  	s3 =	sld [smem:$0x3FDB];
	s0 =	simm.s32 @p2 $0x1  }
0x17: {  	s4 =	simm.s32 $0x1BF5;
	[smem:$0x3FBB] =	sst s0  }
0x18: {  	s0 =	sld [smem:$0x3F9E];
	_ =	swait.ge [sflag:s4], $0x0  }
0x19: {  	s7 =	sld [smem:$0x3F9F]  }
0x1a: {  	s8 =	sadd.s32 $0xFFFFE003, lr  }
0x1b: {  	s9 =	sadd.s32 $0xFFFFFEF7, lr;
	s5 =	simm.s32 $0xFFFFFFFF;
	p2 =	slt.u32 s8, $0xFFFFF086  }
0x1c: {  	p1 =	slt.u32 s9, $0xF7A;
	s5 =	simm.s32 @!p2 $0x0  }
0x1d: {  	s5 =	simm.s32 @p1 $0x1;
	p0 =	seq.s32 s7, s2  }
0x1e: {  	s7 =	smul.u32 @!p0 $0xF7A, s2;
	p2 =	seq.s32 @!p0 s5, $0x0  }
0x1f: {  	s9 =	smul.u32 $0xF7A, s1;
	s8 =	simm.s32 @!p0 $0x1BF5;
	p2 =	por !p2, p0  }
0x20: {  	[sflag:s8] =	ssyncset.s32 @!p0 $0xFFFFF086;
	s6 =	sadd.s32 @!p0 s3, s7;
	s7 =	simm.s32 @!p0 $0x108  }
0x21: {  	s3 =	sadd.s32 s3, s9;
	s6 =	sadd.s32 @!p0 $0x88, s6;
	s7 =	simm.s32 @p2 $0x1082  }
0x22: {  	[simem:s7], [sflag:s8] =	dma.local @!p0 [hbm:s6], $0xF7A  }
0x23: {  	s9 =	sor.u32 $0xD0000000, s2;
	s6 =	simm.s32 $0x108;
	_ =	swait.ge @!p0 [sflag:s8], $0x0  }
0x24: {  	s3 =	sadd.s32 $0x88, s3;
	s6 =	simm.s32 @!p1 $0x1082;
	[sflag:s4] =	ssyncset.s32 $0xFFFFF086  }
0x25: {  	[simem:s6], [sflag:s4] =	dma.local [hbm:s3], $0xF7A  }
0x26: {  	[smem:$0x3F9F] =	sst s1;
	(tag) =	ssettag s2;
	_ =	strace s9  }
0x27: {  	s1 =	sld [smem:$0x3FAF]  }
0x28: {  	s2 =	sld [smem:$0x3FB0]  }
0x29: {  	s4 =	sld [smem:$0x3FB2]  }
0x2a: {  	p0 =	seq.s32 s5, $0x0;
	s5 =	sld [smem:$0x3FB3]  }
0x2b: {  	s6 =	sld [smem:$0x3FB4]  }
0x2c: {  	s7 =	sld [smem:$0x3FB5]  }
0x2d: {  	s3 =	simm.s32 $0x108;
	s8 =	sld [smem:$0x3FB6]  }
0x2e: {  	s3 =	simm.s32 @!p0 $0x1082;
	s9 =	sld [smem:$0x3FB7]  }
0x2f: {  	lr =	sadd.s32 s0, s3;
	s0 =	sld [smem:$0x3FAE]  }
0x30: {  	s3 =	sld [smem:$0x3FB1]  }
0x31: {  	[smem:$0x3FBA] =	sst s10  }
0x32: {  	s10 =	sld [smem:$0x3FB8];
	_ =	sdelay $0x3  }
0x33: {  	p0 =	seq.s32 s10, $0x1;
	s10 =	sld [smem:$0x3FBA];
	_ =	sdelay $0x3  }
0x34: {  	[smem:$0x3FBA] =	sst s10  }
0x35: {  	s10 =	sld [smem:$0x3FB9];
	_ =	sdelay $0x3  }
0x36: {  	p1 =	seq.s32 s10, $0x1;
	s10 =	sld [smem:$0x3FBA];
	_ =	sdelay $0x3  }
0x37: {  	[smem:$0x3FBA] =	sst s10  }
0x38: {  	s10 =	sld [smem:$0x3FBB]  }
0x39: {  	_ = 	snop;
	(pc) =	sbr.ind lr, $3  }
0x3a: {  	_ = 	snop  }
0x3b: {  	_ = 	snop  }
0x3c: {  	p2 =	seq.s32 s10, $0x1;
	s10 =	sld [smem:$0x3FBA]  }
0x3d: {  	_ =	shalt  }
0x3e: {  	_ =	shalt  }
0x3f: {  	_ =	shalt  }
0x40: {  	_ =	shalt  }
0x41: {  	_ =	shalt  }
0x42: {  	_ =	shalt  }
0x43: {  	_ =	shalt  }
0x44: {  	_ =	shalt  }
0x45: {  	_ =	shalt  }
0x46: {  	_ =	shalt  }
0x47: {  	_ =	shalt  }
0x48: {  	_ =	shalt  }
0x49: {  	_ =	shalt  }
0x4a: {  	_ =	shalt  }
0x4b: {  	_ =	shalt  }
0x4c: {  	_ =	shalt  }
0x4d: {  	_ =	shalt  }
0x4e: {  	_ =	shalt  }
0x4f: {  	_ =	shalt  }
0x50: {  	_ =	shalt  }
0x51: {  	_ =	shalt  }
0x52: {  	_ =	shalt  }
0x53: {  	_ =	shalt  }
0x54: {  	_ =	shalt  }
0x55: {  	_ =	shalt  }
0x56: {  	_ =	shalt  }
0x57: {  	_ =	shalt  }
0x58: {  	_ =	shalt  }
0x59: {  	_ =	shalt  }
0x5a: {  	_ =	shalt  }
0x5b: {  	_ =	shalt  }
0x5c: {  	_ =	shalt  }
0x5d: {  	_ =	shalt  }
0x5e: {  	_ =	shalt  }
0x5f: {  	_ =	shalt  }
0x60: {  	_ =	shalt  }
0x61: {  	_ =	shalt  }
0x62: {  	_ =	shalt  }
0x63: {  	_ =	shalt  }
0x64: {  	_ =	shalt  }
0x65: {  	_ =	shalt  }
0x66: {  	_ =	shalt  }
0x67: {  	_ =	shalt  }
0x68: {  	_ =	shalt  }
0x69: {  	_ =	shalt  }
0x6a: {  	_ =	shalt  }
0x6b: {  	_ =	shalt  }
0x6c: {  	_ =	shalt  }
0x6d: {  	_ =	shalt  }
0x6e: {  	_ =	shalt  }
0x6f: {  	_ =	shalt  }
0x70: {  	_ =	shalt  }
0x71: {  	_ =	shalt  }
0x72: {  	_ =	shalt  }
0x73: {  	_ =	shalt  }
0x74: {  	_ =	shalt  }
0x75: {  	_ =	shalt  }
0x76: {  	_ =	shalt  }
0x77: {  	_ =	shalt  }
0x78: {  	_ =	shalt  }
0x79: {  	_ =	shalt  }
0x7a: {  	_ =	shalt  }
0x7b: {  	_ =	shalt  }
0x7c: {  	_ =	shalt  }
0x7d: {  	_ =	shalt  }
0x7e: {  	_ =	shalt  }
0x7f: {  	_ =	shalt  }
0x80: {  	_ =	shalt  }
0x81: {  	_ =	shalt  }
0x82: {  	_ =	shalt  }
0x83: {  	_ =	shalt  }
0x84: {  	_ =	shalt  }
0x85: {  	_ =	shalt  }
0x86: {  	_ =	shalt  }
0x87: {  	_ =	shalt  }
.Lfunc_end0:
.L_simem_size_0:
called_computation_lowered:
.L_overlay_start_0:
0x88: {  	s2 =	sld [smem:$0x3FD9]  }
0x89: {  	s3 =	sld [smem:$0x3FFE];
	_ =	sdelay $0x1  }
0x8a: {  	s1 =	srdreg.scid  }
0x8b: {  	s0 =	sand.u32 $0x1, s1  }
0x8c: {  	s17 =	sshll.u32 s0, $0xA;
	s2 =	sadd.s32 s3, s2  }
0x8d: {  	s2 =	sadd.s32 s2, s17  }
0x8e: {  	[smem:$0x3FC6] =	sst s2  }
0x8f: {  	_ = 	snop  }
0x90: {  	s2 =	sld [smem:$0x3FC8]  }
0x91: {  	s18 =	sld [smem:$0x3FD0];
	(tm) =	ssettm $0x1  }
0x92: {  	s4 =	sld [smem:$0x3FFB];
	_ =	sdelay $0x3  }
0x93: {  	_ =	strace s4  }
0x94: {  	s4 =	sld [smem:$0x3FFC];
	_ =	sdelay $0x3  }
0x95: {  	_ =	strace s4  }
0x96: {  	s4 =	sld [smem:$0x3FFD];
	_ =	sdelay $0x3  }
0x97: {  	_ =	strace s4  }
0x98: {  	_ =	strace $0x8FFFFFFF  }
0x99: {  	s19 =	sld [smem:$0x3FDB];
	_ =	sdelay $0x1  }
0x9a: {  	s5 =	simm.s32 $_scs_section_size  }
0x9b: {  	s6 =	simm.s32 $_size__tile_overlayer_lowered;
	s7 =	simm.s32 $_tile_overlayer_lowered  }
0x9c: {  	s22 =	simm.s32 $0x1BFF;
	s21 =	sshll.u32 s7, $0x1;
	s4 =	sadd.s32 s5, s19  }
0x9d: {  	s8 =	simm.s32 $0x0;
	s20 =	sshll.u32 s6, $0x1;
	s6 =	sadd.s32 s21, s4  }
0x9e: {  	[timem:s8], [sflag:s22] =	dma.local [hbm:s6], s20  }
0x9f: {  	_ =	swait.ge [sflag:s22], s20  }
0xa0: {  	s5 =	ssub.s32 $0x0, s20;
	[sflag:s22] =	ssyncset.done $0x0  }
0xa1: {  	[sflag:s22] =	ssyncadd.s32 s5;
	_ =	sdelay $0x1  }
0xa2: {  	s23 =	simm.s32 $0x1B8B  }
0xa3: {  	_ =	swait.ge [sflag:s23], $0x1  }
0xa4: {  	[sflag:s23] =	ssyncset.done $0x0  }
0xa5: {  	s25 =	simm.s32 $0x1B8E;
	s24 =	sld [smem:$0x3FFE];
	[sflag:s23] =	ssyncadd.s32 $0xFFFFFFFF  }
0xa6: {  	s26 =	simm.s32 $execute0_lowered;
	[smem:$0x3FD2] =	sst s25  }
0xa7: {  	s6 =	sshll.u32 s26, $0x1;
	_ =	strace $0x80000046;
	[dreg:$0x1] =	wrdreg $0xFFFFFFFF  }
0xa8: {  	s28 =	simm.s32 $_size_execute0_lowered;
	s4 =	sadd.s32 s4, s6;
	[dreg:$0x0] =	wrdreg $0x0  }
0xa9: {  	s6 =	sshll.u32 s28, $0x1;
	[dreg:$0x2] =	wrdreg s4  }
0xaa: {  	[dreg:$0x3] =	wrdreg s6  }
0xab: {  	[dreg:$0x4] =	wrdreg $0xC0  }
0xac: {  	_ =	task [dreg:s8], $0x5FFFF  }
0xad: {  	[dreg:$0x1] =	wrdreg $0xFFFFFFFF  }
0xae: {  	[dreg:$0x0] =	wrdreg $0x60  }
0xaf: {  	[dreg:$0x2] =	wrdreg s24  }
0xb0: {  	[dreg:$0x3] =	wrdreg s2  }
0xb1: {  	[dreg:$0x4] =	wrdreg s18  }
0xb2: {  	[dreg:$0x5] =	wrdreg $0x9  }
0xb3: {  	_ =	task.clear_ibuf [dreg:s8], $0x6FFFF;
	_ =	strace $0x90000046  }
0xb4: {  	s29 =	simm.s32 $0x9;
	_ =	strace $0x80000048  }
0xb5: {  	_ =	swait.ge [sflag:s29], $0x1  }
0xb6: {  	[sflag:s29] =	ssyncadd.s32 $0xFFFFFFFF  }
0xb7: {  	_ =	strace $0x90000048  }
0xb8: {  	_ =	sfence  }
0xb9: {  	s30 =	sld [smem:$0x0];
	_ =	sdelay $0x2  }
0xba: {  	s31 =	sshll.u32 s1, $0xD;
	s1 =	sshrl.u32 s1, $0x2  }
0xbb: {  	s3 =	sand.u32 $0x4000, s31;
	s1 =	sadd.s32 s1, s30  }
0xbc: {  	s0 =	sor.u32 s3, s0;
	s1 =	sshll.u32 s1, $0x11  }
0xbd: {  	s0 =	sor.u32 s1, s0  }
0xbe: {  	s0 =	sadd.s32 $0x8F2B, s0  }
0xbf: {  	[sflag:s0] =	ssyncadd.remote.s32 $0x1  }
0xc0: {  	_ =	sfence.sel $0xFFFF  }
0xc1: {  	[dreg:$0x0] =	wrdreg $0xFFFFFFFF;
	(pc) =	sbr.abs _section_cstart, $3  }
0xc2: {  	[dreg:$0x1] =	wrdreg $0xFFFFFFFF  }
0xc3: {  	_ =	task.clear_ibuf [dreg:s8], $0x2FFFF;
	_ =	strace $0x9FFFFFFF  }
0xc4: {  	(tm) =	ssettm $0x7FFFFFFF  }
0xc5: {  	_ =	shalt  }
tec
execute0_lowered:
.L_overlay_start_1:
0x0: {  	(tag) =	ssettag $0x1  }
0x1: {  	v3 =	vlaneseq.u32  }
0x2: {  	v4 =	vshrl.u32 v3, $0x3  }
0x3: {  	v27 =	vmul.u32 $0x18, v4  }
0x4: {  	s5 =	rddreg [dreg:$0x0]  }
0x5: {  	s0 =	rddreg [dreg:$0x1];
	v48 =	vor.u32 $0x1, v27  }
0x6: {  	s9 =	rddreg [dreg:$0x2];
	s3 =	simm.s32 $0x0;
	v49 =	vor.u32 $0x2, v27;
	[tilespmem:$0x1FE50] =	vst v48  }
0x7: {  	[smem:$0x7FF] =	sst s3;
	v50 =	vadd.s32 $0x12, v27;
	[tilespmem:$0x1FE60] =	vst v49  }
0x8: {  	s1 =	rddreg [dreg:$0x3];
	v52 =	vadd.s32 $0x13, v27;
	_ =	strace $0x80000047;
	[tilespmem:$0x1FE70] =	vst v50  }
0x9: {  	v53 =	vadd.s32 $0x14, v27;
	[tilespmem:$0x1FE80] =	vst v52  }
0xa: {  	v55 =	vadd.s32 $0x15, v27;
	[tilespmem:$0x1FE90] =	vst v53  }
0xb: {  	v56 =	vadd.s32 $0x16, v27;
	[tilespmem:$0x1FEA0] =	vst v55  }
0xc: {  	v0 =	vimm.s32 $0x76543217;
	vm0 =	vcmask $0x704;
	v58 =	vadd.s32 $0x17, v27;
	[tilespmem:$0x1FEB0] =	vst v56  }
0xd: {  	v26 =	vimm.s32 $0x0;
	vm7 =	vcmask $0xB08;
	v62 =	vadd.s32 $0xF, v27;
	[tilespmem:$0x1FEC0] =	vst v58  }
0xe: {  	vm12 =	vcmask $0xF0C;
	vm1 =	vcmask $0x2304;
	v63 =	vadd.s32 $0x10, v27;
	[tilespmem:$0x1FEF0] =	vst v62  }
0xf: {  	vm13 =	vcmask $0x1310;
	v2 =	vimm.s32 $0x1234560;
	v38 =	vadd.s32 $0x11, v27;
	[tilespmem:$0x1FF00] =	vst v63  }
0x10: {  	vm14 =	vcmask $0x1714;
	vm15 =	vcmask $0x1B18;
	v14 =	vor.u32 $0x4, v27;
	[tilespmem:$0x1FF10] =	vst v38  }
0x11: {  	vm4 =	vcmask $0x231C;
	vm5 =	vcmask $0x2724;
	v15 =	vor.u32 $0x5, v27;
	[tilespmem:$0x1FF40] =	vst v14  }
0x12: {  	vm6 =	vcmask $0x3F24;
	v41 =	vimm.s32 $0x30;
	v20 =	vadd.s32 $0xC, v27;
	[tilespmem:$0x1FF50] =	vst v15  }
0x13: {  	v61 =	vimm.s32 $0x80;
	vm11 =	vmmov $0xff;
	v25 =	vadd.s32 $0xA, v27;
	[tilespmem:$0x1FF60] =	vst v20  }
0x14: {  	v59 =	vimm.s32 $0x0;
	v1 =	vsel vm0, $0x80, v26;
	v39 =	vadd.s32 $0x9, v27;
	[tilespmem:$0x1FF70] =	vst v25  }
0x15: {  	v0 =	vunpack.c.l.s4.s8 v0;
	v1 =	vsel vm7, $0x100, v1;
	v29 =	vadd.s32 $0xB, v27;
	[tilespmem:$0x1FF80] =	vst v39  }
0x16: {  	v2 =	vunpack.c.l.s4.s8 v2;
	v1 =	vsel vm12, $0x180, v1;
	v40 =	vadd.s32 $0xD, v27;
	[tilespmem:$0x1FF90] =	vst v29  }
0x17: {  	v54 =	vmul.u32 $0xFFFFFFFF, v3;
	vm7 =	vcmask $0x2B28;
	v1 =	vsel vm13, $0x200, v1;
	[tilespmem:$0x1FFA0] =	vst v40  }
0x18: {  	s4 =	srdreg.scid;
	v0 =	vunpack.c.0.s8.s32 v0;
	v51 =	vadd.s32 $0x8, v27;
	v1 =	vsel vm14, $0x280, v1;
	[tilespmem:$0x1FFB0] =	vst v27  }
0x19: {  	s2 =	stileid.u32;
	s12 =	simm.s32 $0x1;
	s13 =	simm.s32 $0x2;
	v2 =	vunpack.c.0.s8.s32 v2;
	v35 =	vadd.s32 $0xE, v27;
	v1 =	vsel vm15, $0x300, v1;
	[tilespmem:$0x1FFC0] =	vst v51  }
0x1a: {  	s14 =	simm.s32 $0x14280;
	s4 =	sand.u32 $0x1, s4;
	s7 =	sshll.u32 s2, $0x1;
	vm12 =	vcmask $0x2F2C;
	v22 =	vor.u32 $0x7, v27;
	[tilespmem:$0x1FFD0] =	vst v35;
	v1 =	vsel vm4, $0x380, v1  }
0x1b: {  	s15 =	simm.s32 $0x3;
	s6 =	ssub.s32 $0x2, s4;
	s4 =	sor.u32 s4, s7;
	v21 =	vor.u32 $0x6, v27;
	v0 =	vnsel vm1, $0x0, v0;
	[tilespmem:$0x1FFE0] =	vst v22;
	v1 =	vsel vm5, $0x300, v1  }
0x1c: {  	s16 =	simm.s32 $0x0;
	s5 =	sadd.s32 $0x400, s5;
	s7 =	smul.u32 $0x1400, s4;
	v28 =	vsel vm6, v2, v0;
	v0 =	vadd.s32 $0xF, v54;
	[tilespmem:$0x1FFF0] =	vst v21;
	v1 =	vsel vm7, $0x280, v1  }
0x1d: {  	v57 =	vmul.u32 $0xFFFFFFFF, v4;
	s8 =	sshrl.u32 s6, $0x1;
	p0 =	slt.u32 s4, $0x15;
	s31 =	smul.u32 $0x28, s4;
	vm13 =	vcmask $0x3330;
	[tilespmem:$0x1FED0] =	vst v0;
	v1 =	vsel vm12, $0x200, v1  }
0x1e: {  	s11 =	sshll.u32 s4, $0x1;
	s10 =	ssub.s32 s6, s8;
	s6 =	simm.s32 $0x62;
	vm14 =	vcmask $0x3734;
	[tilespmem:$0x1FEE0] =	vst v28;
	v0 =	vsel vm11, $0xFFFFFFFF, v59;
	v1 =	vsel vm13, $0x180, v1  }
0x1f: {  	s9 =	sadd.s32 s9, s11;
	s11 =	simm.s32 $0x14000;
	s6 =	simm.s32 @!p0 $0x61;
	vm15 =	vcmask $0x3B38;
	[tilespmem:$0x1FF20] =	vst v0;
	v47 =	vsel vm14, $0x100, v1;
	v1 =	vadd.s32 $0x1, v57  }
0x20: {  	v60 =	vimm.s32 $0x17;
	v45 =	vor.u32 $0x3, v27;
	s7 =	sadd.s32 s5, s7;
	s8 =	sadd.s32 s0, s31;
	s10 =	smax.u32 s10, $0x1;
	v30 =	vsel vm15, $0x80, v47;
	[tilespmem:$0x1FF30] =	vst v1  }
.LBB2_1:
0x21: {  	[tilespmem:s3], [sflag:$0x1] =	stream.linear.gather [hbm4b:s7+s3], $0xA000, $0x38;
	[tilespmem:$0x14300] =	vst v63  }
0x22: {  	p0 =	por $0x0, $0x0;
	s17 =	simm.s32 $0x0  }
0x23: {  	v0 =	vimm.s32 $0x0;
	[tilespmem:s11], [sflag:$0x2] =	stream.linear.gather [hbm4b:s8+s3], $0x140, $0x38;
	[tilespmem:$0x14300] =	vst v63  }
.LBB2_3:
0x24: {  	[tilespmem:$0x1FDD0] =	vst v0;
	s18 =	sand.u32 $0x1, s17;
	s17 =	sadd.s32 $0x1, s17  }
0x25: {  	s23 =	simm.s32 $0x0;
	_ =	swait.ge [sflag:s12], $0xA000;
	p1 =	sge.u32 s17, s6  }
0x26: {  	v0 =	vmov s23;
	s19 =	sshll.u32 @!p1 s17, $0x5;
	s20 =	sxor.u32 @!p1 $0x1, s18;
	s18 =	smul.u32 $0xA000, s18  }
0x27: {  	[sflag:s12] =	ssyncset.done $0x0;
	v0 =	vshll.u32 v0, $0x7;
	s19 =	sor.u32 @!p1 s4, s19;
	s21 =	smul.u32 @!p1 $0x28000, s20  }
0x28: {  	[sflag:s12] =	ssyncadd.s32 $0xFFFF6000;
	v0 =	vor.u32 v30, v0;
	s22 =	smul.u32 @!p1 $0x1400, s19;
	v56 =	vmov s18  }
0x29: {  	s23 =	simm.s32 @!p1 $0x0;
	_ =	swait.ge [sflag:s13], $0x140;
	s18 =	smul.u32 @!p1 $0x500, s20;
	v0 =	vadd.s32 v56, v0  }
0x2a: {  	s19 =	smul.u32 @!p1 $0x28, s19;
	[sflag:s13] =	ssyncset.done $0x0;
	s21 =	sshrl.u32 @!p1 s21, $0x2;
	v1 =	vor.u32 $0x60, v0  }
0x2b: {  	[sflag:s13] =	ssyncadd.s32 $0xFFFFFEC0;
	s22 =	sadd.s32 @!p1 s5, s22;
	s18 =	sshrl.u32 @!p1 s18, $0x2  }
0x2c: {  	[tilespmem:s21], [sflag:$0x1] =	stream.linear.gather @!p1 [hbm4b:s22+s23], $0xA000, $0x38;
	[tilespmem:$0x14300] =	vst v63  }
0x2d: {  	s19 =	sadd.s32 @!p1 s0, s19;
	s18 =	sor.u32 @!p1 $0x14000, s18  }
0x2e: {  	[tilespmem:s18], [sflag:$0x2] =	stream.linear.gather @!p1 [hbm4b:s19+s23], $0x140, $0x38;
	[tilespmem:$0x14300] =	vst v63  }
0x2f: {  	v1 =	vld.idx.msk [tilespmem:v1+s3+$0x0], $0xffff;
	_ =	sdelay $0x4  }
0x30: {  	vm1 =	vge.f32 v1, $0.0e+00  }
0x31: {  	v1 =	vsel vm1, $0x0, v41  }
0x32: {  	v36 =	vor.u32 v0, v1  }
0x33: {  	v0 =	vadd.s32 v27, v36;
	_ =	sdelay $0x1  }
0x34: {  	v34 =	vld [tilespmem:$0x1FE50];
	_ =	sdelay $0x2  }
0x35: {  	v32 =	vld.idx.msk [tilespmem:v0+s3+$0x0], $0xffff;
	_ =	sdelay $0x1  }
0x36: {  	v0 =	vadd.s32 v34, v36;
	_ =	sdelay $0x2  }
0x37: {  	v23 =	vld [tilespmem:$0x1FE60];
	v1 =	vand.u32 $0x7FFFFFFF, v32  }
0x38: {  	v1 =	vadd.s32 $0x80000001, v1  }
0x39: {  	v42 =	vld.idx.msk [tilespmem:v0+s3+$0x0], $0xffff;
	v0 =	vshra.s32 v1, $0x1F  }
0x3a: {  	v1 =	vand.u32 v1, v0  }
0x3b: {  	v2 =	vshra.s32 v1, $0x1F  }
0x3c: {  	v3 =	vadd.s32 v23, v36;
	v4 =	vand.u32 v1, v2  }
0x3d: {  	v1 =	vsub.s32 v1, v4  }
0x3e: {  	v5 =	vand.u32 $0x7FFFFFFF, v42;
	v1 =	vadd.s32 $0x7FFFFFFF, v1  }
0x3f: {  	v5 =	vsub.s32 v5, v1  }
0x40: {  	v6 =	vshra.s32 v5, $0x1F  }
0x41: {  	v44 =	vld.idx.msk [tilespmem:v3+s3+$0x0], $0xffff;
	v3 =	vand.u32 v5, v6  }
0x42: {  	v4 =	vadd.s32 $0x7FFFFFFF, v4;
	v1 =	vadd.s32 v1, v3  }
0x43: {  	v3 =	vsub.s32 v1, v4  }
0x44: {  	v7 =	vadd.s32 v45, v36;
	v5 =	vshra.s32 v3, $0x1F  }
0x45: {  	v3 =	vand.u32 v3, v5  }
0x46: {  	v8 =	vand.u32 $0x7FFFFFFF, v44;
	v1 =	vsub.s32 v1, v3  }
0x47: {  	v8 =	vsub.s32 v8, v1  }
0x48: {  	v9 =	vshra.s32 v8, $0x1F  }
0x49: {  	v46 =	vld.idx.msk [tilespmem:v7+s3+$0x0], $0xffff;
	v8 =	vand.u32 v8, v9  }
0x4a: {  	v3 =	vadd.s32 v4, v3;
	v1 =	vadd.s32 v1, v8  }
0x4b: {  	v4 =	vsub.s32 v1, v3  }
0x4c: {  	v7 =	vadd.s32 v14, v36;
	v8 =	vshra.s32 v4, $0x1F  }
0x4d: {  	v4 =	vand.u32 v4, v8  }
0x4e: {  	v10 =	vand.u32 $0x7FFFFFFF, v46;
	v1 =	vsub.s32 v1, v4  }
0x4f: {  	v10 =	vsub.s32 v10, v1  }
0x50: {  	v11 =	vshra.s32 v10, $0x1F  }
0x51: {  	v24 =	vld.idx.msk [tilespmem:v7+s3+$0x0], $0xffff;
	v7 =	vand.u32 v10, v11  }
0x52: {  	v3 =	vadd.s32 v3, v4;
	v1 =	vadd.s32 v1, v7  }
0x53: {  	v4 =	vsub.s32 v1, v3  }
0x54: {  	v7 =	vadd.s32 v15, v36;
	v10 =	vshra.s32 v4, $0x1F  }
0x55: {  	v4 =	vand.u32 v4, v10  }
0x56: {  	v12 =	vand.u32 $0x7FFFFFFF, v24;
	v1 =	vsub.s32 v1, v4  }
0x57: {  	v12 =	vsub.s32 v12, v1  }
0x58: {  	v13 =	vshra.s32 v12, $0x1F  }
0x59: {  	v43 =	vld.idx.msk [tilespmem:v7+s3+$0x0], $0xffff;
	v7 =	vand.u32 v12, v13  }
0x5a: {  	v3 =	vadd.s32 v3, v4;
	v1 =	vadd.s32 v1, v7  }
0x5b: {  	v4 =	vsub.s32 v1, v3  }
0x5c: {  	v7 =	vadd.s32 v21, v36;
	v57 =	vshra.s32 v4, $0x1F  }
0x5d: {  	v4 =	vand.u32 v4, v57  }
0x5e: {  	v58 =	vand.u32 $0x7FFFFFFF, v43;
	v1 =	vsub.s32 v1, v4  }
0x5f: {  	v49 =	vmov v14;
	v14 =	vsub.s32 v58, v1  }
0x60: {  	v59 =	vshra.s32 v14, $0x1F  }
0x61: {  	v37 =	vld.idx.msk [tilespmem:v7+s3+$0x0], $0xffff;
	v7 =	vand.u32 v14, v59  }
0x62: {  	v3 =	vadd.s32 v3, v4;
	v1 =	vadd.s32 v1, v7  }
0x63: {  	v4 =	vsub.s32 v1, v3  }
0x64: {  	v7 =	vadd.s32 v22, v36;
	v33 =	vshra.s32 v4, $0x1F  }
0x65: {  	v4 =	vand.u32 v4, v33  }
0x66: {  	v0 =	vand.u32 v27, v0;
	v16 =	vand.u32 $0x7FFFFFFF, v37;
	v1 =	vsub.s32 v1, v4  }
0x67: {  	v2 =	vand.u32 v0, v2;
	v16 =	vsub.s32 v16, v1  }
0x68: {  	v0 =	vsub.s32 v0, v2;
	v17 =	vshra.s32 v16, $0x1F  }
0x69: {  	v31 =	vld.idx.msk [tilespmem:v7+s3+$0x0], $0xffff;
	v7 =	vand.u32 v16, v17;
	v16 =	vsub.s32 v34, v0  }
0x6a: {  	v3 =	vadd.s32 v3, v4;
	v1 =	vadd.s32 v1, v7;
	v4 =	vand.u32 v16, v6  }
0x6b: {  	v6 =	vsub.s32 v1, v3;
	v0 =	vadd.s32 v0, v4  }
0x6c: {  	v4 =	vadd.s32 v51, v36;
	v7 =	vshra.s32 v6, $0x1F;
	v16 =	vsub.s32 v0, v2  }
0x6d: {  	v6 =	vand.u32 v6, v7;
	v5 =	vand.u32 v16, v5  }
0x6e: {  	v16 =	vand.u32 $0x7FFFFFFF, v31;
	v1 =	vsub.s32 v1, v6;
	v0 =	vsub.s32 v0, v5  }
0x6f: {  	v16 =	vsub.s32 v16, v1;
	v18 =	vsub.s32 v23, v0  }
0x70: {  	v19 =	vshra.s32 v16, $0x1F;
	v9 =	vand.u32 v18, v9  }
0x71: {  	v2 =	vadd.s32 v2, v5;
	v47 =	vld.idx.msk [tilespmem:v4+s3+$0x0], $0xffff;
	v4 =	vand.u32 v16, v19;
	v0 =	vadd.s32 v0, v9  }
0x72: {  	v3 =	vadd.s32 v3, v6;
	v1 =	vadd.s32 v1, v4;
	v4 =	vsub.s32 v0, v2  }
0x73: {  	v5 =	vsub.s32 v1, v3;
	v4 =	vand.u32 v4, v8  }
0x74: {  	v6 =	vadd.s32 v39, v36;
	v8 =	vshra.s32 v5, $0x1F;
	v0 =	vsub.s32 v0, v4  }
0x75: {  	v5 =	vand.u32 v5, v8;
	v9 =	vsub.s32 v45, v0  }
0x76: {  	v16 =	vand.u32 $0x7FFFFFFF, v47;
	v1 =	vsub.s32 v1, v5;
	v9 =	vand.u32 v9, v11  }
0x77: {  	v2 =	vadd.s32 v2, v4;
	v11 =	vsub.s32 v16, v1;
	v0 =	vadd.s32 v0, v9  }
0x78: {  	v4 =	vshra.s32 v11, $0x1F;
	v9 =	vsub.s32 v0, v2  }
0x79: {  	v48 =	vld.idx.msk [tilespmem:v6+s3+$0x0], $0xffff;
	v6 =	vand.u32 v11, v4;
	v9 =	vand.u32 v9, v10  }
0x7a: {  	v3 =	vadd.s32 v3, v5;
	v1 =	vadd.s32 v1, v6;
	v0 =	vsub.s32 v0, v9  }
0x7b: {  	v5 =	vsub.s32 v1, v3;
	v6 =	vsub.s32 v49, v0  }
0x7c: {  	v10 =	vadd.s32 v25, v36;
	v11 =	vshra.s32 v5, $0x1F;
	v6 =	vand.u32 v6, v13  }
0x7d: {  	v2 =	vadd.s32 v2, v9;
	v5 =	vand.u32 v5, v11;
	v0 =	vadd.s32 v0, v6  }
0x7e: {  	v6 =	vand.u32 $0x7FFFFFFF, v48;
	v1 =	vsub.s32 v1, v5;
	v9 =	vsub.s32 v0, v2  }
0x7f: {  	v6 =	vsub.s32 v6, v1;
	v9 =	vand.u32 v9, v57  }
0x80: {  	v50 =	vmov v15;
	v57 =	vshra.s32 v6, $0x1F;
	v0 =	vsub.s32 v0, v9  }
0x81: {  	v53 =	vld.idx.msk [tilespmem:v10+s3+$0x0], $0xffff;
	v6 =	vand.u32 v6, v57;
	v10 =	vsub.s32 v50, v0  }
0x82: {  	v3 =	vadd.s32 v3, v5;
	v1 =	vadd.s32 v1, v6;
	v5 =	vand.u32 v10, v59  }
0x83: {  	v2 =	vadd.s32 v2, v9;
	v6 =	vsub.s32 v1, v3;
	v0 =	vadd.s32 v0, v5  }
0x84: {  	v5 =	vadd.s32 v29, v36;
	v9 =	vshra.s32 v6, $0x1F;
	v10 =	vsub.s32 v0, v2  }
0x85: {  	v6 =	vand.u32 v6, v9;
	v10 =	vand.u32 v10, v33  }
0x86: {  	v58 =	vand.u32 $0x7FFFFFFF, v53;
	v1 =	vsub.s32 v1, v6;
	v0 =	vsub.s32 v0, v10  }
0x87: {  	v13 =	vsub.s32 v58, v1;
	v59 =	vsub.s32 v21, v0  }
0x88: {  	v33 =	vshra.s32 v13, $0x1F;
	v14 =	vand.u32 v59, v17  }
0x89: {  	v2 =	vadd.s32 v2, v10;
	v55 =	vld.idx.msk [tilespmem:v5+s3+$0x0], $0xffff;
	v5 =	vand.u32 v13, v33;
	v0 =	vadd.s32 v0, v14  }
0x8a: {  	v3 =	vadd.s32 v3, v6;
	v1 =	vadd.s32 v1, v5;
	v5 =	vsub.s32 v0, v2  }
0x8b: {  	v6 =	vsub.s32 v1, v3;
	v5 =	vand.u32 v5, v7  }
0x8c: {  	v7 =	vadd.s32 v20, v36;
	v10 =	vshra.s32 v6, $0x1F;
	v0 =	vsub.s32 v0, v5  }
0x8d: {  	v6 =	vand.u32 v6, v10;
	v49 =	vsub.s32 v22, v0  }
0x8e: {  	v50 =	vand.u32 $0x7FFFFFFF, v55;
	v1 =	vsub.s32 v1, v6;
	v13 =	vand.u32 v49, v19  }
0x8f: {  	v2 =	vadd.s32 v2, v5;
	v14 =	vsub.s32 v50, v1;
	v0 =	vadd.s32 v0, v13  }
0x90: {  	v5 =	vshra.s32 v14, $0x1F;
	v13 =	vsub.s32 v0, v2  }
0x91: {  	v49 =	vld.idx.msk [tilespmem:v7+s3+$0x0], $0xffff;
	v7 =	vand.u32 v14, v5;
	v8 =	vand.u32 v13, v8  }
0x92: {  	v3 =	vadd.s32 v3, v6;
	v1 =	vadd.s32 v1, v7;
	v0 =	vsub.s32 v0, v8  }
0x93: {  	v6 =	vsub.s32 v1, v3;
	v7 =	vsub.s32 v51, v0  }
0x94: {  	v52 =	vadd.s32 v40, v36;
	v54 =	vshra.s32 v6, $0x1F;
	v4 =	vand.u32 v7, v4  }
0x95: {  	v2 =	vadd.s32 v2, v8;
	v6 =	vand.u32 v6, v54;
	v0 =	vadd.s32 v0, v4  }
0x96: {  	v4 =	vand.u32 $0x7FFFFFFF, v49;
	v1 =	vsub.s32 v1, v6;
	v7 =	vsub.s32 v0, v2  }
0x97: {  	v4 =	vsub.s32 v4, v1;
	v7 =	vand.u32 v7, v11  }
0x98: {  	s18 =	simm.s32 $0x1;
	v8 =	vshra.s32 v4, $0x1F;
	v0 =	vsub.s32 v0, v7  }
0x99: {  	s18 =	simm.s32 @!p0 $0x0;
	vm2 =	vmmov vm1;
	v50 =	vld.idx.msk [tilespmem:v52+s3+$0x0], $0xffff;
	v4 =	vand.u32 v4, v8;
	v11 =	vsub.s32 v39, v0  }
0x9a: {  	s18 =	smul.u32 $0x140, s18;
	v3 =	vadd.s32 v3, v6;
	v1 =	vadd.s32 v1, v4;
	v4 =	vand.u32 v11, v57  }
0x9b: {  	v2 =	vadd.s32 v2, v7;
	v6 =	vsub.s32 v1, v3;
	v0 =	vadd.s32 v0, v4  }
0x9c: {  	s29 =	sadd.s32 $0x0, s18;
	v11 =	vadd.s32 v35, v36;
	v4 =	vshra.s32 v6, $0x1F;
	v7 =	vsub.s32 v0, v2  }
0x9d: {  	v59 =	vor.u32 s29, v28;
	v6 =	vand.u32 v6, v4;
	v7 =	vand.u32 v7, v9  }
0x9e: {  	v9 =	vand.u32 $0x7FFFFFFF, v50;
	v1 =	vsub.s32 v1, v6;
	v0 =	vsub.s32 v0, v7  }
0x9f: {  	v19 =	vshrl.u32 v43, $0xD;
	v9 =	vsub.s32 v9, v1;
	v57 =	vsub.s32 v25, v0  }
0xa0: {  	v19 =	vand.u32 $0x40000, v19;
	v58 =	vshra.s32 v9, $0x1F;
	v12 =	vand.u32 v57, v33  }
0xa1: {  	v2 =	vadd.s32 v2, v7;
	v51 =	vld.idx.msk [tilespmem:v11+s3+$0x0], $0xffff;
	v9 =	vand.u32 v9, v58;
	v0 =	vadd.s32 v0, v12  }
0xa2: {  	v3 =	vadd.s32 v3, v6;
	v1 =	vadd.s32 v1, v9;
	v6 =	vsub.s32 v0, v2  }
0xa3: {  	v7 =	vsub.s32 v1, v3;
	v6 =	vand.u32 v6, v10;
	v10 =	vadd.s32 v62, v36  }
0xa4: {  	v9 =	vshra.s32 v7, $0x1F;
	v0 =	vsub.s32 v0, v6;
	v2 =	vadd.s32 v2, v6  }
0xa5: {  	v7 =	vand.u32 v7, v9;
	v11 =	vsub.s32 v29, v0;
	v29 =	vshrl.u32 v31, $0xF  }
0xa6: {  	v1 =	vsub.s32 v1, v7;
	v5 =	vand.u32 v11, v5;
	v11 =	vand.u32 $0x7FFFFFFF, v51  }
0xa7: {  	v3 =	vadd.s32 v3, v7;
	v0 =	vadd.s32 v0, v5;
	v5 =	vsub.s32 v11, v1  }
0xa8: {  	s30 =	simm.s32 $0x8;
	v7 =	vadd.s32 v63, v36;
	v6 =	vsub.s32 v0, v2;
	v15 =	vshra.s32 v5, $0x1F  }
0xa9: {  	v11 =	vmov s30;
	v52 =	vld.idx.msk [tilespmem:v10+s3+$0x0], $0xffff;
	v6 =	vand.u32 v6, v54;
	v5 =	vand.u32 v5, v15  }
0xaa: {  	v11 =	vshll.u32 v11, $0x7;
	v0 =	vsub.s32 v0, v6;
	v1 =	vadd.s32 v1, v5  }
0xab: {  	v2 =	vadd.s32 v2, v6;
	v5 =	vsub.s32 v20, v0;
	v10 =	vsub.s32 v1, v3  }
0xac: {  	v20 =	vshrl.u32 v48, $0x11;
	v5 =	vand.u32 v5, v8;
	v8 =	vshra.s32 v10, $0x1F  }
0xad: {  	v0 =	vadd.s32 v0, v5;
	v5 =	vor.u32 v30, v11;
	v6 =	vand.u32 v10, v8  }
0xae: {  	v11 =	vand.u32 $0x7FFFFFFF, v52;
	v10 =	vsub.s32 v0, v2;
	v1 =	vsub.s32 v1, v6  }
0xaf: {  	v5 =	vadd.s32 v56, v5;
	v4 =	vand.u32 v10, v4;
	v10 =	vld.idx.msk [tilespmem:v59+s11+$0x0], $0xffff;
	v11 =	vsub.s32 v11, v1  }
0xb0: {  	v3 =	vadd.s32 v3, v6;
	v0 =	vsub.s32 v0, v4;
	v33 =	vshra.s32 v11, $0x1F  }
0xb1: {  	v54 =	vld.idx.msk [tilespmem:v7+s3+$0x0], $0xffff;
	v12 =	vor.u32 $0x60, v5;
	v16 =	vsub.s32 v40, v0;
	v7 =	vand.u32 v11, v33  }
0xb2: {  	v2 =	vadd.s32 v2, v4;
	v6 =	vand.u32 v16, v58;
	v1 =	vadd.s32 v1, v7  }
0xb3: {  	v4 =	vadd.s32 v38, v36;
	v0 =	vadd.s32 v0, v6;
	v6 =	vsub.s32 v1, v3  }
0xb4: {  	v7 =	vsub.s32 v0, v2;
	v11 =	vshra.s32 v10, $0x18;
	v39 =	vshra.s32 v6, $0x1F  }
0xb5: {  	v7 =	vand.u32 v7, v9;
	v9 =	vand.u32 $0xFFFFFF, v10;
	v6 =	vand.u32 v6, v39  }
0xb6: {  	v10 =	vand.u32 $0x7FFFFFFF, v54;
	vm1 =	vne.s32 v11, $0x0;
	v0 =	vsub.s32 v0, v7  }
0xb7: {  	v1 =	vsub.s32 v1, v6;
	v57 =	vadd.s32 $0xFFFFFF80, v9;
	v2 =	vadd.s32 v2, v7  }
0xb8: {  	v12 =	vld.idx.msk [tilespmem:v12+s3+$0x0], $0xffff;
	v7 =	vadd.s32 $0x80, v9;
	v3 =	vadd.s32 v3, v6;
	vm3 =	vlt.u32 v61, v9  }
0xb9: {  	v58 =	vld [tilespmem:$0x1FE70];
	v9 =	vsub.s32 $0x80, v9;
	v16 =	vsub.s32 v35, v0;
	v10 =	vsub.s32 v10, v1  }
0xba: {  	[tilespmem:$0x1FDE0] =	vst v56;
	v56 =	vld.idx.msk [tilespmem:v4+s3+$0x0], $0xffff;
	v18 =	vshrl.u32 v7, $0x18;
	v15 =	vand.u32 v16, v15;
	v4 =	vshra.s32 v10, $0x1F  }
0xbb: {  	vm1 =	vmor vm1, vm3;
	v0 =	vadd.s32 v0, v15;
	v10 =	vand.u32 v10, v4  }
0xbc: {  	v7 =	vand.u32 $0xFFFFFF, v7;
	v15 =	vsub.s32 v0, v2;
	v1 =	vadd.s32 v1, v10  }
0xbd: {  	vm12 =	vge.f32 v12, $0.0e+00;
	v6 =	vand.u32 v15, v8;
	v8 =	vsub.s32 v1, v3  }
0xbe: {  	v10 =	vadd.s32 v58, v36;
	v0 =	vsub.s32 v0, v6;
	v15 =	vshra.s32 v8, $0x1F  }
0xbf: {  	v17 =	vand.u32 $0x7FFFFFFF, v56;
	v16 =	vsub.s32 v62, v0;
	v8 =	vand.u32 v8, v15  }
0xc0: {  	v2 =	vadd.s32 v2, v6;
	v14 =	vand.u32 v16, v33;
	v1 =	vsub.s32 v1, v8  }
0xc1: {  	v16 =	vshra.s32 v57, $0x18;
	v6 =	vadd.s32 v0, v14;
	v40 =	vsub.s32 v17, v1  }
0xc2: {  	v3 =	vadd.s32 v3, v8;
	v0 =	vsub.s32 v6, v2;
	v17 =	vshra.s32 v40, $0x1F  }
0xc3: {  	v14 =	vsel vm1, $0xFFFFFFFF, v26;
	v13 =	vand.u32 v0, v39;
	v0 =	vld.idx.msk [tilespmem:v10+s3+$0x0], $0xffff;
	v10 =	vand.u32 v40, v17  }
0xc4: {  	v8 =	vadd.s32 v1, v10;
	v6 =	vsub.s32 v6, v13;
	v1 =	vadd.s32 v11, v16  }
0xc5: {  	v40 =	vld [tilespmem:$0x1FE80];
	v11 =	vadd.s32 v11, v18;
	v2 =	vadd.s32 v2, v13;
	v18 =	vshrl.u32 v53, $0x12  }
0xc6: {  	v10 =	vsub.s32 v8, v3;
	v59 =	vsub.s32 v63, v6;
	v11 =	vsel vm2, v11, v14  }
0xc7: {  	v18 =	vand.u32 $0x2000, v18;
	v16 =	vshra.s32 v10, $0x1F;
	v4 =	vand.u32 v59, v4  }
0xc8: {  	[tilespmem:$0x1FDF0] =	vst v11;
	v11 =	vsel vm12, $0x0, v41;
	v10 =	vand.u32 v10, v16;
	v4 =	vadd.s32 v6, v4  }
0xc9: {  	v21 =	vld [tilespmem:$0x1FE90];
	v39 =	vor.u32 v5, v11;
	v33 =	vand.u32 $0x7FFFFFFF, v0;
	v8 =	vsub.s32 v8, v10  }
0xca: {  	v35 =	vsub.s32 v4, v2;
	v59 =	vadd.s32 v40, v36;
	v3 =	vadd.s32 v3, v10  }
0xcb: {  	v6 =	vsub.s32 v33, v8;
	v12 =	vand.u32 v35, v15;
	v35 =	vshrl.u32 v46, $0xB  }
0xcc: {  	v46 =	vshrl.u32 v42, $0x9;
	v33 =	vshra.s32 v6, $0x1F;
	v4 =	vsub.s32 v4, v12  }
0xcd: {  	v10 =	vadd.s32 v2, v12;
	v2 =	vsel vm2, v7, v9;
	v6 =	vand.u32 v6, v33  }
0xce: {  	v9 =	vadd.s32 v21, v36;
	v6 =	vadd.s32 v8, v6;
	v8 =	vsub.s32 v38, v4  }
0xcf: {  	v12 =	vand.u32 $0x100000, v35;
	[tilespmem:$0x1FE00] =	vst v2;
	v38 =	vshrl.u32 v44, $0xA;
	v8 =	vand.u32 v8, v17;
	v2 =	vld.idx.msk [tilespmem:v59+s3+$0x0], $0xffff  }
0xd0: {  	v44 =	vshrl.u32 v32, $0x8;
	v7 =	vsub.s32 v6, v3;
	v59 =	vld [tilespmem:$0x1FEC0];
	v4 =	vadd.s32 v4, v8  }
0xd1: {  	v32 =	vand.u32 $0x800000, v44;
	v5 =	vshra.s32 v7, $0x1F;
	v8 =	vsub.s32 v4, v10  }
0xd2: {  	v17 =	vshrl.u32 v24, $0xC;
	v7 =	vand.u32 v7, v5;
	v8 =	vand.u32 v8, v16  }
0xd3: {  	v22 =	vld [tilespmem:$0x1FEA0];
	v17 =	vand.u32 $0x80000, v17;
	v6 =	vsub.s32 v6, v7;
	v4 =	vsub.s32 v4, v8  }
0xd4: {  	v7 =	vadd.s32 v3, v7;
	v8 =	vadd.s32 v10, v8;
	v3 =	vsub.s32 v58, v4  }
0xd5: {  	v11 =	vadd.s32 v59, v36;
	v10 =	vand.u32 $0x7FFFFFFF, v2;
	v2 =	vshrl.u32 v2, $0x1B  }
0xd6: {  	v42 =	vld [tilespmem:$0x1FEB0];
	v3 =	vand.u32 v3, v33;
	v10 =	vsub.s32 v10, v6;
	v33 =	vand.u32 $0x400000, v46  }
0xd7: {  	v4 =	vadd.s32 v4, v3;
	v16 =	vshra.s32 v10, $0x1F;
	v3 =	vld.idx.msk [tilespmem:v9+s3+$0x0], $0xffff;
	v9 =	vand.u32 $0x200000, v38  }
0xd8: {  	v13 =	vor.u32 v32, v33;
	v32 =	vadd.s32 v22, v36;
	v10 =	vand.u32 v10, v16  }
0xd9: {  	v9 =	vor.u32 v9, v13;
	v6 =	vadd.s32 v6, v10;
	v10 =	vsub.s32 v4, v8  }
0xda: {  	v9 =	vor.u32 v12, v9;
	v35 =	vsub.s32 v6, v7;
	v5 =	vand.u32 v10, v5  }
0xdb: {  	v9 =	vor.u32 v17, v9;
	v10 =	vshra.s32 v35, $0x1F;
	v4 =	vsub.s32 v4, v5  }
0xdc: {  	v5 =	vadd.s32 v8, v5;
	v8 =	vadd.s32 v42, v36;
	v9 =	vor.u32 v19, v9  }
0xdd: {  	v38 =	vand.u32 v35, v10;
	v44 =	vsub.s32 v40, v4;
	v46 =	vand.u32 $0x7FFFFFFF, v3  }
0xde: {  	v3 =	vshrl.u32 v3, $0x1C;
	v6 =	vsub.s32 v6, v38;
	v12 =	vand.u32 v44, v16  }
0xdf: {  	s31 =	sadd.s32 $0x8, s18;
	v15 =	vld.idx.msk [tilespmem:v32+s3+$0x0], $0xffff;
	v7 =	vadd.s32 v7, v38;
	v38 =	vadd.s32 v34, v39;
	v16 =	vshrl.u32 v55, $0x13  }
0xe0: {  	v44 =	vor.u32 s31, v28;
	v14 =	vsub.s32 v46, v6;
	v4 =	vadd.s32 v4, v12  }
0xe1: {  	v46 =	vadd.s32 v27, v39;
	v33 =	vshra.s32 v14, $0x1F;
	v35 =	vsub.s32 v4, v5  }
0xe2: {  	v16 =	vand.u32 $0x1000, v16;
	v14 =	vand.u32 v14, v33;
	v10 =	vand.u32 v35, v10  }
0xe3: {  	v6 =	vadd.s32 v6, v14;
	v4 =	vsub.s32 v4, v10;
	v5 =	vadd.s32 v5, v10  }
0xe4: {  	v10 =	vand.u32 $0x7FFFFFFF, v15;
	v17 =	vsub.s32 v6, v7;
	v19 =	vsub.s32 v21, v4  }
0xe5: {  	v43 =	vmovc v21;
	v8 =	vld.idx.msk [tilespmem:v8+s3+$0x0], $0xffff;
	v21 =	vshrl.u32 v47, $0x10;
	v47 =	vshrl.u32 v37, $0xE;
	v12 =	vand.u32 v19, v33  }
0xe6: {  	v11 =	vld.idx.msk [tilespmem:v11+s3+$0x0], $0xffff;
	v19 =	vshra.s32 v17, $0x1F;
	v13 =	vand.u32 $0x20000, v47;
	v21 =	vand.u32 $0x8000, v21  }
0xe7: {  	v33 =	vand.u32 $0x10000, v29;
	v17 =	vand.u32 v17, v19;
	v4 =	vadd.s32 v4, v12  }
0xe8: {  	v24 =	vld.idx.msk [tilespmem:v46+s3+$0x0], $0xffff;
	v9 =	vor.u32 v13, v9;
	v6 =	vsub.s32 v6, v17;
	v7 =	vadd.s32 v7, v17  }
0xe9: {  	v17 =	vsub.s32 v4, v5;
	v9 =	vadd.s32 v33, v9;
	v10 =	vsub.s32 v10, v6  }
0xea: {  	v17 =	vand.u32 v17, v19;
	v19 =	vand.u32 $0x7FFFFFFF, v8;
	v9 =	vadd.s32 v21, v9  }
0xeb: {  	v21 =	vshrl.u32 v11, $0x1F;
	v48 =	vshra.s32 v10, $0x1F;
	v4 =	vsub.s32 v4, v17  }
0xec: {  	v5 =	vadd.s32 v5, v17;
	v10 =	vand.u32 v10, v48;
	v53 =	vsub.s32 v22, v4  }
0xed: {  	v6 =	vadd.s32 v6, v10;
	v10 =	vand.u32 $0x7FFFFFFF, v24;
	v12 =	vand.u32 v53, v48  }
0xee: {  	v55 =	vsub.s32 v6, v7;
	v10 =	vadd.s32 $0x80000001, v10;
	v4 =	vadd.s32 v4, v12  }
0xef: {  	[tilespmem:$0x1FE10] =	vst v24;
	v24 =	vld.idx.msk [tilespmem:v38+s3+$0x0], $0xffff;
	v17 =	vshra.s32 v55, $0x1F;
	v46 =	vshra.s32 v10, $0x1F;
	v35 =	vsub.s32 v4, v5  }
0xf0: {  	v32 =	vand.u32 v55, v17;
	v10 =	vand.u32 v10, v46;
	v14 =	vand.u32 v35, v17  }
0xf1: {  	v17 =	vand.u32 $0x4000, v20;
	v55 =	vadd.s32 v23, v39;
	v6 =	vsub.s32 v6, v32  }
0xf2: {  	v47 =	vshra.s32 v10, $0x1F;
	v7 =	vadd.s32 v7, v32;
	v4 =	vsub.s32 v4, v14  }
0xf3: {  	v9 =	vadd.s32 v17, v9;
	v5 =	vadd.s32 v5, v14;
	v34 =	vsub.s32 v19, v6  }
0xf4: {  	v37 =	vand.u32 $0x7FFFFFFF, v24;
	v38 =	vand.u32 v10, v47;
	v17 =	vsub.s32 v42, v4  }
0xf5: {  	v20 =	vmovc v42;
	v9 =	vadd.s32 v18, v9;
	v18 =	vand.u32 $0x7FFFFFFF, v11;
	v42 =	vnsel vm2, $0xFFFFFFFF, v1  }
0xf6: {  	v11 =	vshrl.u32 v0, $0x1A;
	v19 =	vshra.s32 v34, $0x1F;
	v10 =	vsub.s32 v10, v38  }
0xf7: {  	v0 =	vshrl.u32 v51, $0x16;
	v13 =	vand.u32 v34, v19;
	v10 =	vadd.s32 $0x7FFFFFFF, v10  }
0xf8: {  	v9 =	vadd.s32 v16, v9;
	v6 =	vadd.s32 v6, v13;
	v12 =	vsub.s32 v37, v10  }
0xf9: {  	v17 =	vand.u32 v17, v19;
	v48 =	vshra.s32 v12, $0x1F;
	v53 =	vsub.s32 v6, v7  }
0xfa: {  	v4 =	vadd.s32 v4, v17;
	v17 =	vshra.s32 v53, $0x1F;
	v12 =	vand.u32 v12, v48  }
0xfb: {  	v14 =	vand.u32 v53, v17;
	v12 =	vadd.s32 v10, v12;
	v10 =	vsub.s32 v4, v5  }
0xfc: {  	v0 =	vand.u32 $0x200, v0;
	v6 =	vsub.s32 v6, v14;
	v10 =	vand.u32 v10, v17  }
0xfd: {  	v7 =	vadd.s32 v7, v14;
	v17 =	vsub.s32 v18, v6;
	v18 =	vshrl.u32 v49, $0x14  }
0xfe: {  	v4 =	vsub.s32 v4, v10;
	v16 =	vshra.s32 v17, $0x1F;
	v18 =	vand.u32 $0x800, v18  }
0xff: {  	v5 =	vadd.s32 v5, v10;
	v17 =	vand.u32 v17, v16;
	v9 =	vadd.s32 v18, v9  }
0x100: {  	v19 =	vmovc v59;
	v6 =	vadd.s32 v6, v17;
	v17 =	vsub.s32 v59, v4;
	v59 =	vshrl.u32 v54, $0x18  }
0x101: {  	v54 =	vand.u32 $0x8, v3;
	v16 =	vand.u32 v17, v16;
	v17 =	vshrl.u32 v50, $0x15  }
0x102: {  	v50 =	vand.u32 $0x10, v2;
	v10 =	vadd.s32 v4, v16;
	v4 =	vsub.s32 v6, v7  }
0x103: {  	v17 =	vand.u32 $0x400, v17;
	v16 =	vshra.s32 v4, $0x1F;
	v18 =	vsub.s32 v10, v5  }
0x104: {  	v9 =	vadd.s32 v17, v9;
	v17 =	vand.u32 $0xFFFFFF, v57;
	v57 =	vshrl.u32 v56, $0x19  }
0x105: {  	v29 =	vld [tilespmem:$0x1FED0];
	v4 =	vand.u32 v4, v16;
	v16 =	vand.u32 v18, v16;
	v1 =	vnsel vm2, $0x0, v17  }
0x106: {  	v18 =	vld.idx.msk [tilespmem:v55+s3+$0x0], $0xffff;
	v17 =	vshrl.u32 v52, $0x17;
	v0 =	vadd.s32 v0, v9;
	v55 =	vand.u32 $0x20, v11  }
0x107: {  	[tilespmem:$0x1FE30] =	vst v1;
	v1 =	vshrl.u32 v8, $0x1E;
	v8 =	vshrl.u32 v15, $0x1D;
	v2 =	vand.u32 $0x100, v17  }
0x108: {  	v3 =	vadd.s32 v7, v4;
	v7 =	vsub.s32 v6, v4;
	v6 =	vsub.s32 v10, v16  }
0x109: {  	v52 =	vand.u32 $0x2, v1;
	v53 =	vand.u32 $0x4, v8;
	v1 =	vadd.s32 $0x7FFFFFFF, v38  }
0x10a: {  	v8 =	vand.u32 $0x80, v59;
	v9 =	vadd.s32 v2, v0;
	v0 =	vadd.s32 v5, v16  }
0x10b: {  	v4 =	vperm.xlane v3, v29;
	v13 =	vsub.s32 v12, v1;
	v2 =	vperm.xlane v0, v29  }
0x10c: {  	v5 =	vand.u32 $0x40, v57;
	v8 =	vadd.s32 v8, v9;
	v51 =	vshra.s32 v13, $0x1F  }
0x10d: {  	vm2 =	veq.s32 v4, v3;
	v9 =	vadd.s32 v5, v8;
	vm3 =	vlt.s32 v2, v0  }
0x10e: {  	v8 =	vperm.xlane v7, v29;
	vm4 =	vlt.s32 v4, v3;
	vm2 =	vmand vm2, vm3  }
0x10f: {  	[tilespmem:$0x1FE20] =	vst v24;
	v10 =	vperm.xlane v6, v29;
	v5 =	vand.u32 v13, v51;
	vm2 =	vmor vm4, vm2  }
0x110: {  	s19 =	simm.s32 $0x10;
	v32 =	vmovc v58;
	[tilespmem:$0x1FE40] =	vst v18;
	v49 =	vand.u32 $0x7FFFFFFF, v18;
	v7 =	vsel vm2, v8, v7;
	v8 =	vsub.s32 v12, v5  }
.LBB2_4:
0x111: {  	v11 =	vimm.s32 $0x0;
	v3 =	vsel vm2, v3, v4;
	v4 =	vsel vm2, v0, v2  }
0x112: {  	v9 =	vadd.s32 v55, v9;
	v0 =	vsel vm2, v2, v0;
	v6 =	vsel vm2, v10, v6  }
0x113: {  	vm3 =	veq.s32 v3, v7;
	v9 =	vadd.s32 v50, v9;
	vm4 =	vlt.s32 v4, v6  }
0x114: {  	vm5 =	vlt.s32 v3, v7;
	v3 =	vadd.s32 v54, v9;
	vm3 =	vmand vm3, vm4  }
0x115: {  	v13 =	vimm.s32 $0x1;
	v2 =	vadd.s32 v53, v3;
	vm2 =	vmor vm5, vm3  }
0x116: {  	v3 =	vsub.s32 v49, v8;
	v4 =	vsel vm2, v4, v6;
	v6 =	vadd.s32 v36, v0  }
0x117: {  	v7 =	vadd.s32 v52, v2;
	v50 =	vshra.s32 v3, $0x1F;
	v9 =	vadd.s32 v36, v4  }
0x118: {  	vm3 =	vlt.s32 v60, v0;
	v7 =	vadd.s32 v21, v7;
	v10 =	vand.u32 v3, v50  }
0x119: {  	v3 =	vadd.s32 v1, v5;
	v5 =	vsub.s32 $0x17, v0;
	v12 =	vperm.xlane v7, v29  }
0x11a: {  	v1 =	vadd.s32 v8, v10;
	vm2 =	vgt.s32 v5, $0x0;
	v10 =	vsub.s32 $0x2F, v0  }
0x11b: {  	v56 =	vsub.s32 $0x2F, v4;
	v5 =	vnsel vm2, $0x0, v5;
	vm2 =	vlt.s32 v0, $0x18;
	v6 =	vld.idx.msk [tilespmem:v6+s3+$0x0], $0xffff  }
0x11c: {  	v0 =	vshll.u32 v13, v10;
	v10 =	vsub.s32 $0x17, v4;
	v8 =	vsel vm11, v7, v12;
	v9 =	vld.idx.msk [tilespmem:v9+s3+$0x0], $0xffff  }
0x11d: {  	v7 =	vsel vm11, v12, v7;
	v5 =	vshll.u32 v13, v5;
	v0 =	vnsel vm3, $0x0, v0  }
0x11e: {  	vm3 =	vlt.s32 v4, $0x18;
	v5 =	vnsel vm2, $0x0, v5;
	vm2 =	vgt.s32 v10, $0x0  }
0x11f: {  	v10 =	vnsel vm2, $0x0, v10;
	vm2 =	vlt.s32 v60, v4;
	v4 =	vshll.u32 v13, v56  }
0x120: {  	v10 =	vshll.u32 v13, v10;
	v4 =	vnsel vm2, $0x0, v4;
	vm2 =	vgt.s32 v6, $0xFFFFFFFF  }
0x121: {  	v57 =	vld [tilespmem:$0x1FDF0];
	v6 =	vnsel vm3, $0x0, v10;
	vm3 =	vgt.s32 v9, $0xFFFFFFFF;
	v9 =	vnsel vm2, $0x0, v5  }
0x122: {  	v10 =	vnsel vm3, $0x0, v6;
	v8 =	vadd.s32 v9, v8;
	v9 =	vnsel vm2, $0x0, v0  }
0x123: {  	v58 =	vld [tilespmem:$0x1FE30];
	v8 =	vadd.s32 v10, v8;
	v10 =	vnsel vm3, $0x0, v4;
	v7 =	vadd.s32 v9, v7  }
0x124: {  	v14 =	vimm.s32 $0x0;
	v11 =	vsel vm12, $0xFFFFFFFF, v11;
	v36 =	vmovc v39;
	v7 =	vadd.s32 v10, v7  }
0x125: {  	[tilespmem:$0x1FD60] =	vst v11;
	v11 =	vadd.s32 v45, v36;
	v8 =	vsub.s32 $0xFFFFFF, v8;
	v7 =	vsub.s32 $0xFFFFFF, v7  }
0x126: {  	v10 =	vld [tilespmem:$0x1FE00];
	vm7 =	vgt.s32 v8, v42;
	vm3 =	vlt.s32 v8, v57;
	vm4 =	veq.s32 v8, v42  }
0x127: {  	vm6 =	veq.s32 v8, v57;
	v5 =	vadd.s32 v5, v8;
	v8 =	vadd.s32 v6, v8  }
0x128: {  	vm5 =	vge.s32 v7, v58;
	v0 =	vadd.s32 v0, v7;
	vm0 =	vgt.s32 v5, v42  }
0x129: {  	vm10 =	veq.s32 v5, v42;
	vm12 =	veq.s32 v5, v57;
	vm14 =	veq.s32 v8, v42  }
0x12a: {  	v14 =	vsel vm0, $0xFFFFFFFF, v14;
	vm11 =	vge.s32 v0, v58;
	vm0 =	veq.s32 v8, v57  }
0x12b: {  	vm8 =	vle.s32 v7, v10;
	v7 =	vadd.s32 v4, v7;
	vm13 =	vle.s32 v0, v10  }
0x12c: {  	v0 =	vadd.s32 v4, v0;
	vm8 =	vmand vm8, vm6;
	vm1 =	vle.s32 v7, v10  }
0x12d: {  	[tilespmem:$0x1FD50] =	vst v14;
	vm3 =	vmor vm3, vm8;
	vm8 =	vmand vm11, vm10;
	vm10 =	vmand vm13, vm12  }
0x12e: {  	vm12 =	vge.s32 v0, v58;
	vm0 =	vmand vm1, vm0;
	vm1 =	vle.s32 v0, v10;
	v0 =	vld [tilespmem:$0x1FD50]  }
0x12f: {  	vm9 =	vmand vm5, vm4;
	vm4 =	vgt.s32 v8, v42;
	vm5 =	vlt.s32 v8, v57  }
0x130: {  	vm7 =	vmor vm7, vm9;
	vm6 =	vlt.s32 v5, v57;
	v5 =	vadd.s32 v6, v5  }
0x131: {  	vm15 =	vge.s32 v7, v58;
	vm9 =	vgt.s32 v5, v42;
	vm2 =	vlt.s32 v5, v57  }
0x132: {  	vm11 =	veq.s32 v5, v42;
	vm13 =	veq.s32 v5, v57;
	vm14 =	vmand vm15, vm14  }
0x133: {  	vm3 =	vmand vm7, vm3;
	vm6 =	vmor vm6, vm10;
	vm7 =	vnez.u8 v0;
	v0 =	vld [tilespmem:$0x1FF20]  }
0x134: {  	v49 =	vld.idx.msk [tilespmem:v11+s3+$0x0], $0xffff;
	vm4 =	vmor vm4, vm14;
	vm0 =	vmor vm5, vm0;
	vm1 =	vmand vm1, vm13  }
0x135: {  	v5 =	vld [tilespmem:$0x1FD60];
	vm5 =	vmand vm12, vm11;
	vm0 =	vmand vm4, vm0;
	vm1 =	vmor vm2, vm1  }
0x136: {  	v31 =	vld [tilespmem:$0x1FF40];
	vm0 =	vmor vm3, vm0;
	vm3 =	vmor vm9, vm5;
	vm7 =	vmor vm7, vm8  }
0x137: {  	v9 =	vsub.s32 v1, v3;
	vm1 =	vmand vm3, vm1;
	vm4 =	vmand vm7, vm6  }
0x138: {  	vm0 =	vmor vm4, vm0;
	vm11 =	vnez.u8 v0;
	v0 =	vshra.s32 v9, $0x1F  }
0x139: {  	vm0 =	vmor vm1, vm0;
	v4 =	vand.u32 v9, v0  }
0x13a: {  	v6 =	vld [tilespmem:$0x1FF30];
	vm1 =	vnez.u8 v5;
	v5 =	vsub.s32 v1, v4;
	v1 =	vand.u32 $0x7FFFFFFF, v49  }
0x13b: {  	v2 =	vadd.s32 v31, v36;
	v7 =	vsub.s32 v1, v5;
	v1 =	vld [tilespmem:$0x1FDD0];
	_ =	sdelay $0x3  }
0x13c: {  	v6 =	vnsel vm0, $0x0, v6  }
0x13d: {  	v52 =	vld.idx.msk [tilespmem:v2+s3+$0x0], $0xffff;
	v1 =	vadd.s32 v1, v6;
	v6 =	vmov s19  }
0x13e: {  	v3 =	vadd.s32 v3, v4;
	v4 =	vld [tilespmem:$0x1FDE0];
	v2 =	vshll.u32 v6, $0x7  }
0x13f: {  	v33 =	vmov v30;
	v2 =	vor.u32 v30, v2;
	v30 =	vld [tilespmem:$0x1FF50]  }
0x140: {  	v34 =	vld [tilespmem:$0x1FFF0];
	[tilespmem:$0x1FDD0] =	vst v1;
	v1 =	vshra.s32 v7, $0x1F  }
0x141: {  	v6 =	vand.u32 v7, v1  }
0x142: {  	v8 =	vld.idx.msk [tilespmem:v44+s11+$0x0], $0xffff;
	v5 =	vadd.s32 v5, v6  }
0x143: {  	s20 =	sadd.s32 s19, s18;
	v9 =	vadd.s32 v4, v2;
	v2 =	vsub.s32 v5, v3  }
0x144: {  	v10 =	vor.u32 s20, v28;
	v4 =	vshra.s32 v2, $0x1F;
	v6 =	vadd.s32 v30, v36  }
0x145: {  	v16 =	vadd.s32 v34, v36;
	[tilespmem:$0x1FD70] =	vst v10;
	v10 =	vand.u32 v2, v4  }
0x146: {  	v7 =	vor.u32 $0x60, v9;
	v2 =	vand.u32 $0x7FFFFFFF, v52;
	v5 =	vsub.s32 v5, v10  }
0x147: {  	v11 =	vshra.s32 v8, $0x18;
	v8 =	vand.u32 $0xFFFFFF, v8;
	v59 =	vsub.s32 v2, v5  }
0x148: {  	v60 =	vadd.s32 $0xFFFFFF80, v8;
	v38 =	vsub.s32 $0x80, v8;
	v2 =	vshra.s32 v59, $0x1F  }
0x149: {  	v15 =	vadd.s32 $0x80, v8;
	vm2 =	vmmov vm1;
	v53 =	vld.idx.msk [tilespmem:v6+s3+$0x0], $0xffff;
	v6 =	vand.u32 v59, v2  }
0x14a: {  	vm1 =	vlt.u32 v61, v8;
	v8 =	vadd.s32 v3, v10;
	v3 =	vadd.s32 v5, v6  }
0x14b: {  	v13 =	vshra.s32 v60, $0x18;
	vm0 =	vne.s32 v11, $0x0;
	v7 =	vld.idx.msk [tilespmem:v7+s3+$0x0], $0xffff;
	v10 =	vsub.s32 v3, v8  }
0x14c: {  	v13 =	vadd.s32 v11, v13;
	vm0 =	vmor vm0, vm1;
	v6 =	vshra.s32 v10, $0x1F  }
0x14d: {  	v17 =	vsel vm0, $0xFFFFFFFF, v26;
	v5 =	vand.u32 $0xFFFFFF, v15;
	v10 =	vand.u32 v10, v6  }
0x14e: {  	v15 =	vshrl.u32 v15, $0x18;
	v42 =	vsub.s32 v3, v10;
	v3 =	vand.u32 $0x7FFFFFFF, v53  }
0x14f: {  	v11 =	vadd.s32 v11, v15;
	v5 =	vsel vm2, v5, v38;
	v18 =	vsub.s32 v3, v42  }
0x150: {  	vm12 =	vge.f32 v7, $0.0e+00;
	v11 =	vsel vm2, v11, v17;
	[tilespmem:$0x1FE00] =	vst v5;
	v7 =	vshra.s32 v18, $0x1F  }
0x151: {  	v35 =	vld.idx.msk [tilespmem:v16+s3+$0x0], $0xffff;
	[tilespmem:$0x1FDF0] =	vst v11;
	v11 =	vsel vm12, $0x0, v41;
	v3 =	vnsel vm2, $0xFFFFFFFF, v13;
	v44 =	vand.u32 v18, v7  }
0x152: {  	v57 =	vor.u32 v9, v11;
	v9 =	vadd.s32 v8, v10;
	[tilespmem:$0x1FDB0] =	vst v3;
	v3 =	vld [tilespmem:$0x1FFE0];
	v5 =	vadd.s32 v42, v44  }
0x153: {  	v10 =	vsub.s32 v5, v9  }
0x154: {  	v8 =	vshra.s32 v10, $0x1F  }
0x155: {  	v37 =	vmov v45;
	v45 =	vand.u32 v10, v8  }
0x156: {  	v18 =	vsub.s32 v5, v45;
	v5 =	vand.u32 $0x7FFFFFFF, v35  }
0x157: {  	v14 =	vadd.s32 v20, v36;
	v11 =	vadd.s32 v3, v36;
	v20 =	vsub.s32 v5, v18;
	v5 =	vld [tilespmem:$0x1FF10]  }
0x158: {  	v39 =	vand.u32 $0xFFFFFF, v60  }
0x159: {  	v12 =	vnsel vm2, $0x0, v39;
	v44 =	vld [tilespmem:$0x1FFC0]  }
0x15a: {  	v23 =	vld [tilespmem:$0x1FE50];
	v16 =	vadd.s32 v40, v36;
	[tilespmem:$0x1FE30] =	vst v12;
	v12 =	vadd.s32 v19, v36  }
0x15b: {  	v40 =	vld [tilespmem:$0x1FF80];
	v19 =	vadd.s32 v32, v36;
	v17 =	vadd.s32 v43, v36;
	v10 =	vshra.s32 v20, $0x1F  }
0x15c: {  	v38 =	vadd.s32 v5, v36;
	v5 =	vld.idx.msk [tilespmem:v11+s3+$0x0], $0xffff;
	v11 =	vand.u32 v20, v10;
	v20 =	vand.u32 v27, v46  }
0x15d: {  	v24 =	vld [tilespmem:$0x1FE60];
	v9 =	vadd.s32 v9, v45;
	v11 =	vadd.s32 v18, v11;
	v15 =	vand.u32 v20, v47  }
0x15e: {  	v32 =	vadd.s32 v44, v36;
	v18 =	vsub.s32 v11, v9;
	v20 =	vsub.s32 v20, v15  }
0x15f: {  	v13 =	vadd.s32 v22, v36;
	v29 =	vshra.s32 v18, $0x1F;
	v54 =	vsub.s32 v23, v20  }
0x160: {  	v47 =	vadd.s32 v40, v36;
	v46 =	vand.u32 v18, v29;
	v18 =	vand.u32 v54, v48  }
0x161: {  	v48 =	vld.idx.msk [tilespmem:v12+s3+$0x0], $0xffff;
	v11 =	vsub.s32 v11, v46;
	v55 =	vand.u32 $0x7FFFFFFF, v5;
	v12 =	vadd.s32 v20, v18  }
0x162: {  	v18 =	vadd.s32 v24, v57;
	v20 =	vsub.s32 v55, v11;
	v58 =	vsub.s32 v12, v15  }
0x163: {  	v32 =	vld.idx.msk [tilespmem:v32+s3+$0x0], $0xffff;
	v23 =	vadd.s32 v23, v57;
	[tilespmem:$0x1FD80] =	vst v18;
	v18 =	vshra.s32 v20, $0x1F;
	v55 =	vand.u32 v58, v51  }
0x164: {  	[tilespmem:$0x1FD90] =	vst v23;
	v58 =	vld.idx.msk [tilespmem:v14+s3+$0x0], $0xffff;
	v20 =	vand.u32 v20, v18;
	v14 =	vsub.s32 v12, v55  }
0x165: {  	v23 =	vadd.s32 v9, v46;
	v9 =	vld.idx.msk [tilespmem:v17+s3+$0x0], $0xffff;
	v11 =	vadd.s32 v11, v20;
	v45 =	vsub.s32 v24, v14  }
0x166: {  	v12 =	vld.idx.msk [tilespmem:v13+s3+$0x0], $0xffff;
	v17 =	vshrl.u32 v48, $0x1F;
	v20 =	vsub.s32 v11, v23;
	v13 =	vand.u32 v45, v50  }
0x167: {  	[tilespmem:$0x1FDC0] =	vst v17;
	v17 =	vadd.s32 v15, v55;
	v51 =	vshra.s32 v20, $0x1F;
	v13 =	vadd.s32 v14, v13  }
0x168: {  	v14 =	vand.u32 v20, v51;
	v15 =	vsub.s32 v13, v17  }
0x169: {  	v20 =	vsub.s32 v11, v14;
	v11 =	vand.u32 $0x7FFFFFFF, v32;
	v0 =	vand.u32 v15, v0  }
0x16a: {  	v43 =	vld [tilespmem:$0x1FF70];
	v46 =	vsub.s32 v11, v20;
	v55 =	vsub.s32 v13, v0  }
0x16b: {  	v21 =	vadd.s32 v63, v36;
	v11 =	vld.idx.msk [tilespmem:v19+s3+$0x0], $0xffff;
	v19 =	vshra.s32 v46, $0x1F;
	v25 =	vsub.s32 v37, v55  }
0x16c: {  	v24 =	vld.idx.msk [tilespmem:v47+s3+$0x0], $0xffff;
	v23 =	vadd.s32 v23, v14;
	v15 =	vand.u32 v46, v19;
	v1 =	vand.u32 v25, v1  }
0x16d: {  	v41 =	vld [tilespmem:$0x1FF90];
	v0 =	vadd.s32 v17, v0;
	v25 =	vadd.s32 v20, v15;
	v1 =	vadd.s32 v55, v1  }
0x16e: {  	v14 =	vsub.s32 v25, v23;
	v17 =	vsub.s32 v1, v0  }
0x16f: {  	v22 =	vadd.s32 v43, v36;
	v20 =	vshra.s32 v14, $0x1F;
	v4 =	vand.u32 v17, v4  }
0x170: {  	v15 =	vld.idx.msk [tilespmem:v21+s3+$0x0], $0xffff;
	v21 =	vand.u32 v14, v20;
	v1 =	vsub.s32 v1, v4  }
0x171: {  	v46 =	vand.u32 $0x7FFFFFFF, v24;
	v25 =	vsub.s32 v25, v21;
	v26 =	vsub.s32 v31, v1  }
0x172: {  	v63 =	vadd.s32 v41, v36;
	v13 =	vld.idx.msk [tilespmem:v38+s3+$0x0], $0xffff;
	v38 =	vsub.s32 v46, v25;
	v2 =	vand.u32 v26, v2  }
0x173: {  	v28 =	vadd.s32 v0, v4;
	v26 =	vshra.s32 v38, $0x1F;
	v1 =	vadd.s32 v1, v2  }
0x174: {  	v22 =	vld.idx.msk [tilespmem:v22+s3+$0x0], $0xffff;
	v0 =	vand.u32 v38, v26;
	v2 =	vsub.s32 v1, v28  }
0x175: {  	v39 =	vld [tilespmem:$0x1FF60];
	v23 =	vadd.s32 v23, v21;
	v21 =	vadd.s32 v25, v0;
	v2 =	vand.u32 v2, v6  }
0x176: {  	v42 =	vld [tilespmem:$0x1FFA0];
	v45 =	vshrl.u32 v12, $0x1D;
	v6 =	vsub.s32 v21, v23;
	v1 =	vsub.s32 v1, v2  }
0x177: {  	v56 =	vadd.s32 v62, v36;
	[tilespmem:$0x1FDA0] =	vst v45;
	v31 =	vshra.s32 v6, $0x1F;
	v45 =	vsub.s32 v30, v1  }
0x178: {  	v38 =	vld.idx.msk [tilespmem:v63+s3+$0x0], $0xffff;
	v28 =	vadd.s32 v28, v2;
	v6 =	vand.u32 v6, v31;
	v7 =	vand.u32 v45, v7  }
0x179: {  	v63 =	vsub.s32 v21, v6;
	v21 =	vand.u32 $0x7FFFFFFF, v22;
	v1 =	vadd.s32 v1, v7  }
0x17a: {  	v62 =	vadd.s32 v39, v36;
	v7 =	vsub.s32 v21, v63;
	v21 =	vsub.s32 v1, v28  }
0x17b: {  	v60 =	vadd.s32 v42, v36;
	v30 =	vshra.s32 v7, $0x1F;
	v8 =	vand.u32 v21, v8  }
0x17c: {  	v6 =	vadd.s32 v23, v6;
	v7 =	vand.u32 v7, v30;
	v45 =	vsub.s32 v1, v8  }
0x17d: {  	v21 =	vshrl.u32 v38, $0x13;
	v7 =	vadd.s32 v63, v7;
	v23 =	vsub.s32 v34, v45  }
0x17e: {  	v1 =	vshrl.u32 v22, $0x12;
	v22 =	vsub.s32 v7, v6;
	v10 =	vand.u32 v23, v10  }
0x17f: {  	v8 =	vadd.s32 v28, v8;
	v23 =	vshra.s32 v22, $0x1F;
	v10 =	vadd.s32 v45, v10  }
0x180: {  	v63 =	vshrl.u32 v24, $0x11;
	v22 =	vand.u32 v22, v23;
	v24 =	vsub.s32 v10, v8  }
0x181: {  	v61 =	vld [tilespmem:$0x1FFD0];
	v28 =	vand.u32 $0x7FFFFFFF, v38;
	v7 =	vsub.s32 v7, v22;
	v24 =	vand.u32 v24, v29  }
0x182: {  	v38 =	vshrl.u32 v32, $0x10;
	v28 =	vsub.s32 v28, v7;
	v10 =	vsub.s32 v10, v24  }
0x183: {  	v25 =	vld.idx.msk [tilespmem:v62+s3+$0x0], $0xffff;
	v0 =	vmovc v33;
	v32 =	vshrl.u32 v5, $0xF;
	v33 =	vshra.s32 v28, $0x1F;
	v3 =	vsub.s32 v3, v10  }
0x184: {  	v5 =	vand.u32 v28, v33;
	v3 =	vand.u32 v3, v18;
	v18 =	vadd.s32 v6, v22  }
0x185: {  	v16 =	vld.idx.msk [tilespmem:v16+s3+$0x0], $0xffff;
	v5 =	vadd.s32 v7, v5;
	v7 =	vadd.s32 v8, v24;
	v6 =	vadd.s32 v10, v3  }
0x186: {  	v59 =	vadd.s32 v61, v36;
	v10 =	vsub.s32 v5, v18;
	v22 =	vsub.s32 v6, v7  }
0x187: {  	v54 =	vadd.s32 v27, v57;
	v24 =	vshra.s32 v10, $0x1F;
	v22 =	vand.u32 v22, v51  }
0x188: {  	v27 =	vld.idx.msk [tilespmem:v60+s3+$0x0], $0xffff;
	v2 =	vshrl.u32 v25, $0x14;
	v10 =	vand.u32 v10, v24;
	v28 =	vsub.s32 v6, v22  }
0x189: {  	v45 =	vsub.s32 v5, v10;
	v5 =	vand.u32 $0x7FFFFFFF, v25;
	v25 =	vsub.s32 v44, v28  }
0x18a: {  	v50 =	vshrl.u32 v58, $0x1E;
	v55 =	vshrl.u32 v16, $0x1B;
	v19 =	vand.u32 v25, v19  }
0x18b: {  	v14 =	vld.idx.msk [tilespmem:v56+s3+$0x0], $0xffff;
	v56 =	vshrl.u32 v11, $0x1A;
	v22 =	vadd.s32 v7, v22;
	v19 =	vadd.s32 v28, v19  }
0x18c: {  	v8 =	vshrl.u32 v53, $0xD;
	v53 =	vsub.s32 v5, v45;
	v28 =	vsub.s32 v19, v22  }
0x18d: {  	v62 =	vshrl.u32 v27, $0x15;
	v25 =	vshra.s32 v53, $0x1F;
	v20 =	vand.u32 v28, v20  }
0x18e: {  	v27 =	vand.u32 $0x7FFFFFFF, v27;
	v7 =	vand.u32 v53, v25;
	v19 =	vsub.s32 v19, v20  }
0x18f: {  	v18 =	vadd.s32 v18, v10;
	v34 =	vadd.s32 v45, v7;
	v40 =	vsub.s32 v40, v19  }
0x190: {  	v29 =	vshrl.u32 v35, $0xE;
	v28 =	vsub.s32 v34, v18;
	v26 =	vand.u32 v40, v26  }
0x191: {  	v20 =	vadd.s32 v22, v20;
	v53 =	vshra.s32 v28, $0x1F;
	v19 =	vadd.s32 v19, v26  }
0x192: {  	v3 =	vshrl.u32 v52, $0xC;
	v28 =	vand.u32 v28, v53;
	v26 =	vsub.s32 v19, v20  }
0x193: {  	v51 =	vand.u32 $0x7FFFFFFF, v48;
	v35 =	vsub.s32 v34, v28;
	v26 =	vand.u32 v26, v31  }
0x194: {  	v48 =	vand.u32 $0x7FFFFFFF, v58;
	v22 =	vsub.s32 v27, v35;
	v19 =	vsub.s32 v19, v26  }
0x195: {  	v58 =	vand.u32 $0x7FFFFFFF, v12;
	v27 =	vshra.s32 v22, $0x1F;
	v52 =	vsub.s32 v43, v19  }
0x196: {  	v18 =	vadd.s32 v18, v28;
	v22 =	vand.u32 v22, v27;
	v30 =	vand.u32 v52, v30  }
0x197: {  	v20 =	vadd.s32 v20, v26;
	v22 =	vadd.s32 v35, v22;
	v19 =	vadd.s32 v19, v30  }
0x198: {  	v17 =	vld.idx.msk [tilespmem:v59+s3+$0x0], $0xffff;
	v12 =	vand.u32 $0x7FFFFFFF, v16;
	v28 =	vsub.s32 v22, v18;
	v16 =	vsub.s32 v19, v20  }
0x199: {  	v31 =	vshra.s32 v28, $0x1F;
	v23 =	vand.u32 v16, v23;
	v16 =	vand.u32 $0x7FFFFFFF, v11;
	v11 =	vld [tilespmem:$0x1FD90]  }
0x19a: {  	v26 =	vand.u32 v28, v31;
	v28 =	vld [tilespmem:$0x1FD80];
	_ =	sdelay $0x1  }
0x19b: {  	v47 =	vshrl.u32 v9, $0x1C;
	v9 =	vand.u32 $0x7FFFFFFF, v9  }
0x19c: {  	v59 =	vshrl.u32 v13, $0x19;
	v13 =	vand.u32 $0x7FFFFFFF, v13;
	v60 =	vshrl.u32 v15, $0x18  }
0x19d: {  	v4 =	vshrl.u32 v17, $0x16;
	v17 =	vand.u32 $0x7FFFFFFF, v17;
	v46 =	vshrl.u32 v14, $0x17  }
0x19e: {  	v14 =	vand.u32 $0x7FFFFFFF, v14;
	v2 =	vand.u32 $0x800, v2;
	v5 =	vld [tilespmem:$0x1FE40];
	v22 =	vsub.s32 v22, v26  }
0x19f: {  	v8 =	vand.u32 $0x40000, v8;
	v3 =	vand.u32 $0x80000, v3;
	v7 =	vld [tilespmem:$0x1FE10];
	v17 =	vsub.s32 v17, v22  }
0x1a0: {  	v6 =	vshrl.u32 v49, $0xB;
	v35 =	vld.idx.msk [tilespmem:v11+s3+$0x0], $0xffff;
	v11 =	vsub.s32 v19, v23;
	v19 =	vshra.s32 v17, $0x1F  }
0x1a1: {  	v6 =	vand.u32 $0x100000, v6;
	v34 =	vld.idx.msk [tilespmem:v28+s3+$0x0], $0xffff;
	v28 =	vsub.s32 v41, v11;
	v17 =	vand.u32 v17, v19  }
0x1a2: {  	v18 =	vadd.s32 v18, v26;
	v52 =	vand.u32 v28, v33;
	v17 =	vadd.s32 v22, v17  }
0x1a3: {  	v40 =	vld.idx.msk [tilespmem:v54+s3+$0x0], $0xffff;
	v20 =	vadd.s32 v20, v23;
	v11 =	vadd.s32 v11, v52;
	v54 =	vsub.s32 v17, v18  }
0x1a4: {  	v5 =	vshrl.u32 v5, $0xA;
	v22 =	vsub.s32 v11, v20;
	v23 =	vshra.s32 v54, $0x1F  }
0x1a5: {  	v10 =	vshrl.u32 v7, $0x8;
	v7 =	vld [tilespmem:$0x1FE20];
	v22 =	vand.u32 v22, v24;
	v24 =	vand.u32 v54, v23  }
0x1a6: {  	v5 =	vand.u32 $0x200000, v5;
	v11 =	vsub.s32 v11, v22;
	v17 =	vsub.s32 v17, v24  }
0x1a7: {  	v18 =	vadd.s32 v18, v24;
	v24 =	vld [tilespmem:$0x1FDA0];
	v26 =	vsub.s32 v39, v11;
	v14 =	vsub.s32 v14, v17  }
0x1a8: {  	v10 =	vand.u32 $0x800000, v10;
	v25 =	vand.u32 v26, v25;
	v26 =	vshra.s32 v14, $0x1F  }
0x1a9: {  	v20 =	vadd.s32 v20, v22;
	v11 =	vadd.s32 v11, v25;
	v14 =	vand.u32 v14, v26  }
0x1aa: {  	v7 =	vshrl.u32 v7, $0x9;
	v22 =	vsub.s32 v11, v20;
	v14 =	vadd.s32 v17, v14  }
0x1ab: {  	v30 =	vand.u32 $0x7FFFFFFF, v15;
	v17 =	vand.u32 v22, v53;
	v22 =	vsub.s32 v14, v18  }
0x1ac: {  	v53 =	vand.u32 $0x4, v24;
	v11 =	vsub.s32 v11, v17;
	v24 =	vshra.s32 v22, $0x1F  }
0x1ad: {  	v15 =	vand.u32 $0x7FFFFFFF, v40;
	v25 =	vsub.s32 v42, v11;
	v22 =	vand.u32 v22, v24  }
0x1ae: {  	v7 =	vand.u32 $0x400000, v7;
	v25 =	vand.u32 v25, v27;
	v14 =	vsub.s32 v14, v22  }
0x1af: {  	v17 =	vadd.s32 v20, v17;
	v11 =	vadd.s32 v11, v25;
	v20 =	vsub.s32 v30, v14  }
0x1b0: {  	v15 =	vadd.s32 $0x80000001, v15;
	v25 =	vsub.s32 v11, v17;
	v27 =	vshra.s32 v20, $0x1F  }
0x1b1: {  	v7 =	vor.u32 v10, v7;
	v25 =	vand.u32 v25, v31;
	v20 =	vand.u32 v20, v27  }
0x1b2: {  	v18 =	vadd.s32 v18, v22;
	v11 =	vsub.s32 v11, v25;
	v14 =	vadd.s32 v14, v20  }
0x1b3: {  	v30 =	vmovc v0;
	v31 =	vand.u32 $0x80, v60;
	v20 =	vsub.s32 v61, v11;
	v0 =	vsub.s32 v14, v18  }
0x1b4: {  	v60 =	vand.u32 $0x200, v4;
	v4 =	vand.u32 v20, v19;
	v19 =	vshra.s32 v0, $0x1F  }
0x1b5: {  	v5 =	vor.u32 v5, v7;
	v20 =	vand.u32 v0, v19;
	v0 =	vand.u32 $0x400, v62;
	v62 =	vld [tilespmem:$0x1FEF0]  }
0x1b6: {  	v5 =	vor.u32 v6, v5;
	v17 =	vadd.s32 v17, v25;
	v11 =	vadd.s32 v11, v4  }
0x1b7: {  	v3 =	vor.u32 v3, v5;
	v4 =	vsub.s32 v11, v17;
	v14 =	vsub.s32 v14, v20  }
0x1b8: {  	v18 =	vadd.s32 v18, v20;
	v22 =	vand.u32 v4, v23;
	v13 =	vsub.s32 v13, v14  }
0x1b9: {  	v4 =	vand.u32 $0x1000, v21;
	v21 =	vsub.s32 v11, v22;
	v23 =	vshra.s32 v13, $0x1F  }
0x1ba: {  	v11 =	vand.u32 $0x2000, v1;
	v13 =	vand.u32 v13, v23;
	v1 =	vsub.s32 v62, v21  }
0x1bb: {  	v20 =	vadd.s32 v14, v13;
	v13 =	vand.u32 $0x4000, v63;
	v63 =	vld [tilespmem:$0x1FF00];
	v1 =	vand.u32 v1, v26  }
0x1bc: {  	v17 =	vadd.s32 v17, v22;
	v1 =	vadd.s32 v21, v1;
	v21 =	vsub.s32 v20, v18  }
0x1bd: {  	v3 =	vor.u32 v8, v3;
	v22 =	vsub.s32 v1, v17;
	v25 =	vshra.s32 v21, $0x1F  }
0x1be: {  	v41 =	vimm.s32 $0x30;
	v22 =	vand.u32 v22, v24;
	v21 =	vand.u32 v21, v25  }
0x1bf: {  	v52 =	vand.u32 $0x2, v50;
	v1 =	vsub.s32 v1, v22;
	v20 =	vsub.s32 v20, v21  }
0x1c0: {  	v50 =	vand.u32 $0x10, v55;
	v28 =	vsub.s32 v63, v1;
	v16 =	vsub.s32 v16, v20  }
0x1c1: {  	v14 =	vand.u32 $0x8000, v38;
	v38 =	vld [tilespmem:$0x1FF10];
	v27 =	vand.u32 v28, v27;
	v28 =	vshra.s32 v16, $0x1F  }
0x1c2: {  	v17 =	vadd.s32 v17, v22;
	v1 =	vadd.s32 v1, v27;
	v16 =	vand.u32 v16, v28  }
0x1c3: {  	v18 =	vadd.s32 v18, v21;
	v22 =	vsub.s32 v1, v17;
	v16 =	vadd.s32 v20, v16  }
0x1c4: {  	v55 =	vand.u32 $0x20, v56;
	v19 =	vand.u32 v22, v19;
	v20 =	vsub.s32 v16, v18  }
0x1c5: {  	v56 =	vand.u32 $0x40, v59;
	v1 =	vsub.s32 v1, v19;
	v21 =	vshra.s32 v20, $0x1F  }
0x1c6: {  	v59 =	vand.u32 $0x100, v46;
	v22 =	vsub.s32 v38, v1;
	v20 =	vand.u32 v20, v21  }
0x1c7: {  	v24 =	vand.u32 $0x10000, v32;
	v32 =	vld [tilespmem:$0x1FE70];
	v22 =	vand.u32 v22, v23;
	v16 =	vsub.s32 v16, v20  }
0x1c8: {  	v17 =	vadd.s32 v17, v19;
	v1 =	vadd.s32 v1, v22;
	v12 =	vsub.s32 v12, v16  }
0x1c9: {  	v46 =	vshra.s32 v15, $0x1F;
	v19 =	vsub.s32 v1, v17;
	v22 =	vshra.s32 v12, $0x1F  }
0x1ca: {  	v49 =	vand.u32 $0x7FFFFFFF, v34;
	v19 =	vand.u32 v19, v25;
	v12 =	vand.u32 v12, v22  }
0x1cb: {  	v18 =	vadd.s32 v18, v20;
	v1 =	vsub.s32 v1, v19;
	v12 =	vadd.s32 v16, v12  }
0x1cc: {  	v15 =	vand.u32 v15, v46;
	v10 =	vsub.s32 v32, v1;
	v16 =	vsub.s32 v12, v18  }
0x1cd: {  	[tilespmem:$0x1FE10] =	vst v40;
	v40 =	vld [tilespmem:$0x1FE80];
	v33 =	vand.u32 $0x7FFFFFFF, v35;
	v10 =	vand.u32 v10, v28;
	v20 =	vshra.s32 v16, $0x1F  }
0x1ce: {  	v17 =	vadd.s32 v17, v19;
	v1 =	vadd.s32 v1, v10;
	v10 =	vand.u32 v16, v20  }
0x1cf: {  	v54 =	vand.u32 $0x8, v47;
	v7 =	vsub.s32 v1, v17;
	v12 =	vsub.s32 v12, v10  }
0x1d0: {  	v47 =	vshra.s32 v15, $0x1F;
	v7 =	vand.u32 v7, v21;
	v9 =	vsub.s32 v9, v12  }
0x1d1: {  	v61 =	vimm.s32 $0x80;
	v1 =	vsub.s32 v1, v7;
	v6 =	vshra.s32 v9, $0x1F  }
0x1d2: {  	v26 =	vand.u32 $0x20000, v29;
	v16 =	vsub.s32 v40, v1;
	v9 =	vand.u32 v9, v6  }
0x1d3: {  	v43 =	vld [tilespmem:$0x1FE90];
	v10 =	vadd.s32 v18, v10;
	v16 =	vand.u32 v16, v22;
	v9 =	vadd.s32 v12, v9  }
0x1d4: {  	v7 =	vadd.s32 v17, v7;
	v1 =	vadd.s32 v1, v16;
	v12 =	vsub.s32 v9, v10  }
0x1d5: {  	v3 =	vor.u32 v26, v3;
	v5 =	vsub.s32 v1, v7;
	v16 =	vshra.s32 v12, $0x1F  }
0x1d6: {  	v26 =	vimm.s32 $0x0;
	v5 =	vand.u32 v5, v20;
	v12 =	vand.u32 v12, v16  }
0x1d7: {  	v17 =	vand.u32 v15, v47;
	v8 =	vsub.s32 v1, v5;
	v9 =	vsub.s32 v9, v12  }
0x1d8: {  	v15 =	vsub.s32 v15, v17;
	v18 =	vsub.s32 v43, v8;
	v19 =	vsub.s32 v58, v9  }
0x1d9: {  	v22 =	vld [tilespmem:$0x1FEA0];
	v1 =	vadd.s32 $0x7FFFFFFF, v17;
	v6 =	vand.u32 v18, v6;
	v17 =	vshra.s32 v19, $0x1F  }
0x1da: {  	v5 =	vadd.s32 v7, v5;
	v6 =	vadd.s32 v8, v6;
	v7 =	vand.u32 v19, v17  }
0x1db: {  	v8 =	vadd.s32 v10, v12;
	v10 =	vsub.s32 v6, v5;
	v7 =	vadd.s32 v9, v7  }
0x1dc: {  	v3 =	vadd.s32 v24, v3;
	v9 =	vand.u32 v10, v16;
	v10 =	vsub.s32 v7, v8  }
0x1dd: {  	v3 =	vadd.s32 v14, v3;
	v6 =	vsub.s32 v6, v9;
	v58 =	vshra.s32 v10, $0x1F  }
0x1de: {  	v3 =	vadd.s32 v13, v3;
	v16 =	vsub.s32 v22, v6;
	v10 =	vand.u32 v10, v58  }
0x1df: {  	v3 =	vadd.s32 v11, v3;
	v20 =	vld [tilespmem:$0x1FEB0];
	v16 =	vand.u32 v16, v17;
	v7 =	vsub.s32 v7, v10  }
0x1e0: {  	v5 =	vadd.s32 v5, v9;
	v6 =	vadd.s32 v6, v16;
	v9 =	vsub.s32 v48, v7  }
0x1e1: {  	[tilespmem:$0x1FE40] =	vst v34;
	v3 =	vadd.s32 v4, v3;
	v34 =	vsub.s32 v6, v5;
	v16 =	vshra.s32 v9, $0x1F  }
0x1e2: {  	v2 =	vadd.s32 v2, v3;
	v14 =	vand.u32 v34, v58;
	v9 =	vand.u32 v9, v16  }
0x1e3: {  	v8 =	vadd.s32 v8, v10;
	v6 =	vsub.s32 v6, v14;
	v7 =	vadd.s32 v7, v9  }
0x1e4: {  	v2 =	vadd.s32 v0, v2;
	v9 =	vsub.s32 v20, v6;
	v10 =	vsub.s32 v7, v8  }
0x1e5: {  	v45 =	vmovc v37;
	v19 =	vld [tilespmem:$0x1FEC0];
	v12 =	vadd.s32 $0x7FFFFFFF, v15;
	v9 =	vand.u32 v9, v16;
	v37 =	vshra.s32 v10, $0x1F  }
0x1e6: {  	v5 =	vadd.s32 v5, v14;
	v6 =	vadd.s32 v6, v9;
	v9 =	vand.u32 v10, v37  }
0x1e7: {  	v18 =	vsub.s32 v33, v12;
	v7 =	vsub.s32 v7, v9;
	v10 =	vsub.s32 v6, v5  }
0x1e8: {  	v39 =	vmovc v57;
	v48 =	vshra.s32 v18, $0x1F;
	v10 =	vand.u32 v10, v37;
	v57 =	vsub.s32 v51, v7  }
0x1e9: {  	[tilespmem:$0x1FE20] =	vst v35;
	v35 =	vand.u32 v18, v48;
	v4 =	vsub.s32 v6, v10;
	v6 =	vshra.s32 v57, $0x1F  }
0x1ea: {  	v11 =	vadd.s32 v12, v35;
	v12 =	vand.u32 v57, v6;
	v58 =	vsub.s32 v19, v4  }
0x1eb: {  	v29 =	vld [tilespmem:$0x1FED0];
	v8 =	vadd.s32 v8, v9;
	v7 =	vadd.s32 v7, v12;
	v6 =	vand.u32 v58, v6  }
0x1ec: {  	v5 =	vadd.s32 v5, v10;
	v6 =	vadd.s32 v4, v6;
	v4 =	vsub.s32 v7, v8  }
0x1ed: {  	v13 =	vsub.s32 v11, v1;
	v3 =	vshra.s32 v4, $0x1F;
	v9 =	vsub.s32 v6, v5  }
0x1ee: {  	v51 =	vshra.s32 v13, $0x1F;
	v10 =	vand.u32 v4, v3;
	v9 =	vand.u32 v9, v3  }
0x1ef: {  	v3 =	vadd.s32 v8, v10;
	v0 =	vadd.s32 v5, v9;
	v8 =	vadd.s32 v60, v2  }
0x1f0: {  	p1 =	seq.s32 s19, $0x138;
	v60 =	vimm.s32 $0x17;
	v4 =	vperm.xlane v3, v29;
	v2 =	vperm.xlane v0, v29  }
.Ltmp0:
0x1f1: {  	v44 =	vld [tilespmem:$0x1FD70];
	v5 =	vand.u32 v13, v51;
	v7 =	vsub.s32 v7, v10;
	v6 =	vsub.s32 v6, v9;
	(pc) =	sbr.rel @!p1 .LBB2_4-.Ltmp0, $4  }
0x1f2: {  	v42 =	vld [tilespmem:$0x1FDB0];
	v8 =	vadd.s32 v59, v8;
	vm0 =	veq.s32 v4, v3;
	vm1 =	vlt.s32 v2, v0  }
0x1f3: {  	v27 =	vld [tilespmem:$0x1FFB0];
	v59 =	vperm.xlane v7, v29;
	vm2 =	vlt.s32 v4, v3;
	vm0 =	vmand vm0, vm1  }
0x1f4: {  	v28 =	vld [tilespmem:$0x1FEE0];
	v10 =	vperm.xlane v6, v29;
	v9 =	vadd.s32 v31, v8;
	vm2 =	vmor vm2, vm0  }
0x1f5: {  	s19 =	sadd.s32 $0x8, s19;
	v21 =	vld [tilespmem:$0x1FDC0];
	v8 =	vsub.s32 v11, v5;
	v9 =	vadd.s32 v56, v9;
	v7 =	vsel vm2, v59, v7  }
0x1f6: {  	v11 =	vadd.s32 v45, v39;
	_ =	sdelay $0x2  }
0x1f7: {  	v12 =	vsub.s32 v49, v8;
	v33 =	vld [tilespmem:$0x1FF40]  }
0x1f8: {  	v13 =	vshra.s32 v12, $0x1F  }
0x1f9: {  	v12 =	vand.u32 v12, v13;
	v14 =	vld.idx.msk [tilespmem:v11+s3+$0x0], $0xffff  }
0x1fa: {  	v1 =	vadd.s32 v1, v5;
	v58 =	vadd.s32 v8, v12  }
0x1fb: {  	v8 =	vsub.s32 v58, v1  }
0x1fc: {  	v59 =	vadd.s32 v33, v39;
	v12 =	vshra.s32 v8, $0x1F  }
0x1fd: {  	v8 =	vand.u32 v8, v12  }
0x1fe: {  	v5 =	vsub.s32 v58, v8;
	[tilespmem:$0x1FD30] =	vst v14;
	v14 =	vand.u32 $0x7FFFFFFF, v14  }
0x1ff: {  	v56 =	vld [tilespmem:$0x1FF50];
	v14 =	vsub.s32 v14, v5  }
0x200: {  	v15 =	vshra.s32 v14, $0x1F  }
0x201: {  	v16 =	vld.idx.msk [tilespmem:v59+s3+$0x0], $0xffff;
	v18 =	vand.u32 v14, v15  }
0x202: {  	v1 =	vadd.s32 v1, v8;
	v5 =	vadd.s32 v5, v18  }
0x203: {  	v8 =	vsub.s32 v5, v1  }
0x204: {  	v34 =	vadd.s32 v56, v39;
	v14 =	vshra.s32 v8, $0x1F  }
0x205: {  	v35 =	vand.u32 v8, v14  }
0x206: {  	v49 =	vand.u32 $0x7FFFFFFF, v16;
	v5 =	vsub.s32 v5, v35  }
0x207: {  	v6 =	vsel vm2, v10, v6;
	v1 =	vadd.s32 v1, v35;
	v35 =	vld [tilespmem:$0x1FFF0];
	v10 =	vsub.s32 v49, v5  }
0x208: {  	v3 =	vsel vm2, v3, v4;
	[tilespmem:$0x1FD20] =	vst v16;
	v16 =	vshra.s32 v10, $0x1F  }
0x209: {  	vm0 =	veq.s32 v3, v7;
	vm3 =	vlt.s32 v3, v7;
	v11 =	vld.idx.msk [tilespmem:v34+s3+$0x0], $0xffff;
	v3 =	vand.u32 v10, v16  }
0x20a: {  	v37 =	vsel vm2, v0, v2;
	v9 =	vadd.s32 v55, v9;
	v3 =	vadd.s32 v5, v3  }
0x20b: {  	v0 =	vsel vm2, v2, v0;
	vm1 =	vlt.s32 v37, v6;
	v2 =	vsub.s32 v3, v1  }
0x20c: {  	v9 =	vadd.s32 v50, v9;
	v55 =	vadd.s32 v35, v39;
	v7 =	vshra.s32 v2, $0x1F  }
0x20d: {  	vm7 =	vlt.s32 v0, $0x18;
	v50 =	vadd.s32 v54, v9;
	v57 =	vand.u32 v2, v7  }
0x20e: {  	v54 =	vadd.s32 v53, v50;
	v58 =	vsub.s32 v3, v57;
	v3 =	vand.u32 $0x7FFFFFFF, v11  }
0x20f: {  	vm13 =	vlt.s32 v60, v0;
	v4 =	vadd.s32 v52, v54;
	[tilespmem:$0x1FD10] =	vst v11;
	v11 =	vsub.s32 v3, v58  }
0x210: {  	vm0 =	vmand vm0, vm1;
	v49 =	vmovc v19;
	v2 =	vadd.s32 v21, v4;
	v21 =	vld [tilespmem:$0x1FE50];
	v19 =	vshra.s32 v11, $0x1F  }
0x211: {  	v9 =	vadd.s32 v36, v0;
	vm0 =	vmor vm3, vm0;
	v23 =	vld.idx.msk [tilespmem:v55+s3+$0x0], $0xffff;
	v11 =	vand.u32 v11, v19  }
0x212: {  	v52 =	vld [tilespmem:$0x1FFE0];
	v34 =	vand.u32 v27, v46;
	v1 =	vadd.s32 v1, v57;
	v4 =	vadd.s32 v58, v11  }
0x213: {  	v6 =	vsel vm0, v37, v6;
	v46 =	vand.u32 v34, v47;
	v8 =	vsub.s32 v4, v1  }
0x214: {  	v17 =	vadd.s32 v36, v6;
	v36 =	vmovc v20;
	v5 =	vsub.s32 v34, v46;
	v20 =	vshra.s32 v8, $0x1F  }
0x215: {  	vm15 =	vlt.s32 v6, $0x18;
	v21 =	vsub.s32 v21, v5;
	v8 =	vand.u32 v8, v20  }
0x216: {  	v53 =	vld [tilespmem:$0x1FE60];
	v37 =	vmovc v22;
	v21 =	vand.u32 v21, v48;
	v22 =	vand.u32 $0x7FFFFFFF, v23;
	v4 =	vsub.s32 v4, v8  }
0x217: {  	v47 =	vadd.s32 v52, v39;
	v5 =	vadd.s32 v5, v21;
	v22 =	vsub.s32 v22, v4  }
0x218: {  	v18 =	vsub.s32 $0x17, v0;
	[tilespmem:$0x1FD40] =	vst v23;
	v24 =	vsub.s32 v5, v46;
	v23 =	vshra.s32 v22, $0x1F  }
0x219: {  	vm6 =	vgt.s32 v18, $0x0;
	v48 =	vand.u32 v22, v23;
	v22 =	vand.u32 v24, v51  }
0x21a: {  	v8 =	vadd.s32 v1, v8;
	v1 =	vadd.s32 v4, v48;
	v50 =	vsub.s32 v5, v22  }
0x21b: {  	v21 =	vsub.s32 $0x2F, v0;
	v0 =	vsub.s32 v1, v8;
	v5 =	vsub.s32 v53, v50;
	v53 =	vld [tilespmem:$0x1FFC0]  }
0x21c: {  	v59 =	vperm.xlane v2, v29;
	v24 =	vshra.s32 v0, $0x1F;
	v5 =	vand.u32 v5, v13  }
0x21d: {  	v31 =	vld.idx.msk [tilespmem:v47+s3+$0x0], $0xffff;
	v10 =	vadd.s32 v46, v22;
	v13 =	vand.u32 v0, v24;
	v0 =	vadd.s32 v50, v5  }
0x21e: {  	v18 =	vnsel vm6, $0x0, v18;
	v34 =	vimm.s32 $0x1;
	v5 =	vsub.s32 v0, v10  }
0x21f: {  	v18 =	vshll.u32 v34, v18;
	v3 =	vsel vm11, v2, v59;
	v5 =	vand.u32 v5, v12  }
0x220: {  	v21 =	vshll.u32 v34, v21;
	v54 =	vadd.s32 v53, v39;
	v57 =	vsub.s32 v0, v5  }
0x221: {  	v2 =	vsel vm11, v59, v2;
	v0 =	vnsel vm13, $0x0, v21;
	v21 =	vsub.s32 v45, v57  }
0x222: {  	v9 =	vld.idx.msk [tilespmem:v9+s3+$0x0], $0xffff;
	v55 =	vsub.s32 v1, v13;
	v1 =	vand.u32 $0x7FFFFFFF, v31;
	v59 =	vand.u32 v21, v15  }
0x223: {  	v50 =	vld [tilespmem:$0x1FF80];
	v22 =	vsub.s32 v1, v55;
	v5 =	vadd.s32 v10, v5;
	v47 =	vadd.s32 v57, v59  }
0x224: {  	v1 =	vnsel vm7, $0x0, v18;
	v12 =	vshra.s32 v22, $0x1F;
	v18 =	vsub.s32 v47, v5  }
0x225: {  	vm6 =	vlt.s32 v60, v6;
	v58 =	vand.u32 v22, v12;
	v46 =	vld.idx.msk [tilespmem:v54+s3+$0x0], $0xffff;
	v14 =	vand.u32 v18, v14  }
0x226: {  	v8 =	vadd.s32 v8, v13;
	v4 =	vadd.s32 v55, v58;
	v10 =	vsub.s32 v47, v14  }
0x227: {  	vm7 =	vgt.s32 v9, $0xFFFFFFFF;
	v13 =	vsub.s32 v4, v8;
	v22 =	vsub.s32 v33, v10  }
0x228: {  	v51 =	vadd.s32 v50, v39;
	v15 =	vshra.s32 v13, $0x1F;
	v16 =	vand.u32 v22, v16  }
0x229: {  	v13 =	vand.u32 v13, v15;
	v5 =	vadd.s32 v5, v14;
	v10 =	vadd.s32 v10, v16  }
0x22a: {  	v4 =	vsub.s32 v4, v13;
	v54 =	vand.u32 $0x7FFFFFFF, v46;
	v57 =	vsub.s32 v10, v5  }
0x22b: {  	v21 =	vsub.s32 $0x17, v6;
	v33 =	vld [tilespmem:$0x1FF70];
	v18 =	vsub.s32 v54, v4;
	v7 =	vand.u32 v57, v7  }
0x22c: {  	vm14 =	vgt.s32 v21, $0x0;
	v25 =	vshra.s32 v18, $0x1F;
	v10 =	vsub.s32 v10, v7  }
0x22d: {  	v59 =	vnsel vm14, $0x0, v21;
	v48 =	vld.idx.msk [tilespmem:v51+s3+$0x0], $0xffff;
	v55 =	vand.u32 v18, v25;
	v21 =	vsub.s32 v56, v10  }
0x22e: {  	v8 =	vadd.s32 v8, v13;
	v4 =	vadd.s32 v4, v55;
	v19 =	vand.u32 v21, v19  }
0x22f: {  	v17 =	vld.idx.msk [tilespmem:v17+s3+$0x0], $0xffff;
	v5 =	vadd.s32 v5, v7;
	v14 =	vsub.s32 v4, v8;
	v51 =	vadd.s32 v10, v19  }
0x230: {  	v58 =	vadd.s32 v33, v39;
	v16 =	vshra.s32 v14, $0x1F;
	v10 =	vsub.s32 v51, v5  }
0x231: {  	v13 =	vsub.s32 $0x2F, v6;
	v14 =	vand.u32 v14, v16;
	v10 =	vand.u32 v10, v20  }
0x232: {  	v21 =	vand.u32 $0x7FFFFFFF, v48;
	v4 =	vsub.s32 v4, v14;
	v7 =	vsub.s32 v51, v10  }
0x233: {  	v55 =	vshll.u32 v34, v59;
	v21 =	vsub.s32 v21, v4;
	v59 =	vsub.s32 v35, v7;
	v35 =	vld [tilespmem:$0x1FF90]  }
0x234: {  	vm13 =	vgt.s32 v17, $0xFFFFFFFF;
	v13 =	vshll.u32 v34, v13;
	v6 =	vshra.s32 v21, $0x1F  }
0x235: {  	v47 =	vld.idx.msk [tilespmem:v58+s3+$0x0], $0xffff;
	v8 =	vadd.s32 v8, v14;
	v18 =	vand.u32 v59, v23;
	v54 =	vand.u32 v21, v6  }
0x236: {  	v5 =	vadd.s32 v5, v10;
	v7 =	vadd.s32 v7, v18;
	v4 =	vadd.s32 v4, v54  }
0x237: {  	v57 =	vnsel vm6, $0x0, v13;
	v23 =	vld [tilespmem:$0x1FF60];
	v18 =	vsub.s32 v7, v5;
	v14 =	vsub.s32 v4, v8  }
0x238: {  	v13 =	vand.u32 v18, v24;
	v60 =	vadd.s32 v35, v39;
	v20 =	vshra.s32 v14, $0x1F  }
0x239: {  	v59 =	vnsel vm15, $0x0, v55;
	v7 =	vsub.s32 v7, v13;
	v14 =	vand.u32 v14, v20  }
0x23a: {  	v51 =	vand.u32 $0x7FFFFFFF, v47;
	v54 =	vsub.s32 v52, v7;
	v4 =	vsub.s32 v4, v14  }
0x23b: {  	v5 =	vadd.s32 v5, v13;
	v55 =	vand.u32 v54, v12;
	v10 =	vsub.s32 v51, v4  }
0x23c: {  	v24 =	vld [tilespmem:$0x1FFA0];
	v58 =	vadd.s32 v23, v39;
	v7 =	vadd.s32 v7, v55;
	v9 =	vshra.s32 v10, $0x1F  }
0x23d: {  	v8 =	vadd.s32 v8, v14;
	v13 =	vsub.s32 v7, v5;
	v51 =	vld.idx.msk [tilespmem:v60+s3+$0x0], $0xffff;
	v10 =	vand.u32 v10, v9  }
0x23e: {  	v13 =	vand.u32 v13, v15;
	v15 =	vnsel vm7, $0x0, v1;
	v4 =	vadd.s32 v4, v10  }
0x23f: {  	v60 =	vnsel vm13, $0x0, v59;
	v7 =	vsub.s32 v7, v13;
	v56 =	vsub.s32 v4, v8  }
0x240: {  	v5 =	vadd.s32 v5, v13;
	v3 =	vadd.s32 v15, v3;
	v12 =	vshra.s32 v56, $0x1F  }
0x241: {  	v13 =	vadd.s32 v24, v39;
	v15 =	vnsel vm7, $0x0, v0;
	v11 =	vand.u32 v56, v12  }
0x242: {  	v17 =	vsub.s32 v53, v7;
	v4 =	vsub.s32 v4, v11;
	v14 =	vand.u32 $0x7FFFFFFF, v51  }
0x243: {  	v3 =	vadd.s32 v60, v3;
	v2 =	vadd.s32 v15, v2;
	v14 =	vsub.s32 v14, v4  }
0x244: {  	v17 =	vand.u32 v17, v25;
	v3 =	vsub.s32 $0xFFFFFF, v3;
	v19 =	vshra.s32 v14, $0x1F  }
0x245: {  	v22 =	vmovc v52;
	v52 =	vld.idx.msk [tilespmem:v58+s3+$0x0], $0xffff;
	v7 =	vadd.s32 v7, v17;
	v17 =	vnsel vm13, $0x0, v57;
	v56 =	vand.u32 v14, v19  }
0x246: {  	v8 =	vadd.s32 v8, v11;
	v58 =	vsub.s32 v7, v5;
	v4 =	vadd.s32 v4, v56  }
0x247: {  	vm5 =	vgt.s32 v3, v42;
	v10 =	vand.u32 v58, v16;
	v11 =	vsub.s32 v4, v8  }
0x248: {  	v18 =	vld [tilespmem:$0x1FE30];
	vm4 =	veq.s32 v3, v42;
	v7 =	vsub.s32 v7, v10;
	v14 =	vshra.s32 v11, $0x1F  }
0x249: {  	v2 =	vadd.s32 v17, v2;
	v16 =	vsub.s32 v50, v7;
	v11 =	vand.u32 v11, v14  }
0x24a: {  	v25 =	vld [tilespmem:$0x1FFD0];
	v6 =	vand.u32 v16, v6;
	v16 =	vand.u32 $0x7FFFFFFF, v52;
	v4 =	vsub.s32 v4, v11  }
0x24b: {  	v5 =	vadd.s32 v5, v10;
	v6 =	vadd.s32 v7, v6;
	v16 =	vsub.s32 v16, v4  }
0x24c: {  	v21 =	vmovc v53;
	v2 =	vsub.s32 $0xFFFFFF, v2;
	v10 =	vsub.s32 v6, v5;
	v60 =	vshra.s32 v16, $0x1F  }
0x24d: {  	v53 =	vld.idx.msk [tilespmem:v13+s3+$0x0], $0xffff;
	vm6 =	vge.s32 v2, v18;
	v10 =	vand.u32 v10, v20;
	v13 =	vand.u32 v16, v60  }
0x24e: {  	v8 =	vadd.s32 v8, v11;
	v6 =	vsub.s32 v6, v10;
	v4 =	vadd.s32 v4, v13  }
0x24f: {  	v15 =	vadd.s32 v25, v39;
	v13 =	vsub.s32 v33, v6;
	v11 =	vsub.s32 v4, v8  }
0x250: {  	vm9 =	vmand vm6, vm4;
	v20 =	vld [tilespmem:$0x1FDF0];
	v9 =	vand.u32 v13, v9;
	v16 =	vshra.s32 v11, $0x1F  }
0x251: {  	v5 =	vadd.s32 v5, v10;
	v6 =	vadd.s32 v6, v9;
	v11 =	vand.u32 v11, v16  }
0x252: {  	v54 =	vand.u32 $0x7FFFFFFF, v53;
	v10 =	vsub.s32 v6, v5;
	v4 =	vsub.s32 v4, v11  }
0x253: {  	v56 =	vadd.s32 v62, v39;
	v10 =	vand.u32 v10, v12;
	v9 =	vsub.s32 v54, v4  }
0x254: {  	vm10 =	vmor vm5, vm9;
	v6 =	vsub.s32 v6, v10;
	v12 =	vshra.s32 v9, $0x1F  }
0x255: {  	vm2 =	vlt.s32 v3, v20;
	v54 =	vld.idx.msk [tilespmem:v15+s3+$0x0], $0xffff;
	v13 =	vsub.s32 v35, v6;
	v9 =	vand.u32 v9, v12  }
0x256: {  	v8 =	vadd.s32 v8, v11;
	v55 =	vand.u32 v13, v19;
	v4 =	vadd.s32 v4, v9  }
0x257: {  	v5 =	vadd.s32 v5, v10;
	v19 =	vld [tilespmem:$0x1FE00];
	v6 =	vadd.s32 v6, v55;
	v11 =	vsub.s32 v4, v8  }
0x258: {  	vm7 =	veq.s32 v3, v20;
	v55 =	vld.idx.msk [tilespmem:v56+s3+$0x0], $0xffff;
	v13 =	vsub.s32 v6, v5;
	v10 =	vshra.s32 v11, $0x1F  }
0x259: {  	v56 =	vadd.s32 v63, v39;
	v13 =	vand.u32 v13, v14;
	v11 =	vand.u32 v11, v10  }
0x25a: {  	v14 =	vand.u32 $0x7FFFFFFF, v54;
	v6 =	vsub.s32 v6, v13;
	v4 =	vsub.s32 v4, v11  }
0x25b: {  	v5 =	vadd.s32 v5, v13;
	v15 =	vsub.s32 v23, v6;
	v14 =	vsub.s32 v14, v4  }
0x25c: {  	vm8 =	vle.s32 v2, v19;
	v7 =	vand.u32 v15, v60;
	v17 =	vshra.s32 v14, $0x1F  }
0x25d: {  	v15 =	vand.u32 $0x7FFFFFFF, v55;
	v6 =	vadd.s32 v6, v7;
	v58 =	vand.u32 v14, v17  }
0x25e: {  	v7 =	vadd.s32 v8, v11;
	v60 =	vsub.s32 v6, v5;
	v4 =	vadd.s32 v4, v58  }
0x25f: {  	v56 =	vld.idx.msk [tilespmem:v56+s3+$0x0], $0xffff;
	vm14 =	vmand vm8, vm7;
	v8 =	vand.u32 v60, v16;
	v9 =	vsub.s32 v4, v7  }
0x260: {  	vm2 =	vmor vm2, vm14;
	v6 =	vsub.s32 v6, v8;
	v13 =	vshra.s32 v9, $0x1F  }
0x261: {  	vm2 =	vmand vm10, vm2;
	v14 =	vsub.s32 v24, v6;
	v9 =	vand.u32 v9, v13  }
0x262: {  	v5 =	vadd.s32 v5, v8;
	v58 =	vand.u32 v14, v12;
	v16 =	vsub.s32 v4, v9  }
0x263: {  	v6 =	vadd.s32 v6, v58;
	v4 =	vadd.s32 v1, v3;
	v7 =	vadd.s32 v7, v9  }
0x264: {  	v58 =	vand.u32 $0x7FFFFFFF, v56;
	v3 =	vadd.s32 v59, v3;
	v12 =	vsub.s32 v15, v16  }
0x265: {  	v14 =	vsub.s32 v6, v5;
	vm3 =	vgt.s32 v4, v42;
	v8 =	vshra.s32 v12, $0x1F  }
0x266: {  	vm4 =	vlt.s32 v4, v20;
	v10 =	vand.u32 v14, v10;
	v1 =	vand.u32 v12, v8  }
0x267: {  	vm7 =	veq.s32 v4, v42;
	v6 =	vsub.s32 v6, v10;
	v9 =	vadd.s32 v16, v1  }
0x268: {  	v1 =	vadd.s32 v0, v2;
	v60 =	vsub.s32 v25, v6;
	v0 =	vsub.s32 v9, v7  }
0x269: {  	v12 =	vadd.s32 v38, v39;
	v11 =	vand.u32 v60, v17;
	v14 =	vshra.s32 v0, $0x1F  }
0x26a: {  	v5 =	vadd.s32 v5, v10;
	v6 =	vadd.s32 v6, v11;
	v0 =	vand.u32 v0, v14  }
0x26b: {  	vm15 =	veq.s32 v4, v20;
	v11 =	vsub.s32 v6, v5;
	v9 =	vsub.s32 v9, v0  }
0x26c: {  	vm14 =	veq.s32 v3, v42;
	v11 =	vand.u32 v11, v13;
	v10 =	vsub.s32 v58, v9  }
0x26d: {  	v13 =	vadd.s32 v57, v2;
	v6 =	vsub.s32 v6, v11;
	v2 =	vshra.s32 v10, $0x1F  }
0x26e: {  	vm9 =	vgt.s32 v3, v42;
	v58 =	vld.idx.msk [tilespmem:v12+s3+$0x0], $0xffff;
	v12 =	vsub.s32 v62, v6;
	v10 =	vand.u32 v10, v2  }
0x26f: {  	v0 =	vadd.s32 v7, v0;
	v8 =	vand.u32 v12, v8;
	v7 =	vadd.s32 v9, v10  }
0x270: {  	v5 =	vadd.s32 v5, v11;
	v6 =	vadd.s32 v6, v8;
	v9 =	vsub.s32 v7, v0  }
0x271: {  	v60 =	vadd.s32 v32, v39;
	v11 =	vsub.s32 v6, v5;
	v10 =	vshra.s32 v9, $0x1F  }
0x272: {  	vm10 =	vlt.s32 v3, v20;
	v11 =	vand.u32 v11, v14;
	v9 =	vand.u32 v9, v10  }
0x273: {  	v12 =	vand.u32 $0x7FFFFFFF, v58;
	v6 =	vsub.s32 v6, v11;
	v7 =	vsub.s32 v7, v9  }
0x274: {  	vm8 =	vge.s32 v1, v18;
	v14 =	vsub.s32 v63, v6;
	v12 =	vsub.s32 v12, v7  }
0x275: {  	vm13 =	vle.s32 v1, v19;
	v2 =	vand.u32 v14, v2;
	v14 =	vshra.s32 v12, $0x1F  }
0x276: {  	v60 =	vld.idx.msk [tilespmem:v60+s3+$0x0], $0xffff;
	v5 =	vadd.s32 v5, v11;
	v2 =	vadd.s32 v6, v2;
	v8 =	vand.u32 v12, v14  }
0x277: {  	v15 =	vld [tilespmem:$0x1FE10];
	v6 =	vadd.s32 v0, v9;
	v0 =	vadd.s32 v7, v8;
	v7 =	vsub.s32 v2, v5  }
0x278: {  	v1 =	vadd.s32 v57, v1;
	v8 =	vsub.s32 v0, v6;
	v7 =	vand.u32 v7, v10  }
0x279: {  	v9 =	vadd.s32 v40, v39;
	v10 =	vshra.s32 v8, $0x1F;
	v2 =	vsub.s32 v2, v7  }
0x27a: {  	vm5 =	vmand vm8, vm7;
	v8 =	vand.u32 v8, v10;
	v38 =	vsub.s32 v38, v2  }
0x27b: {  	v12 =	vand.u32 $0x7FFFFFFF, v60;
	v11 =	vand.u32 v38, v14;
	v14 =	vsub.s32 v0, v8  }
0x27c: {  	vm15 =	vmand vm13, vm15;
	v15 =	vshrl.u32 v15, $0x8;
	v12 =	vsub.s32 v12, v14  }
0x27d: {  	v15 =	vand.u32 $0x800000, v15;
	v5 =	vadd.s32 v5, v7;
	v7 =	vshra.s32 v12, $0x1F  }
0x27e: {  	vm3 =	vmor vm3, vm5;
	v0 =	vld.idx.msk [tilespmem:v9+s3+$0x0], $0xffff;
	v2 =	vadd.s32 v2, v11;
	v38 =	vand.u32 v12, v7  }
0x27f: {  	v6 =	vadd.s32 v6, v8;
	v11 =	vsub.s32 v2, v5;
	v8 =	vadd.s32 v14, v38  }
0x280: {  	vm4 =	vmor vm4, vm15;
	v10 =	vand.u32 v11, v10;
	v9 =	vsub.s32 v8, v6  }
0x281: {  	v12 =	vadd.s32 v43, v39;
	v2 =	vsub.s32 v2, v10;
	v38 =	vshra.s32 v9, $0x1F  }
0x282: {  	vm8 =	vge.s32 v13, v18;
	v32 =	vsub.s32 v32, v2;
	v9 =	vand.u32 v9, v38  }
0x283: {  	v7 =	vand.u32 v32, v7;
	v32 =	vand.u32 $0x7FFFFFFF, v0;
	v8 =	vsub.s32 v8, v9  }
0x284: {  	v5 =	vadd.s32 v5, v10;
	v7 =	vadd.s32 v2, v7;
	v10 =	vsub.s32 v32, v8  }
0x285: {  	vm13 =	vle.s32 v13, v19;
	v2 =	vsub.s32 v7, v5;
	v14 =	vshra.s32 v10, $0x1F  }
0x286: {  	v11 =	vand.u32 v2, v38;
	v2 =	vld.idx.msk [tilespmem:v12+s3+$0x0], $0xffff;
	v12 =	vadd.s32 v37, v39;
	v10 =	vand.u32 v10, v14  }
0x287: {  	v16 =	vld [tilespmem:$0x1FE20];
	v6 =	vadd.s32 v6, v9;
	v7 =	vsub.s32 v7, v11;
	v8 =	vadd.s32 v8, v10  }
0x288: {  	vm6 =	vmand vm8, vm14;
	v38 =	vsub.s32 v40, v7;
	v9 =	vsub.s32 v8, v6  }
0x289: {  	vm14 =	veq.s32 v3, v20;
	v10 =	vand.u32 v38, v14;
	v13 =	vshra.s32 v9, $0x1F  }
0x28a: {  	v11 =	vadd.s32 v5, v11;
	v7 =	vadd.s32 v7, v10;
	v9 =	vand.u32 v9, v13  }
0x28b: {  	v40 =	vand.u32 $0x7FFFFFFF, v2;
	v3 =	vld.idx.msk [tilespmem:v12+s3+$0x0], $0xffff;
	v12 =	vsub.s32 v7, v11;
	v8 =	vsub.s32 v8, v9  }
0x28c: {  	v16 =	vshrl.u32 v16, $0x9;
	v38 =	vand.u32 v12, v13;
	v5 =	vsub.s32 v40, v8  }
0x28d: {  	v16 =	vand.u32 $0x400000, v16;
	v7 =	vsub.s32 v7, v38;
	v32 =	vshra.s32 v5, $0x1F  }
0x28e: {  	v12 =	vadd.s32 v36, v39;
	v14 =	vsub.s32 v43, v7;
	v5 =	vand.u32 v5, v32  }
0x28f: {  	v9 =	vadd.s32 v6, v9;
	v10 =	vand.u32 v14, v32;
	v6 =	vadd.s32 v8, v5  }
0x290: {  	v8 =	vadd.s32 v11, v38;
	v7 =	vadd.s32 v7, v10;
	v13 =	vsub.s32 v6, v9  }
0x291: {  	vm8 =	vmand vm13, vm14;
	v14 =	vsub.s32 v7, v8;
	v40 =	vshra.s32 v13, $0x1F  }
0x292: {  	v5 =	vadd.s32 v59, v4;
	v59 =	vand.u32 v13, v40;
	v4 =	vand.u32 v14, v40;
	v14 =	vld [tilespmem:$0x1FE40]  }
0x293: {  	v32 =	vand.u32 $0x7FFFFFFF, v3;
	v13 =	vsub.s32 v6, v59;
	v6 =	vld.idx.msk [tilespmem:v12+s3+$0x0], $0xffff;
	v12 =	vadd.s32 v49, v39  }
0x294: {  	v15 =	vor.u32 v15, v16;
	vm13 =	vge.s32 v1, v18;
	v10 =	vsub.s32 v32, v13  }
0x295: {  	vm6 =	vmor vm9, vm6;
	v0 =	vshrl.u32 v0, $0x1B;
	v38 =	vshra.s32 v10, $0x1F  }
0x296: {  	v0 =	vand.u32 $0x10, v0;
	v7 =	vsub.s32 v7, v4;
	v10 =	vand.u32 v10, v38  }
0x297: {  	v9 =	vadd.s32 v9, v59;
	v10 =	vadd.s32 v13, v10;
	v13 =	vsub.s32 v37, v7  }
0x298: {  	v14 =	vshrl.u32 v14, $0xA;
	v11 =	vand.u32 v13, v38;
	v13 =	vsub.s32 v10, v9;
	v57 =	vld.idx.msk [tilespmem:v12+s3+$0x0], $0xffff  }
0x299: {  	v8 =	vadd.s32 v8, v4;
	v14 =	vand.u32 $0x200000, v14;
	v12 =	vld [tilespmem:$0x1FD10];
	v40 =	vshra.s32 v13, $0x1F  }
0x29a: {  	v7 =	vadd.s32 v7, v11;
	v14 =	vor.u32 v14, v15;
	v15 =	vld [tilespmem:$0x1FD30];
	v13 =	vand.u32 v13, v40  }
0x29b: {  	v43 =	vand.u32 $0x7FFFFFFF, v6;
	v16 =	vsub.s32 v7, v8;
	v10 =	vsub.s32 v10, v13  }
0x29c: {  	v16 =	vand.u32 v16, v40;
	v9 =	vadd.s32 v9, v13;
	v13 =	vld [tilespmem:$0x1FD20];
	v11 =	vsub.s32 v43, v10  }
0x29d: {  	v2 =	vshrl.u32 v2, $0x1C;
	v7 =	vsub.s32 v7, v16;
	v17 =	vshra.s32 v11, $0x1F  }
0x29e: {  	v8 =	vadd.s32 v8, v16;
	v59 =	vsub.s32 v36, v7;
	v11 =	vand.u32 v11, v17  }
0x29f: {  	v12 =	vshrl.u32 v12, $0xD;
	v15 =	vshrl.u32 v15, $0xB;
	v10 =	vadd.s32 v10, v11  }
0x2a0: {  	v11 =	vand.u32 v59, v17;
	v15 =	vand.u32 $0x100000, v15;
	v16 =	vsub.s32 v10, v9  }
0x2a1: {  	v13 =	vshrl.u32 v13, $0xC;
	v7 =	vadd.s32 v7, v11;
	v32 =	vshra.s32 v16, $0x1F  }
0x2a2: {  	v14 =	vor.u32 v15, v14;
	v15 =	vand.u32 v16, v32;
	v16 =	vsub.s32 v7, v8  }
0x2a3: {  	v11 =	vand.u32 v16, v32;
	v16 =	vand.u32 $0x7FFFFFFF, v57;
	v10 =	vsub.s32 v10, v15  }
0x2a4: {  	v12 =	vand.u32 $0x40000, v12;
	v13 =	vand.u32 $0x80000, v13;
	v16 =	vsub.s32 v16, v10  }
0x2a5: {  	v13 =	vor.u32 v13, v14;
	v7 =	vsub.s32 v7, v11;
	v14 =	vshra.s32 v16, $0x1F  }
0x2a6: {  	v12 =	vor.u32 v12, v13;
	v13 =	vand.u32 v16, v14;
	v16 =	vsub.s32 v49, v7  }
0x2a7: {  	v3 =	vshrl.u32 v3, $0x1D;
	v10 =	vadd.s32 v10, v13;
	v13 =	vand.u32 v16, v14;
	v14 =	vld [tilespmem:$0x1FD40]  }
0x2a8: {  	v2 =	vand.u32 $0x8, v2;
	v3 =	vand.u32 $0x4, v3;
	v6 =	vshrl.u32 v6, $0x1E  }
0x2a9: {  	vm14 =	veq.s32 v5, v42;
	v6 =	vand.u32 $0x2, v6;
	v9 =	vadd.s32 v9, v15  }
0x2aa: {  	v15 =	vshrl.u32 v31, $0xF;
	v8 =	vadd.s32 v8, v11;
	v36 =	vsub.s32 v10, v9  }
0x2ab: {  	v15 =	vand.u32 $0x10000, v15;
	v7 =	vadd.s32 v7, v13;
	v13 =	vshra.s32 v36, $0x1F  }
0x2ac: {  	v16 =	vshrl.u32 v48, $0x11;
	v11 =	vand.u32 v36, v13;
	v14 =	vshrl.u32 v14, $0xE  }
0x2ad: {  	v16 =	vand.u32 $0x4000, v16;
	v9 =	vadd.s32 v9, v11;
	v14 =	vand.u32 $0x20000, v14  }
0x2ae: {  	v10 =	vsub.s32 v10, v11;
	v12 =	vor.u32 v14, v12;
	v14 =	vsub.s32 v7, v8  }
0x2af: {  	v11 =	vperm.xlane v10, v29;
	v13 =	vand.u32 v14, v13;
	v14 =	vshrl.u32 v46, $0x10  }
0x2b0: {  	v12 =	vadd.s32 v15, v12;
	v46 =	vshrl.u32 v60, $0x1A;
	v14 =	vand.u32 $0x8000, v14  }
0x2b1: {  	v8 =	vadd.s32 v8, v13;
	v7 =	vsub.s32 v7, v13;
	v13 =	vshrl.u32 v51, $0x13  }
0x2b2: {  	v12 =	vadd.s32 v14, v12;
	v14 =	vperm.xlane v9, v29;
	v15 =	vperm.xlane v8, v29  }
0x2b3: {  	v60 =	vimm.s32 $0x17;
	v13 =	vand.u32 $0x1000, v13;
	v12 =	vadd.s32 v16, v12  }
0x2b4: {  	v16 =	vshrl.u32 v52, $0x14;
	vm15 =	veq.s32 v14, v9;
	vm5 =	vlt.s32 v15, v8  }
0x2b5: {  	v37 =	vld.idx.msk [tilespmem:v44+s11+$0x0], $0xffff;
	vm7 =	vlt.s32 v14, v9;
	v40 =	vand.u32 $0x800, v16;
	vm0 =	vmand vm15, vm5  }
0x2b6: {  	vm15 =	vmor vm10, vm8;
	vm5 =	vmand vm13, vm14;
	vm8 =	vlt.s32 v5, v20  }
0x2b7: {  	vm10 =	vmmov vm12;
	vm12 =	vmand vm3, vm4;
	vm0 =	vmor vm7, vm0  }
0x2b8: {  	vm6 =	vmand vm6, vm15;
	vm7 =	vgt.s32 v5, v42;
	v10 =	vsel vm0, v11, v10  }
0x2b9: {  	v9 =	vsel vm0, v9, v14;
	v14 =	vshrl.u32 v47, $0x12;
	v43 =	vsel vm0, v8, v15  }
0x2ba: {  	v8 =	vsel vm0, v15, v8;
	v11 =	vand.u32 $0xFFFFFF, v37;
	vm2 =	vmor vm2, vm6  }
0x2bb: {  	v14 =	vand.u32 $0x2000, v14;
	vm1 =	veq.s32 v9, v10;
	vm9 =	vlt.s32 v9, v10  }
0x2bc: {  	vm14 =	vlt.u32 v61, v11;
	v47 =	vadd.s32 v39, v8;
	v15 =	vsub.s32 $0x17, v8  }
0x2bd: {  	v51 =	vsub.s32 $0x2F, v8;
	v12 =	vadd.s32 v14, v12;
	v14 =	vperm.xlane v7, v29  }
0x2be: {  	v52 =	vshll.u32 v34, v51;
	v38 =	vadd.s32 v13, v12;
	v12 =	vshra.s32 v37, $0x18  }
0x2bf: {  	v13 =	vshrl.u32 v53, $0x15;
	v9 =	vadd.s32 v40, v38;
	v7 =	vsel vm0, v14, v7  }
0x2c0: {  	vm13 =	vne.s32 v12, $0x0;
	v14 =	vshrl.u32 v54, $0x16;
	v13 =	vand.u32 $0x400, v13  }
0x2c1: {  	v9 =	vadd.s32 v13, v9;
	vm0 =	vmor vm13, vm14;
	v13 =	vand.u32 $0x200, v14  }
0x2c2: {  	v14 =	vshrl.u32 v55, $0x17;
	vm15 =	vlt.s32 v43, v7;
	vm13 =	vgt.s32 v15, $0x0  }
0x2c3: {  	vm14 =	vlt.s32 v8, $0x18;
	v9 =	vadd.s32 v13, v9;
	v13 =	vsel vm0, $0xFFFFFFFF, v26  }
0x2c4: {  	v14 =	vand.u32 $0x100, v14;
	vm0 =	vmand vm1, vm15;
	v15 =	vnsel vm13, $0x0, v15  }
0x2c5: {  	vm15 =	vlt.s32 v60, v8;
	v9 =	vadd.s32 v14, v9;
	v14 =	vshrl.u32 v56, $0x18  }
0x2c6: {  	vm1 =	vmor vm12, vm2;
	vm0 =	vmor vm9, vm0;
	v14 =	vand.u32 $0x80, v14  }
0x2c7: {  	v49 =	vld.idx.msk [tilespmem:v47+s3+$0x0], $0xffff;
	vm9 =	veq.s32 v5, v20;
	v44 =	vadd.s32 v14, v9;
	v14 =	vshrl.u32 v58, $0x19  }
0x2c8: {  	v48 =	vshll.u32 v34, v15;
	v7 =	vsel vm0, v43, v7;
	v14 =	vand.u32 $0x40, v14  }
0x2c9: {  	v8 =	vnsel vm15, $0x0, v52;
	v5 =	vadd.s32 v14, v44;
	v14 =	vadd.s32 v39, v7  }
0x2ca: {  	v9 =	vand.u32 $0x20, v46;
	v53 =	vsub.s32 $0x17, v7;
	v15 =	vsub.s32 $0x2F, v7  }
0x2cb: {  	vm15 =	vlt.s32 v7, $0x18;
	v58 =	vadd.s32 $0x80, v11;
	vm13 =	vgt.s32 v53, $0x0  }
0x2cc: {  	v15 =	vshll.u32 v34, v15;
	v10 =	vnsel vm13, $0x0, v53;
	vm13 =	vgt.s32 v49, $0xFFFFFFFF  }
0x2cd: {  	v5 =	vadd.s32 v9, v5;
	v9 =	vnsel vm14, $0x0, v48;
	vm14 =	vlt.s32 v60, v7  }
0x2ce: {  	v54 =	vshll.u32 v34, v10;
	v55 =	vnsel vm13, $0x0, v8;
	v0 =	vadd.s32 v0, v5;
	v14 =	vld.idx.msk [tilespmem:v14+s3+$0x0], $0xffff  }
0x2cf: {  	v15 =	vnsel vm14, $0x0, v15;
	v5 =	vnsel vm13, $0x0, v9;
	v0 =	vadd.s32 v2, v0  }
0x2d0: {  	v2 =	vnsel vm15, $0x0, v54;
	vm15 =	vle.s32 v1, v19;
	v0 =	vadd.s32 v3, v0  }
0x2d1: {  	v1 =	vshrl.u32 v57, $0x1F;
	v57 =	vadd.s32 $0xFFFFFF80, v11;
	v0 =	vadd.s32 v6, v0  }
0x2d2: {  	vm13 =	vmor vm7, vm5;
	v0 =	vadd.s32 v1, v0;
	v1 =	vshra.s32 v57, $0x18  }
0x2d3: {  	v16 =	vperm.xlane v0, v29;
	vm14 =	vgt.s32 v14, $0xFFFFFFFF;
	v14 =	vshrl.u32 v58, $0x18  }
0x2d4: {  	v11 =	vsub.s32 $0x80, v11;
	v1 =	vadd.s32 v12, v1;
	v12 =	vadd.s32 v12, v14  }
0x2d5: {  	v12 =	vsel vm10, v12, v13;
	v13 =	vsel vm11, v0, v16;
	v0 =	vsel vm11, v16, v0  }
0x2d6: {  	v4 =	vand.u32 $0xFFFFFF, v57;
	v56 =	vnsel vm14, $0x0, v15;
	v0 =	vadd.s32 v55, v0  }
0x2d7: {  	vm0 =	vmand vm15, vm9;
	v6 =	vand.u32 $0xFFFFFF, v58;
	v0 =	vadd.s32 v56, v0  }
0x2d8: {  	v4 =	vnsel vm10, $0x0, v4;
	v6 =	vsel vm10, v6, v11;
	v0 =	vsub.s32 $0xFFFFFF, v0  }
0x2d9: {  	v3 =	vnsel vm14, $0x0, v2;
	v5 =	vadd.s32 v5, v13;
	vm14 =	vge.s32 v0, v4  }
0x2da: {  	vm15 =	vle.s32 v0, v6;
	v59 =	vadd.s32 v8, v0;
	v0 =	vadd.s32 v15, v0  }
0x2db: {  	vm0 =	vmor vm8, vm0;
	v3 =	vadd.s32 v3, v5;
	vm6 =	vge.s32 v0, v4  }
0x2dc: {  	vm7 =	vle.s32 v0, v6;
	v0 =	vnsel vm10, $0xFFFFFFFF, v1;
	v1 =	vsub.s32 $0xFFFFFF, v3  }
0x2dd: {  	vm2 =	vmand vm13, vm0;
	vm12 =	vgt.s32 v1, v0;
	vm13 =	vlt.s32 v1, v12  }
0x2de: {  	vm8 =	veq.s32 v1, v0;
	vm9 =	veq.s32 v1, v12;
	v3 =	vadd.s32 v9, v1  }
0x2df: {  	v1 =	vadd.s32 v2, v1;
	vm4 =	vmand vm14, vm8;
	vm5 =	vmand vm15, vm9  }
0x2e0: {  	vm8 =	veq.s32 v3, v0;
	vm9 =	vge.s32 v59, v4;
	vm14 =	veq.s32 v3, v12  }
0x2e1: {  	vm15 =	vle.s32 v59, v6;
	vm0 =	vmor vm12, vm4;
	vm3 =	vmor vm13, vm5  }
0x2e2: {  	vm8 =	vmand vm9, vm8;
	vm9 =	veq.s32 v1, v0;
	vm4 =	vmand vm15, vm14  }
0x2e3: {  	vm12 =	vgt.s32 v3, v0;
	vm13 =	vlt.s32 v1, v12;
	vm6 =	vmand vm6, vm9  }
0x2e4: {  	vm9 =	veq.s32 v1, v12;
	vm0 =	vmand vm0, vm3;
	vm5 =	vmor vm12, vm8  }
0x2e5: {  	vm8 =	vlt.s32 v3, v12;
	vm7 =	vmand vm7, vm9;
	vm9 =	vgt.s32 v1, v0  }
0x2e6: {  	v1 =	vadd.s32 v2, v3;
	v2 =	vadd.s32 v15, v59;
	vm4 =	vmor vm8, vm4  }
0x2e7: {  	vm8 =	vge.s32 v2, v4;
	vm6 =	vmor vm9, vm6;
	vm9 =	veq.s32 v1, v0  }
0x2e8: {  	v3 =	vld [tilespmem:$0x1FF30];
	vm3 =	vmor vm13, vm7;
	vm15 =	veq.s32 v1, v12;
	vm4 =	vmand vm5, vm4  }
0x2e9: {  	vm12 =	vgt.s32 v1, v0;
	vm14 =	vmand vm8, vm9;
	vm8 =	vle.s32 v2, v6;
	v2 =	vld [tilespmem:$0x1FDD0]  }
0x2ea: {  	vm3 =	vmand vm6, vm3;
	vm6 =	vmand vm8, vm15;
	vm8 =	vlt.s32 v1, v12  }
0x2eb: {  	vm0 =	vmor vm0, vm3;
	vm13 =	vmor vm12, vm14;
	vm14 =	vmor vm8, vm6  }
0x2ec: {  	vm1 =	vmor vm2, vm1;
	vm0 =	vmor vm4, vm0;
	vm15 =	vmand vm13, vm14  }
0x2ed: {  	v0 =	vnsel vm1, $0x0, v3;
	vm0 =	vmor vm15, vm0  }
0x2ee: {  	v14 =	vld [tilespmem:$0x1FF40];
	v1 =	vnsel vm0, $0x0, v3;
	v0 =	vadd.s32 v2, v0  }
0x2ef: {  	v15 =	vld [tilespmem:$0x1FF50];
	v0 =	vadd.s32 v0, v1  }
0x2f0: {  	p1 =	seq.s32 s17, s6  }
.Ltmp1:
0x2f1: {  	_ = 	snop;
	(pc) =	sbr.rel @!p1 .LBB2_3-.Ltmp1, $4  }
0x2f2: {  	_ = 	snop  }
0x2f3: {  	v51 =	vmov v21;
	v21 =	vld [tilespmem:$0x1FFF0]  }
0x2f4: {  	v29 =	vmov v35;
	v35 =	vld [tilespmem:$0x1FFD0]  }
0x2f5: {  	v39 =	vmovc v50;
	v25 =	vmov v33;
	v20 =	vmov v23;
	v40 =	vmov v24;
	p0 =	por !p0, !p0;
	v38 =	vld [tilespmem:$0x1FF10]  }
0x2f6: {  	s16 =	sadd.s32 $0x1, s16  }
0x2f7: {  	p0 =	sne.s32 s16, s10  }
.Ltmp2:
0x2f8: {  	[tilespmem:$0x14280] =	vst v0;
	(pc) =	sbr.rel @p0 .LBB2_1-.Ltmp2, $4  }
0x2f9: {  	[hbm4b:s9+s3] =	stream.linear.scatter [tilespmem:s14], [sflag:$0x3], $0x10, $0x38;
	[tilespmem:$0x14300] =	vst v63  }
0x2fa: {  	_ =	swait.ge [sflag:s15], $0x10  }
0x2fb: {  	[sflag:s15] =	ssyncset.done $0x0  }
0x2fc: {  	[sflag:s15] =	ssyncadd.s32 $0xFFFFFFF0  }
0x2fd: {  	_ =	sfence.sel $0x180000  }
0x2fe: {  	[bflag:$0x0] =	sbarrier.arrive $0xFFFF  }
0x2ff: {  	p0 =	sne.s32 s2, $0x0;
	_ =	strace $0x90000047  }
0x300: {  	s0 =	sadd.s32 @!p0 $0x100000, s1;
	[bflag:$0x2] =	sbarrier.arrive $0xFFFF  }
0x301: {  	[sflag:s0] =	ssyncadd.tile.s32 @!p0 $0x1;
	_ =	shalt  }
.Lfunc_end2:
_tile_overlayer_lowered:
.L_overlay_start_2:
0x302: {  	(tag) =	ssettag $0x2  }
0x303: {  	s0 =	rddreg [dreg:$0x0];
	s2 =	stileid.u32  }
0x304: {  	s1 =	rddreg [dreg:$0x1];
	p0 =	sne.s32 s2, $0x0  }
0x305: {  	s3 =	rddreg [dreg:$0x2];
	[bflag:$0x3] =	sbarrier.arrive $0xFFFF;
	s2 =	simm.s32 @!p0 $0x1C03  }
0x306: {  	[timem:s3], [sflag:s2] =	dma.local @!p0 [hbm:s0], s1  }
0x307: {  	s0 =	simm.s32 @!p0 $0x3  }
0x308: {  	_ =	swait.ge @!p0 [sflag:s0], s1  }
0x309: {  	s1 =	ssub.s32 @!p0 $0x0, s1;
	[sflag:s0] =	ssyncset.done @!p0 $0x0  }
0x30a: {  	[sflag:s0] =	ssyncadd.s32 @!p0 s1  }
0x30b: {  	[bflag:$0x3] =	sbarrier.arrive $0xFFFF  }
0x30c: {  	_ =	shalt  }

</sc_bundles>
